<compile_context>
chip_gen: v7x
topology: tpu7x:2x2x1
jax: 0.10.2.dev20260603
libtpu: 0.0.44.dev20260713+nightly
codegen_flags: <defaults>
</compile_context>

<pallas_src>
import functools

import jax
import jax.numpy as jnp
from jax import lax
from jax.experimental import pallas as pl
from jax.experimental.pallas import tpu as pltpu
from jax.experimental.pallas import tpu_sc as plsc

B, F, V, D = 4096, 26, 100000, 32
NW = 32
BPW = B // NW
EB = 4


def _sc_emb_fm(vidx_r, emb_t):
    mesh = plsc.VectorSubcoreMesh(core_axis_name="c", subcore_axis_name="s")

    @functools.partial(
        pl.kernel,
        out_type=jax.ShapeDtypeStruct((B,), jnp.float32),
        mesh=mesh,
        scratch_types=[
            pltpu.VMEM((F, BPW), jnp.int32),
            pltpu.VMEM((F * EB, 8, D), jnp.float32),
            pltpu.VMEM((BPW * 16,), jnp.float32),
            pltpu.VMEM((BPW,), jnp.float32),
            pltpu.SemaphoreType.DMA,
        ],
        compiler_params=pltpu.CompilerParams(
            needs_layout_passes=False, use_tc_tiling_on_sc=True),
    )
    def body(vidx_hbm, emb_hbm, eout_hbm, idx_v, dst_v, tbuf_v, eout_v, sem):
        wid = lax.axis_index("c") * 16 + lax.axis_index("s")
        pltpu.sync_copy(vidx_hbm.at[wid], idx_v)

        def group_body(g, _):
            for sub in range(4):
                def fire_f(f, _, sub=sub):
                    va_vec = idx_v[f, pl.ds(g * 16, 16)] & ~7
                    for kk in range(EB):
                        va = pl.multiple_of(va_vec[sub * EB + kk], 8)
                        pltpu.async_copy(
                            emb_hbm.at[pl.ds(va, 8), :],
                            dst_v.at[f * EB + kk], sem)
                    return 0
                lax.fori_loop(0, F, fire_f, 0)

                def drain_f(f, _, sub=sub):
                    va_vec = idx_v[f, pl.ds(g * 16, 16)] & ~7
                    for kk in range(EB):
                        va = pl.multiple_of(va_vec[sub * EB + kk], 8)
                        pltpu.make_async_copy(
                            emb_hbm.at[pl.ds(va, 8), :],
                            dst_v.at[f * EB + kk], sem).wait()
                    return 0
                lax.fori_loop(0, F, drain_f, 0)

                for ll in range(EB):
                    def f_body(f, carry, sub=sub, ll=ll):
                        s0, s1, q0, q1 = carry
                        r = idx_v[f, pl.ds(g * 16, 16)][sub * EB + ll] & 7
                        v0 = dst_v[f * EB + ll, r, pl.ds(0, 16)]
                        v1 = dst_v[f * EB + ll, r, pl.ds(16, 16)]
                        return s0 + v0, s1 + v1, q0 + v0 * v0, q1 + v1 * v1
                    z = jnp.zeros((16,), jnp.float32)
                    s0, s1, q0, q1 = lax.fori_loop(0, F, f_body, (z, z, z, z))
                    tbuf_v[pl.ds((g * 16 + sub * EB + ll) * 16, 16)] = (
                        s0 * s0 + s1 * s1 - q0 - q1)
            return 0
        lax.fori_loop(0, BPW // 16, group_body, 0)

        idx16 = lax.iota(jnp.int32, 16)

        def eg_body(g, _):
            base = g * 256 + idx16 * 16
            def dd_body(dd, acc):
                return acc + plsc.load_gather(tbuf_v, [base + dd])
            acc = lax.fori_loop(0, 16, dd_body, jnp.zeros((16,), jnp.float32))
            eout_v[pl.ds(g * 16, 16)] = 0.5 * acc
            return 0
        lax.fori_loop(0, BPW // 16, eg_body, 0)

        pltpu.sync_copy(eout_v, eout_hbm.at[pl.ds(wid * BPW, BPW)])

    return body(vidx_r, emb_t)


def _sc_lin(idx_r, lin_flat):
    mesh = plsc.VectorSubcoreMesh(core_axis_name="c", subcore_axis_name="s")

    @functools.partial(
        pl.kernel,
        out_type=jax.ShapeDtypeStruct((B,), jnp.float32),
        mesh=mesh,
        scratch_types=[
            pltpu.VMEM((F, BPW), jnp.int32),
            pltpu.VMEM((F, BPW), jnp.float32),
            pltpu.VMEM((BPW,), jnp.float32),
            pltpu.SemaphoreType.DMA,
        ],
        compiler_params=pltpu.CompilerParams(
            needs_layout_passes=False, use_tc_tiling_on_sc=False),
    )
    def body(idx_hbm, lin_hbm, lout_hbm, idx_v, linv_v, lout_v, sem):
        wid = lax.axis_index("c") * 16 + lax.axis_index("s")
        pltpu.sync_copy(idx_hbm.at[wid], idx_v)

        def fire(f, _):
            pltpu.async_copy(lin_hbm.at[idx_v.at[f]], linv_v.at[f], sem)
            return 0
        lax.fori_loop(0, F, fire, 0)

        def drain(f, _):
            pltpu.make_async_copy(
                lin_hbm.at[idx_v.at[f]], linv_v.at[f], sem).wait()
            return 0
        lax.fori_loop(0, F, drain, 0)

        def g_body(g, _):
            def f_body(f, acc):
                return acc + linv_v[f, pl.ds(g * 16, 16)]
            acc = lax.fori_loop(0, F, f_body, jnp.zeros((16,), jnp.float32))
            lout_v[pl.ds(g * 16, 16)] = acc
            return 0
        lax.fori_loop(0, BPW // 16, g_body, 0)

        pltpu.sync_copy(lout_v, lout_hbm.at[pl.ds(wid * BPW, BPW)])

    return body(idx_r, lin_flat)


def _tc_broadcast(lin_col, emb_row, bias2):
    BR = 512

    def body(lin_ref, emb_ref, bias_ref, out_ref):
        out_ref[...] = lin_ref[...] + emb_ref[...] + bias_ref[0, 0]

    return pl.pallas_call(
        body,
        grid=(B // BR,),
        in_specs=[
            pl.BlockSpec((BR, 1), lambda i: (i, 0)),
            pl.BlockSpec((1, B), lambda i: (0, 0)),
            pl.BlockSpec(memory_space=pltpu.SMEM),
        ],
        out_specs=pl.BlockSpec((BR, B), lambda i: (i, 0)),
        out_shape=jax.ShapeDtypeStruct((B, B), jnp.float32),
    )(lin_col, emb_row, bias2)


def kernel(indices, emb_tables, lin_tables, bias):
    emb_rm = emb_tables.reshape(F * V, D)
    lin_flat = lin_tables.reshape(F * V)
    gidx = indices + (jnp.arange(F, dtype=jnp.int32) * V)[None, :]
    idx_r = gidx.reshape(NW, BPW, F).transpose(0, 2, 1)
    emb_logits = _sc_emb_fm(idx_r, emb_rm)
    lin_sums = _sc_lin(idx_r, lin_flat)
    out = _tc_broadcast(lin_sums.reshape(B, 1), emb_logits.reshape(1, B),
                        bias.reshape(1, 1))
    return out

# --- scband reference (transcript-rebuilt; emitter-appended) ---
"""Pipeline reference for scband-fmmodel-41068477284368 (READ-ONLY COPY).

The authoritative reference and input builder live on the scoring server;
editing this copy changes nothing except your own understanding.
"""

import jax, jax.numpy as jnp
import numpy as np

B, F, V, D = 4096, 26, 100000, 32

def setup_inputs(seed: int = 0) -> dict:
    key = jax.random.key(seed)
    k1, k2, k3, k4 = jax.random.split(key, 4)
    indices = jax.random.randint(k1, (B, F), 0, V, dtype=jnp.int32)
    emb_tables = jax.random.normal(k2, (F, V, D), dtype=jnp.float32) * 0.01
    lin_tables = jax.random.normal(k3, (F, V, 1), dtype=jnp.float32) * 0.01
    bias = jax.random.normal(k4, (1,), dtype=jnp.float32) * 0.01
    return {"indices": indices, "emb_tables": emb_tables, "lin_tables": lin_tables, "bias": bias}

def reference(indices, emb_tables, lin_tables, bias):
    # Each feature column has exactly one id per example, so
    # safe_embedding_lookup_sparse with 'sum' or 'mean' combiner reduces to a plain gather.
    # Per-field gather: lin_tables[f][indices[:, f]]
    lin_stack = jax.vmap(lambda tbl, ix: jnp.take(tbl, ix, axis=0), in_axes=(0, 1))(lin_tables, indices)  # [F, B, 1]
    emb_stack = jax.vmap(lambda tbl, ix: jnp.take(tbl, ix, axis=0), in_axes=(0, 1))(emb_tables, indices)  # [F, B, D]
    # linear part: add_n over fields, reduce over the (size-1) feature dim, add bias
    linear_logits_no_bias = jnp.sum(jnp.sum(lin_stack, axis=0), axis=1, keepdims=True)  # [B, 1]
    linear_logits = linear_logits_no_bias + bias  # [B, 1]
    # FM second-order interaction
    embedding_tensor = jnp.transpose(emb_stack, (1, 0, 2))  # [B, F, D] (tf.stack(axis=1))
    embedding_sum_square = jnp.square(jnp.sum(embedding_tensor, axis=1))  # [B, D]
    embedding_square_sum = jnp.sum(jnp.square(embedding_tensor), axis=1)  # [B, D]
    embedding_logits = jnp.sum(embedding_sum_square - embedding_square_sum, axis=1) * 0.5  # [B]
    # NOTE: faithful to the original TF code, [B,1] + [B] broadcasts to [B,B]
    return linear_logits + embedding_logits

if __name__ == "__main__":
    import jax
    _d = setup_inputs()
    print(jax.jit(kernel)(*tuple(_d.values())))

</pallas_src>

<mosaic_0001>
#map = affine_map<(d0, d1) -> (0, 0, 0)>
#map1 = affine_map<(d0, d1) -> (0)>
module attributes {stable_mosaic.version = 14 : i64} {
  func.func @body(%arg0: i32, %arg1: i32, %arg2: memref<32x26x128xi32, #tpu.memory_space<hbm>>, %arg3: memref<2600000xf32, #tpu.memory_space<hbm>>, %arg4: memref<4096xf32, #tpu.memory_space<hbm>>, %arg5: memref<26x128xi32, #tpu.memory_space<vmem>>, %arg6: memref<26x128xf32, #tpu.memory_space<vmem>>, %arg7: memref<128xf32, #tpu.memory_space<vmem>>, %arg8: memref<!tpu.dma_semaphore, #tpu.memory_space<semaphore_mem>>) attributes {dimension_semantics = [#tpu.dimension_semantics<core_parallel>, #tpu.dimension_semantics<subcore_parallel>], iteration_bounds = array<i64: 2, 16>, scalar_prefetch = 0 : i64, scratch_operands = 4 : i64, tpu.core_type = #tpu.core_type<sc_vector_subcore>, window_params = [{transform_indices = #map}, {transform_indices = #map1}, {transform_indices = #map1}]} {
    %mul3A = arith.constant 16 : i32
    %mul3A_0 = arith.muli %arg0, %mul3A : i32
    %add3A = arith.addi %mul3A_0, %arg1 : i32
    "tpu.region"() ({
      %run_scoped3A = tpu.sem_alloc : memref<!tpu.dma_semaphore, #tpu.memory_space<semaphore_mem>>
      %dma_start3A = arith.constant 0 : i32
      %dma_start3A_23 = arith.constant 0 : i32
      %dma_start3A_24 = tpu.memref_slice %arg2[%add3A, %dma_start3A, %dma_start3A_23] : memref<32x26x128xi32, #tpu.memory_space<hbm>> -> memref<1x26x128xi32, #tpu.memory_space<hbm>>
      %dma_start3A_25 = tpu.memref_squeeze %dma_start3A_24 : memref<1x26x128xi32, #tpu.memory_space<hbm>> -> memref<26x128xi32, #tpu.memory_space<hbm>>
      %dma_start3A_26 = arith.constant 0 : i32
      %dma_start3A_27 = arith.constant 0 : i32
      %dma_start3A_28 = tpu.memref_slice %arg2[%add3A, %dma_start3A_26, %dma_start3A_27] : memref<32x26x128xi32, #tpu.memory_space<hbm>> -> memref<1x26x128xi32, #tpu.memory_space<hbm>>
      %dma_start3A_29 = tpu.memref_squeeze %dma_start3A_28 : memref<1x26x128xi32, #tpu.memory_space<hbm>> -> memref<26x128xi32, #tpu.memory_space<hbm>>
      tpu.enqueue_dma source(%dma_start3A_29 : memref<26x128xi32, #tpu.memory_space<hbm>>) target(%arg5 : memref<26x128xi32, #tpu.memory_space<vmem>>) target_semaphore(%run_scoped3A : memref<!tpu.dma_semaphore, #tpu.memory_space<semaphore_mem>>)
      %dma_wait3A = arith.constant 0 : i32
      %dma_wait3A_30 = arith.constant 0 : i32
      %dma_wait3A_31 = tpu.memref_slice %arg2[%add3A, %dma_wait3A, %dma_wait3A_30] : memref<32x26x128xi32, #tpu.memory_space<hbm>> -> memref<1x26x128xi32, #tpu.memory_space<hbm>>
      %dma_wait3A_32 = tpu.memref_squeeze %dma_wait3A_31 : memref<1x26x128xi32, #tpu.memory_space<hbm>> -> memref<26x128xi32, #tpu.memory_space<hbm>>
      %dma_wait3A_33 = arith.constant 0 : i32
      %dma_wait3A_34 = arith.constant 0 : i32
      %dma_wait3A_35 = tpu.memref_slice %arg2[%add3A, %dma_wait3A_33, %dma_wait3A_34] : memref<32x26x128xi32, #tpu.memory_space<hbm>> -> memref<1x26x128xi32, #tpu.memory_space<hbm>>
      %dma_wait3A_36 = tpu.memref_squeeze %dma_wait3A_35 : memref<1x26x128xi32, #tpu.memory_space<hbm>> -> memref<26x128xi32, #tpu.memory_space<hbm>>
      tpu.wait_dma2 semaphore(%run_scoped3A : memref<!tpu.dma_semaphore, #tpu.memory_space<semaphore_mem>>) src(%dma_wait3A_36 : memref<26x128xi32, #tpu.memory_space<hbm>>) dst(%arg5 : memref<26x128xi32, #tpu.memory_space<vmem>>)
      tpu.yield
    }) : () -> ()
    %scan3A = arith.constant 0 : i32
    %scan3A_1 = arith.constant 0 : i32
    %scan3A_2 = arith.constant 26 : i32
    %scan3A_3 = arith.addi %scan3A_1, %scan3A_2 : i32
    %scan3A_4 = arith.constant 1 : i32
    %scan3A_5 = scf.for %scan3A_23 = %scan3A_1 to %scan3A_3 step %scan3A_4 iter_args(%scan3A_24 = %scan3A) -> (i32)  : i32 {
      %dma_start3A = arith.constant 0 : i32
      %dma_start3A_25 = tpu.memref_slice %arg6[%scan3A_23, %dma_start3A] : memref<26x128xf32, #tpu.memory_space<vmem>> -> memref<1x128xf32, #tpu.memory_space<vmem>>
      %dma_start3A_26 = tpu.memref_squeeze %dma_start3A_25 : memref<1x128xf32, #tpu.memory_space<vmem>> -> memref<128xf32, #tpu.memory_space<vmem>>
      %dma_start3A_27 = arith.constant 0 : i32
      %dma_start3A_28 = tpu.memref_slice %arg5[%scan3A_23, %dma_start3A_27] : memref<26x128xi32, #tpu.memory_space<vmem>> -> memref<1x128xi32, #tpu.memory_space<vmem>>
      %dma_start3A_29 = tpu.memref_squeeze %dma_start3A_28 : memref<1x128xi32, #tpu.memory_space<vmem>> -> memref<128xi32, #tpu.memory_space<vmem>>
      %dma_start3A_30 = arith.constant 0 : i32
      %dma_start3A_31 = tpu.memref_slice %arg3[%dma_start3A_30] : memref<2600000xf32, #tpu.memory_space<hbm>> -> memref<2600000xf32, #tpu.memory_space<hbm>>
      tpu.enqueue_indirect_dma source(%dma_start3A_31 : memref<2600000xf32, #tpu.memory_space<hbm>>) target(%dma_start3A_26 : memref<128xf32, #tpu.memory_space<vmem>>) offsets(%dma_start3A_29 : memref<128xi32, #tpu.memory_space<vmem>>) semaphore(%arg8 : memref<!tpu.dma_semaphore, #tpu.memory_space<semaphore_mem>>)
      %scan3A_32 = arith.constant 0 : i32
      scf.yield %scan3A_32 : i32
    }
    %scan3A_6 = arith.constant 26 : i32
    %scan3A_7 = arith.constant 0 : i32
    %scan3A_8 = arith.constant 0 : i32
    %scan3A_9 = arith.constant 26 : i32
    %scan3A_10 = arith.addi %scan3A_8, %scan3A_9 : i32
    %scan3A_11 = arith.constant 1 : i32
    %scan3A_12 = scf.for %scan3A_23 = %scan3A_8 to %scan3A_10 step %scan3A_11 iter_args(%scan3A_24 = %scan3A_7) -> (i32)  : i32 {
      %dma_wait3A = arith.constant 0 : i32
      %dma_wait3A_25 = tpu.memref_slice %arg6[%scan3A_23, %dma_wait3A] : memref<26x128xf32, #tpu.memory_space<vmem>> -> memref<1x128xf32, #tpu.memory_space<vmem>>
      %dma_wait3A_26 = tpu.memref_squeeze %dma_wait3A_25 : memref<1x128xf32, #tpu.memory_space<vmem>> -> memref<128xf32, #tpu.memory_space<vmem>>
      %dma_wait3A_27 = arith.constant 0 : i32
      %dma_wait3A_28 = tpu.memref_slice %arg5[%scan3A_23, %dma_wait3A_27] : memref<26x128xi32, #tpu.memory_space<vmem>> -> memref<1x128xi32, #tpu.memory_space<vmem>>
      %dma_wait3A_29 = tpu.memref_squeeze %dma_wait3A_28 : memref<1x128xi32, #tpu.memory_space<vmem>> -> memref<128xi32, #tpu.memory_space<vmem>>
      %dma_wait3A_30 = arith.constant 0 : i32
      %dma_wait3A_31 = tpu.memref_slice %arg3[%dma_wait3A_30] : memref<2600000xf32, #tpu.memory_space<hbm>> -> memref<2600000xf32, #tpu.memory_space<hbm>>
      tpu.wait_indirect_dma semaphore(%arg8 : memref<!tpu.dma_semaphore, #tpu.memory_space<semaphore_mem>>) src(%dma_wait3A_31 : memref<2600000xf32, #tpu.memory_space<hbm>>) dst(%dma_wait3A_26 : memref<128xf32, #tpu.memory_space<vmem>>)
      %scan3A_32 = arith.constant 0 : i32
      scf.yield %scan3A_32 : i32
    }
    %scan3A_13 = arith.constant 26 : i32
    %scan3A_14 = arith.constant 0 : i32
    %scan3A_15 = arith.constant 0 : i32
    %scan3A_16 = arith.constant 8 : i32
    %scan3A_17 = arith.addi %scan3A_15, %scan3A_16 : i32
    %scan3A_18 = arith.constant 1 : i32
    %scan3A_19 = scf.for %scan3A_23 = %scan3A_15 to %scan3A_17 step %scan3A_18 iter_args(%scan3A_24 = %scan3A_14) -> (i32)  : i32 {
      %broadcast_in_dim3A = arith.constant 0.000000e+00 : f32
      %broadcast_in_dim3A_25 = vector.broadcast %broadcast_in_dim3A : f32 to vector<16xf32>
      %scan3A_26 = arith.constant 0 : i32
      %scan3A_27 = arith.constant 26 : i32
      %scan3A_28 = arith.addi %scan3A_26, %scan3A_27 : i32
      %scan3A_29 = arith.constant 1 : i32
      %scan3A_30 = scf.for %scan3A_36 = %scan3A_26 to %scan3A_28 step %scan3A_29 iter_args(%scan3A_37 = %broadcast_in_dim3A_25) -> (vector<16xf32>)  : i32 {
        %mul3A_38 = arith.constant 16 : i32
        %mul3A_39 = arith.muli %scan3A_23, %mul3A_38 : i32
        %get3A = arith.index_cast %scan3A_36 : i32 to index
        %get3A_40 = arith.index_cast %mul3A_39 : i32 to index
        %get3A_41 = tpu.vector_load %arg6[%get3A, %get3A_40] {strides = array<i32>} : memref<26x128xf32, #tpu.memory_space<vmem>>, vector<16xf32>,
        %add3A_42 = arith.addf %scan3A_37, %get3A_41 : vector<16xf32>
        scf.yield %add3A_42 : vector<16xf32>
      }
      %scan3A_31 = arith.constant 26 : i32
      %mul3A_32 = arith.constant 16 : i32
      %mul3A_33 = arith.muli %scan3A_23, %mul3A_32 : i32
      %swap3A = arith.index_cast %mul3A_33 : i32 to index
      %swap3A_34 = tpu.vector_load %arg7[%swap3A] {strides = array<i32>} : memref<128xf32, #tpu.memory_space<vmem>>, vector<16xf32>,
      tpu.vector_store %arg7[%swap3A], %scan3A_30 {strides = array<i32>} : memref<128xf32, #tpu.memory_space<vmem>>, vector<16xf32>,
      %scan3A_35 = arith.constant 0 : i32
      scf.yield %scan3A_35 : i32
    }
    %scan3A_20 = arith.constant 8 : i32
    %mul3A_21 = arith.constant 128 : i32
    %mul3A_22 = arith.muli %add3A, %mul3A_21 : i32
    "tpu.region"() ({
      %run_scoped3A = tpu.sem_alloc : memref<!tpu.dma_semaphore, #tpu.memory_space<semaphore_mem>>
      %dma_start3A = tpu.memref_slice %arg4[%mul3A_22] : memref<4096xf32, #tpu.memory_space<hbm>> -> memref<128xf32, #tpu.memory_space<hbm>>
      %dma_start3A_23 = tpu.memref_slice %arg4[%mul3A_22] : memref<4096xf32, #tpu.memory_space<hbm>> -> memref<128xf32, #tpu.memory_space<hbm>>
      tpu.enqueue_dma source(%arg7 : memref<128xf32, #tpu.memory_space<vmem>>) target(%dma_start3A_23 : memref<128xf32, #tpu.memory_space<hbm>>) target_semaphore(%run_scoped3A : memref<!tpu.dma_semaphore, #tpu.memory_space<semaphore_mem>>)
      %dma_wait3A = tpu.memref_slice %arg4[%mul3A_22] : memref<4096xf32, #tpu.memory_space<hbm>> -> memref<128xf32, #tpu.memory_space<hbm>>
      %dma_wait3A_24 = tpu.memref_slice %arg4[%mul3A_22] : memref<4096xf32, #tpu.memory_space<hbm>> -> memref<128xf32, #tpu.memory_space<hbm>>
      tpu.wait_dma2 semaphore(%run_scoped3A : memref<!tpu.dma_semaphore, #tpu.memory_space<semaphore_mem>>) src(%arg7 : memref<128xf32, #tpu.memory_space<vmem>>) dst(%dma_wait3A_24 : memref<128xf32, #tpu.memory_space<hbm>>)
      tpu.yield
    }) : () -> ()
    return
  }
}

#map = affine_map<(d0, d1) -> (0, 0, 0)>
#map1 = affine_map<(d0, d1) -> (0, 0)>
#map2 = affine_map<(d0, d1) -> (0)>
module attributes {stable_mosaic.version = 14 : i64} {
  func.func @body(%arg0: i32, %arg1: i32, %arg2: memref<32x26x128xi32, #tpu.memory_space<hbm>>, %arg3: memref<2600000x32xf32, #tpu.memory_space<hbm>>, %arg4: memref<4096xf32, #tpu.memory_space<hbm>>, %arg5: memref<26x128xi32, #tpu.memory_space<vmem>>, %arg6: memref<104x8x32xf32, #tpu.memory_space<vmem>>, %arg7: memref<2048xf32, #tpu.memory_space<vmem>>, %arg8: memref<128xf32, #tpu.memory_space<vmem>>, %arg9: memref<!tpu.dma_semaphore, #tpu.memory_space<semaphore_mem>>) attributes {dimension_semantics = [#tpu.dimension_semantics<core_parallel>, #tpu.dimension_semantics<subcore_parallel>], iteration_bounds = array<i64: 2, 16>, scalar_prefetch = 0 : i64, scratch_operands = 5 : i64, tpu.core_type = #tpu.core_type<sc_vector_subcore>, window_params = [{transform_indices = #map}, {transform_indices = #map1}, {transform_indices = #map2}]} {
    %mul3A = arith.constant 16 : i32
    %mul3A_0 = arith.muli %arg0, %mul3A : i32
    %add3A = arith.addi %mul3A_0, %arg1 : i32
    "tpu.region"() ({
      %run_scoped3A = tpu.sem_alloc : memref<!tpu.dma_semaphore, #tpu.memory_space<semaphore_mem>>
      %dma_start3A = arith.constant 0 : i32
      %dma_start3A_16 = arith.constant 0 : i32
      %dma_start3A_17 = tpu.memref_slice %arg2[%add3A, %dma_start3A, %dma_start3A_16] : memref<32x26x128xi32, #tpu.memory_space<hbm>> -> memref<1x26x128xi32, #tpu.memory_space<hbm>>
      %dma_start3A_18 = tpu.memref_squeeze %dma_start3A_17 : memref<1x26x128xi32, #tpu.memory_space<hbm>> -> memref<26x128xi32, #tpu.memory_space<hbm>>
      %dma_start3A_19 = arith.constant 0 : i32
      %dma_start3A_20 = arith.constant 0 : i32
      %dma_start3A_21 = tpu.memref_slice %arg2[%add3A, %dma_start3A_19, %dma_start3A_20] : memref<32x26x128xi32, #tpu.memory_space<hbm>> -> memref<1x26x128xi32, #tpu.memory_space<hbm>>
      %dma_start3A_22 = tpu.memref_squeeze %dma_start3A_21 : memref<1x26x128xi32, #tpu.memory_space<hbm>> -> memref<26x128xi32, #tpu.memory_space<hbm>>
      tpu.enqueue_dma source(%dma_start3A_22 : memref<26x128xi32, #tpu.memory_space<hbm>>) target(%arg5 : memref<26x128xi32, #tpu.memory_space<vmem>>) target_semaphore(%run_scoped3A : memref<!tpu.dma_semaphore, #tpu.memory_space<semaphore_mem>>)
      %dma_wait3A = arith.constant 0 : i32
      %dma_wait3A_23 = arith.constant 0 : i32
      %dma_wait3A_24 = tpu.memref_slice %arg2[%add3A, %dma_wait3A, %dma_wait3A_23] : memref<32x26x128xi32, #tpu.memory_space<hbm>> -> memref<1x26x128xi32, #tpu.memory_space<hbm>>
      %dma_wait3A_25 = tpu.memref_squeeze %dma_wait3A_24 : memref<1x26x128xi32, #tpu.memory_space<hbm>> -> memref<26x128xi32, #tpu.memory_space<hbm>>
      %dma_wait3A_26 = arith.constant 0 : i32
      %dma_wait3A_27 = arith.constant 0 : i32
      %dma_wait3A_28 = tpu.memref_slice %arg2[%add3A, %dma_wait3A_26, %dma_wait3A_27] : memref<32x26x128xi32, #tpu.memory_space<hbm>> -> memref<1x26x128xi32, #tpu.memory_space<hbm>>
      %dma_wait3A_29 = tpu.memref_squeeze %dma_wait3A_28 : memref<1x26x128xi32, #tpu.memory_space<hbm>> -> memref<26x128xi32, #tpu.memory_space<hbm>>
      tpu.wait_dma2 semaphore(%run_scoped3A : memref<!tpu.dma_semaphore, #tpu.memory_space<semaphore_mem>>) src(%dma_wait3A_29 : memref<26x128xi32, #tpu.memory_space<hbm>>) dst(%arg5 : memref<26x128xi32, #tpu.memory_space<vmem>>)
      tpu.yield
    }) : () -> ()
    %scan3A = arith.constant 0 : i32
    %scan3A_1 = arith.constant 0 : i32
    %scan3A_2 = arith.constant 8 : i32
    %scan3A_3 = arith.addi %scan3A_1, %scan3A_2 : i32
    %scan3A_4 = arith.constant 1 : i32
    %scan3A_5 = scf.for %scan3A_16 = %scan3A_1 to %scan3A_3 step %scan3A_4 iter_args(%scan3A_17 = %scan3A) -> (i32)  : i32 {
      %scan3A_18 = arith.constant 0 : i32
      %scan3A_19 = arith.constant 0 : i32
      %scan3A_20 = arith.constant 26 : i32
      %scan3A_21 = arith.addi %scan3A_19, %scan3A_20 : i32
      %scan3A_22 = arith.constant 1 : i32
      %scan3A_23 = scf.for %scan3A_440 = %scan3A_19 to %scan3A_21 step %scan3A_22 iter_args(%scan3A_441 = %scan3A_18) -> (i32)  : i32 {
        %mul3A_442 = arith.constant 16 : i32
        %mul3A_443 = arith.muli %scan3A_16, %mul3A_442 : i32
        %get3A = arith.index_cast %scan3A_440 : i32 to index
        %get3A_444 = arith.index_cast %mul3A_443 : i32 to index
        %get3A_445 = tpu.vector_load %arg5[%get3A, %get3A_444] {strides = array<i32>} : memref<26x128xi32, #tpu.memory_space<vmem>>, vector<16xi32>,
        %and3A = arith.constant -8 : i32
        %and3A_446 = vector.broadcast %and3A : i32 to vector<16xi32>
        %and3A_447 = arith.andi %get3A_445, %and3A_446 : vector<16xi32>
        %slice3A = vector.extract_strided_slice %and3A_447 {offsets = [0], sizes = [1], strides = [1]} : vector<16xi32> to vector<1xi32>
        %squeeze3A = vector.extract %slice3A[0] : i32 from vector<1xi32>
        %multiple_of3A = tpu.assume_multiple %squeeze3A, 8 : i32
        %mul3A_448 = arith.constant 4 : i32
        %mul3A_449 = arith.muli %scan3A_440, %mul3A_448 : i32
        %add3A_450 = arith.constant 0 : i32
        %add3A_451 = arith.addi %mul3A_449, %add3A_450 : i32
        %dma_start3A = arith.constant 0 : i32
        %dma_start3A_452 = arith.constant 0 : i32
        %dma_start3A_453 = tpu.memref_slice %arg6[%add3A_451, %dma_start3A, %dma_start3A_452] : memref<104x8x32xf32, #tpu.memory_space<vmem>> -> memref<1x8x32xf32, #tpu.memory_space<vmem>>
        %dma_start3A_454 = tpu.memref_squeeze %dma_start3A_453 : memref<1x8x32xf32, #tpu.memory_space<vmem>> -> memref<8x32xf32, #tpu.memory_space<vmem>>
        %dma_start3A_455 = arith.constant 0 : i32
        %dma_start3A_456 = tpu.memref_slice %arg3[%multiple_of3A, %dma_start3A_455] : memref<2600000x32xf32, #tpu.memory_space<hbm>> -> memref<8x32xf32, #tpu.memory_space<hbm>>
        %dma_start3A_457 = arith.constant 0 : i32
        %dma_start3A_458 = arith.constant 0 : i32
        %dma_start3A_459 = tpu.memref_slice %arg6[%add3A_451, %dma_start3A_457, %dma_start3A_458] : memref<104x8x32xf32, #tpu.memory_space<vmem>> -> memref<1x8x32xf32, #tpu.memory_space<vmem>>
        %dma_start3A_460 = tpu.memref_squeeze %dma_start3A_459 : memref<1x8x32xf32, #tpu.memory_space<vmem>> -> memref<8x32xf32, #tpu.memory_space<vmem>>
        %dma_start3A_461 = arith.constant 0 : i32
        %dma_start3A_462 = tpu.memref_slice %arg3[%multiple_of3A, %dma_start3A_461] : memref<2600000x32xf32, #tpu.memory_space<hbm>> -> memref<8x32xf32, #tpu.memory_space<hbm>>
        tpu.enqueue_dma source(%dma_start3A_462 : memref<8x32xf32, #tpu.memory_space<hbm>>) target(%dma_start3A_460 : memref<8x32xf32, #tpu.memory_space<vmem>>) target_semaphore(%arg9 : memref<!tpu.dma_semaphore, #tpu.memory_space<semaphore_mem>>)
        %slice3A_463 = vector.extract_strided_slice %and3A_447 {offsets = [1], sizes = [1], strides = [1]} : vector<16xi32> to vector<1xi32>
        %squeeze3A_464 = vector.extract %slice3A_463[0] : i32 from vector<1xi32>
        %multiple_of3A_465 = tpu.assume_multiple %squeeze3A_464, 8 : i32
        %mul3A_466 = arith.constant 4 : i32
        %mul3A_467 = arith.muli %scan3A_440, %mul3A_466 : i32
        %add3A_468 = arith.constant 1 : i32
        %add3A_469 = arith.addi %mul3A_467, %add3A_468 : i32
        %dma_start3A_470 = arith.constant 0 : i32
        %dma_start3A_471 = arith.constant 0 : i32
        %dma_start3A_472 = tpu.memref_slice %arg6[%add3A_469, %dma_start3A_470, %dma_start3A_471] : memref<104x8x32xf32, #tpu.memory_space<vmem>> -> memref<1x8x32xf32, #tpu.memory_space<vmem>>
        %dma_start3A_473 = tpu.memref_squeeze %dma_start3A_472 : memref<1x8x32xf32, #tpu.memory_space<vmem>> -> memref<8x32xf32, #tpu.memory_space<vmem>>
        %dma_start3A_474 = arith.constant 0 : i32
        %dma_start3A_475 = tpu.memref_slice %arg3[%multiple_of3A_465, %dma_start3A_474] : memref<2600000x32xf32, #tpu.memory_space<hbm>> -> memref<8x32xf32, #tpu.memory_space<hbm>>
        %dma_start3A_476 = arith.constant 0 : i32
        %dma_start3A_477 = arith.constant 0 : i32
        %dma_start3A_478 = tpu.memref_slice %arg6[%add3A_469, %dma_start3A_476, %dma_start3A_477] : memref<104x8x32xf32, #tpu.memory_space<vmem>> -> memref<1x8x32xf32, #tpu.memory_space<vmem>>
        %dma_start3A_479 = tpu.memref_squeeze %dma_start3A_478 : memref<1x8x32xf32, #tpu.memory_space<vmem>> -> memref<8x32xf32, #tpu.memory_space<vmem>>
        %dma_start3A_480 = arith.constant 0 : i32
        %dma_start3A_481 = tpu.memref_slice %arg3[%multiple_of3A_465, %dma_start3A_480] : memref<2600000x32xf32, #tpu.memory_space<hbm>> -> memref<8x32xf32, #tpu.memory_space<hbm>>
        tpu.enqueue_dma source(%dma_start3A_481 : memref<8x32xf32, #tpu.memory_space<hbm>>) target(%dma_start3A_479 : memref<8x32xf32, #tpu.memory_space<vmem>>) target_semaphore(%arg9 : memref<!tpu.dma_semaphore, #tpu.memory_space<semaphore_mem>>)
        %slice3A_482 = vector.extract_strided_slice %and3A_447 {offsets = [2], sizes = [1], strides = [1]} : vector<16xi32> to vector<1xi32>
        %squeeze3A_483 = vector.extract %slice3A_482[0] : i32 from vector<1xi32>
        %multiple_of3A_484 = tpu.assume_multiple %squeeze3A_483, 8 : i32
        %mul3A_485 = arith.constant 4 : i32
        %mul3A_486 = arith.muli %scan3A_440, %mul3A_485 : i32
        %add3A_487 = arith.constant 2 : i32
        %add3A_488 = arith.addi %mul3A_486, %add3A_487 : i32
        %dma_start3A_489 = arith.constant 0 : i32
        %dma_start3A_490 = arith.constant 0 : i32
        %dma_start3A_491 = tpu.memref_slice %arg6[%add3A_488, %dma_start3A_489, %dma_start3A_490] : memref<104x8x32xf32, #tpu.memory_space<vmem>> -> memref<1x8x32xf32, #tpu.memory_space<vmem>>
        %dma_start3A_492 = tpu.memref_squeeze %dma_start3A_491 : memref<1x8x32xf32, #tpu.memory_space<vmem>> -> memref<8x32xf32, #tpu.memory_space<vmem>>
        %dma_start3A_493 = arith.constant 0 : i32
        %dma_start3A_494 = tpu.memref_slice %arg3[%multiple_of3A_484, %dma_start3A_493] : memref<2600000x32xf32, #tpu.memory_space<hbm>> -> memref<8x32xf32, #tpu.memory_space<hbm>>
        %dma_start3A_495 = arith.constant 0 : i32
        %dma_start3A_496 = arith.constant 0 : i32
        %dma_start3A_497 = tpu.memref_slice %arg6[%add3A_488, %dma_start3A_495, %dma_start3A_496] : memref<104x8x32xf32, #tpu.memory_space<vmem>> -> memref<1x8x32xf32, #tpu.memory_space<vmem>>
        %dma_start3A_498 = tpu.memref_squeeze %dma_start3A_497 : memref<1x8x32xf32, #tpu.memory_space<vmem>> -> memref<8x32xf32, #tpu.memory_space<vmem>>
        %dma_start3A_499 = arith.constant 0 : i32
        %dma_start3A_500 = tpu.memref_slice %arg3[%multiple_of3A_484, %dma_start3A_499] : memref<2600000x32xf32, #tpu.memory_space<hbm>> -> memref<8x32xf32, #tpu.memory_space<hbm>>
        tpu.enqueue_dma source(%dma_start3A_500 : memref<8x32xf32, #tpu.memory_space<hbm>>) target(%dma_start3A_498 : memref<8x32xf32, #tpu.memory_space<vmem>>) target_semaphore(%arg9 : memref<!tpu.dma_semaphore, #tpu.memory_space<semaphore_mem>>)
        %slice3A_501 = vector.extract_strided_slice %and3A_447 {offsets = [3], sizes = [1], strides = [1]} : vector<16xi32> to vector<1xi32>
        %squeeze3A_502 = vector.extract %slice3A_501[0] : i32 from vector<1xi32>
        %multiple_of3A_503 = tpu.assume_multiple %squeeze3A_502, 8 : i32
        %mul3A_504 = arith.constant 4 : i32
        %mul3A_505 = arith.muli %scan3A_440, %mul3A_504 : i32
        %add3A_506 = arith.constant 3 : i32
        %add3A_507 = arith.addi %mul3A_505, %add3A_506 : i32
        %dma_start3A_508 = arith.constant 0 : i32
        %dma_start3A_509 = arith.constant 0 : i32
        %dma_start3A_510 = tpu.memref_slice %arg6[%add3A_507, %dma_start3A_508, %dma_start3A_509] : memref<104x8x32xf32, #tpu.memory_space<vmem>> -> memref<1x8x32xf32, #tpu.memory_space<vmem>>
        %dma_start3A_511 = tpu.memref_squeeze %dma_start3A_510 : memref<1x8x32xf32, #tpu.memory_space<vmem>> -> memref<8x32xf32, #tpu.memory_space<vmem>>
        %dma_start3A_512 = arith.constant 0 : i32
        %dma_start3A_513 = tpu.memref_slice %arg3[%multiple_of3A_503, %dma_start3A_512] : memref<2600000x32xf32, #tpu.memory_space<hbm>> -> memref<8x32xf32, #tpu.memory_space<hbm>>
        %dma_start3A_514 = arith.constant 0 : i32
        %dma_start3A_515 = arith.constant 0 : i32
        %dma_start3A_516 = tpu.memref_slice %arg6[%add3A_507, %dma_start3A_514, %dma_start3A_515] : memref<104x8x32xf32, #tpu.memory_space<vmem>> -> memref<1x8x32xf32, #tpu.memory_space<vmem>>
        %dma_start3A_517 = tpu.memref_squeeze %dma_start3A_516 : memref<1x8x32xf32, #tpu.memory_space<vmem>> -> memref<8x32xf32, #tpu.memory_space<vmem>>
        %dma_start3A_518 = arith.constant 0 : i32
        %dma_start3A_519 = tpu.memref_slice %arg3[%multiple_of3A_503, %dma_start3A_518] : memref<2600000x32xf32, #tpu.memory_space<hbm>> -> memref<8x32xf32, #tpu.memory_space<hbm>>
        tpu.enqueue_dma source(%dma_start3A_519 : memref<8x32xf32, #tpu.memory_space<hbm>>) target(%dma_start3A_517 : memref<8x32xf32, #tpu.memory_space<vmem>>) target_semaphore(%arg9 : memref<!tpu.dma_semaphore, #tpu.memory_space<semaphore_mem>>)
        %scan3A_520 = arith.constant 0 : i32
        scf.yield %scan3A_520 : i32
      }
      %scan3A_24 = arith.constant 26 : i32
      %scan3A_25 = arith.constant 0 : i32
      %scan3A_26 = arith.constant 0 : i32
      %scan3A_27 = arith.constant 26 : i32
      %scan3A_28 = arith.addi %scan3A_26, %scan3A_27 : i32
      %scan3A_29 = arith.constant 1 : i32
      %scan3A_30 = scf.for %scan3A_440 = %scan3A_26 to %scan3A_28 step %scan3A_29 iter_args(%scan3A_441 = %scan3A_25) -> (i32)  : i32 {
        %mul3A_442 = arith.constant 16 : i32
        %mul3A_443 = arith.muli %scan3A_16, %mul3A_442 : i32
        %get3A = arith.index_cast %scan3A_440 : i32 to index
        %get3A_444 = arith.index_cast %mul3A_443 : i32 to index
        %get3A_445 = tpu.vector_load %arg5[%get3A, %get3A_444] {strides = array<i32>} : memref<26x128xi32, #tpu.memory_space<vmem>>, vector<16xi32>,
        %and3A = arith.constant -8 : i32
        %and3A_446 = vector.broadcast %and3A : i32 to vector<16xi32>
        %and3A_447 = arith.andi %get3A_445, %and3A_446 : vector<16xi32>
        %slice3A = vector.extract_strided_slice %and3A_447 {offsets = [0], sizes = [1], strides = [1]} : vector<16xi32> to vector<1xi32>
        %squeeze3A = vector.extract %slice3A[0] : i32 from vector<1xi32>
        %multiple_of3A = tpu.assume_multiple %squeeze3A, 8 : i32
        %mul3A_448 = arith.constant 4 : i32
        %mul3A_449 = arith.muli %scan3A_440, %mul3A_448 : i32
        %add3A_450 = arith.constant 0 : i32
        %add3A_451 = arith.addi %mul3A_449, %add3A_450 : i32
        %dma_wait3A = arith.constant 0 : i32
        %dma_wait3A_452 = arith.constant 0 : i32
        %dma_wait3A_453 = tpu.memref_slice %arg6[%add3A_451, %dma_wait3A, %dma_wait3A_452] : memref<104x8x32xf32, #tpu.memory_space<vmem>> -> memref<1x8x32xf32, #tpu.memory_space<vmem>>
        %dma_wait3A_454 = tpu.memref_squeeze %dma_wait3A_453 : memref<1x8x32xf32, #tpu.memory_space<vmem>> -> memref<8x32xf32, #tpu.memory_space<vmem>>
        %dma_wait3A_455 = arith.constant 0 : i32
        %dma_wait3A_456 = tpu.memref_slice %arg3[%multiple_of3A, %dma_wait3A_455] : memref<2600000x32xf32, #tpu.memory_space<hbm>> -> memref<8x32xf32, #tpu.memory_space<hbm>>
        %dma_wait3A_457 = arith.constant 0 : i32
        %dma_wait3A_458 = arith.constant 0 : i32
        %dma_wait3A_459 = tpu.memref_slice %arg6[%add3A_451, %dma_wait3A_457, %dma_wait3A_458] : memref<104x8x32xf32, #tpu.memory_space<vmem>> -> memref<1x8x32xf32, #tpu.memory_space<vmem>>
        %dma_wait3A_460 = tpu.memref_squeeze %dma_wait3A_459 : memref<1x8x32xf32, #tpu.memory_space<vmem>> -> memref<8x32xf32, #tpu.memory_space<vmem>>
        %dma_wait3A_461 = arith.constant 0 : i32
        %dma_wait3A_462 = tpu.memref_slice %arg3[%multiple_of3A, %dma_wait3A_461] : memref<2600000x32xf32, #tpu.memory_space<hbm>> -> memref<8x32xf32, #tpu.memory_space<hbm>>
        tpu.wait_dma2 semaphore(%arg9 : memref<!tpu.dma_semaphore, #tpu.memory_space<semaphore_mem>>) src(%dma_wait3A_462 : memref<8x32xf32, #tpu.memory_space<hbm>>) dst(%dma_wait3A_460 : memref<8x32xf32, #tpu.memory_space<vmem>>)
        %slice3A_463 = vector.extract_strided_slice %and3A_447 {offsets = [1], sizes = [1], strides = [1]} : vector<16xi32> to vector<1xi32>
        %squeeze3A_464 = vector.extract %slice3A_463[0] : i32 from vector<1xi32>
        %multiple_of3A_465 = tpu.assume_multiple %squeeze3A_464, 8 : i32
        %mul3A_466 = arith.constant 4 : i32
        %mul3A_467 = arith.muli %scan3A_440, %mul3A_466 : i32
        %add3A_468 = arith.constant 1 : i32
        %add3A_469 = arith.addi %mul3A_467, %add3A_468 : i32
        %dma_wait3A_470 = arith.constant 0 : i32
        %dma_wait3A_471 = arith.constant 0 : i32
        %dma_wait3A_472 = tpu.memref_slice %arg6[%add3A_469, %dma_wait3A_470, %dma_wait3A_471] : memref<104x8x32xf32, #tpu.memory_space<vmem>> -> memref<1x8x32xf32, #tpu.memory_space<vmem>>
        %dma_wait3A_473 = tpu.memref_squeeze %dma_wait3A_472 : memref<1x8x32xf32, #tpu.memory_space<vmem>> -> memref<8x32xf32, #tpu.memory_space<vmem>>
        %dma_wait3A_474 = arith.constant 0 : i32
        %dma_wait3A_475 = tpu.memref_slice %arg3[%multiple_of3A_465, %dma_wait3A_474] : memref<2600000x32xf32, #tpu.memory_space<hbm>> -> memref<8x32xf32, #tpu.memory_space<hbm>>
        %dma_wait3A_476 = arith.constant 0 : i32
        %dma_wait3A_477 = arith.constant 0 : i32
        %dma_wait3A_478 = tpu.memref_slice %arg6[%add3A_469, %dma_wait3A_476, %dma_wait3A_477] : memref<104x8x32xf32, #tpu.memory_space<vmem>> -> memref<1x8x32xf32, #tpu.memory_space<vmem>>
        %dma_wait3A_479 = tpu.memref_squeeze %dma_wait3A_478 : memref<1x8x32xf32, #tpu.memory_space<vmem>> -> memref<8x32xf32, #tpu.memory_space<vmem>>
        %dma_wait3A_480 = arith.constant 0 : i32
        %dma_wait3A_481 = tpu.memref_slice %arg3[%multiple_of3A_465, %dma_wait3A_480] : memref<2600000x32xf32, #tpu.memory_space<hbm>> -> memref<8x32xf32, #tpu.memory_space<hbm>>
        tpu.wait_dma2 semaphore(%arg9 : memref<!tpu.dma_semaphore, #tpu.memory_space<semaphore_mem>>) src(%dma_wait3A_481 : memref<8x32xf32, #tpu.memory_space<hbm>>) dst(%dma_wait3A_479 : memref<8x32xf32, #tpu.memory_space<vmem>>)
        %slice3A_482 = vector.extract_strided_slice %and3A_447 {offsets = [2], sizes = [1], strides = [1]} : vector<16xi32> to vector<1xi32>
        %squeeze3A_483 = vector.extract %slice3A_482[0] : i32 from vector<1xi32>
        %multiple_of3A_484 = tpu.assume_multiple %squeeze3A_483, 8 : i32
        %mul3A_485 = arith.constant 4 : i32
        %mul3A_486 = arith.muli %scan3A_440, %mul3A_485 : i32
        %add3A_487 = arith.constant 2 : i32
        %add3A_488 = arith.addi %mul3A_486, %add3A_487 : i32
        %dma_wait3A_489 = arith.constant 0 : i32
        %dma_wait3A_490 = arith.constant 0 : i32
        %dma_wait3A_491 = tpu.memref_slice %arg6[%add3A_488, %dma_wait3A_489, %dma_wait3A_490] : memref<104x8x32xf32, #tpu.memory_space<vmem>> -> memref<1x8x32xf32, #tpu.memory_space<vmem>>
        %dma_wait3A_492 = tpu.memref_squeeze %dma_wait3A_491 : memref<1x8x32xf32, #tpu.memory_space<vmem>> -> memref<8x32xf32, #tpu.memory_space<vmem>>
        %dma_wait3A_493 = arith.constant 0 : i32
        %dma_wait3A_494 = tpu.memref_slice %arg3[%multiple_of3A_484, %dma_wait3A_493] : memref<2600000x32xf32, #tpu.memory_space<hbm>> -> memref<8x32xf32, #tpu.memory_space<hbm>>
        %dma_wait3A_495 = arith.constant 0 : i32
        %dma_wait3A_496 = arith.constant 0 : i32
        %dma_wait3A_497 = tpu.memref_slice %arg6[%add3A_488, %dma_wait3A_495, %dma_wait3A_496] : memref<104x8x32xf32, #tpu.memory_space<vmem>> -> memref<1x8x32xf32, #tpu.memory_space<vmem>>
        %dma_wait3A_498 = tpu.memref_squeeze %dma_wait3A_497 : memref<1x8x32xf32, #tpu.memory_space<vmem>> -> memref<8x32xf32, #tpu.memory_space<vmem>>
        %dma_wait3A_499 = arith.constant 0 : i32
        %dma_wait3A_500 = tpu.memref_slice %arg3[%multiple_of3A_484, %dma_wait3A_499] : memref<2600000x32xf32, #tpu.memory_space<hbm>> -> memref<8x32xf32, #tpu.memory_space<hbm>>
        tpu.wait_dma2 semaphore(%arg9 : memref<!tpu.dma_semaphore, #tpu.memory_space<semaphore_mem>>) src(%dma_wait3A_500 : memref<8x32xf32, #tpu.memory_space<hbm>>) dst(%dma_wait3A_498 : memref<8x32xf32, #tpu.memory_space<vmem>>)
        %slice3A_501 = vector.extract_strided_slice %and3A_447 {offsets = [3], sizes = [1], strides = [1]} : vector<16xi32> to vector<1xi32>
        %squeeze3A_502 = vector.extract %slice3A_501[0] : i32 from vector<1xi32>
        %multiple_of3A_503 = tpu.assume_multiple %squeeze3A_502, 8 : i32
        %mul3A_504 = arith.constant 4 : i32
        %mul3A_505 = arith.muli %scan3A_440, %mul3A_504 : i32
        %add3A_506 = arith.constant 3 : i32
        %add3A_507 = arith.addi %mul3A_505, %add3A_506 : i32
        %dma_wait3A_508 = arith.constant 0 : i32
        %dma_wait3A_509 = arith.constant 0 : i32
        %dma_wait3A_510 = tpu.memref_slice %arg6[%add3A_507, %dma_wait3A_508, %dma_wait3A_509] : memref<104x8x32xf32, #tpu.memory_space<vmem>> -> memref<1x8x32xf32, #tpu.memory_space<vmem>>
        %dma_wait3A_511 = tpu.memref_squeeze %dma_wait3A_510 : memref<1x8x32xf32, #tpu.memory_space<vmem>> -> memref<8x32xf32, #tpu.memory_space<vmem>>
        %dma_wait3A_512 = arith.constant 0 : i32
        %dma_wait3A_513 = tpu.memref_slice %arg3[%multiple_of3A_503, %dma_wait3A_512] : memref<2600000x32xf32, #tpu.memory_space<hbm>> -> memref<8x32xf32, #tpu.memory_space<hbm>>
        %dma_wait3A_514 = arith.constant 0 : i32
        %dma_wait3A_515 = arith.constant 0 : i32
        %dma_wait3A_516 = tpu.memref_slice %arg6[%add3A_507, %dma_wait3A_514, %dma_wait3A_515] : memref<104x8x32xf32, #tpu.memory_space<vmem>> -> memref<1x8x32xf32, #tpu.memory_space<vmem>>
        %dma_wait3A_517 = tpu.memref_squeeze %dma_wait3A_516 : memref<1x8x32xf32, #tpu.memory_space<vmem>> -> memref<8x32xf32, #tpu.memory_space<vmem>>
        %dma_wait3A_518 = arith.constant 0 : i32
        %dma_wait3A_519 = tpu.memref_slice %arg3[%multiple_of3A_503, %dma_wait3A_518] : memref<2600000x32xf32, #tpu.memory_space<hbm>> -> memref<8x32xf32, #tpu.memory_space<hbm>>
        tpu.wait_dma2 semaphore(%arg9 : memref<!tpu.dma_semaphore, #tpu.memory_space<semaphore_mem>>) src(%dma_wait3A_519 : memref<8x32xf32, #tpu.memory_space<hbm>>) dst(%dma_wait3A_517 : memref<8x32xf32, #tpu.memory_space<vmem>>)
        %scan3A_520 = arith.constant 0 : i32
        scf.yield %scan3A_520 : i32
      }
      %scan3A_31 = arith.constant 26 : i32
      %broadcast_in_dim3A = arith.constant 0.000000e+00 : f32
      %broadcast_in_dim3A_32 = vector.broadcast %broadcast_in_dim3A : f32 to vector<16xf32>
      %scan3A_33 = arith.constant 0 : i32
      %scan3A_34 = arith.constant 26 : i32
      %scan3A_35 = arith.addi %scan3A_33, %scan3A_34 : i32
      %scan3A_36 = arith.constant 1 : i32
      %scan3A_37:4 = scf.for %scan3A_440 = %scan3A_33 to %scan3A_35 step %scan3A_36 iter_args(%scan3A_441 = %broadcast_in_dim3A_32, %scan3A_442 = %broadcast_in_dim3A_32, %scan3A_443 = %broadcast_in_dim3A_32, %scan3A_444 = %broadcast_in_dim3A_32) -> (vector<16xf32>, vector<16xf32>, vector<16xf32>, vector<16xf32>)  : i32 {
        %mul3A_445 = arith.constant 16 : i32
        %mul3A_446 = arith.muli %scan3A_16, %mul3A_445 : i32
        %get3A = arith.index_cast %scan3A_440 : i32 to index
        %get3A_447 = arith.index_cast %mul3A_446 : i32 to index
        %get3A_448 = tpu.vector_load %arg5[%get3A, %get3A_447] {strides = array<i32>} : memref<26x128xi32, #tpu.memory_space<vmem>>, vector<16xi32>,
        %slice3A = vector.extract_strided_slice %get3A_448 {offsets = [0], sizes = [1], strides = [1]} : vector<16xi32> to vector<1xi32>
        %squeeze3A = vector.extract %slice3A[0] : i32 from vector<1xi32>
        %and3A = arith.constant 7 : i32
        %and3A_449 = arith.andi %squeeze3A, %and3A : i32
        %mul3A_450 = arith.constant 4 : i32
        %mul3A_451 = arith.muli %scan3A_440, %mul3A_450 : i32
        %add3A_452 = arith.constant 0 : i32
        %add3A_453 = arith.addi %mul3A_451, %add3A_452 : i32
        %get3A_454 = arith.index_cast %add3A_453 : i32 to index
        %get3A_455 = arith.index_cast %and3A_449 : i32 to index
        %get3A_456 = arith.constant 0 : index
        %get3A_457 = tpu.vector_load %arg6[%get3A_454, %get3A_455, %get3A_456] {strides = array<i32>} : memref<104x8x32xf32, #tpu.memory_space<vmem>>, vector<16xf32>,
        %mul3A_458 = arith.constant 4 : i32
        %mul3A_459 = arith.muli %scan3A_440, %mul3A_458 : i32
        %add3A_460 = arith.constant 0 : i32
        %add3A_461 = arith.addi %mul3A_459, %add3A_460 : i32
        %get3A_462 = arith.index_cast %add3A_461 : i32 to index
        %get3A_463 = arith.index_cast %and3A_449 : i32 to index
        %get3A_464 = arith.constant 16 : index
        %get3A_465 = tpu.vector_load %arg6[%get3A_462, %get3A_463, %get3A_464] {strides = array<i32>} : memref<104x8x32xf32, #tpu.memory_space<vmem>>, vector<16xf32>,
        %add3A_466 = arith.addf %scan3A_441, %get3A_457 : vector<16xf32>
        %add3A_467 = arith.addf %scan3A_442, %get3A_465 : vector<16xf32>
        %mul3A_468 = arith.mulf %get3A_457, %get3A_457 : vector<16xf32>
        %add3A_469 = arith.addf %scan3A_443, %mul3A_468 : vector<16xf32>
        %mul3A_470 = arith.mulf %get3A_465, %get3A_465 : vector<16xf32>
        %add3A_471 = arith.addf %scan3A_444, %mul3A_470 : vector<16xf32>
        scf.yield %add3A_466, %add3A_467, %add3A_469, %add3A_471 : vector<16xf32>, vector<16xf32>, vector<16xf32>, vector<16xf32>
      }
      %scan3A_38 = arith.constant 26 : i32
      %mul3A_39 = arith.mulf %scan3A_37#0, %scan3A_37#0 : vector<16xf32>
      %mul3A_40 = arith.mulf %scan3A_37#1, %scan3A_37#1 : vector<16xf32>
      %add3A_41 = arith.addf %mul3A_39, %mul3A_40 : vector<16xf32>
      %sub3A = arith.subf %add3A_41, %scan3A_37#2 : vector<16xf32>
      %sub3A_42 = arith.subf %sub3A, %scan3A_37#3 : vector<16xf32>
      %mul3A_43 = arith.constant 16 : i32
      %mul3A_44 = arith.muli %scan3A_16, %mul3A_43 : i32
      %add3A_45 = arith.constant 0 : i32
      %add3A_46 = arith.addi %mul3A_44, %add3A_45 : i32
      %add3A_47 = arith.constant 0 : i32
      %add3A_48 = arith.addi %add3A_46, %add3A_47 : i32
      %mul3A_49 = arith.constant 16 : i32
      %mul3A_50 = arith.muli %add3A_48, %mul3A_49 : i32
      %swap3A = arith.index_cast %mul3A_50 : i32 to index
      %swap3A_51 = tpu.vector_load %arg7[%swap3A] {strides = array<i32>} : memref<2048xf32, #tpu.memory_space<vmem>>, vector<16xf32>,
      tpu.vector_store %arg7[%swap3A], %sub3A_42 {strides = array<i32>} : memref<2048xf32, #tpu.memory_space<vmem>>, vector<16xf32>,
      %broadcast_in_dim3A_52 = arith.constant 0.000000e+00 : f32
      %broadcast_in_dim3A_53 = vector.broadcast %broadcast_in_dim3A_52 : f32 to vector<16xf32>
      %scan3A_54 = arith.constant 0 : i32
      %scan3A_55 = arith.constant 26 : i32
      %scan3A_56 = arith.addi %scan3A_54, %scan3A_55 : i32
      %scan3A_57 = arith.constant 1 : i32
      %scan3A_58:4 = scf.for %scan3A_440 = %scan3A_54 to %scan3A_56 step %scan3A_57 iter_args(%scan3A_441 = %broadcast_in_dim3A_53, %scan3A_442 = %broadcast_in_dim3A_53, %scan3A_443 = %broadcast_in_dim3A_53, %scan3A_444 = %broadcast_in_dim3A_53) -> (vector<16xf32>, vector<16xf32>, vector<16xf32>, vector<16xf32>)  : i32 {
        %mul3A_445 = arith.constant 16 : i32
        %mul3A_446 = arith.muli %scan3A_16, %mul3A_445 : i32
        %get3A = arith.index_cast %scan3A_440 : i32 to index
        %get3A_447 = arith.index_cast %mul3A_446 : i32 to index
        %get3A_448 = tpu.vector_load %arg5[%get3A, %get3A_447] {strides = array<i32>} : memref<26x128xi32, #tpu.memory_space<vmem>>, vector<16xi32>,
        %slice3A = vector.extract_strided_slice %get3A_448 {offsets = [1], sizes = [1], strides = [1]} : vector<16xi32> to vector<1xi32>
        %squeeze3A = vector.extract %slice3A[0] : i32 from vector<1xi32>
        %and3A = arith.constant 7 : i32
        %and3A_449 = arith.andi %squeeze3A, %and3A : i32
        %mul3A_450 = arith.constant 4 : i32
        %mul3A_451 = arith.muli %scan3A_440, %mul3A_450 : i32
        %add3A_452 = arith.constant 1 : i32
        %add3A_453 = arith.addi %mul3A_451, %add3A_452 : i32
        %get3A_454 = arith.index_cast %add3A_453 : i32 to index
        %get3A_455 = arith.index_cast %and3A_449 : i32 to index
        %get3A_456 = arith.constant 0 : index
        %get3A_457 = tpu.vector_load %arg6[%get3A_454, %get3A_455, %get3A_456] {strides = array<i32>} : memref<104x8x32xf32, #tpu.memory_space<vmem>>, vector<16xf32>,
        %mul3A_458 = arith.constant 4 : i32
        %mul3A_459 = arith.muli %scan3A_440, %mul3A_458 : i32
        %add3A_460 = arith.constant 1 : i32
        %add3A_461 = arith.addi %mul3A_459, %add3A_460 : i32
        %get3A_462 = arith.index_cast %add3A_461 : i32 to index
        %get3A_463 = arith.index_cast %and3A_449 : i32 to index
        %get3A_464 = arith.constant 16 : index
        %get3A_465 = tpu.vector_load %arg6[%get3A_462, %get3A_463, %get3A_464] {strides = array<i32>} : memref<104x8x32xf32, #tpu.memory_space<vmem>>, vector<16xf32>,
        %add3A_466 = arith.addf %scan3A_441, %get3A_457 : vector<16xf32>
        %add3A_467 = arith.addf %scan3A_442, %get3A_465 : vector<16xf32>
        %mul3A_468 = arith.mulf %get3A_457, %get3A_457 : vector<16xf32>
        %add3A_469 = arith.addf %scan3A_443, %mul3A_468 : vector<16xf32>
        %mul3A_470 = arith.mulf %get3A_465, %get3A_465 : vector<16xf32>
        %add3A_471 = arith.addf %scan3A_444, %mul3A_470 : vector<16xf32>
        scf.yield %add3A_466, %add3A_467, %add3A_469, %add3A_471 : vector<16xf32>, vector<16xf32>, vector<16xf32>, vector<16xf32>
      }
      %scan3A_59 = arith.constant 26 : i32
      %mul3A_60 = arith.mulf %scan3A_58#0, %scan3A_58#0 : vector<16xf32>
      %mul3A_61 = arith.mulf %scan3A_58#1, %scan3A_58#1 : vector<16xf32>
      %add3A_62 = arith.addf %mul3A_60, %mul3A_61 : vector<16xf32>
      %sub3A_63 = arith.subf %add3A_62, %scan3A_58#2 : vector<16xf32>
      %sub3A_64 = arith.subf %sub3A_63, %scan3A_58#3 : vector<16xf32>
      %mul3A_65 = arith.constant 16 : i32
      %mul3A_66 = arith.muli %scan3A_16, %mul3A_65 : i32
      %add3A_67 = arith.constant 0 : i32
      %add3A_68 = arith.addi %mul3A_66, %add3A_67 : i32
      %add3A_69 = arith.constant 1 : i32
      %add3A_70 = arith.addi %add3A_68, %add3A_69 : i32
      %mul3A_71 = arith.constant 16 : i32
      %mul3A_72 = arith.muli %add3A_70, %mul3A_71 : i32
      %swap3A_73 = arith.index_cast %mul3A_72 : i32 to index
      %swap3A_74 = tpu.vector_load %arg7[%swap3A_73] {strides = array<i32>} : memref<2048xf32, #tpu.memory_space<vmem>>, vector<16xf32>,
      tpu.vector_store %arg7[%swap3A_73], %sub3A_64 {strides = array<i32>} : memref<2048xf32, #tpu.memory_space<vmem>>, vector<16xf32>,
      %broadcast_in_dim3A_75 = arith.constant 0.000000e+00 : f32
      %broadcast_in_dim3A_76 = vector.broadcast %broadcast_in_dim3A_75 : f32 to vector<16xf32>
      %scan3A_77 = arith.constant 0 : i32
      %scan3A_78 = arith.constant 26 : i32
      %scan3A_79 = arith.addi %scan3A_77, %scan3A_78 : i32
      %scan3A_80 = arith.constant 1 : i32
      %scan3A_81:4 = scf.for %scan3A_440 = %scan3A_77 to %scan3A_79 step %scan3A_80 iter_args(%scan3A_441 = %broadcast_in_dim3A_76, %scan3A_442 = %broadcast_in_dim3A_76, %scan3A_443 = %broadcast_in_dim3A_76, %scan3A_444 = %broadcast_in_dim3A_76) -> (vector<16xf32>, vector<16xf32>, vector<16xf32>, vector<16xf32>)  : i32 {
        %mul3A_445 = arith.constant 16 : i32
        %mul3A_446 = arith.muli %scan3A_16, %mul3A_445 : i32
        %get3A = arith.index_cast %scan3A_440 : i32 to index
        %get3A_447 = arith.index_cast %mul3A_446 : i32 to index
        %get3A_448 = tpu.vector_load %arg5[%get3A, %get3A_447] {strides = array<i32>} : memref<26x128xi32, #tpu.memory_space<vmem>>, vector<16xi32>,
        %slice3A = vector.extract_strided_slice %get3A_448 {offsets = [2], sizes = [1], strides = [1]} : vector<16xi32> to vector<1xi32>
        %squeeze3A = vector.extract %slice3A[0] : i32 from vector<1xi32>
        %and3A = arith.constant 7 : i32
        %and3A_449 = arith.andi %squeeze3A, %and3A : i32
        %mul3A_450 = arith.constant 4 : i32
        %mul3A_451 = arith.muli %scan3A_440, %mul3A_450 : i32
        %add3A_452 = arith.constant 2 : i32
        %add3A_453 = arith.addi %mul3A_451, %add3A_452 : i32
        %get3A_454 = arith.index_cast %add3A_453 : i32 to index
        %get3A_455 = arith.index_cast %and3A_449 : i32 to index
        %get3A_456 = arith.constant 0 : index
        %get3A_457 = tpu.vector_load %arg6[%get3A_454, %get3A_455, %get3A_456] {strides = array<i32>} : memref<104x8x32xf32, #tpu.memory_space<vmem>>, vector<16xf32>,
        %mul3A_458 = arith.constant 4 : i32
        %mul3A_459 = arith.muli %scan3A_440, %mul3A_458 : i32
        %add3A_460 = arith.constant 2 : i32
        %add3A_461 = arith.addi %mul3A_459, %add3A_460 : i32
        %get3A_462 = arith.index_cast %add3A_461 : i32 to index
        %get3A_463 = arith.index_cast %and3A_449 : i32 to index
        %get3A_464 = arith.constant 16 : index
        %get3A_465 = tpu.vector_load %arg6[%get3A_462, %get3A_463, %get3A_464] {strides = array<i32>} : memref<104x8x32xf32, #tpu.memory_space<vmem>>, vector<16xf32>,
        %add3A_466 = arith.addf %scan3A_441, %get3A_457 : vector<16xf32>
        %add3A_467 = arith.addf %scan3A_442, %get3A_465 : vector<16xf32>
        %mul3A_468 = arith.mulf %get3A_457, %get3A_457 : vector<16xf32>
        %add3A_469 = arith.addf %scan3A_443, %mul3A_468 : vector<16xf32>
        %mul3A_470 = arith.mulf %get3A_465, %get3A_465 : vector<16xf32>
        %add3A_471 = arith.addf %scan3A_444, %mul3A_470 : vector<16xf32>
        scf.yield %add3A_466, %add3A_467, %add3A_469, %add3A_471 : vector<16xf32>, vector<16xf32>, vector<16xf32>, vector<16xf32>
      }
      %scan3A_82 = arith.constant 26 : i32
      %mul3A_83 = arith.mulf %scan3A_81#0, %scan3A_81#0 : vector<16xf32>
      %mul3A_84 = arith.mulf %scan3A_81#1, %scan3A_81#1 : vector<16xf32>
      %add3A_85 = arith.addf %mul3A_83, %mul3A_84 : vector<16xf32>
      %sub3A_86 = arith.subf %add3A_85, %scan3A_81#2 : vector<16xf32>
      %sub3A_87 = arith.subf %sub3A_86, %scan3A_81#3 : vector<16xf32>
      %mul3A_88 = arith.constant 16 : i32
      %mul3A_89 = arith.muli %scan3A_16, %mul3A_88 : i32
      %add3A_90 = arith.constant 0 : i32
      %add3A_91 = arith.addi %mul3A_89, %add3A_90 : i32
      %add3A_92 = arith.constant 2 : i32
      %add3A_93 = arith.addi %add3A_91, %add3A_92 : i32
      %mul3A_94 = arith.constant 16 : i32
      %mul3A_95 = arith.muli %add3A_93, %mul3A_94 : i32
      %swap3A_96 = arith.index_cast %mul3A_95 : i32 to index
      %swap3A_97 = tpu.vector_load %arg7[%swap3A_96] {strides = array<i32>} : memref<2048xf32, #tpu.memory_space<vmem>>, vector<16xf32>,
      tpu.vector_store %arg7[%swap3A_96], %sub3A_87 {strides = array<i32>} : memref<2048xf32, #tpu.memory_space<vmem>>, vector<16xf32>,
      %broadcast_in_dim3A_98 = arith.constant 0.000000e+00 : f32
      %broadcast_in_dim3A_99 = vector.broadcast %broadcast_in_dim3A_98 : f32 to vector<16xf32>
      %scan3A_100 = arith.constant 0 : i32
      %scan3A_101 = arith.constant 26 : i32
      %scan3A_102 = arith.addi %scan3A_100, %scan3A_101 : i32
      %scan3A_103 = arith.constant 1 : i32
      %scan3A_104:4 = scf.for %scan3A_440 = %scan3A_100 to %scan3A_102 step %scan3A_103 iter_args(%scan3A_441 = %broadcast_in_dim3A_99, %scan3A_442 = %broadcast_in_dim3A_99, %scan3A_443 = %broadcast_in_dim3A_99, %scan3A_444 = %broadcast_in_dim3A_99) -> (vector<16xf32>, vector<16xf32>, vector<16xf32>, vector<16xf32>)  : i32 {
        %mul3A_445 = arith.constant 16 : i32
        %mul3A_446 = arith.muli %scan3A_16, %mul3A_445 : i32
        %get3A = arith.index_cast %scan3A_440 : i32 to index
        %get3A_447 = arith.index_cast %mul3A_446 : i32 to index
        %get3A_448 = tpu.vector_load %arg5[%get3A, %get3A_447] {strides = array<i32>} : memref<26x128xi32, #tpu.memory_space<vmem>>, vector<16xi32>,
        %slice3A = vector.extract_strided_slice %get3A_448 {offsets = [3], sizes = [1], strides = [1]} : vector<16xi32> to vector<1xi32>
        %squeeze3A = vector.extract %slice3A[0] : i32 from vector<1xi32>
        %and3A = arith.constant 7 : i32
        %and3A_449 = arith.andi %squeeze3A, %and3A : i32
        %mul3A_450 = arith.constant 4 : i32
        %mul3A_451 = arith.muli %scan3A_440, %mul3A_450 : i32
        %add3A_452 = arith.constant 3 : i32
        %add3A_453 = arith.addi %mul3A_451, %add3A_452 : i32
        %get3A_454 = arith.index_cast %add3A_453 : i32 to index
        %get3A_455 = arith.index_cast %and3A_449 : i32 to index
        %get3A_456 = arith.constant 0 : index
        %get3A_457 = tpu.vector_load %arg6[%get3A_454, %get3A_455, %get3A_456] {strides = array<i32>} : memref<104x8x32xf32, #tpu.memory_space<vmem>>, vector<16xf32>,
        %mul3A_458 = arith.constant 4 : i32
        %mul3A_459 = arith.muli %scan3A_440, %mul3A_458 : i32
        %add3A_460 = arith.constant 3 : i32
        %add3A_461 = arith.addi %mul3A_459, %add3A_460 : i32
        %get3A_462 = arith.index_cast %add3A_461 : i32 to index
        %get3A_463 = arith.index_cast %and3A_449 : i32 to index
        %get3A_464 = arith.constant 16 : index
        %get3A_465 = tpu.vector_load %arg6[%get3A_462, %get3A_463, %get3A_464] {strides = array<i32>} : memref<104x8x32xf32, #tpu.memory_space<vmem>>, vector<16xf32>,
        %add3A_466 = arith.addf %scan3A_441, %get3A_457 : vector<16xf32>
        %add3A_467 = arith.addf %scan3A_442, %get3A_465 : vector<16xf32>
        %mul3A_468 = arith.mulf %get3A_457, %get3A_457 : vector<16xf32>
        %add3A_469 = arith.addf %scan3A_443, %mul3A_468 : vector<16xf32>
        %mul3A_470 = arith.mulf %get3A_465, %get3A_465 : vector<16xf32>
        %add3A_471 = arith.addf %scan3A_444, %mul3A_470 : vector<16xf32>
        scf.yield %add3A_466, %add3A_467, %add3A_469, %add3A_471 : vector<16xf32>, vector<16xf32>, vector<16xf32>, vector<16xf32>
      }
      %scan3A_105 = arith.constant 26 : i32
      %mul3A_106 = arith.mulf %scan3A_104#0, %scan3A_104#0 : vector<16xf32>
      %mul3A_107 = arith.mulf %scan3A_104#1, %scan3A_104#1 : vector<16xf32>
      %add3A_108 = arith.addf %mul3A_106, %mul3A_107 : vector<16xf32>
      %sub3A_109 = arith.subf %add3A_108, %scan3A_104#2 : vector<16xf32>
      %sub3A_110 = arith.subf %sub3A_109, %scan3A_104#3 : vector<16xf32>
      %mul3A_111 = arith.constant 16 : i32
      %mul3A_112 = arith.muli %scan3A_16, %mul3A_111 : i32
      %add3A_113 = arith.constant 0 : i32
      %add3A_114 = arith.addi %mul3A_112, %add3A_113 : i32
      %add3A_115 = arith.constant 3 : i32
      %add3A_116 = arith.addi %add3A_114, %add3A_115 : i32
      %mul3A_117 = arith.constant 16 : i32
      %mul3A_118 = arith.muli %add3A_116, %mul3A_117 : i32
      %swap3A_119 = arith.index_cast %mul3A_118 : i32 to index
      %swap3A_120 = tpu.vector_load %arg7[%swap3A_119] {strides = array<i32>} : memref<2048xf32, #tpu.memory_space<vmem>>, vector<16xf32>,
      tpu.vector_store %arg7[%swap3A_119], %sub3A_110 {strides = array<i32>} : memref<2048xf32, #tpu.memory_space<vmem>>, vector<16xf32>,
      %scan3A_121 = arith.constant 0 : i32
      %scan3A_122 = arith.constant 0 : i32
      %scan3A_123 = arith.constant 26 : i32
      %scan3A_124 = arith.addi %scan3A_122, %scan3A_123 : i32
      %scan3A_125 = arith.constant 1 : i32
      %scan3A_126 = scf.for %scan3A_440 = %scan3A_122 to %scan3A_124 step %scan3A_125 iter_args(%scan3A_441 = %scan3A_121) -> (i32)  : i32 {
        %mul3A_442 = arith.constant 16 : i32
        %mul3A_443 = arith.muli %scan3A_16, %mul3A_442 : i32
        %get3A = arith.index_cast %scan3A_440 : i32 to index
        %get3A_444 = arith.index_cast %mul3A_443 : i32 to index
        %get3A_445 = tpu.vector_load %arg5[%get3A, %get3A_444] {strides = array<i32>} : memref<26x128xi32, #tpu.memory_space<vmem>>, vector<16xi32>,
        %and3A = arith.constant -8 : i32
        %and3A_446 = vector.broadcast %and3A : i32 to vector<16xi32>
        %and3A_447 = arith.andi %get3A_445, %and3A_446 : vector<16xi32>
        %slice3A = vector.extract_strided_slice %and3A_447 {offsets = [4], sizes = [1], strides = [1]} : vector<16xi32> to vector<1xi32>
        %squeeze3A = vector.extract %slice3A[0] : i32 from vector<1xi32>
        %multiple_of3A = tpu.assume_multiple %squeeze3A, 8 : i32
        %mul3A_448 = arith.constant 4 : i32
        %mul3A_449 = arith.muli %scan3A_440, %mul3A_448 : i32
        %add3A_450 = arith.constant 0 : i32
        %add3A_451 = arith.addi %mul3A_449, %add3A_450 : i32
        %dma_start3A = arith.constant 0 : i32
        %dma_start3A_452 = arith.constant 0 : i32
        %dma_start3A_453 = tpu.memref_slice %arg6[%add3A_451, %dma_start3A, %dma_start3A_452] : memref<104x8x32xf32, #tpu.memory_space<vmem>> -> memref<1x8x32xf32, #tpu.memory_space<vmem>>
        %dma_start3A_454 = tpu.memref_squeeze %dma_start3A_453 : memref<1x8x32xf32, #tpu.memory_space<vmem>> -> memref<8x32xf32, #tpu.memory_space<vmem>>
        %dma_start3A_455 = arith.constant 0 : i32
        %dma_start3A_456 = tpu.memref_slice %arg3[%multiple_of3A, %dma_start3A_455] : memref<2600000x32xf32, #tpu.memory_space<hbm>> -> memref<8x32xf32, #tpu.memory_space<hbm>>
        %dma_start3A_457 = arith.constant 0 : i32
        %dma_start3A_458 = arith.constant 0 : i32
        %dma_start3A_459 = tpu.memref_slice %arg6[%add3A_451, %dma_start3A_457, %dma_start3A_458] : memref<104x8x32xf32, #tpu.memory_space<vmem>> -> memref<1x8x32xf32, #tpu.memory_space<vmem>>
        %dma_start3A_460 = tpu.memref_squeeze %dma_start3A_459 : memref<1x8x32xf32, #tpu.memory_space<vmem>> -> memref<8x32xf32, #tpu.memory_space<vmem>>
        %dma_start3A_461 = arith.constant 0 : i32
        %dma_start3A_462 = tpu.memref_slice %arg3[%multiple_of3A, %dma_start3A_461] : memref<2600000x32xf32, #tpu.memory_space<hbm>> -> memref<8x32xf32, #tpu.memory_space<hbm>>
        tpu.enqueue_dma source(%dma_start3A_462 : memref<8x32xf32, #tpu.memory_space<hbm>>) target(%dma_start3A_460 : memref<8x32xf32, #tpu.memory_space<vmem>>) target_semaphore(%arg9 : memref<!tpu.dma_semaphore, #tpu.memory_space<semaphore_mem>>)
        %slice3A_463 = vector.extract_strided_slice %and3A_447 {offsets = [5], sizes = [1], strides = [1]} : vector<16xi32> to vector<1xi32>
        %squeeze3A_464 = vector.extract %slice3A_463[0] : i32 from vector<1xi32>
        %multiple_of3A_465 = tpu.assume_multiple %squeeze3A_464, 8 : i32
        %mul3A_466 = arith.constant 4 : i32
        %mul3A_467 = arith.muli %scan3A_440, %mul3A_466 : i32
        %add3A_468 = arith.constant 1 : i32
        %add3A_469 = arith.addi %mul3A_467, %add3A_468 : i32
        %dma_start3A_470 = arith.constant 0 : i32
        %dma_start3A_471 = arith.constant 0 : i32
        %dma_start3A_472 = tpu.memref_slice %arg6[%add3A_469, %dma_start3A_470, %dma_start3A_471] : memref<104x8x32xf32, #tpu.memory_space<vmem>> -> memref<1x8x32xf32, #tpu.memory_space<vmem>>
        %dma_start3A_473 = tpu.memref_squeeze %dma_start3A_472 : memref<1x8x32xf32, #tpu.memory_space<vmem>> -> memref<8x32xf32, #tpu.memory_space<vmem>>
        %dma_start3A_474 = arith.constant 0 : i32
        %dma_start3A_475 = tpu.memref_slice %arg3[%multiple_of3A_465, %dma_start3A_474] : memref<2600000x32xf32, #tpu.memory_space<hbm>> -> memref<8x32xf32, #tpu.memory_space<hbm>>
        %dma_start3A_476 = arith.constant 0 : i32
        %dma_start3A_477 = arith.constant 0 : i32
        %dma_start3A_478 = tpu.memref_slice %arg6[%add3A_469, %dma_start3A_476, %dma_start3A_477] : memref<104x8x32xf32, #tpu.memory_space<vmem>> -> memref<1x8x32xf32, #tpu.memory_space<vmem>>
        %dma_start3A_479 = tpu.memref_squeeze %dma_start3A_478 : memref<1x8x32xf32, #tpu.memory_space<vmem>> -> memref<8x32xf32, #tpu.memory_space<vmem>>
        %dma_start3A_480 = arith.constant 0 : i32
        %dma_start3A_481 = tpu.memref_slice %arg3[%multiple_of3A_465, %dma_start3A_480] : memref<2600000x32xf32, #tpu.memory_space<hbm>> -> memref<8x32xf32, #tpu.memory_space<hbm>>
        tpu.enqueue_dma source(%dma_start3A_481 : memref<8x32xf32, #tpu.memory_space<hbm>>) target(%dma_start3A_479 : memref<8x32xf32, #tpu.memory_space<vmem>>) target_semaphore(%arg9 : memref<!tpu.dma_semaphore, #tpu.memory_space<semaphore_mem>>)
        %slice3A_482 = vector.extract_strided_slice %and3A_447 {offsets = [6], sizes = [1], strides = [1]} : vector<16xi32> to vector<1xi32>
        %squeeze3A_483 = vector.extract %slice3A_482[0] : i32 from vector<1xi32>
        %multiple_of3A_484 = tpu.assume_multiple %squeeze3A_483, 8 : i32
        %mul3A_485 = arith.constant 4 : i32
        %mul3A_486 = arith.muli %scan3A_440, %mul3A_485 : i32
        %add3A_487 = arith.constant 2 : i32
        %add3A_488 = arith.addi %mul3A_486, %add3A_487 : i32
        %dma_start3A_489 = arith.constant 0 : i32
        %dma_start3A_490 = arith.constant 0 : i32
        %dma_start3A_491 = tpu.memref_slice %arg6[%add3A_488, %dma_start3A_489, %dma_start3A_490] : memref<104x8x32xf32, #tpu.memory_space<vmem>> -> memref<1x8x32xf32, #tpu.memory_space<vmem>>
        %dma_start3A_492 = tpu.memref_squeeze %dma_start3A_491 : memref<1x8x32xf32, #tpu.memory_space<vmem>> -> memref<8x32xf32, #tpu.memory_space<vmem>>
        %dma_start3A_493 = arith.constant 0 : i32
        %dma_start3A_494 = tpu.memref_slice %arg3[%multiple_of3A_484, %dma_start3A_493] : memref<2600000x32xf32, #tpu.memory_space<hbm>> -> memref<8x32xf32, #tpu.memory_space<hbm>>
        %dma_start3A_495 = arith.constant 0 : i32
        %dma_start3A_496 = arith.constant 0 : i32
        %dma_start3A_497 = tpu.memref_slice %arg6[%add3A_488, %dma_start3A_495, %dma_start3A_496] : memref<104x8x32xf32, #tpu.memory_space<vmem>> -> memref<1x8x32xf32, #tpu.memory_space<vmem>>
        %dma_start3A_498 = tpu.memref_squeeze %dma_start3A_497 : memref<1x8x32xf32, #tpu.memory_space<vmem>> -> memref<8x32xf32, #tpu.memory_space<vmem>>
        %dma_start3A_499 = arith.constant 0 : i32
        %dma_start3A_500 = tpu.memref_slice %arg3[%multiple_of3A_484, %dma_start3A_499] : memref<2600000x32xf32, #tpu.memory_space<hbm>> -> memref<8x32xf32, #tpu.memory_space<hbm>>
        tpu.enqueue_dma source(%dma_start3A_500 : memref<8x32xf32, #tpu.memory_space<hbm>>) target(%dma_start3A_498 : memref<8x32xf32, #tpu.memory_space<vmem>>) target_semaphore(%arg9 : memref<!tpu.dma_semaphore, #tpu.memory_space<semaphore_mem>>)
        %slice3A_501 = vector.extract_strided_slice %and3A_447 {offsets = [7], sizes = [1], strides = [1]} : vector<16xi32> to vector<1xi32>
        %squeeze3A_502 = vector.extract %slice3A_501[0] : i32 from vector<1xi32>
        %multiple_of3A_503 = tpu.assume_multiple %squeeze3A_502, 8 : i32
        %mul3A_504 = arith.constant 4 : i32
        %mul3A_505 = arith.muli %scan3A_440, %mul3A_504 : i32
        %add3A_506 = arith.constant 3 : i32
        %add3A_507 = arith.addi %mul3A_505, %add3A_506 : i32
        %dma_start3A_508 = arith.constant 0 : i32
        %dma_start3A_509 = arith.constant 0 : i32
        %dma_start3A_510 = tpu.memref_slice %arg6[%add3A_507, %dma_start3A_508, %dma_start3A_509] : memref<104x8x32xf32, #tpu.memory_space<vmem>> -> memref<1x8x32xf32, #tpu.memory_space<vmem>>
        %dma_start3A_511 = tpu.memref_squeeze %dma_start3A_510 : memref<1x8x32xf32, #tpu.memory_space<vmem>> -> memref<8x32xf32, #tpu.memory_space<vmem>>
        %dma_start3A_512 = arith.constant 0 : i32
        %dma_start3A_513 = tpu.memref_slice %arg3[%multiple_of3A_503, %dma_start3A_512] : memref<2600000x32xf32, #tpu.memory_space<hbm>> -> memref<8x32xf32, #tpu.memory_space<hbm>>
        %dma_start3A_514 = arith.constant 0 : i32
        %dma_start3A_515 = arith.constant 0 : i32
        %dma_start3A_516 = tpu.memref_slice %arg6[%add3A_507, %dma_start3A_514, %dma_start3A_515] : memref<104x8x32xf32, #tpu.memory_space<vmem>> -> memref<1x8x32xf32, #tpu.memory_space<vmem>>
        %dma_start3A_517 = tpu.memref_squeeze %dma_start3A_516 : memref<1x8x32xf32, #tpu.memory_space<vmem>> -> memref<8x32xf32, #tpu.memory_space<vmem>>
        %dma_start3A_518 = arith.constant 0 : i32
        %dma_start3A_519 = tpu.memref_slice %arg3[%multiple_of3A_503, %dma_start3A_518] : memref<2600000x32xf32, #tpu.memory_space<hbm>> -> memref<8x32xf32, #tpu.memory_space<hbm>>
        tpu.enqueue_dma source(%dma_start3A_519 : memref<8x32xf32, #tpu.memory_space<hbm>>) target(%dma_start3A_517 : memref<8x32xf32, #tpu.memory_space<vmem>>) target_semaphore(%arg9 : memref<!tpu.dma_semaphore, #tpu.memory_space<semaphore_mem>>)
        %scan3A_520 = arith.constant 0 : i32
        scf.yield %scan3A_520 : i32
      }
      %scan3A_127 = arith.constant 26 : i32
      %scan3A_128 = arith.constant 0 : i32
      %scan3A_129 = arith.constant 0 : i32
      %scan3A_130 = arith.constant 26 : i32
      %scan3A_131 = arith.addi %scan3A_129, %scan3A_130 : i32
      %scan3A_132 = arith.constant 1 : i32
      %scan3A_133 = scf.for %scan3A_440 = %scan3A_129 to %scan3A_131 step %scan3A_132 iter_args(%scan3A_441 = %scan3A_128) -> (i32)  : i32 {
        %mul3A_442 = arith.constant 16 : i32
        %mul3A_443 = arith.muli %scan3A_16, %mul3A_442 : i32
        %get3A = arith.index_cast %scan3A_440 : i32 to index
        %get3A_444 = arith.index_cast %mul3A_443 : i32 to index
        %get3A_445 = tpu.vector_load %arg5[%get3A, %get3A_444] {strides = array<i32>} : memref<26x128xi32, #tpu.memory_space<vmem>>, vector<16xi32>,
        %and3A = arith.constant -8 : i32
        %and3A_446 = vector.broadcast %and3A : i32 to vector<16xi32>
        %and3A_447 = arith.andi %get3A_445, %and3A_446 : vector<16xi32>
        %slice3A = vector.extract_strided_slice %and3A_447 {offsets = [4], sizes = [1], strides = [1]} : vector<16xi32> to vector<1xi32>
        %squeeze3A = vector.extract %slice3A[0] : i32 from vector<1xi32>
        %multiple_of3A = tpu.assume_multiple %squeeze3A, 8 : i32
        %mul3A_448 = arith.constant 4 : i32
        %mul3A_449 = arith.muli %scan3A_440, %mul3A_448 : i32
        %add3A_450 = arith.constant 0 : i32
        %add3A_451 = arith.addi %mul3A_449, %add3A_450 : i32
        %dma_wait3A = arith.constant 0 : i32
        %dma_wait3A_452 = arith.constant 0 : i32
        %dma_wait3A_453 = tpu.memref_slice %arg6[%add3A_451, %dma_wait3A, %dma_wait3A_452] : memref<104x8x32xf32, #tpu.memory_space<vmem>> -> memref<1x8x32xf32, #tpu.memory_space<vmem>>
        %dma_wait3A_454 = tpu.memref_squeeze %dma_wait3A_453 : memref<1x8x32xf32, #tpu.memory_space<vmem>> -> memref<8x32xf32, #tpu.memory_space<vmem>>
        %dma_wait3A_455 = arith.constant 0 : i32
        %dma_wait3A_456 = tpu.memref_slice %arg3[%multiple_of3A, %dma_wait3A_455] : memref<2600000x32xf32, #tpu.memory_space<hbm>> -> memref<8x32xf32, #tpu.memory_space<hbm>>
        %dma_wait3A_457 = arith.constant 0 : i32
        %dma_wait3A_458 = arith.constant 0 : i32
        %dma_wait3A_459 = tpu.memref_slice %arg6[%add3A_451, %dma_wait3A_457, %dma_wait3A_458] : memref<104x8x32xf32, #tpu.memory_space<vmem>> -> memref<1x8x32xf32, #tpu.memory_space<vmem>>
        %dma_wait3A_460 = tpu.memref_squeeze %dma_wait3A_459 : memref<1x8x32xf32, #tpu.memory_space<vmem>> -> memref<8x32xf32, #tpu.memory_space<vmem>>
        %dma_wait3A_461 = arith.constant 0 : i32
        %dma_wait3A_462 = tpu.memref_slice %arg3[%multiple_of3A, %dma_wait3A_461] : memref<2600000x32xf32, #tpu.memory_space<hbm>> -> memref<8x32xf32, #tpu.memory_space<hbm>>
        tpu.wait_dma2 semaphore(%arg9 : memref<!tpu.dma_semaphore, #tpu.memory_space<semaphore_mem>>) src(%dma_wait3A_462 : memref<8x32xf32, #tpu.memory_space<hbm>>) dst(%dma_wait3A_460 : memref<8x32xf32, #tpu.memory_space<vmem>>)
        %slice3A_463 = vector.extract_strided_slice %and3A_447 {offsets = [5], sizes = [1], strides = [1]} : vector<16xi32> to vector<1xi32>
        %squeeze3A_464 = vector.extract %slice3A_463[0] : i32 from vector<1xi32>
        %multiple_of3A_465 = tpu.assume_multiple %squeeze3A_464, 8 : i32
        %mul3A_466 = arith.constant 4 : i32
        %mul3A_467 = arith.muli %scan3A_440, %mul3A_466 : i32
        %add3A_468 = arith.constant 1 : i32
        %add3A_469 = arith.addi %mul3A_467, %add3A_468 : i32
        %dma_wait3A_470 = arith.constant 0 : i32
        %dma_wait3A_471 = arith.constant 0 : i32
        %dma_wait3A_472 = tpu.memref_slice %arg6[%add3A_469, %dma_wait3A_470, %dma_wait3A_471] : memref<104x8x32xf32, #tpu.memory_space<vmem>> -> memref<1x8x32xf32, #tpu.memory_space<vmem>>
        %dma_wait3A_473 = tpu.memref_squeeze %dma_wait3A_472 : memref<1x8x32xf32, #tpu.memory_space<vmem>> -> memref<8x32xf32, #tpu.memory_space<vmem>>
        %dma_wait3A_474 = arith.constant 0 : i32
        %dma_wait3A_475 = tpu.memref_slice %arg3[%multiple_of3A_465, %dma_wait3A_474] : memref<2600000x32xf32, #tpu.memory_space<hbm>> -> memref<8x32xf32, #tpu.memory_space<hbm>>
        %dma_wait3A_476 = arith.constant 0 : i32
        %dma_wait3A_477 = arith.constant 0 : i32
        %dma_wait3A_478 = tpu.memref_slice %arg6[%add3A_469, %dma_wait3A_476, %dma_wait3A_477] : memref<104x8x32xf32, #tpu.memory_space<vmem>> -> memref<1x8x32xf32, #tpu.memory_space<vmem>>
        %dma_wait3A_479 = tpu.memref_squeeze %dma_wait3A_478 : memref<1x8x32xf32, #tpu.memory_space<vmem>> -> memref<8x32xf32, #tpu.memory_space<vmem>>
        %dma_wait3A_480 = arith.constant 0 : i32
        %dma_wait3A_481 = tpu.memref_slice %arg3[%multiple_of3A_465, %dma_wait3A_480] : memref<2600000x32xf32, #tpu.memory_space<hbm>> -> memref<8x32xf32, #tpu.memory_space<hbm>>
        tpu.wait_dma2 semaphore(%arg9 : memref<!tpu.dma_semaphore, #tpu.memory_space<semaphore_mem>>) src(%dma_wait3A_481 : memref<8x32xf32, #tpu.memory_space<hbm>>) dst(%dma_wait3A_479 : memref<8x32xf32, #tpu.memory_space<vmem>>)
        %slice3A_482 = vector.extract_strided_slice %and3A_447 {offsets = [6], sizes = [1], strides = [1]} : vector<16xi32> to vector<1xi32>
        %squeeze3A_483 = vector.extract %slice3A_482[0] : i32 from vector<1xi32>
        %multiple_of3A_484 = tpu.assume_multiple %squeeze3A_483, 8 : i32
        %mul3A_485 = arith.constant 4 : i32
        %mul3A_486 = arith.muli %scan3A_440, %mul3A_485 : i32
        %add3A_487 = arith.constant 2 : i32
        %add3A_488 = arith.addi %mul3A_486, %add3A_487 : i32
        %dma_wait3A_489 = arith.constant 0 : i32
        %dma_wait3A_490 = arith.constant 0 : i32
        %dma_wait3A_491 = tpu.memref_slice %arg6[%add3A_488, %dma_wait3A_489, %dma_wait3A_490] : memref<104x8x32xf32, #tpu.memory_space<vmem>> -> memref<1x8x32xf32, #tpu.memory_space<vmem>>
        %dma_wait3A_492 = tpu.memref_squeeze %dma_wait3A_491 : memref<1x8x32xf32, #tpu.memory_space<vmem>> -> memref<8x32xf32, #tpu.memory_space<vmem>>
        %dma_wait3A_493 = arith.constant 0 : i32
        %dma_wait3A_494 = tpu.memref_slice %arg3[%multiple_of3A_484, %dma_wait3A_493] : memref<2600000x32xf32, #tpu.memory_space<hbm>> -> memref<8x32xf32, #tpu.memory_space<hbm>>
        %dma_wait3A_495 = arith.constant 0 : i32
        %dma_wait3A_496 = arith.constant 0 : i32
        %dma_wait3A_497 = tpu.memref_slice %arg6[%add3A_488, %dma_wait3A_495, %dma_wait3A_496] : memref<104x8x32xf32, #tpu.memory_space<vmem>> -> memref<1x8x32xf32, #tpu.memory_space<vmem>>
        %dma_wait3A_498 = tpu.memref_squeeze %dma_wait3A_497 : memref<1x8x32xf32, #tpu.memory_space<vmem>> -> memref<8x32xf32, #tpu.memory_space<vmem>>
        %dma_wait3A_499 = arith.constant 0 : i32
        %dma_wait3A_500 = tpu.memref_slice %arg3[%multiple_of3A_484, %dma_wait3A_499] : memref<2600000x32xf32, #tpu.memory_space<hbm>> -> memref<8x32xf32, #tpu.memory_space<hbm>>
        tpu.wait_dma2 semaphore(%arg9 : memref<!tpu.dma_semaphore, #tpu.memory_space<semaphore_mem>>) src(%dma_wait3A_500 : memref<8x32xf32, #tpu.memory_space<hbm>>) dst(%dma_wait3A_498 : memref<8x32xf32, #tpu.memory_space<vmem>>)
        %slice3A_501 = vector.extract_strided_slice %and3A_447 {offsets = [7], sizes = [1], strides = [1]} : vector<16xi32> to vector<1xi32>
        %squeeze3A_502 = vector.extract %slice3A_501[0] : i32 from vector<1xi32>
        %multiple_of3A_503 = tpu.assume_multiple %squeeze3A_502, 8 : i32
        %mul3A_504 = arith.constant 4 : i32
        %mul3A_505 = arith.muli %scan3A_440, %mul3A_504 : i32
        %add3A_506 = arith.constant 3 : i32
        %add3A_507 = arith.addi %mul3A_505, %add3A_506 : i32
        %dma_wait3A_508 = arith.constant 0 : i32
        %dma_wait3A_509 = arith.constant 0 : i32
        %dma_wait3A_510 = tpu.memref_slice %arg6[%add3A_507, %dma_wait3A_508, %dma_wait3A_509] : memref<104x8x32xf32, #tpu.memory_space<vmem>> -> memref<1x8x32xf32, #tpu.memory_space<vmem>>
        %dma_wait3A_511 = tpu.memref_squeeze %dma_wait3A_510 : memref<1x8x32xf32, #tpu.memory_space<vmem>> -> memref<8x32xf32, #tpu.memory_space<vmem>>
        %dma_wait3A_512 = arith.constant 0 : i32
        %dma_wait3A_513 = tpu.memref_slice %arg3[%multiple_of3A_503, %dma_wait3A_512] : memref<2600000x32xf32, #tpu.memory_space<hbm>> -> memref<8x32xf32, #tpu.memory_space<hbm>>
        %dma_wait3A_514 = arith.constant 0 : i32
        %dma_wait3A_515 = arith.constant 0 : i32
        %dma_wait3A_516 = tpu.memref_slice %arg6[%add3A_507, %dma_wait3A_514, %dma_wait3A_515] : memref<104x8x32xf32, #tpu.memory_space<vmem>> -> memref<1x8x32xf32, #tpu.memory_space<vmem>>
        %dma_wait3A_517 = tpu.memref_squeeze %dma_wait3A_516 : memref<1x8x32xf32, #tpu.memory_space<vmem>> -> memref<8x32xf32, #tpu.memory_space<vmem>>
        %dma_wait3A_518 = arith.constant 0 : i32
        %dma_wait3A_519 = tpu.memref_slice %arg3[%multiple_of3A_503, %dma_wait3A_518] : memref<2600000x32xf32, #tpu.memory_space<hbm>> -> memref<8x32xf32, #tpu.memory_space<hbm>>
        tpu.wait_dma2 semaphore(%arg9 : memref<!tpu.dma_semaphore, #tpu.memory_space<semaphore_mem>>) src(%dma_wait3A_519 : memref<8x32xf32, #tpu.memory_space<hbm>>) dst(%dma_wait3A_517 : memref<8x32xf32, #tpu.memory_space<vmem>>)
        %scan3A_520 = arith.constant 0 : i32
        scf.yield %scan3A_520 : i32
      }
      %scan3A_134 = arith.constant 26 : i32
      %broadcast_in_dim3A_135 = arith.constant 0.000000e+00 : f32
      %broadcast_in_dim3A_136 = vector.broadcast %broadcast_in_dim3A_135 : f32 to vector<16xf32>
      %scan3A_137 = arith.constant 0 : i32
      %scan3A_138 = arith.constant 26 : i32
      %scan3A_139 = arith.addi %scan3A_137, %scan3A_138 : i32
      %scan3A_140 = arith.constant 1 : i32
      %scan3A_141:4 = scf.for %scan3A_440 = %scan3A_137 to %scan3A_139 step %scan3A_140 iter_args(%scan3A_441 = %broadcast_in_dim3A_136, %scan3A_442 = %broadcast_in_dim3A_136, %scan3A_443 = %broadcast_in_dim3A_136, %scan3A_444 = %broadcast_in_dim3A_136) -> (vector<16xf32>, vector<16xf32>, vector<16xf32>, vector<16xf32>)  : i32 {
        %mul3A_445 = arith.constant 16 : i32
        %mul3A_446 = arith.muli %scan3A_16, %mul3A_445 : i32
        %get3A = arith.index_cast %scan3A_440 : i32 to index
        %get3A_447 = arith.index_cast %mul3A_446 : i32 to index
        %get3A_448 = tpu.vector_load %arg5[%get3A, %get3A_447] {strides = array<i32>} : memref<26x128xi32, #tpu.memory_space<vmem>>, vector<16xi32>,
        %slice3A = vector.extract_strided_slice %get3A_448 {offsets = [4], sizes = [1], strides = [1]} : vector<16xi32> to vector<1xi32>
        %squeeze3A = vector.extract %slice3A[0] : i32 from vector<1xi32>
        %and3A = arith.constant 7 : i32
        %and3A_449 = arith.andi %squeeze3A, %and3A : i32
        %mul3A_450 = arith.constant 4 : i32
        %mul3A_451 = arith.muli %scan3A_440, %mul3A_450 : i32
        %add3A_452 = arith.constant 0 : i32
        %add3A_453 = arith.addi %mul3A_451, %add3A_452 : i32
        %get3A_454 = arith.index_cast %add3A_453 : i32 to index
        %get3A_455 = arith.index_cast %and3A_449 : i32 to index
        %get3A_456 = arith.constant 0 : index
        %get3A_457 = tpu.vector_load %arg6[%get3A_454, %get3A_455, %get3A_456] {strides = array<i32>} : memref<104x8x32xf32, #tpu.memory_space<vmem>>, vector<16xf32>,
        %mul3A_458 = arith.constant 4 : i32
        %mul3A_459 = arith.muli %scan3A_440, %mul3A_458 : i32
        %add3A_460 = arith.constant 0 : i32
        %add3A_461 = arith.addi %mul3A_459, %add3A_460 : i32
        %get3A_462 = arith.index_cast %add3A_461 : i32 to index
        %get3A_463 = arith.index_cast %and3A_449 : i32 to index
        %get3A_464 = arith.constant 16 : index
        %get3A_465 = tpu.vector_load %arg6[%get3A_462, %get3A_463, %get3A_464] {strides = array<i32>} : memref<104x8x32xf32, #tpu.memory_space<vmem>>, vector<16xf32>,
        %add3A_466 = arith.addf %scan3A_441, %get3A_457 : vector<16xf32>
        %add3A_467 = arith.addf %scan3A_442, %get3A_465 : vector<16xf32>
        %mul3A_468 = arith.mulf %get3A_457, %get3A_457 : vector<16xf32>
        %add3A_469 = arith.addf %scan3A_443, %mul3A_468 : vector<16xf32>
        %mul3A_470 = arith.mulf %get3A_465, %get3A_465 : vector<16xf32>
        %add3A_471 = arith.addf %scan3A_444, %mul3A_470 : vector<16xf32>
        scf.yield %add3A_466, %add3A_467, %add3A_469, %add3A_471 : vector<16xf32>, vector<16xf32>, vector<16xf32>, vector<16xf32>
      }
      %scan3A_142 = arith.constant 26 : i32
      %mul3A_143 = arith.mulf %scan3A_141#0, %scan3A_141#0 : vector<16xf32>
      %mul3A_144 = arith.mulf %scan3A_141#1, %scan3A_141#1 : vector<16xf32>
      %add3A_145 = arith.addf %mul3A_143, %mul3A_144 : vector<16xf32>
      %sub3A_146 = arith.subf %add3A_145, %scan3A_141#2 : vector<16xf32>
      %sub3A_147 = arith.subf %sub3A_146, %scan3A_141#3 : vector<16xf32>
      %mul3A_148 = arith.constant 16 : i32
      %mul3A_149 = arith.muli %scan3A_16, %mul3A_148 : i32
      %add3A_150 = arith.constant 4 : i32
      %add3A_151 = arith.addi %mul3A_149, %add3A_150 : i32
      %add3A_152 = arith.constant 0 : i32
      %add3A_153 = arith.addi %add3A_151, %add3A_152 : i32
      %mul3A_154 = arith.constant 16 : i32
      %mul3A_155 = arith.muli %add3A_153, %mul3A_154 : i32
      %swap3A_156 = arith.index_cast %mul3A_155 : i32 to index
      %swap3A_157 = tpu.vector_load %arg7[%swap3A_156] {strides = array<i32>} : memref<2048xf32, #tpu.memory_space<vmem>>, vector<16xf32>,
      tpu.vector_store %arg7[%swap3A_156], %sub3A_147 {strides = array<i32>} : memref<2048xf32, #tpu.memory_space<vmem>>, vector<16xf32>,
      %broadcast_in_dim3A_158 = arith.constant 0.000000e+00 : f32
      %broadcast_in_dim3A_159 = vector.broadcast %broadcast_in_dim3A_158 : f32 to vector<16xf32>
      %scan3A_160 = arith.constant 0 : i32
      %scan3A_161 = arith.constant 26 : i32
      %scan3A_162 = arith.addi %scan3A_160, %scan3A_161 : i32
      %scan3A_163 = arith.constant 1 : i32
      %scan3A_164:4 = scf.for %scan3A_440 = %scan3A_160 to %scan3A_162 step %scan3A_163 iter_args(%scan3A_441 = %broadcast_in_dim3A_159, %scan3A_442 = %broadcast_in_dim3A_159, %scan3A_443 = %broadcast_in_dim3A_159, %scan3A_444 = %broadcast_in_dim3A_159) -> (vector<16xf32>, vector<16xf32>, vector<16xf32>, vector<16xf32>)  : i32 {
        %mul3A_445 = arith.constant 16 : i32
        %mul3A_446 = arith.muli %scan3A_16, %mul3A_445 : i32
        %get3A = arith.index_cast %scan3A_440 : i32 to index
        %get3A_447 = arith.index_cast %mul3A_446 : i32 to index
        %get3A_448 = tpu.vector_load %arg5[%get3A, %get3A_447] {strides = array<i32>} : memref<26x128xi32, #tpu.memory_space<vmem>>, vector<16xi32>,
        %slice3A = vector.extract_strided_slice %get3A_448 {offsets = [5], sizes = [1], strides = [1]} : vector<16xi32> to vector<1xi32>
        %squeeze3A = vector.extract %slice3A[0] : i32 from vector<1xi32>
        %and3A = arith.constant 7 : i32
        %and3A_449 = arith.andi %squeeze3A, %and3A : i32
        %mul3A_450 = arith.constant 4 : i32
        %mul3A_451 = arith.muli %scan3A_440, %mul3A_450 : i32
        %add3A_452 = arith.constant 1 : i32
        %add3A_453 = arith.addi %mul3A_451, %add3A_452 : i32
        %get3A_454 = arith.index_cast %add3A_453 : i32 to index
        %get3A_455 = arith.index_cast %and3A_449 : i32 to index
        %get3A_456 = arith.constant 0 : index
        %get3A_457 = tpu.vector_load %arg6[%get3A_454, %get3A_455, %get3A_456] {strides = array<i32>} : memref<104x8x32xf32, #tpu.memory_space<vmem>>, vector<16xf32>,
        %mul3A_458 = arith.constant 4 : i32
        %mul3A_459 = arith.muli %scan3A_440, %mul3A_458 : i32
        %add3A_460 = arith.constant 1 : i32
        %add3A_461 = arith.addi %mul3A_459, %add3A_460 : i32
        %get3A_462 = arith.index_cast %add3A_461 : i32 to index
        %get3A_463 = arith.index_cast %and3A_449 : i32 to index
        %get3A_464 = arith.constant 16 : index
        %get3A_465 = tpu.vector_load %arg6[%get3A_462, %get3A_463, %get3A_464] {strides = array<i32>} : memref<104x8x32xf32, #tpu.memory_space<vmem>>, vector<16xf32>,
        %add3A_466 = arith.addf %scan3A_441, %get3A_457 : vector<16xf32>
        %add3A_467 = arith.addf %scan3A_442, %get3A_465 : vector<16xf32>
        %mul3A_468 = arith.mulf %get3A_457, %get3A_457 : vector<16xf32>
        %add3A_469 = arith.addf %scan3A_443, %mul3A_468 : vector<16xf32>
        %mul3A_470 = arith.mulf %get3A_465, %get3A_465 : vector<16xf32>
        %add3A_471 = arith.addf %scan3A_444, %mul3A_470 : vector<16xf32>
        scf.yield %add3A_466, %add3A_467, %add3A_469, %add3A_471 : vector<16xf32>, vector<16xf32>, vector<16xf32>, vector<16xf32>
      }
      %scan3A_165 = arith.constant 26 : i32
      %mul3A_166 = arith.mulf %scan3A_164#0, %scan3A_164#0 : vector<16xf32>
      %mul3A_167 = arith.mulf %scan3A_164#1, %scan3A_164#1 : vector<16xf32>
      %add3A_168 = arith.addf %mul3A_166, %mul3A_167 : vector<16xf32>
      %sub3A_169 = arith.subf %add3A_168, %scan3A_164#2 : vector<16xf32>
      %sub3A_170 = arith.subf %sub3A_169, %scan3A_164#3 : vector<16xf32>
      %mul3A_171 = arith.constant 16 : i32
      %mul3A_172 = arith.muli %scan3A_16, %mul3A_171 : i32
      %add3A_173 = arith.constant 4 : i32
      %add3A_174 = arith.addi %mul3A_172, %add3A_173 : i32
      %add3A_175 = arith.constant 1 : i32
      %add3A_176 = arith.addi %add3A_174, %add3A_175 : i32
      %mul3A_177 = arith.constant 16 : i32
      %mul3A_178 = arith.muli %add3A_176, %mul3A_177 : i32
      %swap3A_179 = arith.index_cast %mul3A_178 : i32 to index
      %swap3A_180 = tpu.vector_load %arg7[%swap3A_179] {strides = array<i32>} : memref<2048xf32, #tpu.memory_space<vmem>>, vector<16xf32>,
      tpu.vector_store %arg7[%swap3A_179], %sub3A_170 {strides = array<i32>} : memref<2048xf32, #tpu.memory_space<vmem>>, vector<16xf32>,
      %broadcast_in_dim3A_181 = arith.constant 0.000000e+00 : f32
      %broadcast_in_dim3A_182 = vector.broadcast %broadcast_in_dim3A_181 : f32 to vector<16xf32>
      %scan3A_183 = arith.constant 0 : i32
      %scan3A_184 = arith.constant 26 : i32
      %scan3A_185 = arith.addi %scan3A_183, %scan3A_184 : i32
      %scan3A_186 = arith.constant 1 : i32
      %scan3A_187:4 = scf.for %scan3A_440 = %scan3A_183 to %scan3A_185 step %scan3A_186 iter_args(%scan3A_441 = %broadcast_in_dim3A_182, %scan3A_442 = %broadcast_in_dim3A_182, %scan3A_443 = %broadcast_in_dim3A_182, %scan3A_444 = %broadcast_in_dim3A_182) -> (vector<16xf32>, vector<16xf32>, vector<16xf32>, vector<16xf32>)  : i32 {
        %mul3A_445 = arith.constant 16 : i32
        %mul3A_446 = arith.muli %scan3A_16, %mul3A_445 : i32
        %get3A = arith.index_cast %scan3A_440 : i32 to index
        %get3A_447 = arith.index_cast %mul3A_446 : i32 to index
        %get3A_448 = tpu.vector_load %arg5[%get3A, %get3A_447] {strides = array<i32>} : memref<26x128xi32, #tpu.memory_space<vmem>>, vector<16xi32>,
        %slice3A = vector.extract_strided_slice %get3A_448 {offsets = [6], sizes = [1], strides = [1]} : vector<16xi32> to vector<1xi32>
        %squeeze3A = vector.extract %slice3A[0] : i32 from vector<1xi32>
        %and3A = arith.constant 7 : i32
        %and3A_449 = arith.andi %squeeze3A, %and3A : i32
        %mul3A_450 = arith.constant 4 : i32
        %mul3A_451 = arith.muli %scan3A_440, %mul3A_450 : i32
        %add3A_452 = arith.constant 2 : i32
        %add3A_453 = arith.addi %mul3A_451, %add3A_452 : i32
        %get3A_454 = arith.index_cast %add3A_453 : i32 to index
        %get3A_455 = arith.index_cast %and3A_449 : i32 to index
        %get3A_456 = arith.constant 0 : index
        %get3A_457 = tpu.vector_load %arg6[%get3A_454, %get3A_455, %get3A_456] {strides = array<i32>} : memref<104x8x32xf32, #tpu.memory_space<vmem>>, vector<16xf32>,
        %mul3A_458 = arith.constant 4 : i32
        %mul3A_459 = arith.muli %scan3A_440, %mul3A_458 : i32
        %add3A_460 = arith.constant 2 : i32
        %add3A_461 = arith.addi %mul3A_459, %add3A_460 : i32
        %get3A_462 = arith.index_cast %add3A_461 : i32 to index
        %get3A_463 = arith.index_cast %and3A_449 : i32 to index
        %get3A_464 = arith.constant 16 : index
        %get3A_465 = tpu.vector_load %arg6[%get3A_462, %get3A_463, %get3A_464] {strides = array<i32>} : memref<104x8x32xf32, #tpu.memory_space<vmem>>, vector<16xf32>,
        %add3A_466 = arith.addf %scan3A_441, %get3A_457 : vector<16xf32>
        %add3A_467 = arith.addf %scan3A_442, %get3A_465 : vector<16xf32>
        %mul3A_468 = arith.mulf %get3A_457, %get3A_457 : vector<16xf32>
        %add3A_469 = arith.addf %scan3A_443, %mul3A_468 : vector<16xf32>
        %mul3A_470 = arith.mulf %get3A_465, %get3A_465 : vector<16xf32>
        %add3A_471 = arith.addf %scan3A_444, %mul3A_470 : vector<16xf32>
        scf.yield %add3A_466, %add3A_467, %add3A_469, %add3A_471 : vector<16xf32>, vector<16xf32>, vector<16xf32>, vector<16xf32>
      }
      %scan3A_188 = arith.constant 26 : i32
      %mul3A_189 = arith.mulf %scan3A_187#0, %scan3A_187#0 : vector<16xf32>
      %mul3A_190 = arith.mulf %scan3A_187#1, %scan3A_187#1 : vector<16xf32>
      %add3A_191 = arith.addf %mul3A_189, %mul3A_190 : vector<16xf32>
      %sub3A_192 = arith.subf %add3A_191, %scan3A_187#2 : vector<16xf32>
      %sub3A_193 = arith.subf %sub3A_192, %scan3A_187#3 : vector<16xf32>
      %mul3A_194 = arith.constant 16 : i32
      %mul3A_195 = arith.muli %scan3A_16, %mul3A_194 : i32
      %add3A_196 = arith.constant 4 : i32
      %add3A_197 = arith.addi %mul3A_195, %add3A_196 : i32
      %add3A_198 = arith.constant 2 : i32
      %add3A_199 = arith.addi %add3A_197, %add3A_198 : i32
      %mul3A_200 = arith.constant 16 : i32
      %mul3A_201 = arith.muli %add3A_199, %mul3A_200 : i32
      %swap3A_202 = arith.index_cast %mul3A_201 : i32 to index
      %swap3A_203 = tpu.vector_load %arg7[%swap3A_202] {strides = array<i32>} : memref<2048xf32, #tpu.memory_space<vmem>>, vector<16xf32>,
      tpu.vector_store %arg7[%swap3A_202], %sub3A_193 {strides = array<i32>} : memref<2048xf32, #tpu.memory_space<vmem>>, vector<16xf32>,
      %broadcast_in_dim3A_204 = arith.constant 0.000000e+00 : f32
      %broadcast_in_dim3A_205 = vector.broadcast %broadcast_in_dim3A_204 : f32 to vector<16xf32>
      %scan3A_206 = arith.constant 0 : i32
      %scan3A_207 = arith.constant 26 : i32
      %scan3A_208 = arith.addi %scan3A_206, %scan3A_207 : i32
      %scan3A_209 = arith.constant 1 : i32
      %scan3A_210:4 = scf.for %scan3A_440 = %scan3A_206 to %scan3A_208 step %scan3A_209 iter_args(%scan3A_441 = %broadcast_in_dim3A_205, %scan3A_442 = %broadcast_in_dim3A_205, %scan3A_443 = %broadcast_in_dim3A_205, %scan3A_444 = %broadcast_in_dim3A_205) -> (vector<16xf32>, vector<16xf32>, vector<16xf32>, vector<16xf32>)  : i32 {
        %mul3A_445 = arith.constant 16 : i32
        %mul3A_446 = arith.muli %scan3A_16, %mul3A_445 : i32
        %get3A = arith.index_cast %scan3A_440 : i32 to index
        %get3A_447 = arith.index_cast %mul3A_446 : i32 to index
        %get3A_448 = tpu.vector_load %arg5[%get3A, %get3A_447] {strides = array<i32>} : memref<26x128xi32, #tpu.memory_space<vmem>>, vector<16xi32>,
        %slice3A = vector.extract_strided_slice %get3A_448 {offsets = [7], sizes = [1], strides = [1]} : vector<16xi32> to vector<1xi32>
        %squeeze3A = vector.extract %slice3A[0] : i32 from vector<1xi32>
        %and3A = arith.constant 7 : i32
        %and3A_449 = arith.andi %squeeze3A, %and3A : i32
        %mul3A_450 = arith.constant 4 : i32
        %mul3A_451 = arith.muli %scan3A_440, %mul3A_450 : i32
        %add3A_452 = arith.constant 3 : i32
        %add3A_453 = arith.addi %mul3A_451, %add3A_452 : i32
        %get3A_454 = arith.index_cast %add3A_453 : i32 to index
        %get3A_455 = arith.index_cast %and3A_449 : i32 to index
        %get3A_456 = arith.constant 0 : index
        %get3A_457 = tpu.vector_load %arg6[%get3A_454, %get3A_455, %get3A_456] {strides = array<i32>} : memref<104x8x32xf32, #tpu.memory_space<vmem>>, vector<16xf32>,
        %mul3A_458 = arith.constant 4 : i32
        %mul3A_459 = arith.muli %scan3A_440, %mul3A_458 : i32
        %add3A_460 = arith.constant 3 : i32
        %add3A_461 = arith.addi %mul3A_459, %add3A_460 : i32
        %get3A_462 = arith.index_cast %add3A_461 : i32 to index
        %get3A_463 = arith.index_cast %and3A_449 : i32 to index
        %get3A_464 = arith.constant 16 : index
        %get3A_465 = tpu.vector_load %arg6[%get3A_462, %get3A_463, %get3A_464] {strides = array<i32>} : memref<104x8x32xf32, #tpu.memory_space<vmem>>, vector<16xf32>,
        %add3A_466 = arith.addf %scan3A_441, %get3A_457 : vector<16xf32>
        %add3A_467 = arith.addf %scan3A_442, %get3A_465 : vector<16xf32>
        %mul3A_468 = arith.mulf %get3A_457, %get3A_457 : vector<16xf32>
        %add3A_469 = arith.addf %scan3A_443, %mul3A_468 : vector<16xf32>
        %mul3A_470 = arith.mulf %get3A_465, %get3A_465 : vector<16xf32>
        %add3A_471 = arith.addf %scan3A_444, %mul3A_470 : vector<16xf32>
        scf.yield %add3A_466, %add3A_467, %add3A_469, %add3A_471 : vector<16xf32>, vector<16xf32>, vector<16xf32>, vector<16xf32>
      }
      %scan3A_211 = arith.constant 26 : i32
      %mul3A_212 = arith.mulf %scan3A_210#0, %scan3A_210#0 : vector<16xf32>
      %mul3A_213 = arith.mulf %scan3A_210#1, %scan3A_210#1 : vector<16xf32>
      %add3A_214 = arith.addf %mul3A_212, %mul3A_213 : vector<16xf32>
      %sub3A_215 = arith.subf %add3A_214, %scan3A_210#2 : vector<16xf32>
      %sub3A_216 = arith.subf %sub3A_215, %scan3A_210#3 : vector<16xf32>
      %mul3A_217 = arith.constant 16 : i32
      %mul3A_218 = arith.muli %scan3A_16, %mul3A_217 : i32
      %add3A_219 = arith.constant 4 : i32
      %add3A_220 = arith.addi %mul3A_218, %add3A_219 : i32
      %add3A_221 = arith.constant 3 : i32
      %add3A_222 = arith.addi %add3A_220, %add3A_221 : i32
      %mul3A_223 = arith.constant 16 : i32
      %mul3A_224 = arith.muli %add3A_222, %mul3A_223 : i32
      %swap3A_225 = arith.index_cast %mul3A_224 : i32 to index
      %swap3A_226 = tpu.vector_load %arg7[%swap3A_225] {strides = array<i32>} : memref<2048xf32, #tpu.memory_space<vmem>>, vector<16xf32>,
      tpu.vector_store %arg7[%swap3A_225], %sub3A_216 {strides = array<i32>} : memref<2048xf32, #tpu.memory_space<vmem>>, vector<16xf32>,
      %scan3A_227 = arith.constant 0 : i32
      %scan3A_228 = arith.constant 0 : i32
      %scan3A_229 = arith.constant 26 : i32
      %scan3A_230 = arith.addi %scan3A_228, %scan3A_229 : i32
      %scan3A_231 = arith.constant 1 : i32
      %scan3A_232 = scf.for %scan3A_440 = %scan3A_228 to %scan3A_230 step %scan3A_231 iter_args(%scan3A_441 = %scan3A_227) -> (i32)  : i32 {
        %mul3A_442 = arith.constant 16 : i32
        %mul3A_443 = arith.muli %scan3A_16, %mul3A_442 : i32
        %get3A = arith.index_cast %scan3A_440 : i32 to index
        %get3A_444 = arith.index_cast %mul3A_443 : i32 to index
        %get3A_445 = tpu.vector_load %arg5[%get3A, %get3A_444] {strides = array<i32>} : memref<26x128xi32, #tpu.memory_space<vmem>>, vector<16xi32>,
        %and3A = arith.constant -8 : i32
        %and3A_446 = vector.broadcast %and3A : i32 to vector<16xi32>
        %and3A_447 = arith.andi %get3A_445, %and3A_446 : vector<16xi32>
        %slice3A = vector.extract_strided_slice %and3A_447 {offsets = [8], sizes = [1], strides = [1]} : vector<16xi32> to vector<1xi32>
        %squeeze3A = vector.extract %slice3A[0] : i32 from vector<1xi32>
        %multiple_of3A = tpu.assume_multiple %squeeze3A, 8 : i32
        %mul3A_448 = arith.constant 4 : i32
        %mul3A_449 = arith.muli %scan3A_440, %mul3A_448 : i32
        %add3A_450 = arith.constant 0 : i32
        %add3A_451 = arith.addi %mul3A_449, %add3A_450 : i32
        %dma_start3A = arith.constant 0 : i32
        %dma_start3A_452 = arith.constant 0 : i32
        %dma_start3A_453 = tpu.memref_slice %arg6[%add3A_451, %dma_start3A, %dma_start3A_452] : memref<104x8x32xf32, #tpu.memory_space<vmem>> -> memref<1x8x32xf32, #tpu.memory_space<vmem>>
        %dma_start3A_454 = tpu.memref_squeeze %dma_start3A_453 : memref<1x8x32xf32, #tpu.memory_space<vmem>> -> memref<8x32xf32, #tpu.memory_space<vmem>>
        %dma_start3A_455 = arith.constant 0 : i32
        %dma_start3A_456 = tpu.memref_slice %arg3[%multiple_of3A, %dma_start3A_455] : memref<2600000x32xf32, #tpu.memory_space<hbm>> -> memref<8x32xf32, #tpu.memory_space<hbm>>
        %dma_start3A_457 = arith.constant 0 : i32
        %dma_start3A_458 = arith.constant 0 : i32
        %dma_start3A_459 = tpu.memref_slice %arg6[%add3A_451, %dma_start3A_457, %dma_start3A_458] : memref<104x8x32xf32, #tpu.memory_space<vmem>> -> memref<1x8x32xf32, #tpu.memory_space<vmem>>
        %dma_start3A_460 = tpu.memref_squeeze %dma_start3A_459 : memref<1x8x32xf32, #tpu.memory_space<vmem>> -> memref<8x32xf32, #tpu.memory_space<vmem>>
        %dma_start3A_461 = arith.constant 0 : i32
        %dma_start3A_462 = tpu.memref_slice %arg3[%multiple_of3A, %dma_start3A_461] : memref<2600000x32xf32, #tpu.memory_space<hbm>> -> memref<8x32xf32, #tpu.memory_space<hbm>>
        tpu.enqueue_dma source(%dma_start3A_462 : memref<8x32xf32, #tpu.memory_space<hbm>>) target(%dma_start3A_460 : memref<8x32xf32, #tpu.memory_space<vmem>>) target_semaphore(%arg9 : memref<!tpu.dma_semaphore, #tpu.memory_space<semaphore_mem>>)
        %slice3A_463 = vector.extract_strided_slice %and3A_447 {offsets = [9], sizes = [1], strides = [1]} : vector<16xi32> to vector<1xi32>
        %squeeze3A_464 = vector.extract %slice3A_463[0] : i32 from vector<1xi32>
        %multiple_of3A_465 = tpu.assume_multiple %squeeze3A_464, 8 : i32
        %mul3A_466 = arith.constant 4 : i32
        %mul3A_467 = arith.muli %scan3A_440, %mul3A_466 : i32
        %add3A_468 = arith.constant 1 : i32
        %add3A_469 = arith.addi %mul3A_467, %add3A_468 : i32
        %dma_start3A_470 = arith.constant 0 : i32
        %dma_start3A_471 = arith.constant 0 : i32
        %dma_start3A_472 = tpu.memref_slice %arg6[%add3A_469, %dma_start3A_470, %dma_start3A_471] : memref<104x8x32xf32, #tpu.memory_space<vmem>> -> memref<1x8x32xf32, #tpu.memory_space<vmem>>
        %dma_start3A_473 = tpu.memref_squeeze %dma_start3A_472 : memref<1x8x32xf32, #tpu.memory_space<vmem>> -> memref<8x32xf32, #tpu.memory_space<vmem>>
        %dma_start3A_474 = arith.constant 0 : i32
        %dma_start3A_475 = tpu.memref_slice %arg3[%multiple_of3A_465, %dma_start3A_474] : memref<2600000x32xf32, #tpu.memory_space<hbm>> -> memref<8x32xf32, #tpu.memory_space<hbm>>
        %dma_start3A_476 = arith.constant 0 : i32
        %dma_start3A_477 = arith.constant 0 : i32
        %dma_start3A_478 = tpu.memref_slice %arg6[%add3A_469, %dma_start3A_476, %dma_start3A_477] : memref<104x8x32xf32, #tpu.memory_space<vmem>> -> memref<1x8x32xf32, #tpu.memory_space<vmem>>
        %dma_start3A_479 = tpu.memref_squeeze %dma_start3A_478 : memref<1x8x32xf32, #tpu.memory_space<vmem>> -> memref<8x32xf32, #tpu.memory_space<vmem>>
        %dma_start3A_480 = arith.constant 0 : i32
        %dma_start3A_481 = tpu.memref_slice %arg3[%multiple_of3A_465, %dma_start3A_480] : memref<2600000x32xf32, #tpu.memory_space<hbm>> -> memref<8x32xf32, #tpu.memory_space<hbm>>
        tpu.enqueue_dma source(%dma_start3A_481 : memref<8x32xf32, #tpu.memory_space<hbm>>) target(%dma_start3A_479 : memref<8x32xf32, #tpu.memory_space<vmem>>) target_semaphore(%arg9 : memref<!tpu.dma_semaphore, #tpu.memory_space<semaphore_mem>>)
        %slice3A_482 = vector.extract_strided_slice %and3A_447 {offsets = [10], sizes = [1], strides = [1]} : vector<16xi32> to vector<1xi32>
        %squeeze3A_483 = vector.extract %slice3A_482[0] : i32 from vector<1xi32>
        %multiple_of3A_484 = tpu.assume_multiple %squeeze3A_483, 8 : i32
        %mul3A_485 = arith.constant 4 : i32
        %mul3A_486 = arith.muli %scan3A_440, %mul3A_485 : i32
        %add3A_487 = arith.constant 2 : i32
        %add3A_488 = arith.addi %mul3A_486, %add3A_487 : i32
        %dma_start3A_489 = arith.constant 0 : i32
        %dma_start3A_490 = arith.constant 0 : i32
        %dma_start3A_491 = tpu.memref_slice %arg6[%add3A_488, %dma_start3A_489, %dma_start3A_490] : memref<104x8x32xf32, #tpu.memory_space<vmem>> -> memref<1x8x32xf32, #tpu.memory_space<vmem>>
        %dma_start3A_492 = tpu.memref_squeeze %dma_start3A_491 : memref<1x8x32xf32, #tpu.memory_space<vmem>> -> memref<8x32xf32, #tpu.memory_space<vmem>>
        %dma_start3A_493 = arith.constant 0 : i32
        %dma_start3A_494 = tpu.memref_slice %arg3[%multiple_of3A_484, %dma_start3A_493] : memref<2600000x32xf32, #tpu.memory_space<hbm>> -> memref<8x32xf32, #tpu.memory_space<hbm>>
        %dma_start3A_495 = arith.constant 0 : i32
        %dma_start3A_496 = arith.constant 0 : i32
        %dma_start3A_497 = tpu.memref_slice %arg6[%add3A_488, %dma_start3A_495, %dma_start3A_496] : memref<104x8x32xf32, #tpu.memory_space<vmem>> -> memref<1x8x32xf32, #tpu.memory_space<vmem>>
        %dma_start3A_498 = tpu.memref_squeeze %dma_start3A_497 : memref<1x8x32xf32, #tpu.memory_space<vmem>> -> memref<8x32xf32, #tpu.memory_space<vmem>>
        %dma_start3A_499 = arith.constant 0 : i32
        %dma_start3A_500 = tpu.memref_slice %arg3[%multiple_of3A_484, %dma_start3A_499] : memref<2600000x32xf32, #tpu.memory_space<hbm>> -> memref<8x32xf32, #tpu.memory_space<hbm>>
        tpu.enqueue_dma source(%dma_start3A_500 : memref<8x32xf32, #tpu.memory_space<hbm>>) target(%dma_start3A_498 : memref<8x32xf32, #tpu.memory_space<vmem>>) target_semaphore(%arg9 : memref<!tpu.dma_semaphore, #tpu.memory_space<semaphore_mem>>)
        %slice3A_501 = vector.extract_strided_slice %and3A_447 {offsets = [11], sizes = [1], strides = [1]} : vector<16xi32> to vector<1xi32>
        %squeeze3A_502 = vector.extract %slice3A_501[0] : i32 from vector<1xi32>
        %multiple_of3A_503 = tpu.assume_multiple %squeeze3A_502, 8 : i32
        %mul3A_504 = arith.constant 4 : i32
        %mul3A_505 = arith.muli %scan3A_440, %mul3A_504 : i32
        %add3A_506 = arith.constant 3 : i32
        %add3A_507 = arith.addi %mul3A_505, %add3A_506 : i32
        %dma_start3A_508 = arith.constant 0 : i32
        %dma_start3A_509 = arith.constant 0 : i32
        %dma_start3A_510 = tpu.memref_slice %arg6[%add3A_507, %dma_start3A_508, %dma_start3A_509] : memref<104x8x32xf32, #tpu.memory_space<vmem>> -> memref<1x8x32xf32, #tpu.memory_space<vmem>>
        %dma_start3A_511 = tpu.memref_squeeze %dma_start3A_510 : memref<1x8x32xf32, #tpu.memory_space<vmem>> -> memref<8x32xf32, #tpu.memory_space<vmem>>
        %dma_start3A_512 = arith.constant 0 : i32
        %dma_start3A_513 = tpu.memref_slice %arg3[%multiple_of3A_503, %dma_start3A_512] : memref<2600000x32xf32, #tpu.memory_space<hbm>> -> memref<8x32xf32, #tpu.memory_space<hbm>>
        %dma_start3A_514 = arith.constant 0 : i32
        %dma_start3A_515 = arith.constant 0 : i32
        %dma_start3A_516 = tpu.memref_slice %arg6[%add3A_507, %dma_start3A_514, %dma_start3A_515] : memref<104x8x32xf32, #tpu.memory_space<vmem>> -> memref<1x8x32xf32, #tpu.memory_space<vmem>>
        %dma_start3A_517 = tpu.memref_squeeze %dma_start3A_516 : memref<1x8x32xf32, #tpu.memory_space<vmem>> -> memref<8x32xf32, #tpu.memory_space<vmem>>
        %dma_start3A_518 = arith.constant 0 : i32
        %dma_start3A_519 = tpu.memref_slice %arg3[%multiple_of3A_503, %dma_start3A_518] : memref<2600000x32xf32, #tpu.memory_space<hbm>> -> memref<8x32xf32, #tpu.memory_space<hbm>>
        tpu.enqueue_dma source(%dma_start3A_519 : memref<8x32xf32, #tpu.memory_space<hbm>>) target(%dma_start3A_517 : memref<8x32xf32, #tpu.memory_space<vmem>>) target_semaphore(%arg9 : memref<!tpu.dma_semaphore, #tpu.memory_space<semaphore_mem>>)
        %scan3A_520 = arith.constant 0 : i32
        scf.yield %scan3A_520 : i32
      }
      %scan3A_233 = arith.constant 26 : i32
      %scan3A_234 = arith.constant 0 : i32
      %scan3A_235 = arith.constant 0 : i32
      %scan3A_236 = arith.constant 26 : i32
      %scan3A_237 = arith.addi %scan3A_235, %scan3A_236 : i32
      %scan3A_238 = arith.constant 1 : i32
      %scan3A_239 = scf.for %scan3A_440 = %scan3A_235 to %scan3A_237 step %scan3A_238 iter_args(%scan3A_441 = %scan3A_234) -> (i32)  : i32 {
        %mul3A_442 = arith.constant 16 : i32
        %mul3A_443 = arith.muli %scan3A_16, %mul3A_442 : i32
        %get3A = arith.index_cast %scan3A_440 : i32 to index
        %get3A_444 = arith.index_cast %mul3A_443 : i32 to index
        %get3A_445 = tpu.vector_load %arg5[%get3A, %get3A_444] {strides = array<i32>} : memref<26x128xi32, #tpu.memory_space<vmem>>, vector<16xi32>,
        %and3A = arith.constant -8 : i32
        %and3A_446 = vector.broadcast %and3A : i32 to vector<16xi32>
        %and3A_447 = arith.andi %get3A_445, %and3A_446 : vector<16xi32>
        %slice3A = vector.extract_strided_slice %and3A_447 {offsets = [8], sizes = [1], strides = [1]} : vector<16xi32> to vector<1xi32>
        %squeeze3A = vector.extract %slice3A[0] : i32 from vector<1xi32>
        %multiple_of3A = tpu.assume_multiple %squeeze3A, 8 : i32
        %mul3A_448 = arith.constant 4 : i32
        %mul3A_449 = arith.muli %scan3A_440, %mul3A_448 : i32
        %add3A_450 = arith.constant 0 : i32
        %add3A_451 = arith.addi %mul3A_449, %add3A_450 : i32
        %dma_wait3A = arith.constant 0 : i32
        %dma_wait3A_452 = arith.constant 0 : i32
        %dma_wait3A_453 = tpu.memref_slice %arg6[%add3A_451, %dma_wait3A, %dma_wait3A_452] : memref<104x8x32xf32, #tpu.memory_space<vmem>> -> memref<1x8x32xf32, #tpu.memory_space<vmem>>
        %dma_wait3A_454 = tpu.memref_squeeze %dma_wait3A_453 : memref<1x8x32xf32, #tpu.memory_space<vmem>> -> memref<8x32xf32, #tpu.memory_space<vmem>>
        %dma_wait3A_455 = arith.constant 0 : i32
        %dma_wait3A_456 = tpu.memref_slice %arg3[%multiple_of3A, %dma_wait3A_455] : memref<2600000x32xf32, #tpu.memory_space<hbm>> -> memref<8x32xf32, #tpu.memory_space<hbm>>
        %dma_wait3A_457 = arith.constant 0 : i32
        %dma_wait3A_458 = arith.constant 0 : i32
        %dma_wait3A_459 = tpu.memref_slice %arg6[%add3A_451, %dma_wait3A_457, %dma_wait3A_458] : memref<104x8x32xf32, #tpu.memory_space<vmem>> -> memref<1x8x32xf32, #tpu.memory_space<vmem>>
        %dma_wait3A_460 = tpu.memref_squeeze %dma_wait3A_459 : memref<1x8x32xf32, #tpu.memory_space<vmem>> -> memref<8x32xf32, #tpu.memory_space<vmem>>
        %dma_wait3A_461 = arith.constant 0 : i32
        %dma_wait3A_462 = tpu.memref_slice %arg3[%multiple_of3A, %dma_wait3A_461] : memref<2600000x32xf32, #tpu.memory_space<hbm>> -> memref<8x32xf32, #tpu.memory_space<hbm>>
        tpu.wait_dma2 semaphore(%arg9 : memref<!tpu.dma_semaphore, #tpu.memory_space<semaphore_mem>>) src(%dma_wait3A_462 : memref<8x32xf32, #tpu.memory_space<hbm>>) dst(%dma_wait3A_460 : memref<8x32xf32, #tpu.memory_space<vmem>>)
        %slice3A_463 = vector.extract_strided_slice %and3A_447 {offsets = [9], sizes = [1], strides = [1]} : vector<16xi32> to vector<1xi32>
        %squeeze3A_464 = vector.extract %slice3A_463[0] : i32 from vector<1xi32>
        %multiple_of3A_465 = tpu.assume_multiple %squeeze3A_464, 8 : i32
        %mul3A_466 = arith.constant 4 : i32
        %mul3A_467 = arith.muli %scan3A_440, %mul3A_466 : i32
        %add3A_468 = arith.constant 1 : i32
        %add3A_469 = arith.addi %mul3A_467, %add3A_468 : i32
        %dma_wait3A_470 = arith.constant 0 : i32
        %dma_wait3A_471 = arith.constant 0 : i32
        %dma_wait3A_472 = tpu.memref_slice %arg6[%add3A_469, %dma_wait3A_470, %dma_wait3A_471] : memref<104x8x32xf32, #tpu.memory_space<vmem>> -> memref<1x8x32xf32, #tpu.memory_space<vmem>>
        %dma_wait3A_473 = tpu.memref_squeeze %dma_wait3A_472 : memref<1x8x32xf32, #tpu.memory_space<vmem>> -> memref<8x32xf32, #tpu.memory_space<vmem>>
        %dma_wait3A_474 = arith.constant 0 : i32
        %dma_wait3A_475 = tpu.memref_slice %arg3[%multiple_of3A_465, %dma_wait3A_474] : memref<2600000x32xf32, #tpu.memory_space<hbm>> -> memref<8x32xf32, #tpu.memory_space<hbm>>
        %dma_wait3A_476 = arith.constant 0 : i32
        %dma_wait3A_477 = arith.constant 0 : i32
        %dma_wait3A_478 = tpu.memref_slice %arg6[%add3A_469, %dma_wait3A_476, %dma_wait3A_477] : memref<104x8x32xf32, #tpu.memory_space<vmem>> -> memref<1x8x32xf32, #tpu.memory_space<vmem>>
        %dma_wait3A_479 = tpu.memref_squeeze %dma_wait3A_478 : memref<1x8x32xf32, #tpu.memory_space<vmem>> -> memref<8x32xf32, #tpu.memory_space<vmem>>
        %dma_wait3A_480 = arith.constant 0 : i32
        %dma_wait3A_481 = tpu.memref_slice %arg3[%multiple_of3A_465, %dma_wait3A_480] : memref<2600000x32xf32, #tpu.memory_space<hbm>> -> memref<8x32xf32, #tpu.memory_space<hbm>>
        tpu.wait_dma2 semaphore(%arg9 : memref<!tpu.dma_semaphore, #tpu.memory_space<semaphore_mem>>) src(%dma_wait3A_481 : memref<8x32xf32, #tpu.memory_space<hbm>>) dst(%dma_wait3A_479 : memref<8x32xf32, #tpu.memory_space<vmem>>)
        %slice3A_482 = vector.extract_strided_slice %and3A_447 {offsets = [10], sizes = [1], strides = [1]} : vector<16xi32> to vector<1xi32>
        %squeeze3A_483 = vector.extract %slice3A_482[0] : i32 from vector<1xi32>
        %multiple_of3A_484 = tpu.assume_multiple %squeeze3A_483, 8 : i32
        %mul3A_485 = arith.constant 4 : i32
        %mul3A_486 = arith.muli %scan3A_440, %mul3A_485 : i32
        %add3A_487 = arith.constant 2 : i32
        %add3A_488 = arith.addi %mul3A_486, %add3A_487 : i32
        %dma_wait3A_489 = arith.constant 0 : i32
        %dma_wait3A_490 = arith.constant 0 : i32
        %dma_wait3A_491 = tpu.memref_slice %arg6[%add3A_488, %dma_wait3A_489, %dma_wait3A_490] : memref<104x8x32xf32, #tpu.memory_space<vmem>> -> memref<1x8x32xf32, #tpu.memory_space<vmem>>
        %dma_wait3A_492 = tpu.memref_squeeze %dma_wait3A_491 : memref<1x8x32xf32, #tpu.memory_space<vmem>> -> memref<8x32xf32, #tpu.memory_space<vmem>>
        %dma_wait3A_493 = arith.constant 0 : i32
        %dma_wait3A_494 = tpu.memref_slice %arg3[%multiple_of3A_484, %dma_wait3A_493] : memref<2600000x32xf32, #tpu.memory_space<hbm>> -> memref<8x32xf32, #tpu.memory_space<hbm>>
        %dma_wait3A_495 = arith.constant 0 : i32
        %dma_wait3A_496 = arith.constant 0 : i32
        %dma_wait3A_497 = tpu.memref_slice %arg6[%add3A_488, %dma_wait3A_495, %dma_wait3A_496] : memref<104x8x32xf32, #tpu.memory_space<vmem>> -> memref<1x8x32xf32, #tpu.memory_space<vmem>>
        %dma_wait3A_498 = tpu.memref_squeeze %dma_wait3A_497 : memref<1x8x32xf32, #tpu.memory_space<vmem>> -> memref<8x32xf32, #tpu.memory_space<vmem>>
        %dma_wait3A_499 = arith.constant 0 : i32
        %dma_wait3A_500 = tpu.memref_slice %arg3[%multiple_of3A_484, %dma_wait3A_499] : memref<2600000x32xf32, #tpu.memory_space<hbm>> -> memref<8x32xf32, #tpu.memory_space<hbm>>
        tpu.wait_dma2 semaphore(%arg9 : memref<!tpu.dma_semaphore, #tpu.memory_space<semaphore_mem>>) src(%dma_wait3A_500 : memref<8x32xf32, #tpu.memory_space<hbm>>) dst(%dma_wait3A_498 : memref<8x32xf32, #tpu.memory_space<vmem>>)
        %slice3A_501 = vector.extract_strided_slice %and3A_447 {offsets = [11], sizes = [1], strides = [1]} : vector<16xi32> to vector<1xi32>
        %squeeze3A_502 = vector.extract %slice3A_501[0] : i32 from vector<1xi32>
        %multiple_of3A_503 = tpu.assume_multiple %squeeze3A_502, 8 : i32
        %mul3A_504 = arith.constant 4 : i32
        %mul3A_505 = arith.muli %scan3A_440, %mul3A_504 : i32
        %add3A_506 = arith.constant 3 : i32
        %add3A_507 = arith.addi %mul3A_505, %add3A_506 : i32
        %dma_wait3A_508 = arith.constant 0 : i32
        %dma_wait3A_509 = arith.constant 0 : i32
        %dma_wait3A_510 = tpu.memref_slice %arg6[%add3A_507, %dma_wait3A_508, %dma_wait3A_509] : memref<104x8x32xf32, #tpu.memory_space<vmem>> -> memref<1x8x32xf32, #tpu.memory_space<vmem>>
        %dma_wait3A_511 = tpu.memref_squeeze %dma_wait3A_510 : memref<1x8x32xf32, #tpu.memory_space<vmem>> -> memref<8x32xf32, #tpu.memory_space<vmem>>
        %dma_wait3A_512 = arith.constant 0 : i32
        %dma_wait3A_513 = tpu.memref_slice %arg3[%multiple_of3A_503, %dma_wait3A_512] : memref<2600000x32xf32, #tpu.memory_space<hbm>> -> memref<8x32xf32, #tpu.memory_space<hbm>>
        %dma_wait3A_514 = arith.constant 0 : i32
        %dma_wait3A_515 = arith.constant 0 : i32
        %dma_wait3A_516 = tpu.memref_slice %arg6[%add3A_507, %dma_wait3A_514, %dma_wait3A_515] : memref<104x8x32xf32, #tpu.memory_space<vmem>> -> memref<1x8x32xf32, #tpu.memory_space<vmem>>
        %dma_wait3A_517 = tpu.memref_squeeze %dma_wait3A_516 : memref<1x8x32xf32, #tpu.memory_space<vmem>> -> memref<8x32xf32, #tpu.memory_space<vmem>>
        %dma_wait3A_518 = arith.constant 0 : i32
        %dma_wait3A_519 = tpu.memref_slice %arg3[%multiple_of3A_503, %dma_wait3A_518] : memref<2600000x32xf32, #tpu.memory_space<hbm>> -> memref<8x32xf32, #tpu.memory_space<hbm>>
        tpu.wait_dma2 semaphore(%arg9 : memref<!tpu.dma_semaphore, #tpu.memory_space<semaphore_mem>>) src(%dma_wait3A_519 : memref<8x32xf32, #tpu.memory_space<hbm>>) dst(%dma_wait3A_517 : memref<8x32xf32, #tpu.memory_space<vmem>>)
        %scan3A_520 = arith.constant 0 : i32
        scf.yield %scan3A_520 : i32
      }
      %scan3A_240 = arith.constant 26 : i32
      %broadcast_in_dim3A_241 = arith.constant 0.000000e+00 : f32
      %broadcast_in_dim3A_242 = vector.broadcast %broadcast_in_dim3A_241 : f32 to vector<16xf32>
      %scan3A_243 = arith.constant 0 : i32
      %scan3A_244 = arith.constant 26 : i32
      %scan3A_245 = arith.addi %scan3A_243, %scan3A_244 : i32
      %scan3A_246 = arith.constant 1 : i32
      %scan3A_247:4 = scf.for %scan3A_440 = %scan3A_243 to %scan3A_245 step %scan3A_246 iter_args(%scan3A_441 = %broadcast_in_dim3A_242, %scan3A_442 = %broadcast_in_dim3A_242, %scan3A_443 = %broadcast_in_dim3A_242, %scan3A_444 = %broadcast_in_dim3A_242) -> (vector<16xf32>, vector<16xf32>, vector<16xf32>, vector<16xf32>)  : i32 {
        %mul3A_445 = arith.constant 16 : i32
        %mul3A_446 = arith.muli %scan3A_16, %mul3A_445 : i32
        %get3A = arith.index_cast %scan3A_440 : i32 to index
        %get3A_447 = arith.index_cast %mul3A_446 : i32 to index
        %get3A_448 = tpu.vector_load %arg5[%get3A, %get3A_447] {strides = array<i32>} : memref<26x128xi32, #tpu.memory_space<vmem>>, vector<16xi32>,
        %slice3A = vector.extract_strided_slice %get3A_448 {offsets = [8], sizes = [1], strides = [1]} : vector<16xi32> to vector<1xi32>
        %squeeze3A = vector.extract %slice3A[0] : i32 from vector<1xi32>
        %and3A = arith.constant 7 : i32
        %and3A_449 = arith.andi %squeeze3A, %and3A : i32
        %mul3A_450 = arith.constant 4 : i32
        %mul3A_451 = arith.muli %scan3A_440, %mul3A_450 : i32
        %add3A_452 = arith.constant 0 : i32
        %add3A_453 = arith.addi %mul3A_451, %add3A_452 : i32
        %get3A_454 = arith.index_cast %add3A_453 : i32 to index
        %get3A_455 = arith.index_cast %and3A_449 : i32 to index
        %get3A_456 = arith.constant 0 : index
        %get3A_457 = tpu.vector_load %arg6[%get3A_454, %get3A_455, %get3A_456] {strides = array<i32>} : memref<104x8x32xf32, #tpu.memory_space<vmem>>, vector<16xf32>,
        %mul3A_458 = arith.constant 4 : i32
        %mul3A_459 = arith.muli %scan3A_440, %mul3A_458 : i32
        %add3A_460 = arith.constant 0 : i32
        %add3A_461 = arith.addi %mul3A_459, %add3A_460 : i32
        %get3A_462 = arith.index_cast %add3A_461 : i32 to index
        %get3A_463 = arith.index_cast %and3A_449 : i32 to index
        %get3A_464 = arith.constant 16 : index
        %get3A_465 = tpu.vector_load %arg6[%get3A_462, %get3A_463, %get3A_464] {strides = array<i32>} : memref<104x8x32xf32, #tpu.memory_space<vmem>>, vector<16xf32>,
        %add3A_466 = arith.addf %scan3A_441, %get3A_457 : vector<16xf32>
        %add3A_467 = arith.addf %scan3A_442, %get3A_465 : vector<16xf32>
        %mul3A_468 = arith.mulf %get3A_457, %get3A_457 : vector<16xf32>
        %add3A_469 = arith.addf %scan3A_443, %mul3A_468 : vector<16xf32>
        %mul3A_470 = arith.mulf %get3A_465, %get3A_465 : vector<16xf32>
        %add3A_471 = arith.addf %scan3A_444, %mul3A_470 : vector<16xf32>
        scf.yield %add3A_466, %add3A_467, %add3A_469, %add3A_471 : vector<16xf32>, vector<16xf32>, vector<16xf32>, vector<16xf32>
      }
      %scan3A_248 = arith.constant 26 : i32
      %mul3A_249 = arith.mulf %scan3A_247#0, %scan3A_247#0 : vector<16xf32>
      %mul3A_250 = arith.mulf %scan3A_247#1, %scan3A_247#1 : vector<16xf32>
      %add3A_251 = arith.addf %mul3A_249, %mul3A_250 : vector<16xf32>
      %sub3A_252 = arith.subf %add3A_251, %scan3A_247#2 : vector<16xf32>
      %sub3A_253 = arith.subf %sub3A_252, %scan3A_247#3 : vector<16xf32>
      %mul3A_254 = arith.constant 16 : i32
      %mul3A_255 = arith.muli %scan3A_16, %mul3A_254 : i32
      %add3A_256 = arith.constant 8 : i32
      %add3A_257 = arith.addi %mul3A_255, %add3A_256 : i32
      %add3A_258 = arith.constant 0 : i32
      %add3A_259 = arith.addi %add3A_257, %add3A_258 : i32
      %mul3A_260 = arith.constant 16 : i32
      %mul3A_261 = arith.muli %add3A_259, %mul3A_260 : i32
      %swap3A_262 = arith.index_cast %mul3A_261 : i32 to index
      %swap3A_263 = tpu.vector_load %arg7[%swap3A_262] {strides = array<i32>} : memref<2048xf32, #tpu.memory_space<vmem>>, vector<16xf32>,
      tpu.vector_store %arg7[%swap3A_262], %sub3A_253 {strides = array<i32>} : memref<2048xf32, #tpu.memory_space<vmem>>, vector<16xf32>,
      %broadcast_in_dim3A_264 = arith.constant 0.000000e+00 : f32
      %broadcast_in_dim3A_265 = vector.broadcast %broadcast_in_dim3A_264 : f32 to vector<16xf32>
      %scan3A_266 = arith.constant 0 : i32
      %scan3A_267 = arith.constant 26 : i32
      %scan3A_268 = arith.addi %scan3A_266, %scan3A_267 : i32
      %scan3A_269 = arith.constant 1 : i32
      %scan3A_270:4 = scf.for %scan3A_440 = %scan3A_266 to %scan3A_268 step %scan3A_269 iter_args(%scan3A_441 = %broadcast_in_dim3A_265, %scan3A_442 = %broadcast_in_dim3A_265, %scan3A_443 = %broadcast_in_dim3A_265, %scan3A_444 = %broadcast_in_dim3A_265) -> (vector<16xf32>, vector<16xf32>, vector<16xf32>, vector<16xf32>)  : i32 {
        %mul3A_445 = arith.constant 16 : i32
        %mul3A_446 = arith.muli %scan3A_16, %mul3A_445 : i32
        %get3A = arith.index_cast %scan3A_440 : i32 to index
        %get3A_447 = arith.index_cast %mul3A_446 : i32 to index
        %get3A_448 = tpu.vector_load %arg5[%get3A, %get3A_447] {strides = array<i32>} : memref<26x128xi32, #tpu.memory_space<vmem>>, vector<16xi32>,
        %slice3A = vector.extract_strided_slice %get3A_448 {offsets = [9], sizes = [1], strides = [1]} : vector<16xi32> to vector<1xi32>
        %squeeze3A = vector.extract %slice3A[0] : i32 from vector<1xi32>
        %and3A = arith.constant 7 : i32
        %and3A_449 = arith.andi %squeeze3A, %and3A : i32
        %mul3A_450 = arith.constant 4 : i32
        %mul3A_451 = arith.muli %scan3A_440, %mul3A_450 : i32
        %add3A_452 = arith.constant 1 : i32
        %add3A_453 = arith.addi %mul3A_451, %add3A_452 : i32
        %get3A_454 = arith.index_cast %add3A_453 : i32 to index
        %get3A_455 = arith.index_cast %and3A_449 : i32 to index
        %get3A_456 = arith.constant 0 : index
        %get3A_457 = tpu.vector_load %arg6[%get3A_454, %get3A_455, %get3A_456] {strides = array<i32>} : memref<104x8x32xf32, #tpu.memory_space<vmem>>, vector<16xf32>,
        %mul3A_458 = arith.constant 4 : i32
        %mul3A_459 = arith.muli %scan3A_440, %mul3A_458 : i32
        %add3A_460 = arith.constant 1 : i32
        %add3A_461 = arith.addi %mul3A_459, %add3A_460 : i32
        %get3A_462 = arith.index_cast %add3A_461 : i32 to index
        %get3A_463 = arith.index_cast %and3A_449 : i32 to index
        %get3A_464 = arith.constant 16 : index
        %get3A_465 = tpu.vector_load %arg6[%get3A_462, %get3A_463, %get3A_464] {strides = array<i32>} : memref<104x8x32xf32, #tpu.memory_space<vmem>>, vector<16xf32>,
        %add3A_466 = arith.addf %scan3A_441, %get3A_457 : vector<16xf32>
        %add3A_467 = arith.addf %scan3A_442, %get3A_465 : vector<16xf32>
        %mul3A_468 = arith.mulf %get3A_457, %get3A_457 : vector<16xf32>
        %add3A_469 = arith.addf %scan3A_443, %mul3A_468 : vector<16xf32>
        %mul3A_470 = arith.mulf %get3A_465, %get3A_465 : vector<16xf32>
        %add3A_471 = arith.addf %scan3A_444, %mul3A_470 : vector<16xf32>
        scf.yield %add3A_466, %add3A_467, %add3A_469, %add3A_471 : vector<16xf32>, vector<16xf32>, vector<16xf32>, vector<16xf32>
      }
      %scan3A_271 = arith.constant 26 : i32
      %mul3A_272 = arith.mulf %scan3A_270#0, %scan3A_270#0 : vector<16xf32>
      %mul3A_273 = arith.mulf %scan3A_270#1, %scan3A_270#1 : vector<16xf32>
      %add3A_274 = arith.addf %mul3A_272, %mul3A_273 : vector<16xf32>
      %sub3A_275 = arith.subf %add3A_274, %scan3A_270#2 : vector<16xf32>
      %sub3A_276 = arith.subf %sub3A_275, %scan3A_270#3 : vector<16xf32>
      %mul3A_277 = arith.constant 16 : i32
      %mul3A_278 = arith.muli %scan3A_16, %mul3A_277 : i32
      %add3A_279 = arith.constant 8 : i32
      %add3A_280 = arith.addi %mul3A_278, %add3A_279 : i32
      %add3A_281 = arith.constant 1 : i32
      %add3A_282 = arith.addi %add3A_280, %add3A_281 : i32
      %mul3A_283 = arith.constant 16 : i32
      %mul3A_284 = arith.muli %add3A_282, %mul3A_283 : i32
      %swap3A_285 = arith.index_cast %mul3A_284 : i32 to index
      %swap3A_286 = tpu.vector_load %arg7[%swap3A_285] {strides = array<i32>} : memref<2048xf32, #tpu.memory_space<vmem>>, vector<16xf32>,
      tpu.vector_store %arg7[%swap3A_285], %sub3A_276 {strides = array<i32>} : memref<2048xf32, #tpu.memory_space<vmem>>, vector<16xf32>,
      %broadcast_in_dim3A_287 = arith.constant 0.000000e+00 : f32
      %broadcast_in_dim3A_288 = vector.broadcast %broadcast_in_dim3A_287 : f32 to vector<16xf32>
      %scan3A_289 = arith.constant 0 : i32
      %scan3A_290 = arith.constant 26 : i32
      %scan3A_291 = arith.addi %scan3A_289, %scan3A_290 : i32
      %scan3A_292 = arith.constant 1 : i32
      %scan3A_293:4 = scf.for %scan3A_440 = %scan3A_289 to %scan3A_291 step %scan3A_292 iter_args(%scan3A_441 = %broadcast_in_dim3A_288, %scan3A_442 = %broadcast_in_dim3A_288, %scan3A_443 = %broadcast_in_dim3A_288, %scan3A_444 = %broadcast_in_dim3A_288) -> (vector<16xf32>, vector<16xf32>, vector<16xf32>, vector<16xf32>)  : i32 {
        %mul3A_445 = arith.constant 16 : i32
        %mul3A_446 = arith.muli %scan3A_16, %mul3A_445 : i32
        %get3A = arith.index_cast %scan3A_440 : i32 to index
        %get3A_447 = arith.index_cast %mul3A_446 : i32 to index
        %get3A_448 = tpu.vector_load %arg5[%get3A, %get3A_447] {strides = array<i32>} : memref<26x128xi32, #tpu.memory_space<vmem>>, vector<16xi32>,
        %slice3A = vector.extract_strided_slice %get3A_448 {offsets = [10], sizes = [1], strides = [1]} : vector<16xi32> to vector<1xi32>
        %squeeze3A = vector.extract %slice3A[0] : i32 from vector<1xi32>
        %and3A = arith.constant 7 : i32
        %and3A_449 = arith.andi %squeeze3A, %and3A : i32
        %mul3A_450 = arith.constant 4 : i32
        %mul3A_451 = arith.muli %scan3A_440, %mul3A_450 : i32
        %add3A_452 = arith.constant 2 : i32
        %add3A_453 = arith.addi %mul3A_451, %add3A_452 : i32
        %get3A_454 = arith.index_cast %add3A_453 : i32 to index
        %get3A_455 = arith.index_cast %and3A_449 : i32 to index
        %get3A_456 = arith.constant 0 : index
        %get3A_457 = tpu.vector_load %arg6[%get3A_454, %get3A_455, %get3A_456] {strides = array<i32>} : memref<104x8x32xf32, #tpu.memory_space<vmem>>, vector<16xf32>,
        %mul3A_458 = arith.constant 4 : i32
        %mul3A_459 = arith.muli %scan3A_440, %mul3A_458 : i32
        %add3A_460 = arith.constant 2 : i32
        %add3A_461 = arith.addi %mul3A_459, %add3A_460 : i32
        %get3A_462 = arith.index_cast %add3A_461 : i32 to index
        %get3A_463 = arith.index_cast %and3A_449 : i32 to index
        %get3A_464 = arith.constant 16 : index
        %get3A_465 = tpu.vector_load %arg6[%get3A_462, %get3A_463, %get3A_464] {strides = array<i32>} : memref<104x8x32xf32, #tpu.memory_space<vmem>>, vector<16xf32>,
        %add3A_466 = arith.addf %scan3A_441, %get3A_457 : vector<16xf32>
        %add3A_467 = arith.addf %scan3A_442, %get3A_465 : vector<16xf32>
        %mul3A_468 = arith.mulf %get3A_457, %get3A_457 : vector<16xf32>
        %add3A_469 = arith.addf %scan3A_443, %mul3A_468 : vector<16xf32>
        %mul3A_470 = arith.mulf %get3A_465, %get3A_465 : vector<16xf32>
        %add3A_471 = arith.addf %scan3A_444, %mul3A_470 : vector<16xf32>
        scf.yield %add3A_466, %add3A_467, %add3A_469, %add3A_471 : vector<16xf32>, vector<16xf32>, vector<16xf32>, vector<16xf32>
      }
      %scan3A_294 = arith.constant 26 : i32
      %mul3A_295 = arith.mulf %scan3A_293#0, %scan3A_293#0 : vector<16xf32>
      %mul3A_296 = arith.mulf %scan3A_293#1, %scan3A_293#1 : vector<16xf32>
      %add3A_297 = arith.addf %mul3A_295, %mul3A_296 : vector<16xf32>
      %sub3A_298 = arith.subf %add3A_297, %scan3A_293#2 : vector<16xf32>
      %sub3A_299 = arith.subf %sub3A_298, %scan3A_293#3 : vector<16xf32>
      %mul3A_300 = arith.constant 16 : i32
      %mul3A_301 = arith.muli %scan3A_16, %mul3A_300 : i32
      %add3A_302 = arith.constant 8 : i32
      %add3A_303 = arith.addi %mul3A_301, %add3A_302 : i32
      %add3A_304 = arith.constant 2 : i32
      %add3A_305 = arith.addi %add3A_303, %add3A_304 : i32
      %mul3A_306 = arith.constant 16 : i32
      %mul3A_307 = arith.muli %add3A_305, %mul3A_306 : i32
      %swap3A_308 = arith.index_cast %mul3A_307 : i32 to index
      %swap3A_309 = tpu.vector_load %arg7[%swap3A_308] {strides = array<i32>} : memref<2048xf32, #tpu.memory_space<vmem>>, vector<16xf32>,
      tpu.vector_store %arg7[%swap3A_308], %sub3A_299 {strides = array<i32>} : memref<2048xf32, #tpu.memory_space<vmem>>, vector<16xf32>,
      %broadcast_in_dim3A_310 = arith.constant 0.000000e+00 : f32
      %broadcast_in_dim3A_311 = vector.broadcast %broadcast_in_dim3A_310 : f32 to vector<16xf32>
      %scan3A_312 = arith.constant 0 : i32
      %scan3A_313 = arith.constant 26 : i32
      %scan3A_314 = arith.addi %scan3A_312, %scan3A_313 : i32
      %scan3A_315 = arith.constant 1 : i32
      %scan3A_316:4 = scf.for %scan3A_440 = %scan3A_312 to %scan3A_314 step %scan3A_315 iter_args(%scan3A_441 = %broadcast_in_dim3A_311, %scan3A_442 = %broadcast_in_dim3A_311, %scan3A_443 = %broadcast_in_dim3A_311, %scan3A_444 = %broadcast_in_dim3A_311) -> (vector<16xf32>, vector<16xf32>, vector<16xf32>, vector<16xf32>)  : i32 {
        %mul3A_445 = arith.constant 16 : i32
        %mul3A_446 = arith.muli %scan3A_16, %mul3A_445 : i32
        %get3A = arith.index_cast %scan3A_440 : i32 to index
        %get3A_447 = arith.index_cast %mul3A_446 : i32 to index
        %get3A_448 = tpu.vector_load %arg5[%get3A, %get3A_447] {strides = array<i32>} : memref<26x128xi32, #tpu.memory_space<vmem>>, vector<16xi32>,
        %slice3A = vector.extract_strided_slice %get3A_448 {offsets = [11], sizes = [1], strides = [1]} : vector<16xi32> to vector<1xi32>
        %squeeze3A = vector.extract %slice3A[0] : i32 from vector<1xi32>
        %and3A = arith.constant 7 : i32
        %and3A_449 = arith.andi %squeeze3A, %and3A : i32
        %mul3A_450 = arith.constant 4 : i32
        %mul3A_451 = arith.muli %scan3A_440, %mul3A_450 : i32
        %add3A_452 = arith.constant 3 : i32
        %add3A_453 = arith.addi %mul3A_451, %add3A_452 : i32
        %get3A_454 = arith.index_cast %add3A_453 : i32 to index
        %get3A_455 = arith.index_cast %and3A_449 : i32 to index
        %get3A_456 = arith.constant 0 : index
        %get3A_457 = tpu.vector_load %arg6[%get3A_454, %get3A_455, %get3A_456] {strides = array<i32>} : memref<104x8x32xf32, #tpu.memory_space<vmem>>, vector<16xf32>,
        %mul3A_458 = arith.constant 4 : i32
        %mul3A_459 = arith.muli %scan3A_440, %mul3A_458 : i32
        %add3A_460 = arith.constant 3 : i32
        %add3A_461 = arith.addi %mul3A_459, %add3A_460 : i32
        %get3A_462 = arith.index_cast %add3A_461 : i32 to index
        %get3A_463 = arith.index_cast %and3A_449 : i32 to index
        %get3A_464 = arith.constant 16 : index
        %get3A_465 = tpu.vector_load %arg6[%get3A_462, %get3A_463, %get3A_464] {strides = array<i32>} : memref<104x8x32xf32, #tpu.memory_space<vmem>>, vector<16xf32>,
        %add3A_466 = arith.addf %scan3A_441, %get3A_457 : vector<16xf32>
        %add3A_467 = arith.addf %scan3A_442, %get3A_465 : vector<16xf32>
        %mul3A_468 = arith.mulf %get3A_457, %get3A_457 : vector<16xf32>
        %add3A_469 = arith.addf %scan3A_443, %mul3A_468 : vector<16xf32>
        %mul3A_470 = arith.mulf %get3A_465, %get3A_465 : vector<16xf32>
        %add3A_471 = arith.addf %scan3A_444, %mul3A_470 : vector<16xf32>
        scf.yield %add3A_466, %add3A_467, %add3A_469, %add3A_471 : vector<16xf32>, vector<16xf32>, vector<16xf32>, vector<16xf32>
      }
      %scan3A_317 = arith.constant 26 : i32
      %mul3A_318 = arith.mulf %scan3A_316#0, %scan3A_316#0 : vector<16xf32>
      %mul3A_319 = arith.mulf %scan3A_316#1, %scan3A_316#1 : vector<16xf32>
      %add3A_320 = arith.addf %mul3A_318, %mul3A_319 : vector<16xf32>
      %sub3A_321 = arith.subf %add3A_320, %scan3A_316#2 : vector<16xf32>
      %sub3A_322 = arith.subf %sub3A_321, %scan3A_316#3 : vector<16xf32>
      %mul3A_323 = arith.constant 16 : i32
      %mul3A_324 = arith.muli %scan3A_16, %mul3A_323 : i32
      %add3A_325 = arith.constant 8 : i32
      %add3A_326 = arith.addi %mul3A_324, %add3A_325 : i32
      %add3A_327 = arith.constant 3 : i32
      %add3A_328 = arith.addi %add3A_326, %add3A_327 : i32
      %mul3A_329 = arith.constant 16 : i32
      %mul3A_330 = arith.muli %add3A_328, %mul3A_329 : i32
      %swap3A_331 = arith.index_cast %mul3A_330 : i32 to index
      %swap3A_332 = tpu.vector_load %arg7[%swap3A_331] {strides = array<i32>} : memref<2048xf32, #tpu.memory_space<vmem>>, vector<16xf32>,
      tpu.vector_store %arg7[%swap3A_331], %sub3A_322 {strides = array<i32>} : memref<2048xf32, #tpu.memory_space<vmem>>, vector<16xf32>,
      %scan3A_333 = arith.constant 0 : i32
      %scan3A_334 = arith.constant 0 : i32
      %scan3A_335 = arith.constant 26 : i32
      %scan3A_336 = arith.addi %scan3A_334, %scan3A_335 : i32
      %scan3A_337 = arith.constant 1 : i32
      %scan3A_338 = scf.for %scan3A_440 = %scan3A_334 to %scan3A_336 step %scan3A_337 iter_args(%scan3A_441 = %scan3A_333) -> (i32)  : i32 {
        %mul3A_442 = arith.constant 16 : i32
        %mul3A_443 = arith.muli %scan3A_16, %mul3A_442 : i32
        %get3A = arith.index_cast %scan3A_440 : i32 to index
        %get3A_444 = arith.index_cast %mul3A_443 : i32 to index
        %get3A_445 = tpu.vector_load %arg5[%get3A, %get3A_444] {strides = array<i32>} : memref<26x128xi32, #tpu.memory_space<vmem>>, vector<16xi32>,
        %and3A = arith.constant -8 : i32
        %and3A_446 = vector.broadcast %and3A : i32 to vector<16xi32>
        %and3A_447 = arith.andi %get3A_445, %and3A_446 : vector<16xi32>
        %slice3A = vector.extract_strided_slice %and3A_447 {offsets = [12], sizes = [1], strides = [1]} : vector<16xi32> to vector<1xi32>
        %squeeze3A = vector.extract %slice3A[0] : i32 from vector<1xi32>
        %multiple_of3A = tpu.assume_multiple %squeeze3A, 8 : i32
        %mul3A_448 = arith.constant 4 : i32
        %mul3A_449 = arith.muli %scan3A_440, %mul3A_448 : i32
        %add3A_450 = arith.constant 0 : i32
        %add3A_451 = arith.addi %mul3A_449, %add3A_450 : i32
        %dma_start3A = arith.constant 0 : i32
        %dma_start3A_452 = arith.constant 0 : i32
        %dma_start3A_453 = tpu.memref_slice %arg6[%add3A_451, %dma_start3A, %dma_start3A_452] : memref<104x8x32xf32, #tpu.memory_space<vmem>> -> memref<1x8x32xf32, #tpu.memory_space<vmem>>
        %dma_start3A_454 = tpu.memref_squeeze %dma_start3A_453 : memref<1x8x32xf32, #tpu.memory_space<vmem>> -> memref<8x32xf32, #tpu.memory_space<vmem>>
        %dma_start3A_455 = arith.constant 0 : i32
        %dma_start3A_456 = tpu.memref_slice %arg3[%multiple_of3A, %dma_start3A_455] : memref<2600000x32xf32, #tpu.memory_space<hbm>> -> memref<8x32xf32, #tpu.memory_space<hbm>>
        %dma_start3A_457 = arith.constant 0 : i32
        %dma_start3A_458 = arith.constant 0 : i32
        %dma_start3A_459 = tpu.memref_slice %arg6[%add3A_451, %dma_start3A_457, %dma_start3A_458] : memref<104x8x32xf32, #tpu.memory_space<vmem>> -> memref<1x8x32xf32, #tpu.memory_space<vmem>>
        %dma_start3A_460 = tpu.memref_squeeze %dma_start3A_459 : memref<1x8x32xf32, #tpu.memory_space<vmem>> -> memref<8x32xf32, #tpu.memory_space<vmem>>
        %dma_start3A_461 = arith.constant 0 : i32
        %dma_start3A_462 = tpu.memref_slice %arg3[%multiple_of3A, %dma_start3A_461] : memref<2600000x32xf32, #tpu.memory_space<hbm>> -> memref<8x32xf32, #tpu.memory_space<hbm>>
        tpu.enqueue_dma source(%dma_start3A_462 : memref<8x32xf32, #tpu.memory_space<hbm>>) target(%dma_start3A_460 : memref<8x32xf32, #tpu.memory_space<vmem>>) target_semaphore(%arg9 : memref<!tpu.dma_semaphore, #tpu.memory_space<semaphore_mem>>)
        %slice3A_463 = vector.extract_strided_slice %and3A_447 {offsets = [13], sizes = [1], strides = [1]} : vector<16xi32> to vector<1xi32>
        %squeeze3A_464 = vector.extract %slice3A_463[0] : i32 from vector<1xi32>
        %multiple_of3A_465 = tpu.assume_multiple %squeeze3A_464, 8 : i32
        %mul3A_466 = arith.constant 4 : i32
        %mul3A_467 = arith.muli %scan3A_440, %mul3A_466 : i32
        %add3A_468 = arith.constant 1 : i32
        %add3A_469 = arith.addi %mul3A_467, %add3A_468 : i32
        %dma_start3A_470 = arith.constant 0 : i32
        %dma_start3A_471 = arith.constant 0 : i32
        %dma_start3A_472 = tpu.memref_slice %arg6[%add3A_469, %dma_start3A_470, %dma_start3A_471] : memref<104x8x32xf32, #tpu.memory_space<vmem>> -> memref<1x8x32xf32, #tpu.memory_space<vmem>>
        %dma_start3A_473 = tpu.memref_squeeze %dma_start3A_472 : memref<1x8x32xf32, #tpu.memory_space<vmem>> -> memref<8x32xf32, #tpu.memory_space<vmem>>
        %dma_start3A_474 = arith.constant 0 : i32
        %dma_start3A_475 = tpu.memref_slice %arg3[%multiple_of3A_465, %dma_start3A_474] : memref<2600000x32xf32, #tpu.memory_space<hbm>> -> memref<8x32xf32, #tpu.memory_space<hbm>>
        %dma_start3A_476 = arith.constant 0 : i32
        %dma_start3A_477 = arith.constant 0 : i32
        %dma_start3A_478 = tpu.memref_slice %arg6[%add3A_469, %dma_start3A_476, %dma_start3A_477] : memref<104x8x32xf32, #tpu.memory_space<vmem>> -> memref<1x8x32xf32, #tpu.memory_space<vmem>>
        %dma_start3A_479 = tpu.memref_squeeze %dma_start3A_478 : memref<1x8x32xf32, #tpu.memory_space<vmem>> -> memref<8x32xf32, #tpu.memory_space<vmem>>
        %dma_start3A_480 = arith.constant 0 : i32
        %dma_start3A_481 = tpu.memref_slice %arg3[%multiple_of3A_465, %dma_start3A_480] : memref<2600000x32xf32, #tpu.memory_space<hbm>> -> memref<8x32xf32, #tpu.memory_space<hbm>>
        tpu.enqueue_dma source(%dma_start3A_481 : memref<8x32xf32, #tpu.memory_space<hbm>>) target(%dma_start3A_479 : memref<8x32xf32, #tpu.memory_space<vmem>>) target_semaphore(%arg9 : memref<!tpu.dma_semaphore, #tpu.memory_space<semaphore_mem>>)
        %slice3A_482 = vector.extract_strided_slice %and3A_447 {offsets = [14], sizes = [1], strides = [1]} : vector<16xi32> to vector<1xi32>
        %squeeze3A_483 = vector.extract %slice3A_482[0] : i32 from vector<1xi32>
        %multiple_of3A_484 = tpu.assume_multiple %squeeze3A_483, 8 : i32
        %mul3A_485 = arith.constant 4 : i32
        %mul3A_486 = arith.muli %scan3A_440, %mul3A_485 : i32
        %add3A_487 = arith.constant 2 : i32
        %add3A_488 = arith.addi %mul3A_486, %add3A_487 : i32
        %dma_start3A_489 = arith.constant 0 : i32
        %dma_start3A_490 = arith.constant 0 : i32
        %dma_start3A_491 = tpu.memref_slice %arg6[%add3A_488, %dma_start3A_489, %dma_start3A_490] : memref<104x8x32xf32, #tpu.memory_space<vmem>> -> memref<1x8x32xf32, #tpu.memory_space<vmem>>
        %dma_start3A_492 = tpu.memref_squeeze %dma_start3A_491 : memref<1x8x32xf32, #tpu.memory_space<vmem>> -> memref<8x32xf32, #tpu.memory_space<vmem>>
        %dma_start3A_493 = arith.constant 0 : i32
        %dma_start3A_494 = tpu.memref_slice %arg3[%multiple_of3A_484, %dma_start3A_493] : memref<2600000x32xf32, #tpu.memory_space<hbm>> -> memref<8x32xf32, #tpu.memory_space<hbm>>
        %dma_start3A_495 = arith.constant 0 : i32
        %dma_start3A_496 = arith.constant 0 : i32
        %dma_start3A_497 = tpu.memref_slice %arg6[%add3A_488, %dma_start3A_495, %dma_start3A_496] : memref<104x8x32xf32, #tpu.memory_space<vmem>> -> memref<1x8x32xf32, #tpu.memory_space<vmem>>
        %dma_start3A_498 = tpu.memref_squeeze %dma_start3A_497 : memref<1x8x32xf32, #tpu.memory_space<vmem>> -> memref<8x32xf32, #tpu.memory_space<vmem>>
        %dma_start3A_499 = arith.constant 0 : i32
        %dma_start3A_500 = tpu.memref_slice %arg3[%multiple_of3A_484, %dma_start3A_499] : memref<2600000x32xf32, #tpu.memory_space<hbm>> -> memref<8x32xf32, #tpu.memory_space<hbm>>
        tpu.enqueue_dma source(%dma_start3A_500 : memref<8x32xf32, #tpu.memory_space<hbm>>) target(%dma_start3A_498 : memref<8x32xf32, #tpu.memory_space<vmem>>) target_semaphore(%arg9 : memref<!tpu.dma_semaphore, #tpu.memory_space<semaphore_mem>>)
        %slice3A_501 = vector.extract_strided_slice %and3A_447 {offsets = [15], sizes = [1], strides = [1]} : vector<16xi32> to vector<1xi32>
        %squeeze3A_502 = vector.extract %slice3A_501[0] : i32 from vector<1xi32>
        %multiple_of3A_503 = tpu.assume_multiple %squeeze3A_502, 8 : i32
        %mul3A_504 = arith.constant 4 : i32
        %mul3A_505 = arith.muli %scan3A_440, %mul3A_504 : i32
        %add3A_506 = arith.constant 3 : i32
        %add3A_507 = arith.addi %mul3A_505, %add3A_506 : i32
        %dma_start3A_508 = arith.constant 0 : i32
        %dma_start3A_509 = arith.constant 0 : i32
        %dma_start3A_510 = tpu.memref_slice %arg6[%add3A_507, %dma_start3A_508, %dma_start3A_509] : memref<104x8x32xf32, #tpu.memory_space<vmem>> -> memref<1x8x32xf32, #tpu.memory_space<vmem>>
        %dma_start3A_511 = tpu.memref_squeeze %dma_start3A_510 : memref<1x8x32xf32, #tpu.memory_space<vmem>> -> memref<8x32xf32, #tpu.memory_space<vmem>>
        %dma_start3A_512 = arith.constant 0 : i32
        %dma_start3A_513 = tpu.memref_slice %arg3[%multiple_of3A_503, %dma_start3A_512] : memref<2600000x32xf32, #tpu.memory_space<hbm>> -> memref<8x32xf32, #tpu.memory_space<hbm>>
        %dma_start3A_514 = arith.constant 0 : i32
        %dma_start3A_515 = arith.constant 0 : i32
        %dma_start3A_516 = tpu.memref_slice %arg6[%add3A_507, %dma_start3A_514, %dma_start3A_515] : memref<104x8x32xf32, #tpu.memory_space<vmem>> -> memref<1x8x32xf32, #tpu.memory_space<vmem>>
        %dma_start3A_517 = tpu.memref_squeeze %dma_start3A_516 : memref<1x8x32xf32, #tpu.memory_space<vmem>> -> memref<8x32xf32, #tpu.memory_space<vmem>>
        %dma_start3A_518 = arith.constant 0 : i32
        %dma_start3A_519 = tpu.memref_slice %arg3[%multiple_of3A_503, %dma_start3A_518] : memref<2600000x32xf32, #tpu.memory_space<hbm>> -> memref<8x32xf32, #tpu.memory_space<hbm>>
        tpu.enqueue_dma source(%dma_start3A_519 : memref<8x32xf32, #tpu.memory_space<hbm>>) target(%dma_start3A_517 : memref<8x32xf32, #tpu.memory_space<vmem>>) target_semaphore(%arg9 : memref<!tpu.dma_semaphore, #tpu.memory_space<semaphore_mem>>)
        %scan3A_520 = arith.constant 0 : i32
        scf.yield %scan3A_520 : i32
      }
      %scan3A_339 = arith.constant 26 : i32
      %scan3A_340 = arith.constant 0 : i32
      %scan3A_341 = arith.constant 0 : i32
      %scan3A_342 = arith.constant 26 : i32
      %scan3A_343 = arith.addi %scan3A_341, %scan3A_342 : i32
      %scan3A_344 = arith.constant 1 : i32
      %scan3A_345 = scf.for %scan3A_440 = %scan3A_341 to %scan3A_343 step %scan3A_344 iter_args(%scan3A_441 = %scan3A_340) -> (i32)  : i32 {
        %mul3A_442 = arith.constant 16 : i32
        %mul3A_443 = arith.muli %scan3A_16, %mul3A_442 : i32
        %get3A = arith.index_cast %scan3A_440 : i32 to index
        %get3A_444 = arith.index_cast %mul3A_443 : i32 to index
        %get3A_445 = tpu.vector_load %arg5[%get3A, %get3A_444] {strides = array<i32>} : memref<26x128xi32, #tpu.memory_space<vmem>>, vector<16xi32>,
        %and3A = arith.constant -8 : i32
        %and3A_446 = vector.broadcast %and3A : i32 to vector<16xi32>
        %and3A_447 = arith.andi %get3A_445, %and3A_446 : vector<16xi32>
        %slice3A = vector.extract_strided_slice %and3A_447 {offsets = [12], sizes = [1], strides = [1]} : vector<16xi32> to vector<1xi32>
        %squeeze3A = vector.extract %slice3A[0] : i32 from vector<1xi32>
        %multiple_of3A = tpu.assume_multiple %squeeze3A, 8 : i32
        %mul3A_448 = arith.constant 4 : i32
        %mul3A_449 = arith.muli %scan3A_440, %mul3A_448 : i32
        %add3A_450 = arith.constant 0 : i32
        %add3A_451 = arith.addi %mul3A_449, %add3A_450 : i32
        %dma_wait3A = arith.constant 0 : i32
        %dma_wait3A_452 = arith.constant 0 : i32
        %dma_wait3A_453 = tpu.memref_slice %arg6[%add3A_451, %dma_wait3A, %dma_wait3A_452] : memref<104x8x32xf32, #tpu.memory_space<vmem>> -> memref<1x8x32xf32, #tpu.memory_space<vmem>>
        %dma_wait3A_454 = tpu.memref_squeeze %dma_wait3A_453 : memref<1x8x32xf32, #tpu.memory_space<vmem>> -> memref<8x32xf32, #tpu.memory_space<vmem>>
        %dma_wait3A_455 = arith.constant 0 : i32
        %dma_wait3A_456 = tpu.memref_slice %arg3[%multiple_of3A, %dma_wait3A_455] : memref<2600000x32xf32, #tpu.memory_space<hbm>> -> memref<8x32xf32, #tpu.memory_space<hbm>>
        %dma_wait3A_457 = arith.constant 0 : i32
        %dma_wait3A_458 = arith.constant 0 : i32
        %dma_wait3A_459 = tpu.memref_slice %arg6[%add3A_451, %dma_wait3A_457, %dma_wait3A_458] : memref<104x8x32xf32, #tpu.memory_space<vmem>> -> memref<1x8x32xf32, #tpu.memory_space<vmem>>
        %dma_wait3A_460 = tpu.memref_squeeze %dma_wait3A_459 : memref<1x8x32xf32, #tpu.memory_space<vmem>> -> memref<8x32xf32, #tpu.memory_space<vmem>>
        %dma_wait3A_461 = arith.constant 0 : i32
        %dma_wait3A_462 = tpu.memref_slice %arg3[%multiple_of3A, %dma_wait3A_461] : memref<2600000x32xf32, #tpu.memory_space<hbm>> -> memref<8x32xf32, #tpu.memory_space<hbm>>
        tpu.wait_dma2 semaphore(%arg9 : memref<!tpu.dma_semaphore, #tpu.memory_space<semaphore_mem>>) src(%dma_wait3A_462 : memref<8x32xf32, #tpu.memory_space<hbm>>) dst(%dma_wait3A_460 : memref<8x32xf32, #tpu.memory_space<vmem>>)
        %slice3A_463 = vector.extract_strided_slice %and3A_447 {offsets = [13], sizes = [1], strides = [1]} : vector<16xi32> to vector<1xi32>
        %squeeze3A_464 = vector.extract %slice3A_463[0] : i32 from vector<1xi32>
        %multiple_of3A_465 = tpu.assume_multiple %squeeze3A_464, 8 : i32
        %mul3A_466 = arith.constant 4 : i32
        %mul3A_467 = arith.muli %scan3A_440, %mul3A_466 : i32
        %add3A_468 = arith.constant 1 : i32
        %add3A_469 = arith.addi %mul3A_467, %add3A_468 : i32
        %dma_wait3A_470 = arith.constant 0 : i32
        %dma_wait3A_471 = arith.constant 0 : i32
        %dma_wait3A_472 = tpu.memref_slice %arg6[%add3A_469, %dma_wait3A_470, %dma_wait3A_471] : memref<104x8x32xf32, #tpu.memory_space<vmem>> -> memref<1x8x32xf32, #tpu.memory_space<vmem>>
        %dma_wait3A_473 = tpu.memref_squeeze %dma_wait3A_472 : memref<1x8x32xf32, #tpu.memory_space<vmem>> -> memref<8x32xf32, #tpu.memory_space<vmem>>
        %dma_wait3A_474 = arith.constant 0 : i32
        %dma_wait3A_475 = tpu.memref_slice %arg3[%multiple_of3A_465, %dma_wait3A_474] : memref<2600000x32xf32, #tpu.memory_space<hbm>> -> memref<8x32xf32, #tpu.memory_space<hbm>>
        %dma_wait3A_476 = arith.constant 0 : i32
        %dma_wait3A_477 = arith.constant 0 : i32
        %dma_wait3A_478 = tpu.memref_slice %arg6[%add3A_469, %dma_wait3A_476, %dma_wait3A_477] : memref<104x8x32xf32, #tpu.memory_space<vmem>> -> memref<1x8x32xf32, #tpu.memory_space<vmem>>
        %dma_wait3A_479 = tpu.memref_squeeze %dma_wait3A_478 : memref<1x8x32xf32, #tpu.memory_space<vmem>> -> memref<8x32xf32, #tpu.memory_space<vmem>>
        %dma_wait3A_480 = arith.constant 0 : i32
        %dma_wait3A_481 = tpu.memref_slice %arg3[%multiple_of3A_465, %dma_wait3A_480] : memref<2600000x32xf32, #tpu.memory_space<hbm>> -> memref<8x32xf32, #tpu.memory_space<hbm>>
        tpu.wait_dma2 semaphore(%arg9 : memref<!tpu.dma_semaphore, #tpu.memory_space<semaphore_mem>>) src(%dma_wait3A_481 : memref<8x32xf32, #tpu.memory_space<hbm>>) dst(%dma_wait3A_479 : memref<8x32xf32, #tpu.memory_space<vmem>>)
        %slice3A_482 = vector.extract_strided_slice %and3A_447 {offsets = [14], sizes = [1], strides = [1]} : vector<16xi32> to vector<1xi32>
        %squeeze3A_483 = vector.extract %slice3A_482[0] : i32 from vector<1xi32>
        %multiple_of3A_484 = tpu.assume_multiple %squeeze3A_483, 8 : i32
        %mul3A_485 = arith.constant 4 : i32
        %mul3A_486 = arith.muli %scan3A_440, %mul3A_485 : i32
        %add3A_487 = arith.constant 2 : i32
        %add3A_488 = arith.addi %mul3A_486, %add3A_487 : i32
        %dma_wait3A_489 = arith.constant 0 : i32
        %dma_wait3A_490 = arith.constant 0 : i32
        %dma_wait3A_491 = tpu.memref_slice %arg6[%add3A_488, %dma_wait3A_489, %dma_wait3A_490] : memref<104x8x32xf32, #tpu.memory_space<vmem>> -> memref<1x8x32xf32, #tpu.memory_space<vmem>>
        %dma_wait3A_492 = tpu.memref_squeeze %dma_wait3A_491 : memref<1x8x32xf32, #tpu.memory_space<vmem>> -> memref<8x32xf32, #tpu.memory_space<vmem>>
        %dma_wait3A_493 = arith.constant 0 : i32
        %dma_wait3A_494 = tpu.memref_slice %arg3[%multiple_of3A_484, %dma_wait3A_493] : memref<2600000x32xf32, #tpu.memory_space<hbm>> -> memref<8x32xf32, #tpu.memory_space<hbm>>
        %dma_wait3A_495 = arith.constant 0 : i32
        %dma_wait3A_496 = arith.constant 0 : i32
        %dma_wait3A_497 = tpu.memref_slice %arg6[%add3A_488, %dma_wait3A_495, %dma_wait3A_496] : memref<104x8x32xf32, #tpu.memory_space<vmem>> -> memref<1x8x32xf32, #tpu.memory_space<vmem>>
        %dma_wait3A_498 = tpu.memref_squeeze %dma_wait3A_497 : memref<1x8x32xf32, #tpu.memory_space<vmem>> -> memref<8x32xf32, #tpu.memory_space<vmem>>
        %dma_wait3A_499 = arith.constant 0 : i32
        %dma_wait3A_500 = tpu.memref_slice %arg3[%multiple_of3A_484, %dma_wait3A_499] : memref<2600000x32xf32, #tpu.memory_space<hbm>> -> memref<8x32xf32, #tpu.memory_space<hbm>>
        tpu.wait_dma2 semaphore(%arg9 : memref<!tpu.dma_semaphore, #tpu.memory_space<semaphore_mem>>) src(%dma_wait3A_500 : memref<8x32xf32, #tpu.memory_space<hbm>>) dst(%dma_wait3A_498 : memref<8x32xf32, #tpu.memory_space<vmem>>)
        %slice3A_501 = vector.extract_strided_slice %and3A_447 {offsets = [15], sizes = [1], strides = [1]} : vector<16xi32> to vector<1xi32>
        %squeeze3A_502 = vector.extract %slice3A_501[0] : i32 from vector<1xi32>
        %multiple_of3A_503 = tpu.assume_multiple %squeeze3A_502, 8 : i32
        %mul3A_504 = arith.constant 4 : i32
        %mul3A_505 = arith.muli %scan3A_440, %mul3A_504 : i32
        %add3A_506 = arith.constant 3 : i32
        %add3A_507 = arith.addi %mul3A_505, %add3A_506 : i32
        %dma_wait3A_508 = arith.constant 0 : i32
        %dma_wait3A_509 = arith.constant 0 : i32
        %dma_wait3A_510 = tpu.memref_slice %arg6[%add3A_507, %dma_wait3A_508, %dma_wait3A_509] : memref<104x8x32xf32, #tpu.memory_space<vmem>> -> memref<1x8x32xf32, #tpu.memory_space<vmem>>
        %dma_wait3A_511 = tpu.memref_squeeze %dma_wait3A_510 : memref<1x8x32xf32, #tpu.memory_space<vmem>> -> memref<8x32xf32, #tpu.memory_space<vmem>>
        %dma_wait3A_512 = arith.constant 0 : i32
        %dma_wait3A_513 = tpu.memref_slice %arg3[%multiple_of3A_503, %dma_wait3A_512] : memref<2600000x32xf32, #tpu.memory_space<hbm>> -> memref<8x32xf32, #tpu.memory_space<hbm>>
        %dma_wait3A_514 = arith.constant 0 : i32
        %dma_wait3A_515 = arith.constant 0 : i32
        %dma_wait3A_516 = tpu.memref_slice %arg6[%add3A_507, %dma_wait3A_514, %dma_wait3A_515] : memref<104x8x32xf32, #tpu.memory_space<vmem>> -> memref<1x8x32xf32, #tpu.memory_space<vmem>>
        %dma_wait3A_517 = tpu.memref_squeeze %dma_wait3A_516 : memref<1x8x32xf32, #tpu.memory_space<vmem>> -> memref<8x32xf32, #tpu.memory_space<vmem>>
        %dma_wait3A_518 = arith.constant 0 : i32
        %dma_wait3A_519 = tpu.memref_slice %arg3[%multiple_of3A_503, %dma_wait3A_518] : memref<2600000x32xf32, #tpu.memory_space<hbm>> -> memref<8x32xf32, #tpu.memory_space<hbm>>
        tpu.wait_dma2 semaphore(%arg9 : memref<!tpu.dma_semaphore, #tpu.memory_space<semaphore_mem>>) src(%dma_wait3A_519 : memref<8x32xf32, #tpu.memory_space<hbm>>) dst(%dma_wait3A_517 : memref<8x32xf32, #tpu.memory_space<vmem>>)
        %scan3A_520 = arith.constant 0 : i32
        scf.yield %scan3A_520 : i32
      }
      %scan3A_346 = arith.constant 26 : i32
      %broadcast_in_dim3A_347 = arith.constant 0.000000e+00 : f32
      %broadcast_in_dim3A_348 = vector.broadcast %broadcast_in_dim3A_347 : f32 to vector<16xf32>
      %scan3A_349 = arith.constant 0 : i32
      %scan3A_350 = arith.constant 26 : i32
      %scan3A_351 = arith.addi %scan3A_349, %scan3A_350 : i32
      %scan3A_352 = arith.constant 1 : i32
      %scan3A_353:4 = scf.for %scan3A_440 = %scan3A_349 to %scan3A_351 step %scan3A_352 iter_args(%scan3A_441 = %broadcast_in_dim3A_348, %scan3A_442 = %broadcast_in_dim3A_348, %scan3A_443 = %broadcast_in_dim3A_348, %scan3A_444 = %broadcast_in_dim3A_348) -> (vector<16xf32>, vector<16xf32>, vector<16xf32>, vector<16xf32>)  : i32 {
        %mul3A_445 = arith.constant 16 : i32
        %mul3A_446 = arith.muli %scan3A_16, %mul3A_445 : i32
        %get3A = arith.index_cast %scan3A_440 : i32 to index
        %get3A_447 = arith.index_cast %mul3A_446 : i32 to index
        %get3A_448 = tpu.vector_load %arg5[%get3A, %get3A_447] {strides = array<i32>} : memref<26x128xi32, #tpu.memory_space<vmem>>, vector<16xi32>,
        %slice3A = vector.extract_strided_slice %get3A_448 {offsets = [12], sizes = [1], strides = [1]} : vector<16xi32> to vector<1xi32>
        %squeeze3A = vector.extract %slice3A[0] : i32 from vector<1xi32>
        %and3A = arith.constant 7 : i32
        %and3A_449 = arith.andi %squeeze3A, %and3A : i32
        %mul3A_450 = arith.constant 4 : i32
        %mul3A_451 = arith.muli %scan3A_440, %mul3A_450 : i32
        %add3A_452 = arith.constant 0 : i32
        %add3A_453 = arith.addi %mul3A_451, %add3A_452 : i32
        %get3A_454 = arith.index_cast %add3A_453 : i32 to index
        %get3A_455 = arith.index_cast %and3A_449 : i32 to index
        %get3A_456 = arith.constant 0 : index
        %get3A_457 = tpu.vector_load %arg6[%get3A_454, %get3A_455, %get3A_456] {strides = array<i32>} : memref<104x8x32xf32, #tpu.memory_space<vmem>>, vector<16xf32>,
        %mul3A_458 = arith.constant 4 : i32
        %mul3A_459 = arith.muli %scan3A_440, %mul3A_458 : i32
        %add3A_460 = arith.constant 0 : i32
        %add3A_461 = arith.addi %mul3A_459, %add3A_460 : i32
        %get3A_462 = arith.index_cast %add3A_461 : i32 to index
        %get3A_463 = arith.index_cast %and3A_449 : i32 to index
        %get3A_464 = arith.constant 16 : index
        %get3A_465 = tpu.vector_load %arg6[%get3A_462, %get3A_463, %get3A_464] {strides = array<i32>} : memref<104x8x32xf32, #tpu.memory_space<vmem>>, vector<16xf32>,
        %add3A_466 = arith.addf %scan3A_441, %get3A_457 : vector<16xf32>
        %add3A_467 = arith.addf %scan3A_442, %get3A_465 : vector<16xf32>
        %mul3A_468 = arith.mulf %get3A_457, %get3A_457 : vector<16xf32>
        %add3A_469 = arith.addf %scan3A_443, %mul3A_468 : vector<16xf32>
        %mul3A_470 = arith.mulf %get3A_465, %get3A_465 : vector<16xf32>
        %add3A_471 = arith.addf %scan3A_444, %mul3A_470 : vector<16xf32>
        scf.yield %add3A_466, %add3A_467, %add3A_469, %add3A_471 : vector<16xf32>, vector<16xf32>, vector<16xf32>, vector<16xf32>
      }
      %scan3A_354 = arith.constant 26 : i32
      %mul3A_355 = arith.mulf %scan3A_353#0, %scan3A_353#0 : vector<16xf32>
      %mul3A_356 = arith.mulf %scan3A_353#1, %scan3A_353#1 : vector<16xf32>
      %add3A_357 = arith.addf %mul3A_355, %mul3A_356 : vector<16xf32>
      %sub3A_358 = arith.subf %add3A_357, %scan3A_353#2 : vector<16xf32>
      %sub3A_359 = arith.subf %sub3A_358, %scan3A_353#3 : vector<16xf32>
      %mul3A_360 = arith.constant 16 : i32
      %mul3A_361 = arith.muli %scan3A_16, %mul3A_360 : i32
      %add3A_362 = arith.constant 12 : i32
      %add3A_363 = arith.addi %mul3A_361, %add3A_362 : i32
      %add3A_364 = arith.constant 0 : i32
      %add3A_365 = arith.addi %add3A_363, %add3A_364 : i32
      %mul3A_366 = arith.constant 16 : i32
      %mul3A_367 = arith.muli %add3A_365, %mul3A_366 : i32
      %swap3A_368 = arith.index_cast %mul3A_367 : i32 to index
      %swap3A_369 = tpu.vector_load %arg7[%swap3A_368] {strides = array<i32>} : memref<2048xf32, #tpu.memory_space<vmem>>, vector<16xf32>,
      tpu.vector_store %arg7[%swap3A_368], %sub3A_359 {strides = array<i32>} : memref<2048xf32, #tpu.memory_space<vmem>>, vector<16xf32>,
      %broadcast_in_dim3A_370 = arith.constant 0.000000e+00 : f32
      %broadcast_in_dim3A_371 = vector.broadcast %broadcast_in_dim3A_370 : f32 to vector<16xf32>
      %scan3A_372 = arith.constant 0 : i32
      %scan3A_373 = arith.constant 26 : i32
      %scan3A_374 = arith.addi %scan3A_372, %scan3A_373 : i32
      %scan3A_375 = arith.constant 1 : i32
      %scan3A_376:4 = scf.for %scan3A_440 = %scan3A_372 to %scan3A_374 step %scan3A_375 iter_args(%scan3A_441 = %broadcast_in_dim3A_371, %scan3A_442 = %broadcast_in_dim3A_371, %scan3A_443 = %broadcast_in_dim3A_371, %scan3A_444 = %broadcast_in_dim3A_371) -> (vector<16xf32>, vector<16xf32>, vector<16xf32>, vector<16xf32>)  : i32 {
        %mul3A_445 = arith.constant 16 : i32
        %mul3A_446 = arith.muli %scan3A_16, %mul3A_445 : i32
        %get3A = arith.index_cast %scan3A_440 : i32 to index
        %get3A_447 = arith.index_cast %mul3A_446 : i32 to index
        %get3A_448 = tpu.vector_load %arg5[%get3A, %get3A_447] {strides = array<i32>} : memref<26x128xi32, #tpu.memory_space<vmem>>, vector<16xi32>,
        %slice3A = vector.extract_strided_slice %get3A_448 {offsets = [13], sizes = [1], strides = [1]} : vector<16xi32> to vector<1xi32>
        %squeeze3A = vector.extract %slice3A[0] : i32 from vector<1xi32>
        %and3A = arith.constant 7 : i32
        %and3A_449 = arith.andi %squeeze3A, %and3A : i32
        %mul3A_450 = arith.constant 4 : i32
        %mul3A_451 = arith.muli %scan3A_440, %mul3A_450 : i32
        %add3A_452 = arith.constant 1 : i32
        %add3A_453 = arith.addi %mul3A_451, %add3A_452 : i32
        %get3A_454 = arith.index_cast %add3A_453 : i32 to index
        %get3A_455 = arith.index_cast %and3A_449 : i32 to index
        %get3A_456 = arith.constant 0 : index
        %get3A_457 = tpu.vector_load %arg6[%get3A_454, %get3A_455, %get3A_456] {strides = array<i32>} : memref<104x8x32xf32, #tpu.memory_space<vmem>>, vector<16xf32>,
        %mul3A_458 = arith.constant 4 : i32
        %mul3A_459 = arith.muli %scan3A_440, %mul3A_458 : i32
        %add3A_460 = arith.constant 1 : i32
        %add3A_461 = arith.addi %mul3A_459, %add3A_460 : i32
        %get3A_462 = arith.index_cast %add3A_461 : i32 to index
        %get3A_463 = arith.index_cast %and3A_449 : i32 to index
        %get3A_464 = arith.constant 16 : index
        %get3A_465 = tpu.vector_load %arg6[%get3A_462, %get3A_463, %get3A_464] {strides = array<i32>} : memref<104x8x32xf32, #tpu.memory_space<vmem>>, vector<16xf32>,
        %add3A_466 = arith.addf %scan3A_441, %get3A_457 : vector<16xf32>
        %add3A_467 = arith.addf %scan3A_442, %get3A_465 : vector<16xf32>
        %mul3A_468 = arith.mulf %get3A_457, %get3A_457 : vector<16xf32>
        %add3A_469 = arith.addf %scan3A_443, %mul3A_468 : vector<16xf32>
        %mul3A_470 = arith.mulf %get3A_465, %get3A_465 : vector<16xf32>
        %add3A_471 = arith.addf %scan3A_444, %mul3A_470 : vector<16xf32>
        scf.yield %add3A_466, %add3A_467, %add3A_469, %add3A_471 : vector<16xf32>, vector<16xf32>, vector<16xf32>, vector<16xf32>
      }
      %scan3A_377 = arith.constant 26 : i32
      %mul3A_378 = arith.mulf %scan3A_376#0, %scan3A_376#0 : vector<16xf32>
      %mul3A_379 = arith.mulf %scan3A_376#1, %scan3A_376#1 : vector<16xf32>
      %add3A_380 = arith.addf %mul3A_378, %mul3A_379 : vector<16xf32>
      %sub3A_381 = arith.subf %add3A_380, %scan3A_376#2 : vector<16xf32>
      %sub3A_382 = arith.subf %sub3A_381, %scan3A_376#3 : vector<16xf32>
      %mul3A_383 = arith.constant 16 : i32
      %mul3A_384 = arith.muli %scan3A_16, %mul3A_383 : i32
      %add3A_385 = arith.constant 12 : i32
      %add3A_386 = arith.addi %mul3A_384, %add3A_385 : i32
      %add3A_387 = arith.constant 1 : i32
      %add3A_388 = arith.addi %add3A_386, %add3A_387 : i32
      %mul3A_389 = arith.constant 16 : i32
      %mul3A_390 = arith.muli %add3A_388, %mul3A_389 : i32
      %swap3A_391 = arith.index_cast %mul3A_390 : i32 to index
      %swap3A_392 = tpu.vector_load %arg7[%swap3A_391] {strides = array<i32>} : memref<2048xf32, #tpu.memory_space<vmem>>, vector<16xf32>,
      tpu.vector_store %arg7[%swap3A_391], %sub3A_382 {strides = array<i32>} : memref<2048xf32, #tpu.memory_space<vmem>>, vector<16xf32>,
      %broadcast_in_dim3A_393 = arith.constant 0.000000e+00 : f32
      %broadcast_in_dim3A_394 = vector.broadcast %broadcast_in_dim3A_393 : f32 to vector<16xf32>
      %scan3A_395 = arith.constant 0 : i32
      %scan3A_396 = arith.constant 26 : i32
      %scan3A_397 = arith.addi %scan3A_395, %scan3A_396 : i32
      %scan3A_398 = arith.constant 1 : i32
      %scan3A_399:4 = scf.for %scan3A_440 = %scan3A_395 to %scan3A_397 step %scan3A_398 iter_args(%scan3A_441 = %broadcast_in_dim3A_394, %scan3A_442 = %broadcast_in_dim3A_394, %scan3A_443 = %broadcast_in_dim3A_394, %scan3A_444 = %broadcast_in_dim3A_394) -> (vector<16xf32>, vector<16xf32>, vector<16xf32>, vector<16xf32>)  : i32 {
        %mul3A_445 = arith.constant 16 : i32
        %mul3A_446 = arith.muli %scan3A_16, %mul3A_445 : i32
        %get3A = arith.index_cast %scan3A_440 : i32 to index
        %get3A_447 = arith.index_cast %mul3A_446 : i32 to index
        %get3A_448 = tpu.vector_load %arg5[%get3A, %get3A_447] {strides = array<i32>} : memref<26x128xi32, #tpu.memory_space<vmem>>, vector<16xi32>,
        %slice3A = vector.extract_strided_slice %get3A_448 {offsets = [14], sizes = [1], strides = [1]} : vector<16xi32> to vector<1xi32>
        %squeeze3A = vector.extract %slice3A[0] : i32 from vector<1xi32>
        %and3A = arith.constant 7 : i32
        %and3A_449 = arith.andi %squeeze3A, %and3A : i32
        %mul3A_450 = arith.constant 4 : i32
        %mul3A_451 = arith.muli %scan3A_440, %mul3A_450 : i32
        %add3A_452 = arith.constant 2 : i32
        %add3A_453 = arith.addi %mul3A_451, %add3A_452 : i32
        %get3A_454 = arith.index_cast %add3A_453 : i32 to index
        %get3A_455 = arith.index_cast %and3A_449 : i32 to index
        %get3A_456 = arith.constant 0 : index
        %get3A_457 = tpu.vector_load %arg6[%get3A_454, %get3A_455, %get3A_456] {strides = array<i32>} : memref<104x8x32xf32, #tpu.memory_space<vmem>>, vector<16xf32>,
        %mul3A_458 = arith.constant 4 : i32
        %mul3A_459 = arith.muli %scan3A_440, %mul3A_458 : i32
        %add3A_460 = arith.constant 2 : i32
        %add3A_461 = arith.addi %mul3A_459, %add3A_460 : i32
        %get3A_462 = arith.index_cast %add3A_461 : i32 to index
        %get3A_463 = arith.index_cast %and3A_449 : i32 to index
        %get3A_464 = arith.constant 16 : index
        %get3A_465 = tpu.vector_load %arg6[%get3A_462, %get3A_463, %get3A_464] {strides = array<i32>} : memref<104x8x32xf32, #tpu.memory_space<vmem>>, vector<16xf32>,
        %add3A_466 = arith.addf %scan3A_441, %get3A_457 : vector<16xf32>
        %add3A_467 = arith.addf %scan3A_442, %get3A_465 : vector<16xf32>
        %mul3A_468 = arith.mulf %get3A_457, %get3A_457 : vector<16xf32>
        %add3A_469 = arith.addf %scan3A_443, %mul3A_468 : vector<16xf32>
        %mul3A_470 = arith.mulf %get3A_465, %get3A_465 : vector<16xf32>
        %add3A_471 = arith.addf %scan3A_444, %mul3A_470 : vector<16xf32>
        scf.yield %add3A_466, %add3A_467, %add3A_469, %add3A_471 : vector<16xf32>, vector<16xf32>, vector<16xf32>, vector<16xf32>
      }
      %scan3A_400 = arith.constant 26 : i32
      %mul3A_401 = arith.mulf %scan3A_399#0, %scan3A_399#0 : vector<16xf32>
      %mul3A_402 = arith.mulf %scan3A_399#1, %scan3A_399#1 : vector<16xf32>
      %add3A_403 = arith.addf %mul3A_401, %mul3A_402 : vector<16xf32>
      %sub3A_404 = arith.subf %add3A_403, %scan3A_399#2 : vector<16xf32>
      %sub3A_405 = arith.subf %sub3A_404, %scan3A_399#3 : vector<16xf32>
      %mul3A_406 = arith.constant 16 : i32
      %mul3A_407 = arith.muli %scan3A_16, %mul3A_406 : i32
      %add3A_408 = arith.constant 12 : i32
      %add3A_409 = arith.addi %mul3A_407, %add3A_408 : i32
      %add3A_410 = arith.constant 2 : i32
      %add3A_411 = arith.addi %add3A_409, %add3A_410 : i32
      %mul3A_412 = arith.constant 16 : i32
      %mul3A_413 = arith.muli %add3A_411, %mul3A_412 : i32
      %swap3A_414 = arith.index_cast %mul3A_413 : i32 to index
      %swap3A_415 = tpu.vector_load %arg7[%swap3A_414] {strides = array<i32>} : memref<2048xf32, #tpu.memory_space<vmem>>, vector<16xf32>,
      tpu.vector_store %arg7[%swap3A_414], %sub3A_405 {strides = array<i32>} : memref<2048xf32, #tpu.memory_space<vmem>>, vector<16xf32>,
      %broadcast_in_dim3A_416 = arith.constant 0.000000e+00 : f32
      %broadcast_in_dim3A_417 = vector.broadcast %broadcast_in_dim3A_416 : f32 to vector<16xf32>
      %scan3A_418 = arith.constant 0 : i32
      %scan3A_419 = arith.constant 26 : i32
      %scan3A_420 = arith.addi %scan3A_418, %scan3A_419 : i32
      %scan3A_421 = arith.constant 1 : i32
      %scan3A_422:4 = scf.for %scan3A_440 = %scan3A_418 to %scan3A_420 step %scan3A_421 iter_args(%scan3A_441 = %broadcast_in_dim3A_417, %scan3A_442 = %broadcast_in_dim3A_417, %scan3A_443 = %broadcast_in_dim3A_417, %scan3A_444 = %broadcast_in_dim3A_417) -> (vector<16xf32>, vector<16xf32>, vector<16xf32>, vector<16xf32>)  : i32 {
        %mul3A_445 = arith.constant 16 : i32
        %mul3A_446 = arith.muli %scan3A_16, %mul3A_445 : i32
        %get3A = arith.index_cast %scan3A_440 : i32 to index
        %get3A_447 = arith.index_cast %mul3A_446 : i32 to index
        %get3A_448 = tpu.vector_load %arg5[%get3A, %get3A_447] {strides = array<i32>} : memref<26x128xi32, #tpu.memory_space<vmem>>, vector<16xi32>,
        %slice3A = vector.extract_strided_slice %get3A_448 {offsets = [15], sizes = [1], strides = [1]} : vector<16xi32> to vector<1xi32>
        %squeeze3A = vector.extract %slice3A[0] : i32 from vector<1xi32>
        %and3A = arith.constant 7 : i32
        %and3A_449 = arith.andi %squeeze3A, %and3A : i32
        %mul3A_450 = arith.constant 4 : i32
        %mul3A_451 = arith.muli %scan3A_440, %mul3A_450 : i32
        %add3A_452 = arith.constant 3 : i32
        %add3A_453 = arith.addi %mul3A_451, %add3A_452 : i32
        %get3A_454 = arith.index_cast %add3A_453 : i32 to index
        %get3A_455 = arith.index_cast %and3A_449 : i32 to index
        %get3A_456 = arith.constant 0 : index
        %get3A_457 = tpu.vector_load %arg6[%get3A_454, %get3A_455, %get3A_456] {strides = array<i32>} : memref<104x8x32xf32, #tpu.memory_space<vmem>>, vector<16xf32>,
        %mul3A_458 = arith.constant 4 : i32
        %mul3A_459 = arith.muli %scan3A_440, %mul3A_458 : i32
        %add3A_460 = arith.constant 3 : i32
        %add3A_461 = arith.addi %mul3A_459, %add3A_460 : i32
        %get3A_462 = arith.index_cast %add3A_461 : i32 to index
        %get3A_463 = arith.index_cast %and3A_449 : i32 to index
        %get3A_464 = arith.constant 16 : index
        %get3A_465 = tpu.vector_load %arg6[%get3A_462, %get3A_463, %get3A_464] {strides = array<i32>} : memref<104x8x32xf32, #tpu.memory_space<vmem>>, vector<16xf32>,
        %add3A_466 = arith.addf %scan3A_441, %get3A_457 : vector<16xf32>
        %add3A_467 = arith.addf %scan3A_442, %get3A_465 : vector<16xf32>
        %mul3A_468 = arith.mulf %get3A_457, %get3A_457 : vector<16xf32>
        %add3A_469 = arith.addf %scan3A_443, %mul3A_468 : vector<16xf32>
        %mul3A_470 = arith.mulf %get3A_465, %get3A_465 : vector<16xf32>
        %add3A_471 = arith.addf %scan3A_444, %mul3A_470 : vector<16xf32>
        scf.yield %add3A_466, %add3A_467, %add3A_469, %add3A_471 : vector<16xf32>, vector<16xf32>, vector<16xf32>, vector<16xf32>
      }
      %scan3A_423 = arith.constant 26 : i32
      %mul3A_424 = arith.mulf %scan3A_422#0, %scan3A_422#0 : vector<16xf32>
      %mul3A_425 = arith.mulf %scan3A_422#1, %scan3A_422#1 : vector<16xf32>
      %add3A_426 = arith.addf %mul3A_424, %mul3A_425 : vector<16xf32>
      %sub3A_427 = arith.subf %add3A_426, %scan3A_422#2 : vector<16xf32>
      %sub3A_428 = arith.subf %sub3A_427, %scan3A_422#3 : vector<16xf32>
      %mul3A_429 = arith.constant 16 : i32
      %mul3A_430 = arith.muli %scan3A_16, %mul3A_429 : i32
      %add3A_431 = arith.constant 12 : i32
      %add3A_432 = arith.addi %mul3A_430, %add3A_431 : i32
      %add3A_433 = arith.constant 3 : i32
      %add3A_434 = arith.addi %add3A_432, %add3A_433 : i32
      %mul3A_435 = arith.constant 16 : i32
      %mul3A_436 = arith.muli %add3A_434, %mul3A_435 : i32
      %swap3A_437 = arith.index_cast %mul3A_436 : i32 to index
      %swap3A_438 = tpu.vector_load %arg7[%swap3A_437] {strides = array<i32>} : memref<2048xf32, #tpu.memory_space<vmem>>, vector<16xf32>,
      tpu.vector_store %arg7[%swap3A_437], %sub3A_428 {strides = array<i32>} : memref<2048xf32, #tpu.memory_space<vmem>>, vector<16xf32>,
      %scan3A_439 = arith.constant 0 : i32
      scf.yield %scan3A_439 : i32
    }
    %scan3A_6 = arith.constant 8 : i32
    %iota3A = tpu.iota {dimensions = array<i32: 0>} : vector<16xi32>
    %scan3A_7 = arith.constant 0 : i32
    %scan3A_8 = arith.constant 0 : i32
    %scan3A_9 = arith.constant 8 : i32
    %scan3A_10 = arith.addi %scan3A_8, %scan3A_9 : i32
    %scan3A_11 = arith.constant 1 : i32
    %scan3A_12 = scf.for %scan3A_16 = %scan3A_8 to %scan3A_10 step %scan3A_11 iter_args(%scan3A_17 = %scan3A_7) -> (i32)  : i32 {
      %mul3A_18 = arith.constant 256 : i32
      %mul3A_19 = arith.muli %scan3A_16, %mul3A_18 : i32
      %mul3A_20 = arith.constant 16 : i32
      %mul3A_21 = vector.broadcast %mul3A_20 : i32 to vector<16xi32>
      %mul3A_22 = arith.muli %iota3A, %mul3A_21 : vector<16xi32>
      %add3A_23 = vector.broadcast %mul3A_19 : i32 to vector<16xi32>
      %add3A_24 = arith.addi %add3A_23, %mul3A_22 : vector<16xi32>
      %broadcast_in_dim3A = arith.constant 0.000000e+00 : f32
      %broadcast_in_dim3A_25 = vector.broadcast %broadcast_in_dim3A : f32 to vector<16xf32>
      %scan3A_26 = arith.constant 0 : i32
      %scan3A_27 = arith.constant 16 : i32
      %scan3A_28 = arith.addi %scan3A_26, %scan3A_27 : i32
      %scan3A_29 = arith.constant 1 : i32
      %scan3A_30 = scf.for %scan3A_39 = %scan3A_26 to %scan3A_28 step %scan3A_29 iter_args(%scan3A_40 = %broadcast_in_dim3A_25) -> (vector<16xf32>)  : i32 {
        %add3A_41 = vector.broadcast %scan3A_39 : i32 to vector<16xi32>
        %add3A_42 = arith.addi %add3A_24, %add3A_41 : vector<16xi32>
        %gather3A = tpu.vector_load_idx %arg7[%add3A_42] : memref<2048xf32, #tpu.memory_space<vmem>>[vector<16xi32>], vector<16xf32>,
        %add3A_43 = arith.addf %scan3A_40, %gather3A : vector<16xf32>
        scf.yield %add3A_43 : vector<16xf32>
      }
      %scan3A_31 = arith.constant 16 : i32
      %mul3A_32 = arith.constant 5.000000e-01 : f32
      %mul3A_33 = vector.broadcast %mul3A_32 : f32 to vector<16xf32>
      %mul3A_34 = arith.mulf %mul3A_33, %scan3A_30 : vector<16xf32>
      %mul3A_35 = arith.constant 16 : i32
      %mul3A_36 = arith.muli %scan3A_16, %mul3A_35 : i32
      %swap3A = arith.index_cast %mul3A_36 : i32 to index
      %swap3A_37 = tpu.vector_load %arg8[%swap3A] {strides = array<i32>} : memref<128xf32, #tpu.memory_space<vmem>>, vector<16xf32>,
      tpu.vector_store %arg8[%swap3A], %mul3A_34 {strides = array<i32>} : memref<128xf32, #tpu.memory_space<vmem>>, vector<16xf32>,
      %scan3A_38 = arith.constant 0 : i32
      scf.yield %scan3A_38 : i32
    }
    %scan3A_13 = arith.constant 8 : i32
    %mul3A_14 = arith.constant 128 : i32
    %mul3A_15 = arith.muli %add3A, %mul3A_14 : i32
    "tpu.region"() ({
      %run_scoped3A = tpu.sem_alloc : memref<!tpu.dma_semaphore, #tpu.memory_space<semaphore_mem>>
      %dma_start3A = tpu.memref_slice %arg4[%mul3A_15] : memref<4096xf32, #tpu.memory_space<hbm>> -> memref<128xf32, #tpu.memory_space<hbm>>
      %dma_start3A_16 = tpu.memref_slice %arg4[%mul3A_15] : memref<4096xf32, #tpu.memory_space<hbm>> -> memref<128xf32, #tpu.memory_space<hbm>>
      tpu.enqueue_dma source(%arg8 : memref<128xf32, #tpu.memory_space<vmem>>) target(%dma_start3A_16 : memref<128xf32, #tpu.memory_space<hbm>>) target_semaphore(%run_scoped3A : memref<!tpu.dma_semaphore, #tpu.memory_space<semaphore_mem>>)
      %dma_wait3A = tpu.memref_slice %arg4[%mul3A_15] : memref<4096xf32, #tpu.memory_space<hbm>> -> memref<128xf32, #tpu.memory_space<hbm>>
      %dma_wait3A_17 = tpu.memref_slice %arg4[%mul3A_15] : memref<4096xf32, #tpu.memory_space<hbm>> -> memref<128xf32, #tpu.memory_space<hbm>>
      tpu.wait_dma2 semaphore(%run_scoped3A : memref<!tpu.dma_semaphore, #tpu.memory_space<semaphore_mem>>) src(%arg8 : memref<128xf32, #tpu.memory_space<vmem>>) dst(%dma_wait3A_17 : memref<128xf32, #tpu.memory_space<hbm>>)
      tpu.yield
    }) : () -> ()
    return
  }
}

module attributes {stable_mosaic.version = 14 : i64} {
  func.func @body(%arg0: i32, %arg1: memref<512x1xf32, #tpu.memory_space<vmem>>, %arg2: memref<1x4096xf32, #tpu.memory_space<vmem>>, %arg3: memref<1x1xf32, #tpu.memory_space<smem>>, %arg4: memref<512x4096xf32, #tpu.memory_space<vmem>>) attributes {dimension_semantics = [#tpu.dimension_semantics<arbitrary>], iteration_bounds = array<i64: 8>, scalar_prefetch = 0 : i64, scratch_operands = 0 : i64, tpu.core_type = #tpu.core_type<tc>, window_params = [{transform_indices = @transform_0, window_bounds = array<i64: 512, 1>}, {pipeline_mode = #tpu.pipeline_mode<synchronous>, transform_indices = @transform_1, window_bounds = array<i64: 1, 4096>}, {transform_indices = @transform_2, window_bounds = array<i64: 1, 1>}, {transform_indices = @transform_3, window_bounds = array<i64: 512, 4096>}]} {
    %get3A = arith.constant 0 : index
    %get3A_0 = arith.constant 0 : index
    %get3A_1 = vector.load %arg1[%get3A, %get3A_0] : memref<512x1xf32, #tpu.memory_space<vmem>>, vector<512x1xf32>
    %get3A_2 = arith.constant 0 : index
    %get3A_3 = arith.constant 0 : index
    %get3A_4 = vector.load %arg2[%get3A_2, %get3A_3] : memref<1x4096xf32, #tpu.memory_space<vmem>>, vector<1x4096xf32>
    %add3A = vector.broadcast %get3A_1 : vector<512x1xf32> to vector<512x4096xf32>
    %add3A_5 = vector.broadcast %get3A_4 : vector<1x4096xf32> to vector<512x4096xf32>
    %add3A_6 = arith.addf %add3A, %add3A_5 : vector<512x4096xf32>
    %get3A_7 = arith.constant 0 : index
    %get3A_8 = arith.constant 0 : index
    %get3A_9 = memref.load %arg3[%get3A_7, %get3A_8] : memref<1x1xf32, #tpu.memory_space<smem>>
    %add3A_10 = vector.broadcast %get3A_9 : f32 to vector<512x4096xf32>
    %add3A_11 = arith.addf %add3A_6, %add3A_10 : vector<512x4096xf32>
    %swap3A = arith.constant 0 : index
    %swap3A_12 = arith.constant 0 : index
    %swap3A_13 = vector.load %arg4[%swap3A, %swap3A_12] : memref<512x4096xf32, #tpu.memory_space<vmem>>, vector<512x4096xf32>
    tpu.vector_store %arg4[%swap3A, %swap3A_12], %add3A_11 {strides = array<i32>} : memref<512x4096xf32, #tpu.memory_space<vmem>>, vector<512x4096xf32>,
    return
  }
  func.func @transform_0(%arg0: i32) -> (i32, i32) {
    %c0_i32 = arith.constant 0 : i32
    %c0_i32_0 = arith.constant 0 : i32
    return %arg0, %c0_i32 : i32, i32
  }
  func.func @transform_1(%arg0: i32) -> (i32, i32) {
    %c0_i32 = arith.constant 0 : i32
    %c0_i32_0 = arith.constant 0 : i32
    %c0_i32_1 = arith.constant 0 : i32
    return %c0_i32, %c0_i32_0 : i32, i32
  }
  func.func @transform_2(%arg0: i32) -> (i32, i32) {
    %c0_i32 = arith.constant 0 : i32
    %c0_i32_0 = arith.constant 0 : i32
    %c0_i32_1 = arith.constant 0 : i32
    return %c0_i32, %c0_i32_0 : i32, i32
  }
  func.func @transform_3(%arg0: i32) -> (i32, i32) {
    %c0_i32 = arith.constant 0 : i32
    %c0_i32_0 = arith.constant 0 : i32
    return %arg0, %c0_i32 : i32, i32
  }
}

</mosaic_0001>

<sc_bundles>
// kernel: kernel.5.cloned.1.call-start
scs
__scs_entry_jumppad:
0x0: {  	(pc) =	sbr.rel $0x88, $3  }
0x1: {  	(tag) =	ssettag $0x0;
	lr =	simm.s32 $0x1  }
0x2: {  	[smem:$0x3F9D] =	sst lr;
	_ =	strace $0xD0000000  }
0x3: {  	_ = 	snop  }
0x4: {  	_ = 	snop  }
0x5: {  	_ = 	snop  }
0x6: {  	_ = 	snop  }
0x7: {  	_ = 	snop  }
__scs_overlays_trampoline_lowered:
0x8: {  	[smem:$0x3FAC] =	sst s0  }
0x9: {  	[smem:$0x3FAD] =	sst s1  }
0xa: {  	[smem:$0x3FAE] =	sst s2  }
0xb: {  	[smem:$0x3FAF] =	sst s3  }
0xc: {  	[smem:$0x3FB0] =	sst s4  }
0xd: {  	[smem:$0x3FB1] =	sst s5  }
0xe: {  	[smem:$0x3FB2] =	sst s6  }
0xf: {  	[smem:$0x3FB3] =	sst s7  }
0x10: {  	[smem:$0x3FB4] =	sst s8  }
0x11: {  	[smem:$0x3FB5] =	sst s9;
	s0 =	simm.s32 @!p0 $0x0  }
0x12: {  	s1 =	sld [smem:$0x3F9B];
	s0 =	simm.s32 @p0 $0x1  }
0x13: {  	[smem:$0x3FB6] =	sst s0;
	s0 =	simm.s32 @!p1 $0x0  }
0x14: {  	s2 =	sld [smem:$0x3F9A];
	s0 =	simm.s32 @p1 $0x1  }
0x15: {  	[smem:$0x3FB7] =	sst s0;
	s0 =	simm.s32 @!p2 $0x0  }
0x16: {  	s3 =	sld [smem:$0x3FDB];
	s0 =	simm.s32 @p2 $0x1  }
0x17: {  	s4 =	simm.s32 $0x1BF5;
	[smem:$0x3FB9] =	sst s0  }
0x18: {  	s0 =	sld [smem:$0x3F9C];
	_ =	swait.ge [sflag:s4], $0x0  }
0x19: {  	s7 =	sld [smem:$0x3F9D]  }
0x1a: {  	s8 =	sadd.s32 $0xFFFFE003, lr  }
0x1b: {  	s9 =	sadd.s32 $0xFFFFFEF7, lr;
	s5 =	simm.s32 $0xFFFFFFFF;
	p2 =	slt.u32 s8, $0xFFFFF086  }
0x1c: {  	p1 =	slt.u32 s9, $0xF7A;
	s5 =	simm.s32 @!p2 $0x0  }
0x1d: {  	s5 =	simm.s32 @p1 $0x1;
	p0 =	seq.s32 s7, s2  }
0x1e: {  	s7 =	smul.u32 @!p0 $0xF7A, s2;
	p2 =	seq.s32 @!p0 s5, $0x0  }
0x1f: {  	s9 =	smul.u32 $0xF7A, s1;
	s8 =	simm.s32 @!p0 $0x1BF5;
	p2 =	por !p2, p0  }
0x20: {  	[sflag:s8] =	ssyncset.s32 @!p0 $0xFFFFF086;
	s6 =	sadd.s32 @!p0 s3, s7;
	s7 =	simm.s32 @!p0 $0x108  }
0x21: {  	s3 =	sadd.s32 s3, s9;
	s6 =	sadd.s32 @!p0 $0x88, s6;
	s7 =	simm.s32 @p2 $0x1082  }
0x22: {  	[simem:s7], [sflag:s8] =	dma.local @!p0 [hbm:s6], $0xF7A  }
0x23: {  	s9 =	sor.u32 $0xD0000000, s2;
	s6 =	simm.s32 $0x108;
	_ =	swait.ge @!p0 [sflag:s8], $0x0  }
0x24: {  	s3 =	sadd.s32 $0x88, s3;
	s6 =	simm.s32 @!p1 $0x1082;
	[sflag:s4] =	ssyncset.s32 $0xFFFFF086  }
0x25: {  	[simem:s6], [sflag:s4] =	dma.local [hbm:s3], $0xF7A  }
0x26: {  	[smem:$0x3F9D] =	sst s1;
	(tag) =	ssettag s2;
	_ =	strace s9  }
0x27: {  	s1 =	sld [smem:$0x3FAD]  }
0x28: {  	s2 =	sld [smem:$0x3FAE]  }
0x29: {  	s4 =	sld [smem:$0x3FB0]  }
0x2a: {  	p0 =	seq.s32 s5, $0x0;
	s5 =	sld [smem:$0x3FB1]  }
0x2b: {  	s6 =	sld [smem:$0x3FB2]  }
0x2c: {  	s7 =	sld [smem:$0x3FB3]  }
0x2d: {  	s3 =	simm.s32 $0x108;
	s8 =	sld [smem:$0x3FB4]  }
0x2e: {  	s3 =	simm.s32 @!p0 $0x1082;
	s9 =	sld [smem:$0x3FB5]  }
0x2f: {  	lr =	sadd.s32 s0, s3;
	s0 =	sld [smem:$0x3FAC]  }
0x30: {  	s3 =	sld [smem:$0x3FAF]  }
0x31: {  	[smem:$0x3FB8] =	sst s10  }
0x32: {  	s10 =	sld [smem:$0x3FB6];
	_ =	sdelay $0x3  }
0x33: {  	p0 =	seq.s32 s10, $0x1;
	s10 =	sld [smem:$0x3FB8];
	_ =	sdelay $0x3  }
0x34: {  	[smem:$0x3FB8] =	sst s10  }
0x35: {  	s10 =	sld [smem:$0x3FB7];
	_ =	sdelay $0x3  }
0x36: {  	p1 =	seq.s32 s10, $0x1;
	s10 =	sld [smem:$0x3FB8];
	_ =	sdelay $0x3  }
0x37: {  	[smem:$0x3FB8] =	sst s10  }
0x38: {  	s10 =	sld [smem:$0x3FB9]  }
0x39: {  	_ = 	snop;
	(pc) =	sbr.ind lr, $3  }
0x3a: {  	_ = 	snop  }
0x3b: {  	_ = 	snop  }
0x3c: {  	p2 =	seq.s32 s10, $0x1;
	s10 =	sld [smem:$0x3FB8]  }
0x3d: {  	_ =	shalt  }
0x3e: {  	_ =	shalt  }
0x3f: {  	_ =	shalt  }
0x40: {  	_ =	shalt  }
0x41: {  	_ =	shalt  }
0x42: {  	_ =	shalt  }
0x43: {  	_ =	shalt  }
0x44: {  	_ =	shalt  }
0x45: {  	_ =	shalt  }
0x46: {  	_ =	shalt  }
0x47: {  	_ =	shalt  }
0x48: {  	_ =	shalt  }
0x49: {  	_ =	shalt  }
0x4a: {  	_ =	shalt  }
0x4b: {  	_ =	shalt  }
0x4c: {  	_ =	shalt  }
0x4d: {  	_ =	shalt  }
0x4e: {  	_ =	shalt  }
0x4f: {  	_ =	shalt  }
0x50: {  	_ =	shalt  }
0x51: {  	_ =	shalt  }
0x52: {  	_ =	shalt  }
0x53: {  	_ =	shalt  }
0x54: {  	_ =	shalt  }
0x55: {  	_ =	shalt  }
0x56: {  	_ =	shalt  }
0x57: {  	_ =	shalt  }
0x58: {  	_ =	shalt  }
0x59: {  	_ =	shalt  }
0x5a: {  	_ =	shalt  }
0x5b: {  	_ =	shalt  }
0x5c: {  	_ =	shalt  }
0x5d: {  	_ =	shalt  }
0x5e: {  	_ =	shalt  }
0x5f: {  	_ =	shalt  }
0x60: {  	_ =	shalt  }
0x61: {  	_ =	shalt  }
0x62: {  	_ =	shalt  }
0x63: {  	_ =	shalt  }
0x64: {  	_ =	shalt  }
0x65: {  	_ =	shalt  }
0x66: {  	_ =	shalt  }
0x67: {  	_ =	shalt  }
0x68: {  	_ =	shalt  }
0x69: {  	_ =	shalt  }
0x6a: {  	_ =	shalt  }
0x6b: {  	_ =	shalt  }
0x6c: {  	_ =	shalt  }
0x6d: {  	_ =	shalt  }
0x6e: {  	_ =	shalt  }
0x6f: {  	_ =	shalt  }
0x70: {  	_ =	shalt  }
0x71: {  	_ =	shalt  }
0x72: {  	_ =	shalt  }
0x73: {  	_ =	shalt  }
0x74: {  	_ =	shalt  }
0x75: {  	_ =	shalt  }
0x76: {  	_ =	shalt  }
0x77: {  	_ =	shalt  }
0x78: {  	_ =	shalt  }
0x79: {  	_ =	shalt  }
0x7a: {  	_ =	shalt  }
0x7b: {  	_ =	shalt  }
0x7c: {  	_ =	shalt  }
0x7d: {  	_ =	shalt  }
0x7e: {  	_ =	shalt  }
0x7f: {  	_ =	shalt  }
0x80: {  	_ =	shalt  }
0x81: {  	_ =	shalt  }
0x82: {  	_ =	shalt  }
0x83: {  	_ =	shalt  }
0x84: {  	_ =	shalt  }
0x85: {  	_ =	shalt  }
0x86: {  	_ =	shalt  }
0x87: {  	_ =	shalt  }
.Lfunc_end0:
.L_simem_size_0:
called_computation_lowered:
.L_overlay_start_0:
0x88: {  	s2 =	sld [smem:$0x3FD9]  }
0x89: {  	s3 =	sld [smem:$0x3FFE];
	_ =	sdelay $0x1  }
0x8a: {  	s1 =	srdreg.scid  }
0x8b: {  	s0 =	sand.u32 $0x1, s1  }
0x8c: {  	s17 =	sshll.u32 s0, $0xA;
	s2 =	sadd.s32 s3, s2  }
0x8d: {  	s2 =	sadd.s32 s2, s17  }
0x8e: {  	[smem:$0x3FC4] =	sst s2  }
0x8f: {  	_ = 	snop  }
0x90: {  	(tm) =	ssettm $0x1  }
0x91: {  	s18 =	sld [smem:$0x3FFB];
	_ =	sdelay $0x3  }
0x92: {  	_ =	strace s18  }
0x93: {  	s2 =	sld [smem:$0x3FFC];
	_ =	sdelay $0x3  }
0x94: {  	_ =	strace s2  }
0x95: {  	s2 =	sld [smem:$0x3FFD];
	_ =	sdelay $0x3  }
0x96: {  	_ =	strace s2  }
0x97: {  	_ =	strace $0x8FFFFFFF  }
0x98: {  	s19 =	sld [smem:$0x3FDB];
	_ =	sdelay $0x1  }
0x99: {  	s20 =	simm.s32 $_scs_section_size  }
0x9a: {  	s4 =	simm.s32 $_size__tile_overlayer_lowered;
	s5 =	simm.s32 $_tile_overlayer_lowered  }
0x9b: {  	s6 =	simm.s32 $0x1BFF;
	s21 =	sshll.u32 s5, $0x1;
	s3 =	sadd.s32 s20, s19  }
0x9c: {  	s22 =	simm.s32 $0x0;
	s4 =	sshll.u32 s4, $0x1;
	s5 =	sadd.s32 s21, s3  }
0x9d: {  	[timem:s22], [sflag:s6] =	dma.local [hbm:s5], s4  }
0x9e: {  	_ =	swait.ge [sflag:s6], s4  }
0x9f: {  	s4 =	ssub.s32 $0x0, s4;
	[sflag:s6] =	ssyncset.done $0x0  }
0xa0: {  	[sflag:s6] =	ssyncadd.s32 s4;
	_ =	sdelay $0x1  }
0xa1: {  	s23 =	simm.s32 $0x1B8B  }
0xa2: {  	_ =	swait.ge [sflag:s23], $0x1  }
0xa3: {  	[sflag:s23] =	ssyncset.done $0x0  }
0xa4: {  	[sflag:s23] =	ssyncadd.s32 $0xFFFFFFFF  }
0xa5: {  	s4 =	sld [smem:$0x0]  }
0xa6: {  	s5 =	sand.u32 $0xFFFFFFFE, s1  }
0xa7: {  	p0 =	sne.s32 s1, s5  }
0xa8: {  	s5 =	sshll.u32 @p0 s5, $0xE  }
0xa9: {  	s5 =	sadd.s32 @p0 $0x11B8D, s5;
	s6 =	sshll.u32 @p0 s4, $0x11  }
0xaa: {  	s5 =	sor.u32 @p0 s6, s5  }
0xab: {  	[sflag:s5] =	ssyncadd.remote.s32 @p0 $0x1;
	_ =	sdelay $0x1  }
0xac: {  	s5 =	simm.s32 @p0 $0x1B8D  }
0xad: {  	_ =	swait.eq @p0 [sflag:s5], $0x1  }
0xae: {  	[sflag:s5] =	ssyncadd.s32 @p0 $0xFFFFFFFF  }
0xaf: {  	s6 =	sshll.u32 @!p0 s1, $0xE  }
0xb0: {  	s6 =	sor.u32 @!p0 $0x4000, s6;
	s5 =	simm.s32 @!p0 $0x1B8D  }
0xb1: {  	s4 =	sshll.u32 @!p0 s4, $0x11;
	s6 =	sadd.s32 @!p0 $0x11B8D, s6;
	_ =	swait.eq @!p0 [sflag:s5], $0x1  }
0xb2: {  	s4 =	sor.u32 @!p0 s4, s6;
	[sflag:s5] =	ssyncadd.s32 @!p0 $0xFFFFFFFF  }
0xb3: {  	s25 =	simm.s32 $0x1B8E;
	s24 =	sld [smem:$0x3FFE];
	[sflag:s4] =	ssyncadd.remote.s32 @!p0 $0x1  }
0xb4: {  	s26 =	simm.s32 $execute0_lowered;
	[smem:$0x3FD2] =	sst s25  }
0xb5: {  	s5 =	sshll.u32 s26, $0x1;
	_ =	strace $0x80000049;
	[dreg:$0x1] =	wrdreg $0xFFFFFFFF  }
0xb6: {  	s28 =	simm.s32 $_size_execute0_lowered;
	s3 =	sadd.s32 s3, s5;
	[dreg:$0x0] =	wrdreg $0x0  }
0xb7: {  	s5 =	sshll.u32 s28, $0x1;
	[dreg:$0x2] =	wrdreg s3  }
0xb8: {  	[dreg:$0x3] =	wrdreg s5  }
0xb9: {  	[dreg:$0x4] =	wrdreg $0xC0  }
0xba: {  	_ =	task [dreg:s22], $0x5FFFF  }
0xbb: {  	[dreg:$0x1] =	wrdreg $0xFFFFFFFF  }
0xbc: {  	[dreg:$0x0] =	wrdreg $0x60  }
0xbd: {  	[dreg:$0x2] =	wrdreg s24  }
0xbe: {  	[dreg:$0x3] =	wrdreg $0x9  }
0xbf: {  	_ =	task.clear_ibuf [dreg:s22], $0x4FFFF;
	_ =	strace $0x90000049  }
0xc0: {  	s29 =	simm.s32 $0x9;
	_ =	strace $0x8000004B  }
0xc1: {  	_ =	swait.ge [sflag:s29], $0x1  }
0xc2: {  	[sflag:s29] =	ssyncadd.s32 $0xFFFFFFFF  }
0xc3: {  	_ =	strace $0x9000004B  }
0xc4: {  	_ =	sfence  }
0xc5: {  	s30 =	sld [smem:$0x0];
	_ =	sdelay $0x2  }
0xc6: {  	s31 =	sshll.u32 s1, $0xD;
	s1 =	sshrl.u32 s1, $0x2  }
0xc7: {  	s4 =	sand.u32 $0x4000, s31;
	s1 =	sadd.s32 s1, s30  }
0xc8: {  	s0 =	sor.u32 s4, s0;
	s1 =	sshll.u32 s1, $0x11  }
0xc9: {  	s0 =	sor.u32 s1, s0  }
0xca: {  	s0 =	sadd.s32 $0x8F2B, s0  }
0xcb: {  	[sflag:s0] =	ssyncadd.remote.s32 $0x1  }
0xcc: {  	_ =	sfence.sel $0xFFFF  }
0xcd: {  	[dreg:$0x0] =	wrdreg $0xFFFFFFFF;
	(pc) =	sbr.abs _section_cstart, $3  }
0xce: {  	[dreg:$0x1] =	wrdreg $0xFFFFFFFF  }
0xcf: {  	_ =	task.clear_ibuf [dreg:s22], $0x2FFFF;
	_ =	strace $0x9FFFFFFF  }
0xd0: {  	(tm) =	ssettm $0x7FFFFFFF  }
0xd1: {  	_ =	shalt  }
tec
execute0_lowered:
.L_overlay_start_1:
0x0: {  	(tag) =	ssettag $0x1  }
0x1: {  	s4 =	rddreg [dreg:$0x0];
	s1 =	srdreg.scid  }
0x2: {  	s0 =	rddreg [dreg:$0x1];
	s2 =	simm.s32 $0x0;
	s8 =	simm.s32 $0x1  }
0x3: {  	s9 =	simm.s32 $0x1B000;
	s10 =	simm.s32 $0x1B800;
	s3 =	sand.u32 $0x1, s1  }
0x4: {  	s1 =	stileid.u32;
	[smem:$0x7FF] =	sst s2;
	s5 =	sshll.u32 s3, $0x4  }
0x5: {  	s11 =	simm.s32 $0x0;
	_ =	strace $0x8000004A;
	s5 =	sor.u32 s1, s5  }
0x6: {  	s7 =	ssub.s32 $0x2, s3;
	s3 =	sadd.s32 $0x7E00, s4;
	s6 =	sshll.u32 s5, $0x9  }
0x7: {  	s31 =	sshrl.u32 s7, $0x1;
	s5 =	sshll.u32 s5, $0x4;
	s6 =	sadd.s32 s6, s4  }
0x8: {  	v0 =	vlaneseq.u32;
	s7 =	ssub.s32 s7, s31;
	s5 =	sadd.s32 s5, s4;
	s4 =	sadd.s32 $0x800, s6  }
0x9: {  	v0 =	vmul.u32 $0x10, v0;
	s5 =	sadd.s32 $0x27B4200, s5;
	s6 =	smax.u32 s7, $0x1;
	s7 =	simm.s32 $0x2  }
.LBB2_1:
0xa: {  	[tilespmem:s2], [sflag:$0x2] =	stream.linear.gather [hbm4b:s4+s2], $0xD00, $0x38;
	[tilespmem:$0x1B880] =	vst v63  }
0xb: {  	_ =	swait.ge [sflag:s7], $0xD00  }
0xc: {  	[sflag:s7] =	ssyncset.done $0x0  }
0xd: {  	s12 =	simm.s32 $0x0;
	s13 =	simm.s32 $0x0;
	[sflag:s7] =	ssyncadd.s32 $0xFFFFF300  }
.LBB2_2:
0xe: {  	v1 =	vmov s12;
	_ =	sdelay $0x3  }
0xf: {  	s14 =	simm.s32 $0x0  }
0x10: {  	v2 =	vld.idx.msk [tilespmem:v1+s14+$0x0 ss:$0x1], $0xffff;
	_ =	sdelay $0x4  }
0x11: {  	v2 =	vand.u32 $0xFFFFFFF8, v2  }
0x12: {  	v2 =	vshll.u32 v2, $0x4  }
0x13: {  	v2 =	vadd.s32 s3, v2  }
0x14: {  	(v2sf) =	vpush v2, $0x0;
	_ =	sdelay $0x1  }
0x15: {  	(v2sf) =	vpush v2, $0x1  }
0x16: {  	(v2sf) =	vpush v2, $0x2;
	_ =	sdelay $0x1  }
0x17: {  	(v2sf) =	vpush v2, $0x3;
	_ =	sdelay $0x9  }
0x18: {  	s26 =	simm.s32 $0x1000;
	s15 =	spop (v2sf)  }
0x19: {  	[tilespmem:s26], [sflag:$0x1] =	stream.linear.gather [hbm4b:s15+s2], $0x400, $0x38;
	[tilespmem:$0x1B880] =	vst v63  }
0x1a: {  	s28 =	simm.s32 $0x1400;
	s30 =	simm.s32 $0x1800;
	s29 =	spop (v2sf)  }
0x1b: {  	s17 =	simm.s32 $0x1C00;
	s16 =	simm.s32 $0x400;
	s31 =	spop (v2sf)  }
0x1c: {  	[tilespmem:s28], [sflag:$0x1] =	stream.linear.gather [hbm4b:s29+s2], $0x400, $0x38;
	[tilespmem:$0x1B880] =	vst v63  }
0x1d: {  	s14 =	simm.s32 $0x2C00;
	s15 =	simm.s32 $0x80;
	s18 =	spop (v2sf)  }
0x1e: {  	[tilespmem:s30], [sflag:$0x1] =	stream.linear.gather [hbm4b:s31+s2], $0x400, $0x38;
	[tilespmem:$0x1B880] =	vst v63  }
.LBB2_3:
0x1f: {  	[tilespmem:s17], [sflag:$0x1] =	stream.linear.gather [hbm4b:s18+s2], $0x400, $0x38;
	[tilespmem:$0x1B880] =	vst v63  }
0x20: {  	p0 =	sne.s32 s16, $0x3200;
	v2 =	vld.idx.msk [tilespmem:v1+s15+$0x0 ss:$0x1], $0xffff;
	s15 =	sshra.s32 s16, $0x2;
	s16 =	sadd.s32 $0x200, s16  }
0x21: {  	s17 =	smov.u32 s14;
	_ =	sdelay $0x4  }
0x22: {  	v2 =	vand.u32 $0xFFFFFFF8, v2  }
0x23: {  	v2 =	vshll.u32 v2, $0x4  }
0x24: {  	v2 =	vadd.s32 s3, v2  }
0x25: {  	(v2sf) =	vpush v2, $0x0;
	_ =	sdelay $0x1  }
0x26: {  	(v2sf) =	vpush v2, $0x1;
	_ =	sdelay $0x1  }
0x27: {  	(v2sf) =	vpush v2, $0x2;
	_ =	sdelay $0x1  }
0x28: {  	(v2sf) =	vpush v2, $0x3;
	_ =	sdelay $0x8  }
0x29: {  	s18 =	sadd.s32 $0xFFFFF400, s14;
	s19 =	spop (v2sf)  }
0x2a: {  	[tilespmem:s18], [sflag:$0x1] =	stream.linear.gather [hbm4b:s19+s2], $0x400, $0x38;
	[tilespmem:$0x1B880] =	vst v63  }
.Ltmp0:
0x2b: {  	s18 =	sadd.s32 $0xFFFFF800, s14;
	s19 =	spop (v2sf);
	(pc) =	sbr.rel @p0 .LBB2_3-.Ltmp0, $4  }
0x2c: {  	[tilespmem:s18], [sflag:$0x1] =	stream.linear.gather [hbm4b:s19+s2], $0x400, $0x38;
	[tilespmem:$0x1B880] =	vst v63  }
0x2d: {  	s18 =	sadd.s32 $0xFFFFFC00, s14;
	s19 =	spop (v2sf)  }
0x2e: {  	[tilespmem:s18], [sflag:$0x1] =	stream.linear.gather [hbm4b:s19+s2], $0x400, $0x38;
	[tilespmem:$0x1B880] =	vst v63  }
0x2f: {  	s14 =	sadd.s32 $0x1000, s14;
	s18 =	spop (v2sf)  }
0x30: {  	_ =	sdelay $0x2  }
0x31: {  	[tilespmem:s17], [sflag:$0x1] =	stream.linear.gather [hbm4b:s18+s2], $0x400, $0x38;
	[tilespmem:$0x1B880] =	vst v63  }
0x32: {  	v2 =	vld.idx.msk [tilespmem:v1+s15+$0x0 ss:$0x1], $0xffff;
	_ =	sdelay $0x4  }
0x33: {  	v2 =	vand.u32 $0xFFFFFFF8, v2  }
0x34: {  	v2 =	vshll.u32 v2, $0x4  }
0x35: {  	v2 =	vadd.s32 s3, v2  }
0x36: {  	(v2sf) =	vpush v2, $0x0;
	_ =	sdelay $0x1  }
0x37: {  	(v2sf) =	vpush v2, $0x1;
	_ =	sdelay $0x1  }
0x38: {  	(v2sf) =	vpush v2, $0x2;
	_ =	sdelay $0x1  }
0x39: {  	(v2sf) =	vpush v2, $0x3;
	_ =	sdelay $0x8  }
0x3a: {  	s25 =	sadd.s32 $0xFFFFF400, s14;
	s16 =	spop (v2sf)  }
0x3b: {  	[tilespmem:s25], [sflag:$0x1] =	stream.linear.gather [hbm4b:s16+s2], $0x400, $0x38;
	[tilespmem:$0x1B880] =	vst v63  }
0x3c: {  	s26 =	sadd.s32 $0xFFFFF800, s14;
	s28 =	spop (v2sf)  }
0x3d: {  	[tilespmem:s26], [sflag:$0x1] =	stream.linear.gather [hbm4b:s28+s2], $0x400, $0x38;
	[tilespmem:$0x1B880] =	vst v63  }
0x3e: {  	s29 =	sadd.s32 $0xFFFFFC00, s14;
	s30 =	spop (v2sf)  }
0x3f: {  	[tilespmem:s29], [sflag:$0x1] =	stream.linear.gather [hbm4b:s30+s2], $0x400, $0x38;
	[tilespmem:$0x1B880] =	vst v63  }
0x40: {  	s31 =	spop (v2sf)  }
0x41: {  	[tilespmem:s14], [sflag:$0x1] =	stream.linear.gather [hbm4b:s31+s2], $0x400, $0x38;
	[tilespmem:$0x1B880] =	vst v63  }
0x42: {  	_ =	swait.ge [sflag:s8], $0x400  }
0x43: {  	[sflag:s8] =	ssyncset.done $0x0  }
0x44: {  	[sflag:s8] =	ssyncadd.s32 $0xFFFFFC00  }
0x45: {  	_ =	swait.ge [sflag:s8], $0x400  }
0x46: {  	[sflag:s8] =	ssyncset.done $0x0  }
0x47: {  	[sflag:s8] =	ssyncadd.s32 $0xFFFFFC00  }
0x48: {  	_ =	swait.ge [sflag:s8], $0x400  }
0x49: {  	[sflag:s8] =	ssyncset.done $0x0  }
0x4a: {  	[sflag:s8] =	ssyncadd.s32 $0xFFFFFC00  }
0x4b: {  	_ =	swait.ge [sflag:s8], $0x400  }
0x4c: {  	s14 =	simm.s32 $0x19;
	[sflag:s8] =	ssyncset.done $0x0  }
.LBB2_5:
0x4d: {  	p0 =	sne.s32 s14, $0x1;
	s14 =	sadd.s32 $0xFFFFFFFF, s14;
	[sflag:s8] =	ssyncadd.s32 $0xFFFFFC00  }
0x4e: {  	_ =	swait.ge [sflag:s8], $0x400  }
0x4f: {  	[sflag:s8] =	ssyncset.done $0x0  }
0x50: {  	[sflag:s8] =	ssyncadd.s32 $0xFFFFFC00  }
0x51: {  	_ =	swait.ge [sflag:s8], $0x400  }
0x52: {  	[sflag:s8] =	ssyncset.done $0x0  }
0x53: {  	[sflag:s8] =	ssyncadd.s32 $0xFFFFFC00  }
.Ltmp1:
0x54: {  	_ =	swait.ge [sflag:s8], $0x400;
	(pc) =	sbr.rel @p0 .LBB2_5-.Ltmp1, $4  }
0x55: {  	[sflag:s8] =	ssyncset.done $0x0  }
0x56: {  	[sflag:s8] =	ssyncadd.s32 $0xFFFFFC00  }
0x57: {  	_ =	swait.ge [sflag:s8], $0x400  }
0x58: {  	[sflag:s8] =	ssyncset.done $0x0  }
0x59: {  	_ =	sdelay $0x2  }
0x5a: {  	[sflag:s8] =	ssyncadd.s32 $0xFFFFFC00;
	s14 =	simm.s32 $0x0  }
0x5b: {  	v2 =	vld.idx.msk [tilespmem:v1+s14+$0x0 ss:$0x1], $0xffff;
	_ =	sdelay $0x4  }
0x5c: {  	(v2sf) =	vpush v2, $0x0;
	_ =	sdelay $0x1  }
0x5d: {  	s28 =	simm.s32 $0x80  }
0x5e: {  	v3 =	vld.idx.msk [tilespmem:v1+s28+$0x0 ss:$0x1], $0xffff;
	_ =	sdelay $0x4  }
0x5f: {  	(v2sf) =	vpush v3, $0x0  }
0x60: {  	s29 =	simm.s32 $0x100  }
0x61: {  	s30 =	simm.s32 $0x180;
	v2 =	vld.idx.msk [tilespmem:v1+s29+$0x0 ss:$0x1], $0xffff  }
0x62: {  	v3 =	vld.idx.msk [tilespmem:v1+s30+$0x0 ss:$0x1], $0xffff;
	_ =	sdelay $0x3  }
0x63: {  	s31 =	spop (v2sf);
	(v2sf) =	vpush v2, $0x0  }
0x64: {  	(v2sf) =	vpush v3, $0x0;
	_ =	sdelay $0x2  }
0x65: {  	s14 =	sand.u32 $0x7, s31  }
0x66: {  	s15 =	simm.s32 $0x200;
	s14 =	sshll.u32 s14, $0x7  }
0x67: {  	v8 =	vld.idx.msk [tilespmem:v1+s15+$0x0 ss:$0x1], $0xffff;
	s16 =	sadd.s32 $0x1000, s14  }
0x68: {  	v5 =	vimm.f32 $0.0e+00;
	v4 =	vld [tilespmem:s16+$0x10]  }
0x69: {  	v7 =	vimm.f32 $0.0e+00;
	s15 =	simm.s32 $0xA00;
	v2 =	vimm.f32 $0.0e+00;
	v3 =	vimm.f32 $0.0e+00;
	s14 =	simm.s32 $0x1000;
	v6 =	vld [tilespmem:s16+$0x0];
	s16 =	spop (v2sf)  }
.LBB2_7:
0x6a: {  	s17 =	sshra.s32 s15, $0x2  }
0x6b: {  	s16 =	sand.u32 $0x7, s16;
	s14 =	sadd.s32 $0x1000, s14;
	p0 =	sne.s32 s15, $0x3200  }
.Ltmp2:
0x6c: {  	s15 =	sadd.s32 $0x200, s15;
	s16 =	sshll.u32 s16, $0x7;
	(pc) =	sbr.rel @p0 .LBB2_7-.Ltmp2, $4  }
0x6d: {  	(v2sf) =	vpush v8, $0x0;
	v8 =	vld.idx.msk [tilespmem:v1+s17+$0x0 ss:$0x1], $0xffff;
	s16 =	sadd.s32 s16, s14;
	v5 =	vadd.f32 v4, v5;
	v9 =	vmul.f32 v4, v4  }
0x6e: {  	v4 =	vld [tilespmem:s16+$0x10];
	v7 =	vadd.f32 v6, v7;
	v10 =	vmul.f32 v6, v6  }
0x6f: {  	v6 =	vld [tilespmem:s16+$0x0];
	v2 =	vadd.f32 v9, v2;
	_ =	sdelay $0x1  }
0x70: {  	s16 =	spop (v2sf);
	v3 =	vadd.f32 v10, v3  }
0x71: {  	(v2sf) =	vpush v8, $0x0;
	_ =	sdelay $0x9  }
0x72: {  	s15 =	sand.u32 $0x7, s16  }
0x73: {  	s14 =	sadd.s32 $0x1000, s14;
	s17 =	spop (v2sf);
	s15 =	sshll.u32 s15, $0x7  }
0x74: {  	s16 =	sand.u32 $0x7, s17;
	s15 =	sadd.s32 s15, s14  }
0x75: {  	s14 =	sadd.s32 $0x1000, s14;
	s16 =	sshll.u32 s16, $0x7;
	v8 =	vld [tilespmem:s15+$0x10];
	s17 =	spop (v2sf)  }
0x76: {  	v9 =	vld [tilespmem:s15+$0x0];
	s18 =	sadd.s32 s16, s14;
	s19 =	sand.u32 $0x7, s17  }
0x77: {  	s14 =	sadd.s32 $0x1000, s14;
	v10 =	vld [tilespmem:s18+$0x10];
	s16 =	sshll.u32 s19, $0x7;
	s20 =	spop (v2sf)  }
0x78: {  	v11 =	vld [tilespmem:s18+$0x0];
	s21 =	sadd.s32 s16, s14;
	s22 =	sand.u32 $0x7, s20  }
0x79: {  	v5 =	vadd.f32 v4, v5;
	v7 =	vadd.f32 v6, v7;
	s14 =	sadd.s32 $0x1000, s14;
	v12 =	vld [tilespmem:s21+$0x10];
	s16 =	sshll.u32 s22, $0x7  }
0x7a: {  	v4 =	vmul.f32 v4, v4;
	v6 =	vmul.f32 v6, v6;
	v13 =	vld [tilespmem:s21+$0x0];
	s14 =	sadd.s32 s16, s14  }
0x7b: {  	v5 =	vadd.f32 v8, v5;
	v7 =	vadd.f32 v9, v7;
	v14 =	vld [tilespmem:s14+$0x10]  }
0x7c: {  	v2 =	vadd.f32 v4, v2;
	v3 =	vadd.f32 v6, v3;
	v4 =	vmul.f32 v9, v9;
	v6 =	vld [tilespmem:s14+$0x0]  }
0x7d: {  	v5 =	vadd.f32 v10, v5;
	v7 =	vadd.f32 v11, v7  }
0x7e: {  	v3 =	vadd.f32 v4, v3;
	v4 =	vmul.f32 v8, v8;
	v8 =	vmul.f32 v11, v11  }
0x7f: {  	v5 =	vadd.f32 v12, v5;
	v7 =	vadd.f32 v13, v7  }
0x80: {  	v2 =	vadd.f32 v4, v2;
	v3 =	vadd.f32 v8, v3;
	v4 =	vmul.f32 v10, v10  }
0x81: {  	v8 =	vmul.f32 v13, v13;
	v5 =	vadd.f32 v14, v5;
	v7 =	vadd.f32 v6, v7  }
0x82: {  	v2 =	vadd.f32 v4, v2;
	v4 =	vmul.f32 v12, v12;
	v6 =	vmul.f32 v6, v6  }
0x83: {  	v3 =	vadd.f32 v8, v3;
	v7 =	vmul.f32 v7, v7;
	v5 =	vmul.f32 v5, v5  }
0x84: {  	v2 =	vadd.f32 v4, v2  }
0x85: {  	v4 =	vmul.f32 v14, v14;
	v3 =	vadd.f32 v6, v3;
	v5 =	vadd.f32 v5, v7;
	_ =	sdelay $0x1  }
0x86: {  	v2 =	vadd.f32 v4, v2;
	v3 =	vsub.f32 v5, v3;
	_ =	sdelay $0x1  }
0x87: {  	s23 =	sshll.u32 s13, $0x8;
	v2 =	vsub.f32 v3, v2  }
0x88: {  	s14 =	sand.u32 $0x3FFFFF00, s23  }
0x89: {  	s24 =	simm.s32 $0x0;
	[tilespmem:s14+$0x1B000] =	vst v2  }
0x8a: {  	v2 =	vld.idx.msk [tilespmem:v1+s24+$0x0 ss:$0x1], $0xffff;
	_ =	sdelay $0x4  }
0x8b: {  	(v2sf) =	vpush v2, $0x1  }
0x8c: {  	s25 =	simm.s32 $0x80  }
0x8d: {  	v3 =	vld.idx.msk [tilespmem:v1+s25+$0x0 ss:$0x1], $0xffff;
	_ =	sdelay $0x4  }
0x8e: {  	(v2sf) =	vpush v3, $0x1  }
0x8f: {  	s26 =	simm.s32 $0x100  }
0x90: {  	s28 =	simm.s32 $0x180;
	v2 =	vld.idx.msk [tilespmem:v1+s26+$0x0 ss:$0x1], $0xffff  }
0x91: {  	v3 =	vld.idx.msk [tilespmem:v1+s28+$0x0 ss:$0x1], $0xffff;
	_ =	sdelay $0x3  }
0x92: {  	(v2sf) =	vpush v2, $0x1  }
0x93: {  	s29 =	spop (v2sf);
	(v2sf) =	vpush v3, $0x1;
	_ =	sdelay $0x2  }
0x94: {  	s15 =	sand.u32 $0x7, s29  }
0x95: {  	s30 =	simm.s32 $0x200;
	s15 =	sshll.u32 s15, $0x7  }
0x96: {  	v8 =	vld.idx.msk [tilespmem:v1+s30+$0x0 ss:$0x1], $0xffff;
	s31 =	sadd.s32 $0x1000, s15  }
0x97: {  	v7 =	vimm.f32 $0.0e+00;
	v4 =	vld [tilespmem:s31+$0x410]  }
0x98: {  	s16 =	simm.s32 $0xA00;
	v5 =	vimm.f32 $0.0e+00;
	v2 =	vimm.f32 $0.0e+00;
	v3 =	vimm.f32 $0.0e+00;
	s17 =	spop (v2sf);
	s15 =	simm.s32 $0x1000;
	v6 =	vld [tilespmem:s31+$0x400]  }
.LBB2_9:
0x99: {  	s18 =	sshra.s32 s16, $0x2  }
0x9a: {  	s17 =	sand.u32 $0x7, s17;
	s15 =	sadd.s32 $0x1000, s15;
	p0 =	sne.s32 s16, $0x3200  }
.Ltmp3:
0x9b: {  	s16 =	sadd.s32 $0x200, s16;
	s17 =	sshll.u32 s17, $0x7;
	(pc) =	sbr.rel @p0 .LBB2_9-.Ltmp3, $4  }
0x9c: {  	(v2sf) =	vpush v8, $0x1;
	v8 =	vld.idx.msk [tilespmem:v1+s18+$0x0 ss:$0x1], $0xffff;
	s17 =	sadd.s32 s17, s15;
	v5 =	vadd.f32 v4, v5;
	v9 =	vmul.f32 v4, v4  }
0x9d: {  	v4 =	vld [tilespmem:s17+$0x410];
	v7 =	vadd.f32 v6, v7;
	v10 =	vmul.f32 v6, v6  }
0x9e: {  	v6 =	vld [tilespmem:s17+$0x400];
	v2 =	vadd.f32 v9, v2;
	_ =	sdelay $0x1  }
0x9f: {  	s17 =	spop (v2sf);
	v3 =	vadd.f32 v10, v3  }
0xa0: {  	(v2sf) =	vpush v8, $0x1;
	_ =	sdelay $0x9  }
0xa1: {  	s16 =	sand.u32 $0x7, s17  }
0xa2: {  	s15 =	sadd.s32 $0x1000, s15;
	s18 =	spop (v2sf);
	s16 =	sshll.u32 s16, $0x7  }
0xa3: {  	s17 =	sand.u32 $0x7, s18;
	s16 =	sadd.s32 s16, s15  }
0xa4: {  	s15 =	sadd.s32 $0x1000, s15;
	s17 =	sshll.u32 s17, $0x7;
	v8 =	vld [tilespmem:s16+$0x410];
	s18 =	spop (v2sf)  }
0xa5: {  	v9 =	vld [tilespmem:s16+$0x400];
	s19 =	sadd.s32 s17, s15;
	s20 =	sand.u32 $0x7, s18  }
0xa6: {  	s15 =	sadd.s32 $0x1000, s15;
	v10 =	vld [tilespmem:s19+$0x410];
	s17 =	sshll.u32 s20, $0x7;
	s21 =	spop (v2sf)  }
0xa7: {  	v11 =	vld [tilespmem:s19+$0x400];
	s22 =	sadd.s32 s17, s15;
	s23 =	sand.u32 $0x7, s21  }
0xa8: {  	v5 =	vadd.f32 v4, v5;
	v7 =	vadd.f32 v6, v7;
	s15 =	sadd.s32 $0x1000, s15;
	v12 =	vld [tilespmem:s22+$0x410];
	s17 =	sshll.u32 s23, $0x7  }
0xa9: {  	v4 =	vmul.f32 v4, v4;
	v6 =	vmul.f32 v6, v6;
	v13 =	vld [tilespmem:s22+$0x400];
	s15 =	sadd.s32 s17, s15  }
0xaa: {  	v5 =	vadd.f32 v8, v5;
	v7 =	vadd.f32 v9, v7;
	v14 =	vld [tilespmem:s15+$0x410]  }
0xab: {  	v2 =	vadd.f32 v4, v2;
	v3 =	vadd.f32 v6, v3;
	v4 =	vmul.f32 v9, v9;
	v6 =	vld [tilespmem:s15+$0x400]  }
0xac: {  	v5 =	vadd.f32 v10, v5;
	v7 =	vadd.f32 v11, v7  }
0xad: {  	v3 =	vadd.f32 v4, v3;
	v4 =	vmul.f32 v8, v8;
	v8 =	vmul.f32 v11, v11  }
0xae: {  	v5 =	vadd.f32 v12, v5;
	v7 =	vadd.f32 v13, v7  }
0xaf: {  	v2 =	vadd.f32 v4, v2;
	v3 =	vadd.f32 v8, v3;
	v4 =	vmul.f32 v10, v10  }
0xb0: {  	v8 =	vmul.f32 v13, v13;
	v5 =	vadd.f32 v14, v5;
	v7 =	vadd.f32 v6, v7  }
0xb1: {  	v2 =	vadd.f32 v4, v2;
	v4 =	vmul.f32 v12, v12;
	v6 =	vmul.f32 v6, v6  }
0xb2: {  	v3 =	vadd.f32 v8, v3;
	v7 =	vmul.f32 v7, v7;
	v5 =	vmul.f32 v5, v5  }
0xb3: {  	v2 =	vadd.f32 v4, v2  }
0xb4: {  	v4 =	vmul.f32 v14, v14;
	v3 =	vadd.f32 v6, v3;
	v5 =	vadd.f32 v5, v7;
	_ =	sdelay $0x1  }
0xb5: {  	v2 =	vadd.f32 v4, v2;
	v3 =	vsub.f32 v5, v3;
	_ =	sdelay $0x1  }
0xb6: {  	v2 =	vsub.f32 v3, v2;
	_ =	sdelay $0x1  }
0xb7: {  	s24 =	simm.s32 $0x0;
	[tilespmem:s14+$0x1B010] =	vst v2  }
0xb8: {  	v2 =	vld.idx.msk [tilespmem:v1+s24+$0x0 ss:$0x1], $0xffff;
	_ =	sdelay $0x4  }
0xb9: {  	(v2sf) =	vpush v2, $0x2  }
0xba: {  	s25 =	simm.s32 $0x80  }
0xbb: {  	v3 =	vld.idx.msk [tilespmem:v1+s25+$0x0 ss:$0x1], $0xffff;
	_ =	sdelay $0x4  }
0xbc: {  	(v2sf) =	vpush v3, $0x2  }
0xbd: {  	s26 =	simm.s32 $0x100  }
0xbe: {  	s28 =	simm.s32 $0x180;
	v2 =	vld.idx.msk [tilespmem:v1+s26+$0x0 ss:$0x1], $0xffff  }
0xbf: {  	v3 =	vld.idx.msk [tilespmem:v1+s28+$0x0 ss:$0x1], $0xffff;
	_ =	sdelay $0x3  }
0xc0: {  	(v2sf) =	vpush v2, $0x2  }
0xc1: {  	s29 =	spop (v2sf);
	(v2sf) =	vpush v3, $0x2;
	_ =	sdelay $0x2  }
0xc2: {  	s15 =	sand.u32 $0x7, s29  }
0xc3: {  	s30 =	simm.s32 $0x200;
	s15 =	sshll.u32 s15, $0x7  }
0xc4: {  	v8 =	vld.idx.msk [tilespmem:v1+s30+$0x0 ss:$0x1], $0xffff;
	s31 =	sadd.s32 $0x1000, s15  }
0xc5: {  	v7 =	vimm.f32 $0.0e+00;
	v4 =	vld [tilespmem:s31+$0x810]  }
0xc6: {  	s16 =	simm.s32 $0xA00;
	v5 =	vimm.f32 $0.0e+00;
	v2 =	vimm.f32 $0.0e+00;
	v3 =	vimm.f32 $0.0e+00;
	s17 =	spop (v2sf);
	s15 =	simm.s32 $0x1000;
	v6 =	vld [tilespmem:s31+$0x800]  }
.LBB2_11:
0xc7: {  	s18 =	sshra.s32 s16, $0x2  }
0xc8: {  	s17 =	sand.u32 $0x7, s17;
	s15 =	sadd.s32 $0x1000, s15;
	p0 =	sne.s32 s16, $0x3200  }
.Ltmp4:
0xc9: {  	s16 =	sadd.s32 $0x200, s16;
	s17 =	sshll.u32 s17, $0x7;
	(pc) =	sbr.rel @p0 .LBB2_11-.Ltmp4, $4  }
0xca: {  	(v2sf) =	vpush v8, $0x2;
	v8 =	vld.idx.msk [tilespmem:v1+s18+$0x0 ss:$0x1], $0xffff;
	s17 =	sadd.s32 s17, s15;
	v5 =	vadd.f32 v4, v5;
	v9 =	vmul.f32 v4, v4  }
0xcb: {  	v4 =	vld [tilespmem:s17+$0x810];
	v7 =	vadd.f32 v6, v7;
	v10 =	vmul.f32 v6, v6  }
0xcc: {  	v6 =	vld [tilespmem:s17+$0x800];
	v2 =	vadd.f32 v9, v2;
	_ =	sdelay $0x1  }
0xcd: {  	s17 =	spop (v2sf);
	v3 =	vadd.f32 v10, v3  }
0xce: {  	(v2sf) =	vpush v8, $0x2;
	_ =	sdelay $0x9  }
0xcf: {  	s16 =	sand.u32 $0x7, s17  }
0xd0: {  	s15 =	sadd.s32 $0x1000, s15;
	s18 =	spop (v2sf);
	s16 =	sshll.u32 s16, $0x7  }
0xd1: {  	s17 =	sand.u32 $0x7, s18;
	s16 =	sadd.s32 s16, s15  }
0xd2: {  	s15 =	sadd.s32 $0x1000, s15;
	s17 =	sshll.u32 s17, $0x7;
	v8 =	vld [tilespmem:s16+$0x810];
	s18 =	spop (v2sf)  }
0xd3: {  	v9 =	vld [tilespmem:s16+$0x800];
	s19 =	sadd.s32 s17, s15;
	s20 =	sand.u32 $0x7, s18  }
0xd4: {  	s15 =	sadd.s32 $0x1000, s15;
	v10 =	vld [tilespmem:s19+$0x810];
	s17 =	sshll.u32 s20, $0x7;
	s21 =	spop (v2sf)  }
0xd5: {  	v11 =	vld [tilespmem:s19+$0x800];
	s22 =	sadd.s32 s17, s15;
	s23 =	sand.u32 $0x7, s21  }
0xd6: {  	v5 =	vadd.f32 v4, v5;
	v7 =	vadd.f32 v6, v7;
	s15 =	sadd.s32 $0x1000, s15;
	v12 =	vld [tilespmem:s22+$0x810];
	s17 =	sshll.u32 s23, $0x7  }
0xd7: {  	v4 =	vmul.f32 v4, v4;
	v6 =	vmul.f32 v6, v6;
	v13 =	vld [tilespmem:s22+$0x800];
	s15 =	sadd.s32 s17, s15  }
0xd8: {  	v5 =	vadd.f32 v8, v5;
	v7 =	vadd.f32 v9, v7;
	v14 =	vld [tilespmem:s15+$0x810]  }
0xd9: {  	v2 =	vadd.f32 v4, v2;
	v3 =	vadd.f32 v6, v3;
	v4 =	vmul.f32 v9, v9;
	v6 =	vld [tilespmem:s15+$0x800]  }
0xda: {  	v5 =	vadd.f32 v10, v5;
	v7 =	vadd.f32 v11, v7  }
0xdb: {  	v3 =	vadd.f32 v4, v3;
	v4 =	vmul.f32 v8, v8;
	v8 =	vmul.f32 v11, v11  }
0xdc: {  	v5 =	vadd.f32 v12, v5;
	v7 =	vadd.f32 v13, v7  }
0xdd: {  	v2 =	vadd.f32 v4, v2;
	v3 =	vadd.f32 v8, v3;
	v4 =	vmul.f32 v10, v10  }
0xde: {  	v8 =	vmul.f32 v13, v13;
	v5 =	vadd.f32 v14, v5;
	v7 =	vadd.f32 v6, v7  }
0xdf: {  	v2 =	vadd.f32 v4, v2;
	v4 =	vmul.f32 v12, v12;
	v6 =	vmul.f32 v6, v6  }
0xe0: {  	v3 =	vadd.f32 v8, v3;
	v7 =	vmul.f32 v7, v7;
	v5 =	vmul.f32 v5, v5  }
0xe1: {  	v2 =	vadd.f32 v4, v2  }
0xe2: {  	v4 =	vmul.f32 v14, v14;
	v3 =	vadd.f32 v6, v3;
	v5 =	vadd.f32 v5, v7;
	_ =	sdelay $0x1  }
0xe3: {  	v2 =	vadd.f32 v4, v2;
	v3 =	vsub.f32 v5, v3;
	_ =	sdelay $0x1  }
0xe4: {  	v2 =	vsub.f32 v3, v2;
	_ =	sdelay $0x1  }
0xe5: {  	s24 =	simm.s32 $0x0;
	[tilespmem:s14+$0x1B020] =	vst v2  }
0xe6: {  	v2 =	vld.idx.msk [tilespmem:v1+s24+$0x0 ss:$0x1], $0xffff;
	_ =	sdelay $0x4  }
0xe7: {  	(v2sf) =	vpush v2, $0x3  }
0xe8: {  	s25 =	simm.s32 $0x80  }
0xe9: {  	v3 =	vld.idx.msk [tilespmem:v1+s25+$0x0 ss:$0x1], $0xffff;
	_ =	sdelay $0x4  }
0xea: {  	(v2sf) =	vpush v3, $0x3  }
0xeb: {  	s26 =	simm.s32 $0x100  }
0xec: {  	s28 =	simm.s32 $0x180;
	v2 =	vld.idx.msk [tilespmem:v1+s26+$0x0 ss:$0x1], $0xffff  }
0xed: {  	v3 =	vld.idx.msk [tilespmem:v1+s28+$0x0 ss:$0x1], $0xffff;
	_ =	sdelay $0x3  }
0xee: {  	(v2sf) =	vpush v2, $0x3  }
0xef: {  	s29 =	spop (v2sf);
	(v2sf) =	vpush v3, $0x3;
	_ =	sdelay $0x2  }
0xf0: {  	s15 =	sand.u32 $0x7, s29  }
0xf1: {  	s30 =	simm.s32 $0x200;
	s15 =	sshll.u32 s15, $0x7  }
0xf2: {  	v8 =	vld.idx.msk [tilespmem:v1+s30+$0x0 ss:$0x1], $0xffff;
	s31 =	sadd.s32 $0x1000, s15  }
0xf3: {  	v7 =	vimm.f32 $0.0e+00;
	v4 =	vld [tilespmem:s31+$0xC10]  }
0xf4: {  	s16 =	simm.s32 $0xA00;
	v5 =	vimm.f32 $0.0e+00;
	v2 =	vimm.f32 $0.0e+00;
	v3 =	vimm.f32 $0.0e+00;
	s17 =	spop (v2sf);
	s15 =	simm.s32 $0x1000;
	v6 =	vld [tilespmem:s31+$0xC00]  }
.LBB2_13:
0xf5: {  	s18 =	sshra.s32 s16, $0x2  }
0xf6: {  	s17 =	sand.u32 $0x7, s17;
	s15 =	sadd.s32 $0x1000, s15;
	p0 =	sne.s32 s16, $0x3200  }
.Ltmp5:
0xf7: {  	s16 =	sadd.s32 $0x200, s16;
	s17 =	sshll.u32 s17, $0x7;
	(pc) =	sbr.rel @p0 .LBB2_13-.Ltmp5, $4  }
0xf8: {  	(v2sf) =	vpush v8, $0x3;
	v8 =	vld.idx.msk [tilespmem:v1+s18+$0x0 ss:$0x1], $0xffff;
	s17 =	sadd.s32 s17, s15;
	v5 =	vadd.f32 v4, v5;
	v9 =	vmul.f32 v4, v4  }
0xf9: {  	v4 =	vld [tilespmem:s17+$0xC10];
	v7 =	vadd.f32 v6, v7;
	v10 =	vmul.f32 v6, v6  }
0xfa: {  	v6 =	vld [tilespmem:s17+$0xC00];
	v2 =	vadd.f32 v9, v2;
	_ =	sdelay $0x1  }
0xfb: {  	s17 =	spop (v2sf);
	v3 =	vadd.f32 v10, v3  }
0xfc: {  	(v2sf) =	vpush v8, $0x3;
	_ =	sdelay $0x9  }
0xfd: {  	s16 =	sand.u32 $0x7, s17  }
0xfe: {  	s15 =	sadd.s32 $0x1000, s15;
	s18 =	spop (v2sf);
	s16 =	sshll.u32 s16, $0x7  }
0xff: {  	s17 =	sand.u32 $0x7, s18;
	s16 =	sadd.s32 s16, s15  }
0x100: {  	s15 =	sadd.s32 $0x1000, s15;
	s17 =	sshll.u32 s17, $0x7;
	v53 =	vld [tilespmem:s16+$0xC10];
	s18 =	spop (v2sf)  }
0x101: {  	v9 =	vld [tilespmem:s16+$0xC00];
	s19 =	sadd.s32 s17, s15;
	s20 =	sand.u32 $0x7, s18  }
0x102: {  	s15 =	sadd.s32 $0x1000, s15;
	v10 =	vld [tilespmem:s19+$0xC10];
	s17 =	sshll.u32 s20, $0x7;
	s21 =	spop (v2sf)  }
0x103: {  	v11 =	vld [tilespmem:s19+$0xC00];
	s22 =	sadd.s32 s17, s15;
	s23 =	sand.u32 $0x7, s21  }
0x104: {  	v5 =	vadd.f32 v4, v5;
	v7 =	vadd.f32 v6, v7;
	s15 =	sadd.s32 $0x1000, s15;
	v12 =	vld [tilespmem:s22+$0xC10];
	s17 =	sshll.u32 s23, $0x7  }
0x105: {  	v54 =	vmul.f32 v4, v4;
	v55 =	vmul.f32 v6, v6;
	v13 =	vld [tilespmem:s22+$0xC00];
	s15 =	sadd.s32 s17, s15  }
0x106: {  	v5 =	vadd.f32 v53, v5;
	v7 =	vadd.f32 v9, v7;
	v14 =	vld [tilespmem:s15+$0xC10]  }
0x107: {  	v2 =	vadd.f32 v54, v2;
	v3 =	vadd.f32 v55, v3;
	v56 =	vmul.f32 v9, v9;
	v57 =	vld [tilespmem:s15+$0xC00]  }
0x108: {  	v5 =	vadd.f32 v10, v5;
	v7 =	vadd.f32 v11, v7  }
0x109: {  	v58 =	vmul.f32 v53, v53;
	v59 =	vmul.f32 v11, v11;
	v3 =	vadd.f32 v56, v3  }
0x10a: {  	v5 =	vadd.f32 v12, v5;
	v7 =	vadd.f32 v13, v7  }
0x10b: {  	v60 =	vmul.f32 v10, v10;
	v2 =	vadd.f32 v58, v2;
	v3 =	vadd.f32 v59, v3  }
0x10c: {  	v61 =	vmul.f32 v13, v13;
	v5 =	vadd.f32 v14, v5;
	v7 =	vadd.f32 v57, v7  }
0x10d: {  	v2 =	vadd.f32 v60, v2;
	v62 =	vmul.f32 v12, v12;
	v6 =	vmul.f32 v57, v57  }
0x10e: {  	v3 =	vadd.f32 v61, v3;
	v7 =	vmul.f32 v7, v7;
	v5 =	vmul.f32 v5, v5  }
0x10f: {  	v2 =	vadd.f32 v62, v2  }
0x110: {  	v63 =	vmul.f32 v14, v14;
	v3 =	vadd.f32 v6, v3;
	v5 =	vadd.f32 v5, v7;
	_ =	sdelay $0x1  }
0x111: {  	v2 =	vadd.f32 v63, v2;
	v3 =	vsub.f32 v5, v3;
	_ =	sdelay $0x1  }
0x112: {  	v2 =	vsub.f32 v3, v2;
	_ =	sdelay $0x1  }
0x113: {  	s24 =	simm.s32 $0x0;
	[tilespmem:s14+$0x1B030] =	vst v2  }
0x114: {  	v2 =	vld.idx.msk [tilespmem:v1+s24+$0x0 ss:$0x1], $0xffff;
	_ =	sdelay $0x4  }
0x115: {  	v2 =	vand.u32 $0xFFFFFFF8, v2  }
0x116: {  	v2 =	vshll.u32 v2, $0x4  }
0x117: {  	v2 =	vadd.s32 s3, v2  }
0x118: {  	(v2sf) =	vpush v2, $0x4;
	_ =	sdelay $0x1  }
0x119: {  	(v2sf) =	vpush v2, $0x5  }
0x11a: {  	(v2sf) =	vpush v2, $0x6;
	_ =	sdelay $0x1  }
0x11b: {  	(v2sf) =	vpush v2, $0x7;
	_ =	sdelay $0x9  }
0x11c: {  	s25 =	simm.s32 $0x1000;
	s26 =	spop (v2sf)  }
0x11d: {  	[tilespmem:s25], [sflag:$0x1] =	stream.linear.gather [hbm4b:s26+s2], $0x400, $0x38;
	[tilespmem:$0x1B880] =	vst v63  }
0x11e: {  	s28 =	simm.s32 $0x1400;
	s30 =	simm.s32 $0x1800;
	s29 =	spop (v2sf)  }
0x11f: {  	s16 =	simm.s32 $0x80;
	s18 =	simm.s32 $0x1C00;
	s31 =	spop (v2sf)  }
0x120: {  	[tilespmem:s28], [sflag:$0x1] =	stream.linear.gather [hbm4b:s29+s2], $0x400, $0x38;
	[tilespmem:$0x1B880] =	vst v63  }
0x121: {  	s17 =	simm.s32 $0x400;
	s15 =	simm.s32 $0x2C00;
	s19 =	spop (v2sf)  }
0x122: {  	[tilespmem:s30], [sflag:$0x1] =	stream.linear.gather [hbm4b:s31+s2], $0x400, $0x38;
	[tilespmem:$0x1B880] =	vst v63  }
.LBB2_15:
0x123: {  	[tilespmem:s18], [sflag:$0x1] =	stream.linear.gather [hbm4b:s19+s2], $0x400, $0x38;
	[tilespmem:$0x1B880] =	vst v63  }
0x124: {  	p0 =	sne.s32 s17, $0x3200;
	v2 =	vld.idx.msk [tilespmem:v1+s16+$0x0 ss:$0x1], $0xffff;
	s16 =	sshra.s32 s17, $0x2;
	s17 =	sadd.s32 $0x200, s17  }
0x125: {  	s18 =	smov.u32 s15;
	_ =	sdelay $0x4  }
0x126: {  	v2 =	vand.u32 $0xFFFFFFF8, v2  }
0x127: {  	v2 =	vshll.u32 v2, $0x4  }
0x128: {  	v2 =	vadd.s32 s3, v2  }
0x129: {  	(v2sf) =	vpush v2, $0x4;
	_ =	sdelay $0x1  }
0x12a: {  	(v2sf) =	vpush v2, $0x5;
	_ =	sdelay $0x1  }
0x12b: {  	(v2sf) =	vpush v2, $0x6;
	_ =	sdelay $0x1  }
0x12c: {  	(v2sf) =	vpush v2, $0x7;
	_ =	sdelay $0x8  }
0x12d: {  	s19 =	sadd.s32 $0xFFFFF400, s15;
	s20 =	spop (v2sf)  }
0x12e: {  	[tilespmem:s19], [sflag:$0x1] =	stream.linear.gather [hbm4b:s20+s2], $0x400, $0x38;
	[tilespmem:$0x1B880] =	vst v63  }
.Ltmp6:
0x12f: {  	s19 =	sadd.s32 $0xFFFFF800, s15;
	s20 =	spop (v2sf);
	(pc) =	sbr.rel @p0 .LBB2_15-.Ltmp6, $4  }
0x130: {  	[tilespmem:s19], [sflag:$0x1] =	stream.linear.gather [hbm4b:s20+s2], $0x400, $0x38;
	[tilespmem:$0x1B880] =	vst v63  }
0x131: {  	s19 =	sadd.s32 $0xFFFFFC00, s15;
	s20 =	spop (v2sf)  }
0x132: {  	[tilespmem:s19], [sflag:$0x1] =	stream.linear.gather [hbm4b:s20+s2], $0x400, $0x38;
	[tilespmem:$0x1B880] =	vst v63  }
0x133: {  	s15 =	sadd.s32 $0x1000, s15;
	s19 =	spop (v2sf)  }
0x134: {  	_ =	sdelay $0x2  }
0x135: {  	[tilespmem:s18], [sflag:$0x1] =	stream.linear.gather [hbm4b:s19+s2], $0x400, $0x38;
	[tilespmem:$0x1B880] =	vst v63  }
0x136: {  	v2 =	vld.idx.msk [tilespmem:v1+s16+$0x0 ss:$0x1], $0xffff;
	_ =	sdelay $0x4  }
0x137: {  	v2 =	vand.u32 $0xFFFFFFF8, v2  }
0x138: {  	v2 =	vshll.u32 v2, $0x4  }
0x139: {  	v2 =	vadd.s32 s3, v2  }
0x13a: {  	(v2sf) =	vpush v2, $0x4;
	_ =	sdelay $0x1  }
0x13b: {  	(v2sf) =	vpush v2, $0x5;
	_ =	sdelay $0x1  }
0x13c: {  	(v2sf) =	vpush v2, $0x6;
	_ =	sdelay $0x1  }
0x13d: {  	(v2sf) =	vpush v2, $0x7;
	_ =	sdelay $0x8  }
0x13e: {  	s25 =	sadd.s32 $0xFFFFF400, s15;
	s17 =	spop (v2sf)  }
0x13f: {  	[tilespmem:s25], [sflag:$0x1] =	stream.linear.gather [hbm4b:s17+s2], $0x400, $0x38;
	[tilespmem:$0x1B880] =	vst v63  }
0x140: {  	s26 =	sadd.s32 $0xFFFFF800, s15;
	s28 =	spop (v2sf)  }
0x141: {  	[tilespmem:s26], [sflag:$0x1] =	stream.linear.gather [hbm4b:s28+s2], $0x400, $0x38;
	[tilespmem:$0x1B880] =	vst v63  }
0x142: {  	s29 =	sadd.s32 $0xFFFFFC00, s15;
	s30 =	spop (v2sf)  }
0x143: {  	[tilespmem:s29], [sflag:$0x1] =	stream.linear.gather [hbm4b:s30+s2], $0x400, $0x38;
	[tilespmem:$0x1B880] =	vst v63  }
0x144: {  	s31 =	spop (v2sf)  }
0x145: {  	[tilespmem:s15], [sflag:$0x1] =	stream.linear.gather [hbm4b:s31+s2], $0x400, $0x38;
	[tilespmem:$0x1B880] =	vst v63  }
0x146: {  	_ =	swait.ge [sflag:s8], $0x400  }
0x147: {  	[sflag:s8] =	ssyncset.done $0x0  }
0x148: {  	[sflag:s8] =	ssyncadd.s32 $0xFFFFFC00  }
0x149: {  	_ =	swait.ge [sflag:s8], $0x400  }
0x14a: {  	[sflag:s8] =	ssyncset.done $0x0  }
0x14b: {  	[sflag:s8] =	ssyncadd.s32 $0xFFFFFC00  }
0x14c: {  	_ =	swait.ge [sflag:s8], $0x400  }
0x14d: {  	[sflag:s8] =	ssyncset.done $0x0  }
0x14e: {  	[sflag:s8] =	ssyncadd.s32 $0xFFFFFC00  }
0x14f: {  	_ =	swait.ge [sflag:s8], $0x400  }
0x150: {  	s15 =	simm.s32 $0x19;
	[sflag:s8] =	ssyncset.done $0x0  }
.LBB2_17:
0x151: {  	p0 =	sne.s32 s15, $0x1;
	s15 =	sadd.s32 $0xFFFFFFFF, s15;
	[sflag:s8] =	ssyncadd.s32 $0xFFFFFC00  }
0x152: {  	_ =	swait.ge [sflag:s8], $0x400  }
0x153: {  	[sflag:s8] =	ssyncset.done $0x0  }
0x154: {  	[sflag:s8] =	ssyncadd.s32 $0xFFFFFC00  }
0x155: {  	_ =	swait.ge [sflag:s8], $0x400  }
0x156: {  	[sflag:s8] =	ssyncset.done $0x0  }
0x157: {  	[sflag:s8] =	ssyncadd.s32 $0xFFFFFC00  }
.Ltmp7:
0x158: {  	_ =	swait.ge [sflag:s8], $0x400;
	(pc) =	sbr.rel @p0 .LBB2_17-.Ltmp7, $4  }
0x159: {  	[sflag:s8] =	ssyncset.done $0x0  }
0x15a: {  	[sflag:s8] =	ssyncadd.s32 $0xFFFFFC00  }
0x15b: {  	_ =	swait.ge [sflag:s8], $0x400  }
0x15c: {  	[sflag:s8] =	ssyncset.done $0x0  }
0x15d: {  	_ =	sdelay $0x2  }
0x15e: {  	[sflag:s8] =	ssyncadd.s32 $0xFFFFFC00;
	s15 =	simm.s32 $0x0  }
0x15f: {  	v2 =	vld.idx.msk [tilespmem:v1+s15+$0x0 ss:$0x1], $0xffff;
	_ =	sdelay $0x4  }
0x160: {  	(v2sf) =	vpush v2, $0x4;
	_ =	sdelay $0x1  }
0x161: {  	s28 =	simm.s32 $0x80  }
0x162: {  	v3 =	vld.idx.msk [tilespmem:v1+s28+$0x0 ss:$0x1], $0xffff;
	_ =	sdelay $0x4  }
0x163: {  	(v2sf) =	vpush v3, $0x4  }
0x164: {  	s29 =	simm.s32 $0x100  }
0x165: {  	s30 =	simm.s32 $0x180;
	v2 =	vld.idx.msk [tilespmem:v1+s29+$0x0 ss:$0x1], $0xffff  }
0x166: {  	v3 =	vld.idx.msk [tilespmem:v1+s30+$0x0 ss:$0x1], $0xffff;
	_ =	sdelay $0x3  }
0x167: {  	s31 =	spop (v2sf);
	(v2sf) =	vpush v2, $0x4  }
0x168: {  	(v2sf) =	vpush v3, $0x4;
	_ =	sdelay $0x2  }
0x169: {  	s15 =	sand.u32 $0x7, s31  }
0x16a: {  	s16 =	simm.s32 $0x200;
	s15 =	sshll.u32 s15, $0x7  }
0x16b: {  	v8 =	vld.idx.msk [tilespmem:v1+s16+$0x0 ss:$0x1], $0xffff;
	s17 =	sadd.s32 $0x1000, s15  }
0x16c: {  	v5 =	vimm.f32 $0.0e+00;
	v4 =	vld [tilespmem:s17+$0x10]  }
0x16d: {  	v7 =	vimm.f32 $0.0e+00;
	s16 =	simm.s32 $0xA00;
	v2 =	vimm.f32 $0.0e+00;
	v3 =	vimm.f32 $0.0e+00;
	s15 =	simm.s32 $0x1000;
	v6 =	vld [tilespmem:s17+$0x0];
	s17 =	spop (v2sf)  }
.LBB2_19:
0x16e: {  	s18 =	sshra.s32 s16, $0x2  }
0x16f: {  	s17 =	sand.u32 $0x7, s17;
	s15 =	sadd.s32 $0x1000, s15;
	p0 =	sne.s32 s16, $0x3200  }
.Ltmp8:
0x170: {  	s16 =	sadd.s32 $0x200, s16;
	s17 =	sshll.u32 s17, $0x7;
	(pc) =	sbr.rel @p0 .LBB2_19-.Ltmp8, $4  }
0x171: {  	(v2sf) =	vpush v8, $0x4;
	v8 =	vld.idx.msk [tilespmem:v1+s18+$0x0 ss:$0x1], $0xffff;
	s17 =	sadd.s32 s17, s15;
	v5 =	vadd.f32 v4, v5;
	v9 =	vmul.f32 v4, v4  }
0x172: {  	v4 =	vld [tilespmem:s17+$0x10];
	v7 =	vadd.f32 v6, v7;
	v10 =	vmul.f32 v6, v6  }
0x173: {  	v6 =	vld [tilespmem:s17+$0x0];
	v2 =	vadd.f32 v9, v2;
	_ =	sdelay $0x1  }
0x174: {  	s17 =	spop (v2sf);
	v3 =	vadd.f32 v10, v3  }
0x175: {  	(v2sf) =	vpush v8, $0x4;
	_ =	sdelay $0x9  }
0x176: {  	s16 =	sand.u32 $0x7, s17  }
0x177: {  	s15 =	sadd.s32 $0x1000, s15;
	s18 =	spop (v2sf);
	s16 =	sshll.u32 s16, $0x7  }
0x178: {  	s17 =	sand.u32 $0x7, s18;
	s16 =	sadd.s32 s16, s15  }
0x179: {  	s15 =	sadd.s32 $0x1000, s15;
	s17 =	sshll.u32 s17, $0x7;
	v8 =	vld [tilespmem:s16+$0x10];
	s18 =	spop (v2sf)  }
0x17a: {  	v9 =	vld [tilespmem:s16+$0x0];
	s19 =	sadd.s32 s17, s15;
	s20 =	sand.u32 $0x7, s18  }
0x17b: {  	s15 =	sadd.s32 $0x1000, s15;
	v10 =	vld [tilespmem:s19+$0x10];
	s17 =	sshll.u32 s20, $0x7;
	s21 =	spop (v2sf)  }
0x17c: {  	v11 =	vld [tilespmem:s19+$0x0];
	s22 =	sadd.s32 s17, s15;
	s23 =	sand.u32 $0x7, s21  }
0x17d: {  	v5 =	vadd.f32 v4, v5;
	v7 =	vadd.f32 v6, v7;
	s15 =	sadd.s32 $0x1000, s15;
	v12 =	vld [tilespmem:s22+$0x10];
	s17 =	sshll.u32 s23, $0x7  }
0x17e: {  	v4 =	vmul.f32 v4, v4;
	v6 =	vmul.f32 v6, v6;
	v13 =	vld [tilespmem:s22+$0x0];
	s15 =	sadd.s32 s17, s15  }
0x17f: {  	v5 =	vadd.f32 v8, v5;
	v7 =	vadd.f32 v9, v7;
	v14 =	vld [tilespmem:s15+$0x10]  }
0x180: {  	v2 =	vadd.f32 v4, v2;
	v3 =	vadd.f32 v6, v3;
	v4 =	vmul.f32 v9, v9;
	v6 =	vld [tilespmem:s15+$0x0]  }
0x181: {  	v5 =	vadd.f32 v10, v5;
	v7 =	vadd.f32 v11, v7  }
0x182: {  	v3 =	vadd.f32 v4, v3;
	v4 =	vmul.f32 v8, v8;
	v8 =	vmul.f32 v11, v11  }
0x183: {  	v5 =	vadd.f32 v12, v5;
	v7 =	vadd.f32 v13, v7  }
0x184: {  	v2 =	vadd.f32 v4, v2;
	v3 =	vadd.f32 v8, v3;
	v4 =	vmul.f32 v10, v10  }
0x185: {  	v8 =	vmul.f32 v13, v13;
	v5 =	vadd.f32 v14, v5;
	v7 =	vadd.f32 v6, v7  }
0x186: {  	v2 =	vadd.f32 v4, v2;
	v4 =	vmul.f32 v12, v12;
	v6 =	vmul.f32 v6, v6  }
0x187: {  	v3 =	vadd.f32 v8, v3;
	v7 =	vmul.f32 v7, v7;
	v5 =	vmul.f32 v5, v5  }
0x188: {  	v2 =	vadd.f32 v4, v2  }
0x189: {  	v4 =	vmul.f32 v14, v14;
	v3 =	vadd.f32 v6, v3;
	v5 =	vadd.f32 v5, v7;
	_ =	sdelay $0x1  }
0x18a: {  	v2 =	vadd.f32 v4, v2;
	v3 =	vsub.f32 v5, v3;
	_ =	sdelay $0x1  }
0x18b: {  	v2 =	vsub.f32 v3, v2;
	_ =	sdelay $0x1  }
0x18c: {  	s24 =	simm.s32 $0x0;
	[tilespmem:s14+$0x1B040] =	vst v2  }
0x18d: {  	v2 =	vld.idx.msk [tilespmem:v1+s24+$0x0 ss:$0x1], $0xffff;
	_ =	sdelay $0x4  }
0x18e: {  	(v2sf) =	vpush v2, $0x5  }
0x18f: {  	s25 =	simm.s32 $0x80  }
0x190: {  	v3 =	vld.idx.msk [tilespmem:v1+s25+$0x0 ss:$0x1], $0xffff;
	_ =	sdelay $0x4  }
0x191: {  	(v2sf) =	vpush v3, $0x5  }
0x192: {  	s26 =	simm.s32 $0x100  }
0x193: {  	s28 =	simm.s32 $0x180;
	v2 =	vld.idx.msk [tilespmem:v1+s26+$0x0 ss:$0x1], $0xffff  }
0x194: {  	v3 =	vld.idx.msk [tilespmem:v1+s28+$0x0 ss:$0x1], $0xffff;
	_ =	sdelay $0x3  }
0x195: {  	(v2sf) =	vpush v2, $0x5  }
0x196: {  	s29 =	spop (v2sf);
	(v2sf) =	vpush v3, $0x5;
	_ =	sdelay $0x2  }
0x197: {  	s15 =	sand.u32 $0x7, s29  }
0x198: {  	s30 =	simm.s32 $0x200;
	s15 =	sshll.u32 s15, $0x7  }
0x199: {  	v8 =	vld.idx.msk [tilespmem:v1+s30+$0x0 ss:$0x1], $0xffff;
	s31 =	sadd.s32 $0x1000, s15  }
0x19a: {  	v7 =	vimm.f32 $0.0e+00;
	v4 =	vld [tilespmem:s31+$0x410]  }
0x19b: {  	s16 =	simm.s32 $0xA00;
	v5 =	vimm.f32 $0.0e+00;
	v2 =	vimm.f32 $0.0e+00;
	v3 =	vimm.f32 $0.0e+00;
	s17 =	spop (v2sf);
	s15 =	simm.s32 $0x1000;
	v6 =	vld [tilespmem:s31+$0x400]  }
.LBB2_21:
0x19c: {  	s18 =	sshra.s32 s16, $0x2  }
0x19d: {  	s17 =	sand.u32 $0x7, s17;
	s15 =	sadd.s32 $0x1000, s15;
	p0 =	sne.s32 s16, $0x3200  }
.Ltmp9:
0x19e: {  	s16 =	sadd.s32 $0x200, s16;
	s17 =	sshll.u32 s17, $0x7;
	(pc) =	sbr.rel @p0 .LBB2_21-.Ltmp9, $4  }
0x19f: {  	(v2sf) =	vpush v8, $0x5;
	v8 =	vld.idx.msk [tilespmem:v1+s18+$0x0 ss:$0x1], $0xffff;
	s17 =	sadd.s32 s17, s15;
	v5 =	vadd.f32 v4, v5;
	v9 =	vmul.f32 v4, v4  }
0x1a0: {  	v4 =	vld [tilespmem:s17+$0x410];
	v7 =	vadd.f32 v6, v7;
	v10 =	vmul.f32 v6, v6  }
0x1a1: {  	v6 =	vld [tilespmem:s17+$0x400];
	v2 =	vadd.f32 v9, v2;
	_ =	sdelay $0x1  }
0x1a2: {  	s17 =	spop (v2sf);
	v3 =	vadd.f32 v10, v3  }
0x1a3: {  	(v2sf) =	vpush v8, $0x5;
	_ =	sdelay $0x9  }
0x1a4: {  	s16 =	sand.u32 $0x7, s17  }
0x1a5: {  	s15 =	sadd.s32 $0x1000, s15;
	s18 =	spop (v2sf);
	s16 =	sshll.u32 s16, $0x7  }
0x1a6: {  	s17 =	sand.u32 $0x7, s18;
	s16 =	sadd.s32 s16, s15  }
0x1a7: {  	s15 =	sadd.s32 $0x1000, s15;
	s17 =	sshll.u32 s17, $0x7;
	v8 =	vld [tilespmem:s16+$0x410];
	s18 =	spop (v2sf)  }
0x1a8: {  	v9 =	vld [tilespmem:s16+$0x400];
	s19 =	sadd.s32 s17, s15;
	s20 =	sand.u32 $0x7, s18  }
0x1a9: {  	s15 =	sadd.s32 $0x1000, s15;
	v10 =	vld [tilespmem:s19+$0x410];
	s17 =	sshll.u32 s20, $0x7;
	s21 =	spop (v2sf)  }
0x1aa: {  	v11 =	vld [tilespmem:s19+$0x400];
	s22 =	sadd.s32 s17, s15;
	s23 =	sand.u32 $0x7, s21  }
0x1ab: {  	v5 =	vadd.f32 v4, v5;
	v7 =	vadd.f32 v6, v7;
	s15 =	sadd.s32 $0x1000, s15;
	v12 =	vld [tilespmem:s22+$0x410];
	s17 =	sshll.u32 s23, $0x7  }
0x1ac: {  	v4 =	vmul.f32 v4, v4;
	v6 =	vmul.f32 v6, v6;
	v13 =	vld [tilespmem:s22+$0x400];
	s15 =	sadd.s32 s17, s15  }
0x1ad: {  	v5 =	vadd.f32 v8, v5;
	v7 =	vadd.f32 v9, v7;
	v14 =	vld [tilespmem:s15+$0x410]  }
0x1ae: {  	v2 =	vadd.f32 v4, v2;
	v3 =	vadd.f32 v6, v3;
	v4 =	vmul.f32 v9, v9;
	v6 =	vld [tilespmem:s15+$0x400]  }
0x1af: {  	v5 =	vadd.f32 v10, v5;
	v7 =	vadd.f32 v11, v7  }
0x1b0: {  	v3 =	vadd.f32 v4, v3;
	v4 =	vmul.f32 v8, v8;
	v8 =	vmul.f32 v11, v11  }
0x1b1: {  	v5 =	vadd.f32 v12, v5;
	v7 =	vadd.f32 v13, v7  }
0x1b2: {  	v2 =	vadd.f32 v4, v2;
	v3 =	vadd.f32 v8, v3;
	v4 =	vmul.f32 v10, v10  }
0x1b3: {  	v8 =	vmul.f32 v13, v13;
	v5 =	vadd.f32 v14, v5;
	v7 =	vadd.f32 v6, v7  }
0x1b4: {  	v2 =	vadd.f32 v4, v2;
	v4 =	vmul.f32 v12, v12;
	v6 =	vmul.f32 v6, v6  }
0x1b5: {  	v3 =	vadd.f32 v8, v3;
	v7 =	vmul.f32 v7, v7;
	v5 =	vmul.f32 v5, v5  }
0x1b6: {  	v2 =	vadd.f32 v4, v2  }
0x1b7: {  	v4 =	vmul.f32 v14, v14;
	v3 =	vadd.f32 v6, v3;
	v5 =	vadd.f32 v5, v7;
	_ =	sdelay $0x1  }
0x1b8: {  	v2 =	vadd.f32 v4, v2;
	v3 =	vsub.f32 v5, v3;
	_ =	sdelay $0x1  }
0x1b9: {  	v2 =	vsub.f32 v3, v2;
	_ =	sdelay $0x1  }
0x1ba: {  	s24 =	simm.s32 $0x0;
	[tilespmem:s14+$0x1B050] =	vst v2  }
0x1bb: {  	v2 =	vld.idx.msk [tilespmem:v1+s24+$0x0 ss:$0x1], $0xffff;
	_ =	sdelay $0x4  }
0x1bc: {  	(v2sf) =	vpush v2, $0x6  }
0x1bd: {  	s25 =	simm.s32 $0x80  }
0x1be: {  	v3 =	vld.idx.msk [tilespmem:v1+s25+$0x0 ss:$0x1], $0xffff;
	_ =	sdelay $0x4  }
0x1bf: {  	(v2sf) =	vpush v3, $0x6  }
0x1c0: {  	s26 =	simm.s32 $0x100  }
0x1c1: {  	s28 =	simm.s32 $0x180;
	v2 =	vld.idx.msk [tilespmem:v1+s26+$0x0 ss:$0x1], $0xffff  }
0x1c2: {  	v3 =	vld.idx.msk [tilespmem:v1+s28+$0x0 ss:$0x1], $0xffff;
	_ =	sdelay $0x3  }
0x1c3: {  	(v2sf) =	vpush v2, $0x6  }
0x1c4: {  	s29 =	spop (v2sf);
	(v2sf) =	vpush v3, $0x6;
	_ =	sdelay $0x2  }
0x1c5: {  	s15 =	sand.u32 $0x7, s29  }
0x1c6: {  	s30 =	simm.s32 $0x200;
	s15 =	sshll.u32 s15, $0x7  }
0x1c7: {  	v8 =	vld.idx.msk [tilespmem:v1+s30+$0x0 ss:$0x1], $0xffff;
	s31 =	sadd.s32 $0x1000, s15  }
0x1c8: {  	v7 =	vimm.f32 $0.0e+00;
	v4 =	vld [tilespmem:s31+$0x810]  }
0x1c9: {  	s16 =	simm.s32 $0xA00;
	v5 =	vimm.f32 $0.0e+00;
	v2 =	vimm.f32 $0.0e+00;
	v3 =	vimm.f32 $0.0e+00;
	s17 =	spop (v2sf);
	s15 =	simm.s32 $0x1000;
	v6 =	vld [tilespmem:s31+$0x800]  }
.LBB2_23:
0x1ca: {  	s18 =	sshra.s32 s16, $0x2  }
0x1cb: {  	s17 =	sand.u32 $0x7, s17;
	s15 =	sadd.s32 $0x1000, s15;
	p0 =	sne.s32 s16, $0x3200  }
.Ltmp10:
0x1cc: {  	s16 =	sadd.s32 $0x200, s16;
	s17 =	sshll.u32 s17, $0x7;
	(pc) =	sbr.rel @p0 .LBB2_23-.Ltmp10, $4  }
0x1cd: {  	(v2sf) =	vpush v8, $0x6;
	v8 =	vld.idx.msk [tilespmem:v1+s18+$0x0 ss:$0x1], $0xffff;
	s17 =	sadd.s32 s17, s15;
	v5 =	vadd.f32 v4, v5;
	v9 =	vmul.f32 v4, v4  }
0x1ce: {  	v4 =	vld [tilespmem:s17+$0x810];
	v7 =	vadd.f32 v6, v7;
	v10 =	vmul.f32 v6, v6  }
0x1cf: {  	v6 =	vld [tilespmem:s17+$0x800];
	v2 =	vadd.f32 v9, v2;
	_ =	sdelay $0x1  }
0x1d0: {  	s17 =	spop (v2sf);
	v3 =	vadd.f32 v10, v3  }
0x1d1: {  	(v2sf) =	vpush v8, $0x6;
	_ =	sdelay $0x9  }
0x1d2: {  	s16 =	sand.u32 $0x7, s17  }
0x1d3: {  	s15 =	sadd.s32 $0x1000, s15;
	s18 =	spop (v2sf);
	s16 =	sshll.u32 s16, $0x7  }
0x1d4: {  	s17 =	sand.u32 $0x7, s18;
	s16 =	sadd.s32 s16, s15  }
0x1d5: {  	s15 =	sadd.s32 $0x1000, s15;
	s17 =	sshll.u32 s17, $0x7;
	v8 =	vld [tilespmem:s16+$0x810];
	s18 =	spop (v2sf)  }
0x1d6: {  	v9 =	vld [tilespmem:s16+$0x800];
	s19 =	sadd.s32 s17, s15;
	s20 =	sand.u32 $0x7, s18  }
0x1d7: {  	s15 =	sadd.s32 $0x1000, s15;
	v10 =	vld [tilespmem:s19+$0x810];
	s17 =	sshll.u32 s20, $0x7;
	s21 =	spop (v2sf)  }
0x1d8: {  	v11 =	vld [tilespmem:s19+$0x800];
	s22 =	sadd.s32 s17, s15;
	s23 =	sand.u32 $0x7, s21  }
0x1d9: {  	v5 =	vadd.f32 v4, v5;
	v7 =	vadd.f32 v6, v7;
	s15 =	sadd.s32 $0x1000, s15;
	v12 =	vld [tilespmem:s22+$0x810];
	s17 =	sshll.u32 s23, $0x7  }
0x1da: {  	v4 =	vmul.f32 v4, v4;
	v6 =	vmul.f32 v6, v6;
	v13 =	vld [tilespmem:s22+$0x800];
	s15 =	sadd.s32 s17, s15  }
0x1db: {  	v5 =	vadd.f32 v8, v5;
	v7 =	vadd.f32 v9, v7;
	v14 =	vld [tilespmem:s15+$0x810]  }
0x1dc: {  	v2 =	vadd.f32 v4, v2;
	v3 =	vadd.f32 v6, v3;
	v4 =	vmul.f32 v9, v9;
	v6 =	vld [tilespmem:s15+$0x800]  }
0x1dd: {  	v5 =	vadd.f32 v10, v5;
	v7 =	vadd.f32 v11, v7  }
0x1de: {  	v3 =	vadd.f32 v4, v3;
	v4 =	vmul.f32 v8, v8;
	v8 =	vmul.f32 v11, v11  }
0x1df: {  	v5 =	vadd.f32 v12, v5;
	v7 =	vadd.f32 v13, v7  }
0x1e0: {  	v2 =	vadd.f32 v4, v2;
	v3 =	vadd.f32 v8, v3;
	v4 =	vmul.f32 v10, v10  }
0x1e1: {  	v8 =	vmul.f32 v13, v13;
	v5 =	vadd.f32 v14, v5;
	v7 =	vadd.f32 v6, v7  }
0x1e2: {  	v2 =	vadd.f32 v4, v2;
	v4 =	vmul.f32 v12, v12;
	v6 =	vmul.f32 v6, v6  }
0x1e3: {  	v3 =	vadd.f32 v8, v3;
	v7 =	vmul.f32 v7, v7;
	v5 =	vmul.f32 v5, v5  }
0x1e4: {  	v2 =	vadd.f32 v4, v2  }
0x1e5: {  	v4 =	vmul.f32 v14, v14;
	v3 =	vadd.f32 v6, v3;
	v5 =	vadd.f32 v5, v7;
	_ =	sdelay $0x1  }
0x1e6: {  	v2 =	vadd.f32 v4, v2;
	v3 =	vsub.f32 v5, v3;
	_ =	sdelay $0x1  }
0x1e7: {  	v2 =	vsub.f32 v3, v2;
	_ =	sdelay $0x1  }
0x1e8: {  	s24 =	simm.s32 $0x0;
	[tilespmem:s14+$0x1B060] =	vst v2  }
0x1e9: {  	v2 =	vld.idx.msk [tilespmem:v1+s24+$0x0 ss:$0x1], $0xffff;
	_ =	sdelay $0x4  }
0x1ea: {  	(v2sf) =	vpush v2, $0x7  }
0x1eb: {  	s25 =	simm.s32 $0x80  }
0x1ec: {  	v3 =	vld.idx.msk [tilespmem:v1+s25+$0x0 ss:$0x1], $0xffff;
	_ =	sdelay $0x4  }
0x1ed: {  	(v2sf) =	vpush v3, $0x7  }
0x1ee: {  	s26 =	simm.s32 $0x100  }
0x1ef: {  	s28 =	simm.s32 $0x180;
	v2 =	vld.idx.msk [tilespmem:v1+s26+$0x0 ss:$0x1], $0xffff  }
0x1f0: {  	v3 =	vld.idx.msk [tilespmem:v1+s28+$0x0 ss:$0x1], $0xffff;
	_ =	sdelay $0x3  }
0x1f1: {  	(v2sf) =	vpush v2, $0x7  }
0x1f2: {  	s29 =	spop (v2sf);
	(v2sf) =	vpush v3, $0x7;
	_ =	sdelay $0x2  }
0x1f3: {  	s15 =	sand.u32 $0x7, s29  }
0x1f4: {  	s30 =	simm.s32 $0x200;
	s15 =	sshll.u32 s15, $0x7  }
0x1f5: {  	v8 =	vld.idx.msk [tilespmem:v1+s30+$0x0 ss:$0x1], $0xffff;
	s31 =	sadd.s32 $0x1000, s15  }
0x1f6: {  	v7 =	vimm.f32 $0.0e+00;
	v4 =	vld [tilespmem:s31+$0xC10]  }
0x1f7: {  	s16 =	simm.s32 $0xA00;
	v5 =	vimm.f32 $0.0e+00;
	v2 =	vimm.f32 $0.0e+00;
	v3 =	vimm.f32 $0.0e+00;
	s17 =	spop (v2sf);
	s15 =	simm.s32 $0x1000;
	v6 =	vld [tilespmem:s31+$0xC00]  }
.LBB2_25:
0x1f8: {  	s18 =	sshra.s32 s16, $0x2  }
0x1f9: {  	s17 =	sand.u32 $0x7, s17;
	s15 =	sadd.s32 $0x1000, s15;
	p0 =	sne.s32 s16, $0x3200  }
.Ltmp11:
0x1fa: {  	s16 =	sadd.s32 $0x200, s16;
	s17 =	sshll.u32 s17, $0x7;
	(pc) =	sbr.rel @p0 .LBB2_25-.Ltmp11, $4  }
0x1fb: {  	(v2sf) =	vpush v8, $0x7;
	v8 =	vld.idx.msk [tilespmem:v1+s18+$0x0 ss:$0x1], $0xffff;
	s17 =	sadd.s32 s17, s15;
	v5 =	vadd.f32 v4, v5;
	v9 =	vmul.f32 v4, v4  }
0x1fc: {  	v4 =	vld [tilespmem:s17+$0xC10];
	v7 =	vadd.f32 v6, v7;
	v10 =	vmul.f32 v6, v6  }
0x1fd: {  	v6 =	vld [tilespmem:s17+$0xC00];
	v2 =	vadd.f32 v9, v2;
	_ =	sdelay $0x1  }
0x1fe: {  	s17 =	spop (v2sf);
	v3 =	vadd.f32 v10, v3  }
0x1ff: {  	(v2sf) =	vpush v8, $0x7;
	_ =	sdelay $0x9  }
0x200: {  	s16 =	sand.u32 $0x7, s17  }
0x201: {  	s15 =	sadd.s32 $0x1000, s15;
	s18 =	spop (v2sf);
	s16 =	sshll.u32 s16, $0x7  }
0x202: {  	s17 =	sand.u32 $0x7, s18;
	s16 =	sadd.s32 s16, s15  }
0x203: {  	s15 =	sadd.s32 $0x1000, s15;
	s17 =	sshll.u32 s17, $0x7;
	v53 =	vld [tilespmem:s16+$0xC10];
	s18 =	spop (v2sf)  }
0x204: {  	v9 =	vld [tilespmem:s16+$0xC00];
	s19 =	sadd.s32 s17, s15;
	s20 =	sand.u32 $0x7, s18  }
0x205: {  	s15 =	sadd.s32 $0x1000, s15;
	v10 =	vld [tilespmem:s19+$0xC10];
	s17 =	sshll.u32 s20, $0x7;
	s21 =	spop (v2sf)  }
0x206: {  	v11 =	vld [tilespmem:s19+$0xC00];
	s22 =	sadd.s32 s17, s15;
	s23 =	sand.u32 $0x7, s21  }
0x207: {  	v5 =	vadd.f32 v4, v5;
	v7 =	vadd.f32 v6, v7;
	s15 =	sadd.s32 $0x1000, s15;
	v12 =	vld [tilespmem:s22+$0xC10];
	s17 =	sshll.u32 s23, $0x7  }
0x208: {  	v54 =	vmul.f32 v4, v4;
	v55 =	vmul.f32 v6, v6;
	v13 =	vld [tilespmem:s22+$0xC00];
	s15 =	sadd.s32 s17, s15  }
0x209: {  	v5 =	vadd.f32 v53, v5;
	v7 =	vadd.f32 v9, v7;
	v14 =	vld [tilespmem:s15+$0xC10]  }
0x20a: {  	v2 =	vadd.f32 v54, v2;
	v3 =	vadd.f32 v55, v3;
	v56 =	vmul.f32 v9, v9;
	v57 =	vld [tilespmem:s15+$0xC00]  }
0x20b: {  	v5 =	vadd.f32 v10, v5;
	v7 =	vadd.f32 v11, v7  }
0x20c: {  	v58 =	vmul.f32 v53, v53;
	v59 =	vmul.f32 v11, v11;
	v3 =	vadd.f32 v56, v3  }
0x20d: {  	v5 =	vadd.f32 v12, v5;
	v7 =	vadd.f32 v13, v7  }
0x20e: {  	v60 =	vmul.f32 v10, v10;
	v2 =	vadd.f32 v58, v2;
	v3 =	vadd.f32 v59, v3  }
0x20f: {  	v61 =	vmul.f32 v13, v13;
	v5 =	vadd.f32 v14, v5;
	v7 =	vadd.f32 v57, v7  }
0x210: {  	v2 =	vadd.f32 v60, v2;
	v62 =	vmul.f32 v12, v12;
	v6 =	vmul.f32 v57, v57  }
0x211: {  	v3 =	vadd.f32 v61, v3;
	v7 =	vmul.f32 v7, v7;
	v5 =	vmul.f32 v5, v5  }
0x212: {  	v2 =	vadd.f32 v62, v2  }
0x213: {  	v63 =	vmul.f32 v14, v14;
	v3 =	vadd.f32 v6, v3;
	v5 =	vadd.f32 v5, v7;
	_ =	sdelay $0x1  }
0x214: {  	v2 =	vadd.f32 v63, v2;
	v3 =	vsub.f32 v5, v3;
	_ =	sdelay $0x1  }
0x215: {  	v2 =	vsub.f32 v3, v2;
	_ =	sdelay $0x1  }
0x216: {  	s24 =	simm.s32 $0x0;
	[tilespmem:s14+$0x1B070] =	vst v2  }
0x217: {  	v2 =	vld.idx.msk [tilespmem:v1+s24+$0x0 ss:$0x1], $0xffff;
	_ =	sdelay $0x4  }
0x218: {  	v2 =	vand.u32 $0xFFFFFFF8, v2  }
0x219: {  	v2 =	vshll.u32 v2, $0x4  }
0x21a: {  	v2 =	vadd.s32 s3, v2  }
0x21b: {  	(v2sf) =	vpush v2, $0x8;
	_ =	sdelay $0x1  }
0x21c: {  	(v2sf) =	vpush v2, $0x9  }
0x21d: {  	(v2sf) =	vpush v2, $0xA;
	_ =	sdelay $0x1  }
0x21e: {  	(v2sf) =	vpush v2, $0xB;
	_ =	sdelay $0x9  }
0x21f: {  	s25 =	simm.s32 $0x1000;
	s26 =	spop (v2sf)  }
0x220: {  	[tilespmem:s25], [sflag:$0x1] =	stream.linear.gather [hbm4b:s26+s2], $0x400, $0x38;
	[tilespmem:$0x1B880] =	vst v63  }
0x221: {  	s28 =	simm.s32 $0x1400;
	s30 =	simm.s32 $0x1800;
	s29 =	spop (v2sf)  }
0x222: {  	s16 =	simm.s32 $0x80;
	s18 =	simm.s32 $0x1C00;
	s31 =	spop (v2sf)  }
0x223: {  	[tilespmem:s28], [sflag:$0x1] =	stream.linear.gather [hbm4b:s29+s2], $0x400, $0x38;
	[tilespmem:$0x1B880] =	vst v63  }
0x224: {  	s17 =	simm.s32 $0x400;
	s15 =	simm.s32 $0x2C00;
	s19 =	spop (v2sf)  }
0x225: {  	[tilespmem:s30], [sflag:$0x1] =	stream.linear.gather [hbm4b:s31+s2], $0x400, $0x38;
	[tilespmem:$0x1B880] =	vst v63  }
.LBB2_27:
0x226: {  	[tilespmem:s18], [sflag:$0x1] =	stream.linear.gather [hbm4b:s19+s2], $0x400, $0x38;
	[tilespmem:$0x1B880] =	vst v63  }
0x227: {  	p0 =	sne.s32 s17, $0x3200;
	v2 =	vld.idx.msk [tilespmem:v1+s16+$0x0 ss:$0x1], $0xffff;
	s16 =	sshra.s32 s17, $0x2;
	s17 =	sadd.s32 $0x200, s17  }
0x228: {  	s18 =	smov.u32 s15;
	_ =	sdelay $0x4  }
0x229: {  	v2 =	vand.u32 $0xFFFFFFF8, v2  }
0x22a: {  	v2 =	vshll.u32 v2, $0x4  }
0x22b: {  	v2 =	vadd.s32 s3, v2  }
0x22c: {  	(v2sf) =	vpush v2, $0x8;
	_ =	sdelay $0x1  }
0x22d: {  	(v2sf) =	vpush v2, $0x9;
	_ =	sdelay $0x1  }
0x22e: {  	(v2sf) =	vpush v2, $0xA;
	_ =	sdelay $0x1  }
0x22f: {  	(v2sf) =	vpush v2, $0xB;
	_ =	sdelay $0x8  }
0x230: {  	s19 =	sadd.s32 $0xFFFFF400, s15;
	s20 =	spop (v2sf)  }
0x231: {  	[tilespmem:s19], [sflag:$0x1] =	stream.linear.gather [hbm4b:s20+s2], $0x400, $0x38;
	[tilespmem:$0x1B880] =	vst v63  }
.Ltmp12:
0x232: {  	s19 =	sadd.s32 $0xFFFFF800, s15;
	s20 =	spop (v2sf);
	(pc) =	sbr.rel @p0 .LBB2_27-.Ltmp12, $4  }
0x233: {  	[tilespmem:s19], [sflag:$0x1] =	stream.linear.gather [hbm4b:s20+s2], $0x400, $0x38;
	[tilespmem:$0x1B880] =	vst v63  }
0x234: {  	s19 =	sadd.s32 $0xFFFFFC00, s15;
	s20 =	spop (v2sf)  }
0x235: {  	[tilespmem:s19], [sflag:$0x1] =	stream.linear.gather [hbm4b:s20+s2], $0x400, $0x38;
	[tilespmem:$0x1B880] =	vst v63  }
0x236: {  	s15 =	sadd.s32 $0x1000, s15;
	s19 =	spop (v2sf)  }
0x237: {  	_ =	sdelay $0x2  }
0x238: {  	[tilespmem:s18], [sflag:$0x1] =	stream.linear.gather [hbm4b:s19+s2], $0x400, $0x38;
	[tilespmem:$0x1B880] =	vst v63  }
0x239: {  	v2 =	vld.idx.msk [tilespmem:v1+s16+$0x0 ss:$0x1], $0xffff;
	_ =	sdelay $0x4  }
0x23a: {  	v2 =	vand.u32 $0xFFFFFFF8, v2  }
0x23b: {  	v2 =	vshll.u32 v2, $0x4  }
0x23c: {  	v2 =	vadd.s32 s3, v2  }
0x23d: {  	(v2sf) =	vpush v2, $0x8;
	_ =	sdelay $0x1  }
0x23e: {  	(v2sf) =	vpush v2, $0x9;
	_ =	sdelay $0x1  }
0x23f: {  	(v2sf) =	vpush v2, $0xA;
	_ =	sdelay $0x1  }
0x240: {  	(v2sf) =	vpush v2, $0xB;
	_ =	sdelay $0x8  }
0x241: {  	s25 =	sadd.s32 $0xFFFFF400, s15;
	s17 =	spop (v2sf)  }
0x242: {  	[tilespmem:s25], [sflag:$0x1] =	stream.linear.gather [hbm4b:s17+s2], $0x400, $0x38;
	[tilespmem:$0x1B880] =	vst v63  }
0x243: {  	s26 =	sadd.s32 $0xFFFFF800, s15;
	s28 =	spop (v2sf)  }
0x244: {  	[tilespmem:s26], [sflag:$0x1] =	stream.linear.gather [hbm4b:s28+s2], $0x400, $0x38;
	[tilespmem:$0x1B880] =	vst v63  }
0x245: {  	s29 =	sadd.s32 $0xFFFFFC00, s15;
	s30 =	spop (v2sf)  }
0x246: {  	[tilespmem:s29], [sflag:$0x1] =	stream.linear.gather [hbm4b:s30+s2], $0x400, $0x38;
	[tilespmem:$0x1B880] =	vst v63  }
0x247: {  	s31 =	spop (v2sf)  }
0x248: {  	[tilespmem:s15], [sflag:$0x1] =	stream.linear.gather [hbm4b:s31+s2], $0x400, $0x38;
	[tilespmem:$0x1B880] =	vst v63  }
0x249: {  	_ =	swait.ge [sflag:s8], $0x400  }
0x24a: {  	[sflag:s8] =	ssyncset.done $0x0  }
0x24b: {  	[sflag:s8] =	ssyncadd.s32 $0xFFFFFC00  }
0x24c: {  	_ =	swait.ge [sflag:s8], $0x400  }
0x24d: {  	[sflag:s8] =	ssyncset.done $0x0  }
0x24e: {  	[sflag:s8] =	ssyncadd.s32 $0xFFFFFC00  }
0x24f: {  	_ =	swait.ge [sflag:s8], $0x400  }
0x250: {  	[sflag:s8] =	ssyncset.done $0x0  }
0x251: {  	[sflag:s8] =	ssyncadd.s32 $0xFFFFFC00  }
0x252: {  	_ =	swait.ge [sflag:s8], $0x400  }
0x253: {  	s15 =	simm.s32 $0x19;
	[sflag:s8] =	ssyncset.done $0x0  }
.LBB2_29:
0x254: {  	p0 =	sne.s32 s15, $0x1;
	s15 =	sadd.s32 $0xFFFFFFFF, s15;
	[sflag:s8] =	ssyncadd.s32 $0xFFFFFC00  }
0x255: {  	_ =	swait.ge [sflag:s8], $0x400  }
0x256: {  	[sflag:s8] =	ssyncset.done $0x0  }
0x257: {  	[sflag:s8] =	ssyncadd.s32 $0xFFFFFC00  }
0x258: {  	_ =	swait.ge [sflag:s8], $0x400  }
0x259: {  	[sflag:s8] =	ssyncset.done $0x0  }
0x25a: {  	[sflag:s8] =	ssyncadd.s32 $0xFFFFFC00  }
.Ltmp13:
0x25b: {  	_ =	swait.ge [sflag:s8], $0x400;
	(pc) =	sbr.rel @p0 .LBB2_29-.Ltmp13, $4  }
0x25c: {  	[sflag:s8] =	ssyncset.done $0x0  }
0x25d: {  	[sflag:s8] =	ssyncadd.s32 $0xFFFFFC00  }
0x25e: {  	_ =	swait.ge [sflag:s8], $0x400  }
0x25f: {  	[sflag:s8] =	ssyncset.done $0x0  }
0x260: {  	_ =	sdelay $0x2  }
0x261: {  	[sflag:s8] =	ssyncadd.s32 $0xFFFFFC00;
	s15 =	simm.s32 $0x0  }
0x262: {  	v2 =	vld.idx.msk [tilespmem:v1+s15+$0x0 ss:$0x1], $0xffff;
	_ =	sdelay $0x4  }
0x263: {  	(v2sf) =	vpush v2, $0x8;
	_ =	sdelay $0x1  }
0x264: {  	s28 =	simm.s32 $0x80  }
0x265: {  	v3 =	vld.idx.msk [tilespmem:v1+s28+$0x0 ss:$0x1], $0xffff;
	_ =	sdelay $0x4  }
0x266: {  	(v2sf) =	vpush v3, $0x8  }
0x267: {  	s29 =	simm.s32 $0x100  }
0x268: {  	s30 =	simm.s32 $0x180;
	v2 =	vld.idx.msk [tilespmem:v1+s29+$0x0 ss:$0x1], $0xffff  }
0x269: {  	v3 =	vld.idx.msk [tilespmem:v1+s30+$0x0 ss:$0x1], $0xffff;
	_ =	sdelay $0x3  }
0x26a: {  	s31 =	spop (v2sf);
	(v2sf) =	vpush v2, $0x8  }
0x26b: {  	(v2sf) =	vpush v3, $0x8;
	_ =	sdelay $0x2  }
0x26c: {  	s15 =	sand.u32 $0x7, s31  }
0x26d: {  	s16 =	simm.s32 $0x200;
	s15 =	sshll.u32 s15, $0x7  }
0x26e: {  	v8 =	vld.idx.msk [tilespmem:v1+s16+$0x0 ss:$0x1], $0xffff;
	s17 =	sadd.s32 $0x1000, s15  }
0x26f: {  	v5 =	vimm.f32 $0.0e+00;
	v4 =	vld [tilespmem:s17+$0x10]  }
0x270: {  	v7 =	vimm.f32 $0.0e+00;
	s16 =	simm.s32 $0xA00;
	v2 =	vimm.f32 $0.0e+00;
	v3 =	vimm.f32 $0.0e+00;
	s15 =	simm.s32 $0x1000;
	v6 =	vld [tilespmem:s17+$0x0];
	s17 =	spop (v2sf)  }
.LBB2_31:
0x271: {  	s18 =	sshra.s32 s16, $0x2  }
0x272: {  	s17 =	sand.u32 $0x7, s17;
	s15 =	sadd.s32 $0x1000, s15;
	p0 =	sne.s32 s16, $0x3200  }
.Ltmp14:
0x273: {  	s16 =	sadd.s32 $0x200, s16;
	s17 =	sshll.u32 s17, $0x7;
	(pc) =	sbr.rel @p0 .LBB2_31-.Ltmp14, $4  }
0x274: {  	(v2sf) =	vpush v8, $0x8;
	v8 =	vld.idx.msk [tilespmem:v1+s18+$0x0 ss:$0x1], $0xffff;
	s17 =	sadd.s32 s17, s15;
	v5 =	vadd.f32 v4, v5;
	v9 =	vmul.f32 v4, v4  }
0x275: {  	v4 =	vld [tilespmem:s17+$0x10];
	v7 =	vadd.f32 v6, v7;
	v10 =	vmul.f32 v6, v6  }
0x276: {  	v6 =	vld [tilespmem:s17+$0x0];
	v2 =	vadd.f32 v9, v2;
	_ =	sdelay $0x1  }
0x277: {  	s17 =	spop (v2sf);
	v3 =	vadd.f32 v10, v3  }
0x278: {  	(v2sf) =	vpush v8, $0x8;
	_ =	sdelay $0x9  }
0x279: {  	s16 =	sand.u32 $0x7, s17  }
0x27a: {  	s15 =	sadd.s32 $0x1000, s15;
	s18 =	spop (v2sf);
	s16 =	sshll.u32 s16, $0x7  }
0x27b: {  	s17 =	sand.u32 $0x7, s18;
	s16 =	sadd.s32 s16, s15  }
0x27c: {  	s15 =	sadd.s32 $0x1000, s15;
	s17 =	sshll.u32 s17, $0x7;
	v8 =	vld [tilespmem:s16+$0x10];
	s18 =	spop (v2sf)  }
0x27d: {  	v9 =	vld [tilespmem:s16+$0x0];
	s19 =	sadd.s32 s17, s15;
	s20 =	sand.u32 $0x7, s18  }
0x27e: {  	s15 =	sadd.s32 $0x1000, s15;
	v10 =	vld [tilespmem:s19+$0x10];
	s17 =	sshll.u32 s20, $0x7;
	s21 =	spop (v2sf)  }
0x27f: {  	v11 =	vld [tilespmem:s19+$0x0];
	s22 =	sadd.s32 s17, s15;
	s23 =	sand.u32 $0x7, s21  }
0x280: {  	v5 =	vadd.f32 v4, v5;
	v7 =	vadd.f32 v6, v7;
	s15 =	sadd.s32 $0x1000, s15;
	v12 =	vld [tilespmem:s22+$0x10];
	s17 =	sshll.u32 s23, $0x7  }
0x281: {  	v4 =	vmul.f32 v4, v4;
	v6 =	vmul.f32 v6, v6;
	v13 =	vld [tilespmem:s22+$0x0];
	s15 =	sadd.s32 s17, s15  }
0x282: {  	v5 =	vadd.f32 v8, v5;
	v7 =	vadd.f32 v9, v7;
	v14 =	vld [tilespmem:s15+$0x10]  }
0x283: {  	v2 =	vadd.f32 v4, v2;
	v3 =	vadd.f32 v6, v3;
	v4 =	vmul.f32 v9, v9;
	v6 =	vld [tilespmem:s15+$0x0]  }
0x284: {  	v5 =	vadd.f32 v10, v5;
	v7 =	vadd.f32 v11, v7  }
0x285: {  	v3 =	vadd.f32 v4, v3;
	v4 =	vmul.f32 v8, v8;
	v8 =	vmul.f32 v11, v11  }
0x286: {  	v5 =	vadd.f32 v12, v5;
	v7 =	vadd.f32 v13, v7  }
0x287: {  	v2 =	vadd.f32 v4, v2;
	v3 =	vadd.f32 v8, v3;
	v4 =	vmul.f32 v10, v10  }
0x288: {  	v8 =	vmul.f32 v13, v13;
	v5 =	vadd.f32 v14, v5;
	v7 =	vadd.f32 v6, v7  }
0x289: {  	v2 =	vadd.f32 v4, v2;
	v4 =	vmul.f32 v12, v12;
	v6 =	vmul.f32 v6, v6  }
0x28a: {  	v3 =	vadd.f32 v8, v3;
	v7 =	vmul.f32 v7, v7;
	v5 =	vmul.f32 v5, v5  }
0x28b: {  	v2 =	vadd.f32 v4, v2  }
0x28c: {  	v4 =	vmul.f32 v14, v14;
	v3 =	vadd.f32 v6, v3;
	v5 =	vadd.f32 v5, v7;
	_ =	sdelay $0x1  }
0x28d: {  	v2 =	vadd.f32 v4, v2;
	v3 =	vsub.f32 v5, v3;
	_ =	sdelay $0x1  }
0x28e: {  	v2 =	vsub.f32 v3, v2;
	_ =	sdelay $0x1  }
0x28f: {  	s24 =	simm.s32 $0x0;
	[tilespmem:s14+$0x1B080] =	vst v2  }
0x290: {  	v2 =	vld.idx.msk [tilespmem:v1+s24+$0x0 ss:$0x1], $0xffff;
	_ =	sdelay $0x4  }
0x291: {  	(v2sf) =	vpush v2, $0x9  }
0x292: {  	s25 =	simm.s32 $0x80  }
0x293: {  	v3 =	vld.idx.msk [tilespmem:v1+s25+$0x0 ss:$0x1], $0xffff;
	_ =	sdelay $0x4  }
0x294: {  	(v2sf) =	vpush v3, $0x9  }
0x295: {  	s26 =	simm.s32 $0x100  }
0x296: {  	s28 =	simm.s32 $0x180;
	v2 =	vld.idx.msk [tilespmem:v1+s26+$0x0 ss:$0x1], $0xffff  }
0x297: {  	v3 =	vld.idx.msk [tilespmem:v1+s28+$0x0 ss:$0x1], $0xffff;
	_ =	sdelay $0x3  }
0x298: {  	(v2sf) =	vpush v2, $0x9  }
0x299: {  	s29 =	spop (v2sf);
	(v2sf) =	vpush v3, $0x9;
	_ =	sdelay $0x2  }
0x29a: {  	s15 =	sand.u32 $0x7, s29  }
0x29b: {  	s30 =	simm.s32 $0x200;
	s15 =	sshll.u32 s15, $0x7  }
0x29c: {  	v8 =	vld.idx.msk [tilespmem:v1+s30+$0x0 ss:$0x1], $0xffff;
	s31 =	sadd.s32 $0x1000, s15  }
0x29d: {  	v7 =	vimm.f32 $0.0e+00;
	v4 =	vld [tilespmem:s31+$0x410]  }
0x29e: {  	s16 =	simm.s32 $0xA00;
	v5 =	vimm.f32 $0.0e+00;
	v2 =	vimm.f32 $0.0e+00;
	v3 =	vimm.f32 $0.0e+00;
	s17 =	spop (v2sf);
	s15 =	simm.s32 $0x1000;
	v6 =	vld [tilespmem:s31+$0x400]  }
.LBB2_33:
0x29f: {  	s18 =	sshra.s32 s16, $0x2  }
0x2a0: {  	s17 =	sand.u32 $0x7, s17;
	s15 =	sadd.s32 $0x1000, s15;
	p0 =	sne.s32 s16, $0x3200  }
.Ltmp15:
0x2a1: {  	s16 =	sadd.s32 $0x200, s16;
	s17 =	sshll.u32 s17, $0x7;
	(pc) =	sbr.rel @p0 .LBB2_33-.Ltmp15, $4  }
0x2a2: {  	(v2sf) =	vpush v8, $0x9;
	v8 =	vld.idx.msk [tilespmem:v1+s18+$0x0 ss:$0x1], $0xffff;
	s17 =	sadd.s32 s17, s15;
	v5 =	vadd.f32 v4, v5;
	v9 =	vmul.f32 v4, v4  }
0x2a3: {  	v4 =	vld [tilespmem:s17+$0x410];
	v7 =	vadd.f32 v6, v7;
	v10 =	vmul.f32 v6, v6  }
0x2a4: {  	v6 =	vld [tilespmem:s17+$0x400];
	v2 =	vadd.f32 v9, v2;
	_ =	sdelay $0x1  }
0x2a5: {  	s17 =	spop (v2sf);
	v3 =	vadd.f32 v10, v3  }
0x2a6: {  	(v2sf) =	vpush v8, $0x9;
	_ =	sdelay $0x9  }
0x2a7: {  	s16 =	sand.u32 $0x7, s17  }
0x2a8: {  	s15 =	sadd.s32 $0x1000, s15;
	s18 =	spop (v2sf);
	s16 =	sshll.u32 s16, $0x7  }
0x2a9: {  	s17 =	sand.u32 $0x7, s18;
	s16 =	sadd.s32 s16, s15  }
0x2aa: {  	s15 =	sadd.s32 $0x1000, s15;
	s17 =	sshll.u32 s17, $0x7;
	v8 =	vld [tilespmem:s16+$0x410];
	s18 =	spop (v2sf)  }
0x2ab: {  	v9 =	vld [tilespmem:s16+$0x400];
	s19 =	sadd.s32 s17, s15;
	s20 =	sand.u32 $0x7, s18  }
0x2ac: {  	s15 =	sadd.s32 $0x1000, s15;
	v10 =	vld [tilespmem:s19+$0x410];
	s17 =	sshll.u32 s20, $0x7;
	s21 =	spop (v2sf)  }
0x2ad: {  	v11 =	vld [tilespmem:s19+$0x400];
	s22 =	sadd.s32 s17, s15;
	s23 =	sand.u32 $0x7, s21  }
0x2ae: {  	v5 =	vadd.f32 v4, v5;
	v7 =	vadd.f32 v6, v7;
	s15 =	sadd.s32 $0x1000, s15;
	v12 =	vld [tilespmem:s22+$0x410];
	s17 =	sshll.u32 s23, $0x7  }
0x2af: {  	v4 =	vmul.f32 v4, v4;
	v6 =	vmul.f32 v6, v6;
	v13 =	vld [tilespmem:s22+$0x400];
	s15 =	sadd.s32 s17, s15  }
0x2b0: {  	v5 =	vadd.f32 v8, v5;
	v7 =	vadd.f32 v9, v7;
	v14 =	vld [tilespmem:s15+$0x410]  }
0x2b1: {  	v2 =	vadd.f32 v4, v2;
	v3 =	vadd.f32 v6, v3;
	v4 =	vmul.f32 v9, v9;
	v6 =	vld [tilespmem:s15+$0x400]  }
0x2b2: {  	v5 =	vadd.f32 v10, v5;
	v7 =	vadd.f32 v11, v7  }
0x2b3: {  	v3 =	vadd.f32 v4, v3;
	v4 =	vmul.f32 v8, v8;
	v8 =	vmul.f32 v11, v11  }
0x2b4: {  	v5 =	vadd.f32 v12, v5;
	v7 =	vadd.f32 v13, v7  }
0x2b5: {  	v2 =	vadd.f32 v4, v2;
	v3 =	vadd.f32 v8, v3;
	v4 =	vmul.f32 v10, v10  }
0x2b6: {  	v8 =	vmul.f32 v13, v13;
	v5 =	vadd.f32 v14, v5;
	v7 =	vadd.f32 v6, v7  }
0x2b7: {  	v2 =	vadd.f32 v4, v2;
	v4 =	vmul.f32 v12, v12;
	v6 =	vmul.f32 v6, v6  }
0x2b8: {  	v3 =	vadd.f32 v8, v3;
	v7 =	vmul.f32 v7, v7;
	v5 =	vmul.f32 v5, v5  }
0x2b9: {  	v2 =	vadd.f32 v4, v2  }
0x2ba: {  	v4 =	vmul.f32 v14, v14;
	v3 =	vadd.f32 v6, v3;
	v5 =	vadd.f32 v5, v7;
	_ =	sdelay $0x1  }
0x2bb: {  	v2 =	vadd.f32 v4, v2;
	v3 =	vsub.f32 v5, v3;
	_ =	sdelay $0x1  }
0x2bc: {  	v2 =	vsub.f32 v3, v2;
	_ =	sdelay $0x1  }
0x2bd: {  	s24 =	simm.s32 $0x0;
	[tilespmem:s14+$0x1B090] =	vst v2  }
0x2be: {  	v2 =	vld.idx.msk [tilespmem:v1+s24+$0x0 ss:$0x1], $0xffff;
	_ =	sdelay $0x4  }
0x2bf: {  	(v2sf) =	vpush v2, $0xA  }
0x2c0: {  	s25 =	simm.s32 $0x80  }
0x2c1: {  	v3 =	vld.idx.msk [tilespmem:v1+s25+$0x0 ss:$0x1], $0xffff;
	_ =	sdelay $0x4  }
0x2c2: {  	(v2sf) =	vpush v3, $0xA  }
0x2c3: {  	s26 =	simm.s32 $0x100  }
0x2c4: {  	s28 =	simm.s32 $0x180;
	v2 =	vld.idx.msk [tilespmem:v1+s26+$0x0 ss:$0x1], $0xffff  }
0x2c5: {  	v3 =	vld.idx.msk [tilespmem:v1+s28+$0x0 ss:$0x1], $0xffff;
	_ =	sdelay $0x3  }
0x2c6: {  	(v2sf) =	vpush v2, $0xA  }
0x2c7: {  	s29 =	spop (v2sf);
	(v2sf) =	vpush v3, $0xA;
	_ =	sdelay $0x2  }
0x2c8: {  	s15 =	sand.u32 $0x7, s29  }
0x2c9: {  	s30 =	simm.s32 $0x200;
	s15 =	sshll.u32 s15, $0x7  }
0x2ca: {  	v8 =	vld.idx.msk [tilespmem:v1+s30+$0x0 ss:$0x1], $0xffff;
	s31 =	sadd.s32 $0x1000, s15  }
0x2cb: {  	v7 =	vimm.f32 $0.0e+00;
	v4 =	vld [tilespmem:s31+$0x810]  }
0x2cc: {  	s16 =	simm.s32 $0xA00;
	v5 =	vimm.f32 $0.0e+00;
	v2 =	vimm.f32 $0.0e+00;
	v3 =	vimm.f32 $0.0e+00;
	s17 =	spop (v2sf);
	s15 =	simm.s32 $0x1000;
	v6 =	vld [tilespmem:s31+$0x800]  }
.LBB2_35:
0x2cd: {  	s18 =	sshra.s32 s16, $0x2  }
0x2ce: {  	s17 =	sand.u32 $0x7, s17;
	s15 =	sadd.s32 $0x1000, s15;
	p0 =	sne.s32 s16, $0x3200  }
.Ltmp16:
0x2cf: {  	s16 =	sadd.s32 $0x200, s16;
	s17 =	sshll.u32 s17, $0x7;
	(pc) =	sbr.rel @p0 .LBB2_35-.Ltmp16, $4  }
0x2d0: {  	(v2sf) =	vpush v8, $0xA;
	v8 =	vld.idx.msk [tilespmem:v1+s18+$0x0 ss:$0x1], $0xffff;
	s17 =	sadd.s32 s17, s15;
	v5 =	vadd.f32 v4, v5;
	v9 =	vmul.f32 v4, v4  }
0x2d1: {  	v4 =	vld [tilespmem:s17+$0x810];
	v7 =	vadd.f32 v6, v7;
	v10 =	vmul.f32 v6, v6  }
0x2d2: {  	v6 =	vld [tilespmem:s17+$0x800];
	v2 =	vadd.f32 v9, v2;
	_ =	sdelay $0x1  }
0x2d3: {  	s17 =	spop (v2sf);
	v3 =	vadd.f32 v10, v3  }
0x2d4: {  	(v2sf) =	vpush v8, $0xA;
	_ =	sdelay $0x9  }
0x2d5: {  	s16 =	sand.u32 $0x7, s17  }
0x2d6: {  	s15 =	sadd.s32 $0x1000, s15;
	s18 =	spop (v2sf);
	s16 =	sshll.u32 s16, $0x7  }
0x2d7: {  	s17 =	sand.u32 $0x7, s18;
	s16 =	sadd.s32 s16, s15  }
0x2d8: {  	s15 =	sadd.s32 $0x1000, s15;
	s17 =	sshll.u32 s17, $0x7;
	v8 =	vld [tilespmem:s16+$0x810];
	s18 =	spop (v2sf)  }
0x2d9: {  	v9 =	vld [tilespmem:s16+$0x800];
	s19 =	sadd.s32 s17, s15;
	s20 =	sand.u32 $0x7, s18  }
0x2da: {  	s15 =	sadd.s32 $0x1000, s15;
	v10 =	vld [tilespmem:s19+$0x810];
	s17 =	sshll.u32 s20, $0x7;
	s21 =	spop (v2sf)  }
0x2db: {  	v11 =	vld [tilespmem:s19+$0x800];
	s22 =	sadd.s32 s17, s15;
	s23 =	sand.u32 $0x7, s21  }
0x2dc: {  	v5 =	vadd.f32 v4, v5;
	v7 =	vadd.f32 v6, v7;
	s15 =	sadd.s32 $0x1000, s15;
	v12 =	vld [tilespmem:s22+$0x810];
	s17 =	sshll.u32 s23, $0x7  }
0x2dd: {  	v4 =	vmul.f32 v4, v4;
	v6 =	vmul.f32 v6, v6;
	v13 =	vld [tilespmem:s22+$0x800];
	s15 =	sadd.s32 s17, s15  }
0x2de: {  	v5 =	vadd.f32 v8, v5;
	v7 =	vadd.f32 v9, v7;
	v14 =	vld [tilespmem:s15+$0x810]  }
0x2df: {  	v2 =	vadd.f32 v4, v2;
	v3 =	vadd.f32 v6, v3;
	v4 =	vmul.f32 v9, v9;
	v6 =	vld [tilespmem:s15+$0x800]  }
0x2e0: {  	v5 =	vadd.f32 v10, v5;
	v7 =	vadd.f32 v11, v7  }
0x2e1: {  	v3 =	vadd.f32 v4, v3;
	v4 =	vmul.f32 v8, v8;
	v8 =	vmul.f32 v11, v11  }
0x2e2: {  	v5 =	vadd.f32 v12, v5;
	v7 =	vadd.f32 v13, v7  }
0x2e3: {  	v2 =	vadd.f32 v4, v2;
	v3 =	vadd.f32 v8, v3;
	v4 =	vmul.f32 v10, v10  }
0x2e4: {  	v8 =	vmul.f32 v13, v13;
	v5 =	vadd.f32 v14, v5;
	v7 =	vadd.f32 v6, v7  }
0x2e5: {  	v2 =	vadd.f32 v4, v2;
	v4 =	vmul.f32 v12, v12;
	v6 =	vmul.f32 v6, v6  }
0x2e6: {  	v3 =	vadd.f32 v8, v3;
	v7 =	vmul.f32 v7, v7;
	v5 =	vmul.f32 v5, v5  }
0x2e7: {  	v2 =	vadd.f32 v4, v2  }
0x2e8: {  	v4 =	vmul.f32 v14, v14;
	v3 =	vadd.f32 v6, v3;
	v5 =	vadd.f32 v5, v7;
	_ =	sdelay $0x1  }
0x2e9: {  	v2 =	vadd.f32 v4, v2;
	v3 =	vsub.f32 v5, v3;
	_ =	sdelay $0x1  }
0x2ea: {  	v2 =	vsub.f32 v3, v2;
	_ =	sdelay $0x1  }
0x2eb: {  	s24 =	simm.s32 $0x0;
	[tilespmem:s14+$0x1B0A0] =	vst v2  }
0x2ec: {  	v2 =	vld.idx.msk [tilespmem:v1+s24+$0x0 ss:$0x1], $0xffff;
	_ =	sdelay $0x4  }
0x2ed: {  	(v2sf) =	vpush v2, $0xB  }
0x2ee: {  	s25 =	simm.s32 $0x80  }
0x2ef: {  	v3 =	vld.idx.msk [tilespmem:v1+s25+$0x0 ss:$0x1], $0xffff;
	_ =	sdelay $0x4  }
0x2f0: {  	(v2sf) =	vpush v3, $0xB  }
0x2f1: {  	s26 =	simm.s32 $0x100  }
0x2f2: {  	s28 =	simm.s32 $0x180;
	v2 =	vld.idx.msk [tilespmem:v1+s26+$0x0 ss:$0x1], $0xffff  }
0x2f3: {  	v3 =	vld.idx.msk [tilespmem:v1+s28+$0x0 ss:$0x1], $0xffff;
	_ =	sdelay $0x3  }
0x2f4: {  	(v2sf) =	vpush v2, $0xB  }
0x2f5: {  	s29 =	spop (v2sf);
	(v2sf) =	vpush v3, $0xB;
	_ =	sdelay $0x2  }
0x2f6: {  	s15 =	sand.u32 $0x7, s29  }
0x2f7: {  	s30 =	simm.s32 $0x200;
	s15 =	sshll.u32 s15, $0x7  }
0x2f8: {  	v8 =	vld.idx.msk [tilespmem:v1+s30+$0x0 ss:$0x1], $0xffff;
	s31 =	sadd.s32 $0x1000, s15  }
0x2f9: {  	v7 =	vimm.f32 $0.0e+00;
	v4 =	vld [tilespmem:s31+$0xC10]  }
0x2fa: {  	s16 =	simm.s32 $0xA00;
	v5 =	vimm.f32 $0.0e+00;
	v2 =	vimm.f32 $0.0e+00;
	v3 =	vimm.f32 $0.0e+00;
	s17 =	spop (v2sf);
	s15 =	simm.s32 $0x1000;
	v6 =	vld [tilespmem:s31+$0xC00]  }
.LBB2_37:
0x2fb: {  	s18 =	sshra.s32 s16, $0x2  }
0x2fc: {  	s17 =	sand.u32 $0x7, s17;
	s15 =	sadd.s32 $0x1000, s15;
	p0 =	sne.s32 s16, $0x3200  }
.Ltmp17:
0x2fd: {  	s16 =	sadd.s32 $0x200, s16;
	s17 =	sshll.u32 s17, $0x7;
	(pc) =	sbr.rel @p0 .LBB2_37-.Ltmp17, $4  }
0x2fe: {  	(v2sf) =	vpush v8, $0xB;
	v8 =	vld.idx.msk [tilespmem:v1+s18+$0x0 ss:$0x1], $0xffff;
	s17 =	sadd.s32 s17, s15;
	v5 =	vadd.f32 v4, v5;
	v9 =	vmul.f32 v4, v4  }
0x2ff: {  	v4 =	vld [tilespmem:s17+$0xC10];
	v7 =	vadd.f32 v6, v7;
	v10 =	vmul.f32 v6, v6  }
0x300: {  	v6 =	vld [tilespmem:s17+$0xC00];
	v2 =	vadd.f32 v9, v2;
	_ =	sdelay $0x1  }
0x301: {  	s17 =	spop (v2sf);
	v3 =	vadd.f32 v10, v3  }
0x302: {  	(v2sf) =	vpush v8, $0xB;
	_ =	sdelay $0x9  }
0x303: {  	s16 =	sand.u32 $0x7, s17  }
0x304: {  	s15 =	sadd.s32 $0x1000, s15;
	s18 =	spop (v2sf);
	s16 =	sshll.u32 s16, $0x7  }
0x305: {  	s17 =	sand.u32 $0x7, s18;
	s16 =	sadd.s32 s16, s15  }
0x306: {  	s15 =	sadd.s32 $0x1000, s15;
	s17 =	sshll.u32 s17, $0x7;
	v53 =	vld [tilespmem:s16+$0xC10];
	s18 =	spop (v2sf)  }
0x307: {  	v9 =	vld [tilespmem:s16+$0xC00];
	s19 =	sadd.s32 s17, s15;
	s20 =	sand.u32 $0x7, s18  }
0x308: {  	s15 =	sadd.s32 $0x1000, s15;
	v10 =	vld [tilespmem:s19+$0xC10];
	s17 =	sshll.u32 s20, $0x7;
	s21 =	spop (v2sf)  }
0x309: {  	v11 =	vld [tilespmem:s19+$0xC00];
	s22 =	sadd.s32 s17, s15;
	s23 =	sand.u32 $0x7, s21  }
0x30a: {  	v5 =	vadd.f32 v4, v5;
	v7 =	vadd.f32 v6, v7;
	s15 =	sadd.s32 $0x1000, s15;
	v12 =	vld [tilespmem:s22+$0xC10];
	s17 =	sshll.u32 s23, $0x7  }
0x30b: {  	v54 =	vmul.f32 v4, v4;
	v55 =	vmul.f32 v6, v6;
	v13 =	vld [tilespmem:s22+$0xC00];
	s15 =	sadd.s32 s17, s15  }
0x30c: {  	v5 =	vadd.f32 v53, v5;
	v7 =	vadd.f32 v9, v7;
	v14 =	vld [tilespmem:s15+$0xC10]  }
0x30d: {  	v2 =	vadd.f32 v54, v2;
	v3 =	vadd.f32 v55, v3;
	v56 =	vmul.f32 v9, v9;
	v57 =	vld [tilespmem:s15+$0xC00]  }
0x30e: {  	v5 =	vadd.f32 v10, v5;
	v7 =	vadd.f32 v11, v7  }
0x30f: {  	v58 =	vmul.f32 v53, v53;
	v59 =	vmul.f32 v11, v11;
	v3 =	vadd.f32 v56, v3  }
0x310: {  	v5 =	vadd.f32 v12, v5;
	v7 =	vadd.f32 v13, v7  }
0x311: {  	v60 =	vmul.f32 v10, v10;
	v2 =	vadd.f32 v58, v2;
	v3 =	vadd.f32 v59, v3  }
0x312: {  	v61 =	vmul.f32 v13, v13;
	v5 =	vadd.f32 v14, v5;
	v7 =	vadd.f32 v57, v7  }
0x313: {  	v2 =	vadd.f32 v60, v2;
	v62 =	vmul.f32 v12, v12;
	v6 =	vmul.f32 v57, v57  }
0x314: {  	v3 =	vadd.f32 v61, v3;
	v7 =	vmul.f32 v7, v7;
	v5 =	vmul.f32 v5, v5  }
0x315: {  	v2 =	vadd.f32 v62, v2  }
0x316: {  	v63 =	vmul.f32 v14, v14;
	v3 =	vadd.f32 v6, v3;
	v5 =	vadd.f32 v5, v7;
	_ =	sdelay $0x1  }
0x317: {  	v2 =	vadd.f32 v63, v2;
	v3 =	vsub.f32 v5, v3;
	_ =	sdelay $0x1  }
0x318: {  	v2 =	vsub.f32 v3, v2;
	_ =	sdelay $0x1  }
0x319: {  	s24 =	simm.s32 $0x0;
	[tilespmem:s14+$0x1B0B0] =	vst v2  }
0x31a: {  	v2 =	vld.idx.msk [tilespmem:v1+s24+$0x0 ss:$0x1], $0xffff;
	_ =	sdelay $0x4  }
0x31b: {  	v2 =	vand.u32 $0xFFFFFFF8, v2  }
0x31c: {  	v2 =	vshll.u32 v2, $0x4  }
0x31d: {  	v2 =	vadd.s32 s3, v2  }
0x31e: {  	(v2sf) =	vpush v2, $0xC;
	_ =	sdelay $0x1  }
0x31f: {  	(v2sf) =	vpush v2, $0xD  }
0x320: {  	(v2sf) =	vpush v2, $0xE;
	_ =	sdelay $0x1  }
0x321: {  	(v2sf) =	vpush v2, $0xF;
	_ =	sdelay $0x9  }
0x322: {  	s25 =	simm.s32 $0x1000;
	s26 =	spop (v2sf)  }
0x323: {  	[tilespmem:s25], [sflag:$0x1] =	stream.linear.gather [hbm4b:s26+s2], $0x400, $0x38;
	[tilespmem:$0x1B880] =	vst v63  }
0x324: {  	s28 =	simm.s32 $0x1400;
	s30 =	simm.s32 $0x1800;
	s29 =	spop (v2sf)  }
0x325: {  	s16 =	simm.s32 $0x80;
	s18 =	simm.s32 $0x1C00;
	s31 =	spop (v2sf)  }
0x326: {  	[tilespmem:s28], [sflag:$0x1] =	stream.linear.gather [hbm4b:s29+s2], $0x400, $0x38;
	[tilespmem:$0x1B880] =	vst v63  }
0x327: {  	s17 =	simm.s32 $0x400;
	s15 =	simm.s32 $0x2C00;
	s19 =	spop (v2sf)  }
0x328: {  	[tilespmem:s30], [sflag:$0x1] =	stream.linear.gather [hbm4b:s31+s2], $0x400, $0x38;
	[tilespmem:$0x1B880] =	vst v63  }
.LBB2_39:
0x329: {  	[tilespmem:s18], [sflag:$0x1] =	stream.linear.gather [hbm4b:s19+s2], $0x400, $0x38;
	[tilespmem:$0x1B880] =	vst v63  }
0x32a: {  	p0 =	sne.s32 s17, $0x3200;
	v2 =	vld.idx.msk [tilespmem:v1+s16+$0x0 ss:$0x1], $0xffff;
	s16 =	sshra.s32 s17, $0x2;
	s17 =	sadd.s32 $0x200, s17  }
0x32b: {  	s18 =	smov.u32 s15;
	_ =	sdelay $0x4  }
0x32c: {  	v2 =	vand.u32 $0xFFFFFFF8, v2  }
0x32d: {  	v2 =	vshll.u32 v2, $0x4  }
0x32e: {  	v2 =	vadd.s32 s3, v2  }
0x32f: {  	(v2sf) =	vpush v2, $0xC;
	_ =	sdelay $0x1  }
0x330: {  	(v2sf) =	vpush v2, $0xD;
	_ =	sdelay $0x1  }
0x331: {  	(v2sf) =	vpush v2, $0xE;
	_ =	sdelay $0x1  }
0x332: {  	(v2sf) =	vpush v2, $0xF;
	_ =	sdelay $0x8  }
0x333: {  	s19 =	sadd.s32 $0xFFFFF400, s15;
	s20 =	spop (v2sf)  }
0x334: {  	[tilespmem:s19], [sflag:$0x1] =	stream.linear.gather [hbm4b:s20+s2], $0x400, $0x38;
	[tilespmem:$0x1B880] =	vst v63  }
.Ltmp18:
0x335: {  	s19 =	sadd.s32 $0xFFFFF800, s15;
	s20 =	spop (v2sf);
	(pc) =	sbr.rel @p0 .LBB2_39-.Ltmp18, $4  }
0x336: {  	[tilespmem:s19], [sflag:$0x1] =	stream.linear.gather [hbm4b:s20+s2], $0x400, $0x38;
	[tilespmem:$0x1B880] =	vst v63  }
0x337: {  	s19 =	sadd.s32 $0xFFFFFC00, s15;
	s20 =	spop (v2sf)  }
0x338: {  	[tilespmem:s19], [sflag:$0x1] =	stream.linear.gather [hbm4b:s20+s2], $0x400, $0x38;
	[tilespmem:$0x1B880] =	vst v63  }
0x339: {  	s15 =	sadd.s32 $0x1000, s15;
	s19 =	spop (v2sf)  }
0x33a: {  	_ =	sdelay $0x2  }
0x33b: {  	[tilespmem:s18], [sflag:$0x1] =	stream.linear.gather [hbm4b:s19+s2], $0x400, $0x38;
	[tilespmem:$0x1B880] =	vst v63  }
0x33c: {  	v2 =	vld.idx.msk [tilespmem:v1+s16+$0x0 ss:$0x1], $0xffff;
	_ =	sdelay $0x4  }
0x33d: {  	v2 =	vand.u32 $0xFFFFFFF8, v2  }
0x33e: {  	v2 =	vshll.u32 v2, $0x4  }
0x33f: {  	v2 =	vadd.s32 s3, v2  }
0x340: {  	(v2sf) =	vpush v2, $0xC;
	_ =	sdelay $0x1  }
0x341: {  	(v2sf) =	vpush v2, $0xD;
	_ =	sdelay $0x1  }
0x342: {  	(v2sf) =	vpush v2, $0xE;
	_ =	sdelay $0x1  }
0x343: {  	(v2sf) =	vpush v2, $0xF;
	_ =	sdelay $0x8  }
0x344: {  	s25 =	sadd.s32 $0xFFFFF400, s15;
	s17 =	spop (v2sf)  }
0x345: {  	[tilespmem:s25], [sflag:$0x1] =	stream.linear.gather [hbm4b:s17+s2], $0x400, $0x38;
	[tilespmem:$0x1B880] =	vst v63  }
0x346: {  	s26 =	sadd.s32 $0xFFFFF800, s15;
	s28 =	spop (v2sf)  }
0x347: {  	[tilespmem:s26], [sflag:$0x1] =	stream.linear.gather [hbm4b:s28+s2], $0x400, $0x38;
	[tilespmem:$0x1B880] =	vst v63  }
0x348: {  	s29 =	sadd.s32 $0xFFFFFC00, s15;
	s30 =	spop (v2sf)  }
0x349: {  	[tilespmem:s29], [sflag:$0x1] =	stream.linear.gather [hbm4b:s30+s2], $0x400, $0x38;
	[tilespmem:$0x1B880] =	vst v63  }
0x34a: {  	s31 =	spop (v2sf)  }
0x34b: {  	[tilespmem:s15], [sflag:$0x1] =	stream.linear.gather [hbm4b:s31+s2], $0x400, $0x38;
	[tilespmem:$0x1B880] =	vst v63  }
0x34c: {  	_ =	swait.ge [sflag:s8], $0x400  }
0x34d: {  	[sflag:s8] =	ssyncset.done $0x0  }
0x34e: {  	[sflag:s8] =	ssyncadd.s32 $0xFFFFFC00  }
0x34f: {  	_ =	swait.ge [sflag:s8], $0x400  }
0x350: {  	[sflag:s8] =	ssyncset.done $0x0  }
0x351: {  	[sflag:s8] =	ssyncadd.s32 $0xFFFFFC00  }
0x352: {  	_ =	swait.ge [sflag:s8], $0x400  }
0x353: {  	[sflag:s8] =	ssyncset.done $0x0  }
0x354: {  	[sflag:s8] =	ssyncadd.s32 $0xFFFFFC00  }
0x355: {  	_ =	swait.ge [sflag:s8], $0x400  }
0x356: {  	s15 =	simm.s32 $0x19;
	[sflag:s8] =	ssyncset.done $0x0  }
.LBB2_41:
0x357: {  	p0 =	sne.s32 s15, $0x1;
	s15 =	sadd.s32 $0xFFFFFFFF, s15;
	[sflag:s8] =	ssyncadd.s32 $0xFFFFFC00  }
0x358: {  	_ =	swait.ge [sflag:s8], $0x400  }
0x359: {  	[sflag:s8] =	ssyncset.done $0x0  }
0x35a: {  	[sflag:s8] =	ssyncadd.s32 $0xFFFFFC00  }
0x35b: {  	_ =	swait.ge [sflag:s8], $0x400  }
0x35c: {  	[sflag:s8] =	ssyncset.done $0x0  }
0x35d: {  	[sflag:s8] =	ssyncadd.s32 $0xFFFFFC00  }
.Ltmp19:
0x35e: {  	_ =	swait.ge [sflag:s8], $0x400;
	(pc) =	sbr.rel @p0 .LBB2_41-.Ltmp19, $4  }
0x35f: {  	[sflag:s8] =	ssyncset.done $0x0  }
0x360: {  	[sflag:s8] =	ssyncadd.s32 $0xFFFFFC00  }
0x361: {  	_ =	swait.ge [sflag:s8], $0x400  }
0x362: {  	[sflag:s8] =	ssyncset.done $0x0  }
0x363: {  	_ =	sdelay $0x2  }
0x364: {  	[sflag:s8] =	ssyncadd.s32 $0xFFFFFC00;
	s15 =	simm.s32 $0x0  }
0x365: {  	v2 =	vld.idx.msk [tilespmem:v1+s15+$0x0 ss:$0x1], $0xffff;
	_ =	sdelay $0x4  }
0x366: {  	(v2sf) =	vpush v2, $0xC;
	_ =	sdelay $0x1  }
0x367: {  	s28 =	simm.s32 $0x80  }
0x368: {  	v3 =	vld.idx.msk [tilespmem:v1+s28+$0x0 ss:$0x1], $0xffff;
	_ =	sdelay $0x4  }
0x369: {  	(v2sf) =	vpush v3, $0xC  }
0x36a: {  	s29 =	simm.s32 $0x100  }
0x36b: {  	s30 =	simm.s32 $0x180;
	v2 =	vld.idx.msk [tilespmem:v1+s29+$0x0 ss:$0x1], $0xffff  }
0x36c: {  	v3 =	vld.idx.msk [tilespmem:v1+s30+$0x0 ss:$0x1], $0xffff;
	_ =	sdelay $0x3  }
0x36d: {  	s31 =	spop (v2sf);
	(v2sf) =	vpush v2, $0xC  }
0x36e: {  	(v2sf) =	vpush v3, $0xC;
	_ =	sdelay $0x2  }
0x36f: {  	s15 =	sand.u32 $0x7, s31  }
0x370: {  	s16 =	simm.s32 $0x200;
	s15 =	sshll.u32 s15, $0x7  }
0x371: {  	v8 =	vld.idx.msk [tilespmem:v1+s16+$0x0 ss:$0x1], $0xffff;
	s17 =	sadd.s32 $0x1000, s15  }
0x372: {  	v5 =	vimm.f32 $0.0e+00;
	v4 =	vld [tilespmem:s17+$0x10]  }
0x373: {  	v7 =	vimm.f32 $0.0e+00;
	s16 =	simm.s32 $0xA00;
	v2 =	vimm.f32 $0.0e+00;
	v3 =	vimm.f32 $0.0e+00;
	s15 =	simm.s32 $0x1000;
	v6 =	vld [tilespmem:s17+$0x0];
	s17 =	spop (v2sf)  }
.LBB2_43:
0x374: {  	s18 =	sshra.s32 s16, $0x2  }
0x375: {  	s17 =	sand.u32 $0x7, s17;
	s15 =	sadd.s32 $0x1000, s15;
	p0 =	sne.s32 s16, $0x3200  }
.Ltmp20:
0x376: {  	s16 =	sadd.s32 $0x200, s16;
	s17 =	sshll.u32 s17, $0x7;
	(pc) =	sbr.rel @p0 .LBB2_43-.Ltmp20, $4  }
0x377: {  	(v2sf) =	vpush v8, $0xC;
	v8 =	vld.idx.msk [tilespmem:v1+s18+$0x0 ss:$0x1], $0xffff;
	s17 =	sadd.s32 s17, s15;
	v5 =	vadd.f32 v4, v5;
	v9 =	vmul.f32 v4, v4  }
0x378: {  	v4 =	vld [tilespmem:s17+$0x10];
	v7 =	vadd.f32 v6, v7;
	v10 =	vmul.f32 v6, v6  }
0x379: {  	v6 =	vld [tilespmem:s17+$0x0];
	v2 =	vadd.f32 v9, v2;
	_ =	sdelay $0x1  }
0x37a: {  	s17 =	spop (v2sf);
	v3 =	vadd.f32 v10, v3  }
0x37b: {  	(v2sf) =	vpush v8, $0xC;
	_ =	sdelay $0x9  }
0x37c: {  	s16 =	sand.u32 $0x7, s17  }
0x37d: {  	s15 =	sadd.s32 $0x1000, s15;
	s18 =	spop (v2sf);
	s16 =	sshll.u32 s16, $0x7  }
0x37e: {  	s17 =	sand.u32 $0x7, s18;
	s16 =	sadd.s32 s16, s15  }
0x37f: {  	s15 =	sadd.s32 $0x1000, s15;
	s17 =	sshll.u32 s17, $0x7;
	v8 =	vld [tilespmem:s16+$0x10];
	s18 =	spop (v2sf)  }
0x380: {  	v9 =	vld [tilespmem:s16+$0x0];
	s19 =	sadd.s32 s17, s15;
	s20 =	sand.u32 $0x7, s18  }
0x381: {  	s15 =	sadd.s32 $0x1000, s15;
	v10 =	vld [tilespmem:s19+$0x10];
	s17 =	sshll.u32 s20, $0x7;
	s21 =	spop (v2sf)  }
0x382: {  	v11 =	vld [tilespmem:s19+$0x0];
	s22 =	sadd.s32 s17, s15;
	s23 =	sand.u32 $0x7, s21  }
0x383: {  	v5 =	vadd.f32 v4, v5;
	v7 =	vadd.f32 v6, v7;
	s15 =	sadd.s32 $0x1000, s15;
	v12 =	vld [tilespmem:s22+$0x10];
	s17 =	sshll.u32 s23, $0x7  }
0x384: {  	v4 =	vmul.f32 v4, v4;
	v6 =	vmul.f32 v6, v6;
	v13 =	vld [tilespmem:s22+$0x0];
	s15 =	sadd.s32 s17, s15  }
0x385: {  	v5 =	vadd.f32 v8, v5;
	v7 =	vadd.f32 v9, v7;
	v14 =	vld [tilespmem:s15+$0x10]  }
0x386: {  	v2 =	vadd.f32 v4, v2;
	v3 =	vadd.f32 v6, v3;
	v4 =	vmul.f32 v9, v9;
	v6 =	vld [tilespmem:s15+$0x0]  }
0x387: {  	v5 =	vadd.f32 v10, v5;
	v7 =	vadd.f32 v11, v7  }
0x388: {  	v3 =	vadd.f32 v4, v3;
	v4 =	vmul.f32 v8, v8;
	v8 =	vmul.f32 v11, v11  }
0x389: {  	v5 =	vadd.f32 v12, v5;
	v7 =	vadd.f32 v13, v7  }
0x38a: {  	v2 =	vadd.f32 v4, v2;
	v3 =	vadd.f32 v8, v3;
	v4 =	vmul.f32 v10, v10  }
0x38b: {  	v8 =	vmul.f32 v13, v13;
	v5 =	vadd.f32 v14, v5;
	v7 =	vadd.f32 v6, v7  }
0x38c: {  	v2 =	vadd.f32 v4, v2;
	v4 =	vmul.f32 v12, v12;
	v6 =	vmul.f32 v6, v6  }
0x38d: {  	v3 =	vadd.f32 v8, v3;
	v7 =	vmul.f32 v7, v7;
	v5 =	vmul.f32 v5, v5  }
0x38e: {  	v2 =	vadd.f32 v4, v2  }
0x38f: {  	v4 =	vmul.f32 v14, v14;
	v3 =	vadd.f32 v6, v3;
	v5 =	vadd.f32 v5, v7;
	_ =	sdelay $0x1  }
0x390: {  	v2 =	vadd.f32 v4, v2;
	v3 =	vsub.f32 v5, v3;
	_ =	sdelay $0x1  }
0x391: {  	v2 =	vsub.f32 v3, v2;
	_ =	sdelay $0x1  }
0x392: {  	s24 =	simm.s32 $0x0;
	[tilespmem:s14+$0x1B0C0] =	vst v2  }
0x393: {  	v2 =	vld.idx.msk [tilespmem:v1+s24+$0x0 ss:$0x1], $0xffff;
	_ =	sdelay $0x4  }
0x394: {  	(v2sf) =	vpush v2, $0xD  }
0x395: {  	s25 =	simm.s32 $0x80  }
0x396: {  	v3 =	vld.idx.msk [tilespmem:v1+s25+$0x0 ss:$0x1], $0xffff;
	_ =	sdelay $0x4  }
0x397: {  	(v2sf) =	vpush v3, $0xD  }
0x398: {  	s26 =	simm.s32 $0x100  }
0x399: {  	s28 =	simm.s32 $0x180;
	v2 =	vld.idx.msk [tilespmem:v1+s26+$0x0 ss:$0x1], $0xffff  }
0x39a: {  	v3 =	vld.idx.msk [tilespmem:v1+s28+$0x0 ss:$0x1], $0xffff;
	_ =	sdelay $0x3  }
0x39b: {  	(v2sf) =	vpush v2, $0xD  }
0x39c: {  	s29 =	spop (v2sf);
	(v2sf) =	vpush v3, $0xD;
	_ =	sdelay $0x2  }
0x39d: {  	s15 =	sand.u32 $0x7, s29  }
0x39e: {  	s30 =	simm.s32 $0x200;
	s15 =	sshll.u32 s15, $0x7  }
0x39f: {  	v8 =	vld.idx.msk [tilespmem:v1+s30+$0x0 ss:$0x1], $0xffff;
	s31 =	sadd.s32 $0x1000, s15  }
0x3a0: {  	v7 =	vimm.f32 $0.0e+00;
	v4 =	vld [tilespmem:s31+$0x410]  }
0x3a1: {  	s16 =	simm.s32 $0xA00;
	v5 =	vimm.f32 $0.0e+00;
	v2 =	vimm.f32 $0.0e+00;
	v3 =	vimm.f32 $0.0e+00;
	s17 =	spop (v2sf);
	s15 =	simm.s32 $0x1000;
	v6 =	vld [tilespmem:s31+$0x400]  }
.LBB2_45:
0x3a2: {  	s18 =	sshra.s32 s16, $0x2  }
0x3a3: {  	s17 =	sand.u32 $0x7, s17;
	s15 =	sadd.s32 $0x1000, s15;
	p0 =	sne.s32 s16, $0x3200  }
.Ltmp21:
0x3a4: {  	s16 =	sadd.s32 $0x200, s16;
	s17 =	sshll.u32 s17, $0x7;
	(pc) =	sbr.rel @p0 .LBB2_45-.Ltmp21, $4  }
0x3a5: {  	(v2sf) =	vpush v8, $0xD;
	v8 =	vld.idx.msk [tilespmem:v1+s18+$0x0 ss:$0x1], $0xffff;
	s17 =	sadd.s32 s17, s15;
	v5 =	vadd.f32 v4, v5;
	v9 =	vmul.f32 v4, v4  }
0x3a6: {  	v4 =	vld [tilespmem:s17+$0x410];
	v7 =	vadd.f32 v6, v7;
	v10 =	vmul.f32 v6, v6  }
0x3a7: {  	v6 =	vld [tilespmem:s17+$0x400];
	v2 =	vadd.f32 v9, v2;
	_ =	sdelay $0x1  }
0x3a8: {  	s17 =	spop (v2sf);
	v3 =	vadd.f32 v10, v3  }
0x3a9: {  	(v2sf) =	vpush v8, $0xD;
	_ =	sdelay $0x9  }
0x3aa: {  	s16 =	sand.u32 $0x7, s17  }
0x3ab: {  	s15 =	sadd.s32 $0x1000, s15;
	s18 =	spop (v2sf);
	s16 =	sshll.u32 s16, $0x7  }
0x3ac: {  	s17 =	sand.u32 $0x7, s18;
	s16 =	sadd.s32 s16, s15  }
0x3ad: {  	s15 =	sadd.s32 $0x1000, s15;
	s17 =	sshll.u32 s17, $0x7;
	v8 =	vld [tilespmem:s16+$0x410];
	s18 =	spop (v2sf)  }
0x3ae: {  	v9 =	vld [tilespmem:s16+$0x400];
	s19 =	sadd.s32 s17, s15;
	s20 =	sand.u32 $0x7, s18  }
0x3af: {  	s15 =	sadd.s32 $0x1000, s15;
	v10 =	vld [tilespmem:s19+$0x410];
	s17 =	sshll.u32 s20, $0x7;
	s21 =	spop (v2sf)  }
0x3b0: {  	v11 =	vld [tilespmem:s19+$0x400];
	s22 =	sadd.s32 s17, s15;
	s23 =	sand.u32 $0x7, s21  }
0x3b1: {  	v5 =	vadd.f32 v4, v5;
	v7 =	vadd.f32 v6, v7;
	s15 =	sadd.s32 $0x1000, s15;
	v12 =	vld [tilespmem:s22+$0x410];
	s17 =	sshll.u32 s23, $0x7  }
0x3b2: {  	v4 =	vmul.f32 v4, v4;
	v6 =	vmul.f32 v6, v6;
	v13 =	vld [tilespmem:s22+$0x400];
	s15 =	sadd.s32 s17, s15  }
0x3b3: {  	v5 =	vadd.f32 v8, v5;
	v7 =	vadd.f32 v9, v7;
	v14 =	vld [tilespmem:s15+$0x410]  }
0x3b4: {  	v2 =	vadd.f32 v4, v2;
	v3 =	vadd.f32 v6, v3;
	v4 =	vmul.f32 v9, v9;
	v6 =	vld [tilespmem:s15+$0x400]  }
0x3b5: {  	v5 =	vadd.f32 v10, v5;
	v7 =	vadd.f32 v11, v7  }
0x3b6: {  	v3 =	vadd.f32 v4, v3;
	v4 =	vmul.f32 v8, v8;
	v8 =	vmul.f32 v11, v11  }
0x3b7: {  	v5 =	vadd.f32 v12, v5;
	v7 =	vadd.f32 v13, v7  }
0x3b8: {  	v2 =	vadd.f32 v4, v2;
	v3 =	vadd.f32 v8, v3;
	v4 =	vmul.f32 v10, v10  }
0x3b9: {  	v8 =	vmul.f32 v13, v13;
	v5 =	vadd.f32 v14, v5;
	v7 =	vadd.f32 v6, v7  }
0x3ba: {  	v2 =	vadd.f32 v4, v2;
	v4 =	vmul.f32 v12, v12;
	v6 =	vmul.f32 v6, v6  }
0x3bb: {  	v3 =	vadd.f32 v8, v3;
	v7 =	vmul.f32 v7, v7;
	v5 =	vmul.f32 v5, v5  }
0x3bc: {  	v2 =	vadd.f32 v4, v2  }
0x3bd: {  	v4 =	vmul.f32 v14, v14;
	v3 =	vadd.f32 v6, v3;
	v5 =	vadd.f32 v5, v7;
	_ =	sdelay $0x1  }
0x3be: {  	v2 =	vadd.f32 v4, v2;
	v3 =	vsub.f32 v5, v3;
	_ =	sdelay $0x1  }
0x3bf: {  	v2 =	vsub.f32 v3, v2;
	_ =	sdelay $0x1  }
0x3c0: {  	s24 =	simm.s32 $0x0;
	[tilespmem:s14+$0x1B0D0] =	vst v2  }
0x3c1: {  	v2 =	vld.idx.msk [tilespmem:v1+s24+$0x0 ss:$0x1], $0xffff;
	_ =	sdelay $0x4  }
0x3c2: {  	(v2sf) =	vpush v2, $0xE  }
0x3c3: {  	s25 =	simm.s32 $0x80  }
0x3c4: {  	v3 =	vld.idx.msk [tilespmem:v1+s25+$0x0 ss:$0x1], $0xffff;
	_ =	sdelay $0x4  }
0x3c5: {  	(v2sf) =	vpush v3, $0xE  }
0x3c6: {  	s26 =	simm.s32 $0x100  }
0x3c7: {  	s28 =	simm.s32 $0x180;
	v2 =	vld.idx.msk [tilespmem:v1+s26+$0x0 ss:$0x1], $0xffff  }
0x3c8: {  	v3 =	vld.idx.msk [tilespmem:v1+s28+$0x0 ss:$0x1], $0xffff;
	_ =	sdelay $0x3  }
0x3c9: {  	(v2sf) =	vpush v2, $0xE  }
0x3ca: {  	s29 =	spop (v2sf);
	(v2sf) =	vpush v3, $0xE;
	_ =	sdelay $0x2  }
0x3cb: {  	s15 =	sand.u32 $0x7, s29  }
0x3cc: {  	s30 =	simm.s32 $0x200;
	s15 =	sshll.u32 s15, $0x7  }
0x3cd: {  	v8 =	vld.idx.msk [tilespmem:v1+s30+$0x0 ss:$0x1], $0xffff;
	s31 =	sadd.s32 $0x1000, s15  }
0x3ce: {  	v7 =	vimm.f32 $0.0e+00;
	v4 =	vld [tilespmem:s31+$0x810]  }
0x3cf: {  	s16 =	simm.s32 $0xA00;
	v5 =	vimm.f32 $0.0e+00;
	v2 =	vimm.f32 $0.0e+00;
	v3 =	vimm.f32 $0.0e+00;
	s17 =	spop (v2sf);
	s15 =	simm.s32 $0x1000;
	v6 =	vld [tilespmem:s31+$0x800]  }
.LBB2_47:
0x3d0: {  	s18 =	sshra.s32 s16, $0x2  }
0x3d1: {  	s17 =	sand.u32 $0x7, s17;
	s15 =	sadd.s32 $0x1000, s15;
	p0 =	sne.s32 s16, $0x3200  }
.Ltmp22:
0x3d2: {  	s16 =	sadd.s32 $0x200, s16;
	s17 =	sshll.u32 s17, $0x7;
	(pc) =	sbr.rel @p0 .LBB2_47-.Ltmp22, $4  }
0x3d3: {  	(v2sf) =	vpush v8, $0xE;
	v8 =	vld.idx.msk [tilespmem:v1+s18+$0x0 ss:$0x1], $0xffff;
	s17 =	sadd.s32 s17, s15;
	v5 =	vadd.f32 v4, v5;
	v9 =	vmul.f32 v4, v4  }
0x3d4: {  	v4 =	vld [tilespmem:s17+$0x810];
	v7 =	vadd.f32 v6, v7;
	v10 =	vmul.f32 v6, v6  }
0x3d5: {  	v6 =	vld [tilespmem:s17+$0x800];
	v2 =	vadd.f32 v9, v2;
	_ =	sdelay $0x1  }
0x3d6: {  	s17 =	spop (v2sf);
	v3 =	vadd.f32 v10, v3  }
0x3d7: {  	(v2sf) =	vpush v8, $0xE;
	_ =	sdelay $0x9  }
0x3d8: {  	s16 =	sand.u32 $0x7, s17  }
0x3d9: {  	s15 =	sadd.s32 $0x1000, s15;
	s18 =	spop (v2sf);
	s16 =	sshll.u32 s16, $0x7  }
0x3da: {  	s17 =	sand.u32 $0x7, s18;
	s16 =	sadd.s32 s16, s15  }
0x3db: {  	s15 =	sadd.s32 $0x1000, s15;
	s17 =	sshll.u32 s17, $0x7;
	v8 =	vld [tilespmem:s16+$0x810];
	s18 =	spop (v2sf)  }
0x3dc: {  	v9 =	vld [tilespmem:s16+$0x800];
	s19 =	sadd.s32 s17, s15;
	s20 =	sand.u32 $0x7, s18  }
0x3dd: {  	s15 =	sadd.s32 $0x1000, s15;
	v10 =	vld [tilespmem:s19+$0x810];
	s17 =	sshll.u32 s20, $0x7;
	s21 =	spop (v2sf)  }
0x3de: {  	v11 =	vld [tilespmem:s19+$0x800];
	s22 =	sadd.s32 s17, s15;
	s23 =	sand.u32 $0x7, s21  }
0x3df: {  	v5 =	vadd.f32 v4, v5;
	v7 =	vadd.f32 v6, v7;
	s15 =	sadd.s32 $0x1000, s15;
	v12 =	vld [tilespmem:s22+$0x810];
	s17 =	sshll.u32 s23, $0x7  }
0x3e0: {  	v4 =	vmul.f32 v4, v4;
	v6 =	vmul.f32 v6, v6;
	v13 =	vld [tilespmem:s22+$0x800];
	s15 =	sadd.s32 s17, s15  }
0x3e1: {  	v5 =	vadd.f32 v8, v5;
	v7 =	vadd.f32 v9, v7;
	v14 =	vld [tilespmem:s15+$0x810]  }
0x3e2: {  	v2 =	vadd.f32 v4, v2;
	v3 =	vadd.f32 v6, v3;
	v4 =	vmul.f32 v9, v9;
	v6 =	vld [tilespmem:s15+$0x800]  }
0x3e3: {  	v5 =	vadd.f32 v10, v5;
	v7 =	vadd.f32 v11, v7  }
0x3e4: {  	v3 =	vadd.f32 v4, v3;
	v4 =	vmul.f32 v8, v8;
	v8 =	vmul.f32 v11, v11  }
0x3e5: {  	v5 =	vadd.f32 v12, v5;
	v7 =	vadd.f32 v13, v7  }
0x3e6: {  	v2 =	vadd.f32 v4, v2;
	v3 =	vadd.f32 v8, v3;
	v4 =	vmul.f32 v10, v10  }
0x3e7: {  	v8 =	vmul.f32 v13, v13;
	v5 =	vadd.f32 v14, v5;
	v7 =	vadd.f32 v6, v7  }
0x3e8: {  	v2 =	vadd.f32 v4, v2;
	v4 =	vmul.f32 v12, v12;
	v6 =	vmul.f32 v6, v6  }
0x3e9: {  	v3 =	vadd.f32 v8, v3;
	v7 =	vmul.f32 v7, v7;
	v5 =	vmul.f32 v5, v5  }
0x3ea: {  	v2 =	vadd.f32 v4, v2  }
0x3eb: {  	v4 =	vmul.f32 v14, v14;
	v3 =	vadd.f32 v6, v3;
	v5 =	vadd.f32 v5, v7;
	_ =	sdelay $0x1  }
0x3ec: {  	v2 =	vadd.f32 v4, v2;
	v3 =	vsub.f32 v5, v3;
	_ =	sdelay $0x1  }
0x3ed: {  	v2 =	vsub.f32 v3, v2;
	_ =	sdelay $0x1  }
0x3ee: {  	s24 =	simm.s32 $0x0;
	[tilespmem:s14+$0x1B0E0] =	vst v2  }
0x3ef: {  	v2 =	vld.idx.msk [tilespmem:v1+s24+$0x0 ss:$0x1], $0xffff;
	_ =	sdelay $0x4  }
0x3f0: {  	(v2sf) =	vpush v2, $0xF  }
0x3f1: {  	s25 =	simm.s32 $0x80  }
0x3f2: {  	v3 =	vld.idx.msk [tilespmem:v1+s25+$0x0 ss:$0x1], $0xffff;
	_ =	sdelay $0x4  }
0x3f3: {  	(v2sf) =	vpush v3, $0xF  }
0x3f4: {  	s26 =	simm.s32 $0x100  }
0x3f5: {  	s28 =	simm.s32 $0x180;
	v2 =	vld.idx.msk [tilespmem:v1+s26+$0x0 ss:$0x1], $0xffff  }
0x3f6: {  	v3 =	vld.idx.msk [tilespmem:v1+s28+$0x0 ss:$0x1], $0xffff;
	_ =	sdelay $0x3  }
0x3f7: {  	(v2sf) =	vpush v2, $0xF  }
0x3f8: {  	s29 =	spop (v2sf);
	(v2sf) =	vpush v3, $0xF;
	_ =	sdelay $0x2  }
0x3f9: {  	s15 =	sand.u32 $0x7, s29  }
0x3fa: {  	s30 =	simm.s32 $0x200;
	s15 =	sshll.u32 s15, $0x7  }
0x3fb: {  	v8 =	vld.idx.msk [tilespmem:v1+s30+$0x0 ss:$0x1], $0xffff;
	s31 =	sadd.s32 $0x1000, s15  }
0x3fc: {  	v7 =	vimm.f32 $0.0e+00;
	v4 =	vld [tilespmem:s31+$0xC10]  }
0x3fd: {  	s16 =	simm.s32 $0xA00;
	v5 =	vimm.f32 $0.0e+00;
	v2 =	vimm.f32 $0.0e+00;
	v3 =	vimm.f32 $0.0e+00;
	s17 =	spop (v2sf);
	s15 =	simm.s32 $0x1000;
	v6 =	vld [tilespmem:s31+$0xC00]  }
.LBB2_49:
0x3fe: {  	s18 =	sshra.s32 s16, $0x2  }
0x3ff: {  	s17 =	sand.u32 $0x7, s17;
	s15 =	sadd.s32 $0x1000, s15;
	p0 =	sne.s32 s16, $0x3200  }
.Ltmp23:
0x400: {  	s16 =	sadd.s32 $0x200, s16;
	s17 =	sshll.u32 s17, $0x7;
	(pc) =	sbr.rel @p0 .LBB2_49-.Ltmp23, $4  }
0x401: {  	(v2sf) =	vpush v8, $0xF;
	v8 =	vld.idx.msk [tilespmem:v1+s18+$0x0 ss:$0x1], $0xffff;
	s17 =	sadd.s32 s17, s15;
	v5 =	vadd.f32 v4, v5;
	v9 =	vmul.f32 v4, v4  }
0x402: {  	v4 =	vld [tilespmem:s17+$0xC10];
	v7 =	vadd.f32 v6, v7;
	v10 =	vmul.f32 v6, v6  }
0x403: {  	v6 =	vld [tilespmem:s17+$0xC00];
	v2 =	vadd.f32 v9, v2;
	_ =	sdelay $0x1  }
0x404: {  	s17 =	spop (v2sf);
	v3 =	vadd.f32 v10, v3  }
0x405: {  	(v2sf) =	vpush v8, $0xF;
	_ =	sdelay $0x9  }
0x406: {  	s16 =	sand.u32 $0x7, s17  }
0x407: {  	s15 =	sadd.s32 $0x1000, s15;
	s25 =	spop (v2sf);
	s16 =	sshll.u32 s16, $0x7  }
0x408: {  	s17 =	sand.u32 $0x7, s25;
	s16 =	sadd.s32 s16, s15  }
0x409: {  	s15 =	sadd.s32 $0x1000, s15;
	s17 =	sshll.u32 s17, $0x7;
	v1 =	vld [tilespmem:s16+$0xC10];
	s18 =	spop (v2sf)  }
0x40a: {  	v56 =	vld [tilespmem:s16+$0xC00];
	s26 =	sadd.s32 s17, s15;
	s28 =	sand.u32 $0x7, s18  }
0x40b: {  	s15 =	sadd.s32 $0x1000, s15;
	v9 =	vld [tilespmem:s26+$0xC10];
	s17 =	sshll.u32 s28, $0x7;
	s29 =	spop (v2sf)  }
0x40c: {  	v10 =	vld [tilespmem:s26+$0xC00];
	s30 =	sadd.s32 s17, s15;
	s31 =	sand.u32 $0x7, s29  }
0x40d: {  	v5 =	vadd.f32 v4, v5;
	v7 =	vadd.f32 v6, v7;
	s15 =	sadd.s32 $0x1000, s15;
	v11 =	vld [tilespmem:s30+$0xC10];
	s17 =	sshll.u32 s31, $0x7  }
0x40e: {  	v57 =	vmul.f32 v4, v4;
	v58 =	vmul.f32 v6, v6;
	v12 =	vld [tilespmem:s30+$0xC00];
	s15 =	sadd.s32 s17, s15  }
0x40f: {  	v5 =	vadd.f32 v1, v5;
	v7 =	vadd.f32 v56, v7;
	v13 =	vld [tilespmem:s15+$0xC10]  }
0x410: {  	v2 =	vadd.f32 v57, v2;
	v3 =	vadd.f32 v58, v3;
	v59 =	vmul.f32 v56, v56;
	v60 =	vld [tilespmem:s15+$0xC00]  }
0x411: {  	v5 =	vadd.f32 v9, v5;
	v7 =	vadd.f32 v10, v7  }
0x412: {  	v1 =	vmul.f32 v1, v1;
	v61 =	vmul.f32 v10, v10;
	v3 =	vadd.f32 v59, v3  }
0x413: {  	v5 =	vadd.f32 v11, v5;
	v7 =	vadd.f32 v12, v7  }
0x414: {  	v1 =	vadd.f32 v1, v2;
	v2 =	vadd.f32 v61, v3;
	v3 =	vmul.f32 v9, v9  }
0x415: {  	v62 =	vmul.f32 v12, v12;
	v5 =	vadd.f32 v13, v5;
	v7 =	vadd.f32 v60, v7  }
0x416: {  	v1 =	vadd.f32 v3, v1;
	v3 =	vmul.f32 v11, v11;
	v6 =	vmul.f32 v60, v60  }
0x417: {  	v2 =	vadd.f32 v62, v2;
	v63 =	vmul.f32 v7, v7;
	v5 =	vmul.f32 v5, v5  }
0x418: {  	v1 =	vadd.f32 v3, v1  }
0x419: {  	s13 =	sadd.s32 $0x1, s13;
	v3 =	vmul.f32 v13, v13;
	v2 =	vadd.f32 v6, v2;
	v4 =	vadd.f32 v5, v63  }
0x41a: {  	p0 =	sne.s32 s13, $0x8  }
.Ltmp24:
0x41b: {  	v1 =	vadd.f32 v3, v1;
	v2 =	vsub.f32 v4, v2;
	(pc) =	sbr.rel @p0 .LBB2_2-.Ltmp24, $3  }
0x41c: {  	_ = 	snop  }
0x41d: {  	v1 =	vsub.f32 v2, v1;
	_ =	sdelay $0x1  }
0x41e: {  	s12 =	sadd.s32 $0x10, s12;
	[tilespmem:s14+$0x1B0F0] =	vst v1;
	s14 =	simm.s32 $0x0  }
0x41f: {  	s12 =	simm.s32 $0x0  }
.LBB2_52:
0x420: {  	s13 =	sshll.u32 s12, $0x8  }
0x421: {  	s15 =	sor.u32 s13, s14  }
0x422: {  	v2 =	vor.u32 s15, v0;
	_ =	sdelay $0x2  }
0x423: {  	s31 =	simm.s32 $0x1  }
0x424: {  	s16 =	sor.u32 s13, s31  }
0x425: {  	v1 =	vimm.f32 $0.0e+00;
	s15 =	simm.s32 $0x2;
	v3 =	vor.u32 s16, v0;
	v2 =	vld.idx.msk [tilespmem:v2+s9+$0x0], $0xffff  }
.LBB2_53:
0x426: {  	p0 =	sne.s32 s15, $0xF  }
.Ltmp25:
0x427: {  	_ = 	snop;
	(pc) =	sbr.rel @p0 .LBB2_53-.Ltmp25, $3  }
0x428: {  	_ =	sdelay $0x1  }
0x429: {  	s16 =	sor.u32 s13, s15;
	s15 =	sadd.s32 $0x1, s15;
	v1 =	vadd.f32 v2, v1;
	v2 =	vld.idx.msk [tilespmem:v3+s9+$0x0], $0xffff  }
0x42a: {  	v3 =	vor.u32 s16, v0  }
0x42b: {  	_ =	sdelay $0x3  }
0x42c: {  	v3 =	vld.idx.msk [tilespmem:v3+s9+$0x0], $0xffff;
	_ =	sdelay $0x2  }
0x42d: {  	s13 =	sshll.u32 s12, $0x4;
	s12 =	sadd.s32 $0x1, s12;
	v1 =	vadd.f32 v2, v1  }
0x42e: {  	p0 =	sne.s32 s12, $0x8  }
.Ltmp26:
0x42f: {  	v1 =	vadd.f32 v3, v1;
	(pc) =	sbr.rel @p0 .LBB2_52-.Ltmp26, $4  }
0x430: {  	_ = 	snop  }
0x431: {  	v1 =	vmul.f32 $5.000000000e-01, v1  }
0x432: {  	s13 =	sand.u32 $0x3FFFFFF0, s13  }
0x433: {  	[tilespmem:s13+$0x1B800] =	vst v1  }
0x434: {  	s11 =	sadd.s32 $0x1, s11  }
0x435: {  	p0 =	sne.s32 s11, s6  }
.Ltmp27:
0x436: {  	_ = 	snop;
	(pc) =	sbr.rel @p0 .LBB2_1-.Ltmp27, $4  }
0x437: {  	[hbm4b:s5+s2] =	stream.linear.scatter [tilespmem:s10], [sflag:$0x2], $0x80, $0x38;
	[tilespmem:$0x1B880] =	vst v63  }
0x438: {  	_ =	swait.ge [sflag:s7], $0x80  }
0x439: {  	[sflag:s7] =	ssyncset.done $0x0  }
0x43a: {  	[sflag:s7] =	ssyncadd.s32 $0xFFFFFF80  }
0x43b: {  	_ =	sfence.sel $0x180000  }
0x43c: {  	[bflag:$0x0] =	sbarrier.arrive $0xFFFF  }
0x43d: {  	p0 =	sne.s32 s1, $0x0;
	_ =	strace $0x9000004A  }
0x43e: {  	s0 =	sadd.s32 @!p0 $0x100000, s0;
	[bflag:$0x2] =	sbarrier.arrive $0xFFFF  }
0x43f: {  	[sflag:s0] =	ssyncadd.tile.s32 @!p0 $0x1;
	_ =	shalt  }
.Lfunc_end2:
_tile_overlayer_lowered:
.L_overlay_start_2:
0x440: {  	(tag) =	ssettag $0x2  }
0x441: {  	s0 =	rddreg [dreg:$0x0];
	s2 =	stileid.u32  }
0x442: {  	s1 =	rddreg [dreg:$0x1];
	p0 =	sne.s32 s2, $0x0  }
0x443: {  	s3 =	rddreg [dreg:$0x2];
	[bflag:$0x3] =	sbarrier.arrive $0xFFFF;
	s2 =	simm.s32 @!p0 $0x1C02  }
0x444: {  	[timem:s3], [sflag:s2] =	dma.local @!p0 [hbm:s0], s1  }
0x445: {  	s0 =	simm.s32 @!p0 $0x2  }
0x446: {  	_ =	swait.ge @!p0 [sflag:s0], s1  }
0x447: {  	s1 =	ssub.s32 @!p0 $0x0, s1;
	[sflag:s0] =	ssyncset.done @!p0 $0x0  }
0x448: {  	[sflag:s0] =	ssyncadd.s32 @!p0 s1  }
0x449: {  	[bflag:$0x3] =	sbarrier.arrive $0xFFFF  }
0x44a: {  	_ =	shalt  }

// kernel: kernel.8.cloned.1.call-start
scs
__scs_entry_jumppad:
0x0: {  	(pc) =	sbr.rel $0x88, $3  }
0x1: {  	(tag) =	ssettag $0x0;
	lr =	simm.s32 $0x1  }
0x2: {  	[smem:$0x3F9D] =	sst lr;
	_ =	strace $0xD0000000  }
0x3: {  	_ = 	snop  }
0x4: {  	_ = 	snop  }
0x5: {  	_ = 	snop  }
0x6: {  	_ = 	snop  }
0x7: {  	_ = 	snop  }
__scs_overlays_trampoline_lowered:
0x8: {  	[smem:$0x3FAC] =	sst s0  }
0x9: {  	[smem:$0x3FAD] =	sst s1  }
0xa: {  	[smem:$0x3FAE] =	sst s2  }
0xb: {  	[smem:$0x3FAF] =	sst s3  }
0xc: {  	[smem:$0x3FB0] =	sst s4  }
0xd: {  	[smem:$0x3FB1] =	sst s5  }
0xe: {  	[smem:$0x3FB2] =	sst s6  }
0xf: {  	[smem:$0x3FB3] =	sst s7  }
0x10: {  	[smem:$0x3FB4] =	sst s8  }
0x11: {  	[smem:$0x3FB5] =	sst s9;
	s0 =	simm.s32 @!p0 $0x0  }
0x12: {  	s1 =	sld [smem:$0x3F9B];
	s0 =	simm.s32 @p0 $0x1  }
0x13: {  	[smem:$0x3FB6] =	sst s0;
	s0 =	simm.s32 @!p1 $0x0  }
0x14: {  	s2 =	sld [smem:$0x3F9A];
	s0 =	simm.s32 @p1 $0x1  }
0x15: {  	[smem:$0x3FB7] =	sst s0;
	s0 =	simm.s32 @!p2 $0x0  }
0x16: {  	s3 =	sld [smem:$0x3FDB];
	s0 =	simm.s32 @p2 $0x1  }
0x17: {  	s4 =	simm.s32 $0x1BF5;
	[smem:$0x3FB9] =	sst s0  }
0x18: {  	s0 =	sld [smem:$0x3F9C];
	_ =	swait.ge [sflag:s4], $0x0  }
0x19: {  	s7 =	sld [smem:$0x3F9D]  }
0x1a: {  	s8 =	sadd.s32 $0xFFFFE003, lr  }
0x1b: {  	s9 =	sadd.s32 $0xFFFFFEF7, lr;
	s5 =	simm.s32 $0xFFFFFFFF;
	p2 =	slt.u32 s8, $0xFFFFF086  }
0x1c: {  	p1 =	slt.u32 s9, $0xF7A;
	s5 =	simm.s32 @!p2 $0x0  }
0x1d: {  	s5 =	simm.s32 @p1 $0x1;
	p0 =	seq.s32 s7, s2  }
0x1e: {  	s7 =	smul.u32 @!p0 $0xF7A, s2;
	p2 =	seq.s32 @!p0 s5, $0x0  }
0x1f: {  	s9 =	smul.u32 $0xF7A, s1;
	s8 =	simm.s32 @!p0 $0x1BF5;
	p2 =	por !p2, p0  }
0x20: {  	[sflag:s8] =	ssyncset.s32 @!p0 $0xFFFFF086;
	s6 =	sadd.s32 @!p0 s3, s7;
	s7 =	simm.s32 @!p0 $0x108  }
0x21: {  	s3 =	sadd.s32 s3, s9;
	s6 =	sadd.s32 @!p0 $0x88, s6;
	s7 =	simm.s32 @p2 $0x1082  }
0x22: {  	[simem:s7], [sflag:s8] =	dma.local @!p0 [hbm:s6], $0xF7A  }
0x23: {  	s9 =	sor.u32 $0xD0000000, s2;
	s6 =	simm.s32 $0x108;
	_ =	swait.ge @!p0 [sflag:s8], $0x0  }
0x24: {  	s3 =	sadd.s32 $0x88, s3;
	s6 =	simm.s32 @!p1 $0x1082;
	[sflag:s4] =	ssyncset.s32 $0xFFFFF086  }
0x25: {  	[simem:s6], [sflag:s4] =	dma.local [hbm:s3], $0xF7A  }
0x26: {  	[smem:$0x3F9D] =	sst s1;
	(tag) =	ssettag s2;
	_ =	strace s9  }
0x27: {  	s1 =	sld [smem:$0x3FAD]  }
0x28: {  	s2 =	sld [smem:$0x3FAE]  }
0x29: {  	s4 =	sld [smem:$0x3FB0]  }
0x2a: {  	p0 =	seq.s32 s5, $0x0;
	s5 =	sld [smem:$0x3FB1]  }
0x2b: {  	s6 =	sld [smem:$0x3FB2]  }
0x2c: {  	s7 =	sld [smem:$0x3FB3]  }
0x2d: {  	s3 =	simm.s32 $0x108;
	s8 =	sld [smem:$0x3FB4]  }
0x2e: {  	s3 =	simm.s32 @!p0 $0x1082;
	s9 =	sld [smem:$0x3FB5]  }
0x2f: {  	lr =	sadd.s32 s0, s3;
	s0 =	sld [smem:$0x3FAC]  }
0x30: {  	s3 =	sld [smem:$0x3FAF]  }
0x31: {  	[smem:$0x3FB8] =	sst s10  }
0x32: {  	s10 =	sld [smem:$0x3FB6];
	_ =	sdelay $0x3  }
0x33: {  	p0 =	seq.s32 s10, $0x1;
	s10 =	sld [smem:$0x3FB8];
	_ =	sdelay $0x3  }
0x34: {  	[smem:$0x3FB8] =	sst s10  }
0x35: {  	s10 =	sld [smem:$0x3FB7];
	_ =	sdelay $0x3  }
0x36: {  	p1 =	seq.s32 s10, $0x1;
	s10 =	sld [smem:$0x3FB8];
	_ =	sdelay $0x3  }
0x37: {  	[smem:$0x3FB8] =	sst s10  }
0x38: {  	s10 =	sld [smem:$0x3FB9]  }
0x39: {  	_ = 	snop;
	(pc) =	sbr.ind lr, $3  }
0x3a: {  	_ = 	snop  }
0x3b: {  	_ = 	snop  }
0x3c: {  	p2 =	seq.s32 s10, $0x1;
	s10 =	sld [smem:$0x3FB8]  }
0x3d: {  	_ =	shalt  }
0x3e: {  	_ =	shalt  }
0x3f: {  	_ =	shalt  }
0x40: {  	_ =	shalt  }
0x41: {  	_ =	shalt  }
0x42: {  	_ =	shalt  }
0x43: {  	_ =	shalt  }
0x44: {  	_ =	shalt  }
0x45: {  	_ =	shalt  }
0x46: {  	_ =	shalt  }
0x47: {  	_ =	shalt  }
0x48: {  	_ =	shalt  }
0x49: {  	_ =	shalt  }
0x4a: {  	_ =	shalt  }
0x4b: {  	_ =	shalt  }
0x4c: {  	_ =	shalt  }
0x4d: {  	_ =	shalt  }
0x4e: {  	_ =	shalt  }
0x4f: {  	_ =	shalt  }
0x50: {  	_ =	shalt  }
0x51: {  	_ =	shalt  }
0x52: {  	_ =	shalt  }
0x53: {  	_ =	shalt  }
0x54: {  	_ =	shalt  }
0x55: {  	_ =	shalt  }
0x56: {  	_ =	shalt  }
0x57: {  	_ =	shalt  }
0x58: {  	_ =	shalt  }
0x59: {  	_ =	shalt  }
0x5a: {  	_ =	shalt  }
0x5b: {  	_ =	shalt  }
0x5c: {  	_ =	shalt  }
0x5d: {  	_ =	shalt  }
0x5e: {  	_ =	shalt  }
0x5f: {  	_ =	shalt  }
0x60: {  	_ =	shalt  }
0x61: {  	_ =	shalt  }
0x62: {  	_ =	shalt  }
0x63: {  	_ =	shalt  }
0x64: {  	_ =	shalt  }
0x65: {  	_ =	shalt  }
0x66: {  	_ =	shalt  }
0x67: {  	_ =	shalt  }
0x68: {  	_ =	shalt  }
0x69: {  	_ =	shalt  }
0x6a: {  	_ =	shalt  }
0x6b: {  	_ =	shalt  }
0x6c: {  	_ =	shalt  }
0x6d: {  	_ =	shalt  }
0x6e: {  	_ =	shalt  }
0x6f: {  	_ =	shalt  }
0x70: {  	_ =	shalt  }
0x71: {  	_ =	shalt  }
0x72: {  	_ =	shalt  }
0x73: {  	_ =	shalt  }
0x74: {  	_ =	shalt  }
0x75: {  	_ =	shalt  }
0x76: {  	_ =	shalt  }
0x77: {  	_ =	shalt  }
0x78: {  	_ =	shalt  }
0x79: {  	_ =	shalt  }
0x7a: {  	_ =	shalt  }
0x7b: {  	_ =	shalt  }
0x7c: {  	_ =	shalt  }
0x7d: {  	_ =	shalt  }
0x7e: {  	_ =	shalt  }
0x7f: {  	_ =	shalt  }
0x80: {  	_ =	shalt  }
0x81: {  	_ =	shalt  }
0x82: {  	_ =	shalt  }
0x83: {  	_ =	shalt  }
0x84: {  	_ =	shalt  }
0x85: {  	_ =	shalt  }
0x86: {  	_ =	shalt  }
0x87: {  	_ =	shalt  }
.Lfunc_end0:
.L_simem_size_0:
called_computation.1_lowered:
.L_overlay_start_0:
0x88: {  	s2 =	sld [smem:$0x3FD9]  }
0x89: {  	s3 =	sld [smem:$0x3FFE];
	_ =	sdelay $0x1  }
0x8a: {  	s1 =	srdreg.scid  }
0x8b: {  	s0 =	sand.u32 $0x1, s1  }
0x8c: {  	s17 =	sshll.u32 s0, $0xA;
	s2 =	sadd.s32 s3, s2  }
0x8d: {  	s2 =	sadd.s32 s2, s17  }
0x8e: {  	[smem:$0x3FC4] =	sst s2  }
0x8f: {  	_ = 	snop  }
0x90: {  	s2 =	sld [smem:$0x3FD0];
	(tm) =	ssettm $0x1  }
0x91: {  	s18 =	sld [smem:$0x3FFB];
	_ =	sdelay $0x3  }
0x92: {  	_ =	strace s18  }
0x93: {  	s3 =	sld [smem:$0x3FFC];
	_ =	sdelay $0x3  }
0x94: {  	_ =	strace s3  }
0x95: {  	s3 =	sld [smem:$0x3FFD];
	_ =	sdelay $0x3  }
0x96: {  	_ =	strace s3  }
0x97: {  	_ =	strace $0x8FFFFFFF  }
0x98: {  	s19 =	sld [smem:$0x3FDB];
	_ =	sdelay $0x1  }
0x99: {  	s4 =	simm.s32 $_scs_section_size  }
0x9a: {  	s5 =	simm.s32 $_size__tile_overlayer_lowered;
	s6 =	simm.s32 $_tile_overlayer_lowered  }
0x9b: {  	s22 =	simm.s32 $0x1BFF;
	s21 =	sshll.u32 s6, $0x1;
	s3 =	sadd.s32 s4, s19  }
0x9c: {  	s7 =	simm.s32 $0x0;
	s20 =	sshll.u32 s5, $0x1;
	s5 =	sadd.s32 s21, s3  }
0x9d: {  	[timem:s7], [sflag:s22] =	dma.local [hbm:s5], s20  }
0x9e: {  	_ =	swait.ge [sflag:s22], s20  }
0x9f: {  	s4 =	ssub.s32 $0x0, s20;
	[sflag:s22] =	ssyncset.done $0x0  }
0xa0: {  	[sflag:s22] =	ssyncadd.s32 s4;
	_ =	sdelay $0x1  }
0xa1: {  	s23 =	simm.s32 $0x1B8B  }
0xa2: {  	_ =	swait.ge [sflag:s23], $0x1  }
0xa3: {  	[sflag:s23] =	ssyncset.done $0x0  }
0xa4: {  	s25 =	simm.s32 $0x1B8E;
	s24 =	sld [smem:$0x3FFE];
	[sflag:s23] =	ssyncadd.s32 $0xFFFFFFFF  }
0xa5: {  	s26 =	simm.s32 $execute0_lowered;
	[smem:$0x3FD2] =	sst s25  }
0xa6: {  	s5 =	sshll.u32 s26, $0x1;
	_ =	strace $0x80000046;
	[dreg:$0x1] =	wrdreg $0xFFFFFFFF  }
0xa7: {  	s28 =	simm.s32 $_size_execute0_lowered;
	s3 =	sadd.s32 s3, s5;
	[dreg:$0x0] =	wrdreg $0x0  }
0xa8: {  	s5 =	sshll.u32 s28, $0x1;
	[dreg:$0x2] =	wrdreg s3  }
0xa9: {  	[dreg:$0x3] =	wrdreg s5  }
0xaa: {  	[dreg:$0x4] =	wrdreg $0xC0  }
0xab: {  	_ =	task [dreg:s7], $0x5FFFF  }
0xac: {  	[dreg:$0x1] =	wrdreg $0xFFFFFFFF  }
0xad: {  	[dreg:$0x0] =	wrdreg $0x60  }
0xae: {  	[dreg:$0x2] =	wrdreg s24  }
0xaf: {  	[dreg:$0x3] =	wrdreg s2  }
0xb0: {  	[dreg:$0x4] =	wrdreg $0xA  }
0xb1: {  	_ =	task.clear_ibuf [dreg:s7], $0x5FFFF;
	_ =	strace $0x90000046  }
0xb2: {  	s29 =	simm.s32 $0xA;
	_ =	strace $0x80000048  }
0xb3: {  	_ =	swait.ge [sflag:s29], $0x1  }
0xb4: {  	[sflag:s29] =	ssyncadd.s32 $0xFFFFFFFF  }
0xb5: {  	_ =	strace $0x90000048  }
0xb6: {  	_ =	sfence  }
0xb7: {  	s30 =	sld [smem:$0x0];
	_ =	sdelay $0x2  }
0xb8: {  	s31 =	sshll.u32 s1, $0xD;
	s1 =	sshrl.u32 s1, $0x2  }
0xb9: {  	s3 =	sand.u32 $0x4000, s31;
	s1 =	sadd.s32 s1, s30  }
0xba: {  	s0 =	sor.u32 s3, s0;
	s1 =	sshll.u32 s1, $0x11  }
0xbb: {  	s0 =	sor.u32 s1, s0  }
0xbc: {  	s0 =	sadd.s32 $0x8F2B, s0  }
0xbd: {  	[sflag:s0] =	ssyncadd.remote.s32 $0x1  }
0xbe: {  	_ =	sfence.sel $0xFFFF  }
0xbf: {  	[dreg:$0x0] =	wrdreg $0xFFFFFFFF;
	(pc) =	sbr.abs _section_cstart, $3  }
0xc0: {  	[dreg:$0x1] =	wrdreg $0xFFFFFFFF  }
0xc1: {  	_ =	task.clear_ibuf [dreg:s7], $0x2FFFF;
	_ =	strace $0x9FFFFFFF  }
0xc2: {  	(tm) =	ssettm $0x7FFFFFFF  }
0xc3: {  	_ =	shalt  }
tec
execute0_lowered:
.L_overlay_start_1:
0x0: {  	(tag) =	ssettag $0x1  }
0x1: {  	s1 =	rddreg [dreg:$0x0]  }
0x2: {  	s0 =	srdreg.scid;
	s2 =	rddreg [dreg:$0x1]  }
0x3: {  	s5 =	stileid.u32;
	s3 =	simm.s32 $0x0;
	s7 =	simm.s32 $0x2  }
0x4: {  	s8 =	simm.s32 $0x80;
	s18 =	simm.s32 $0x1580;
	s19 =	simm.s32 $0x900  }
0x5: {  	s20 =	simm.s32 $0x1600;
	s21 =	simm.s32 $0x980;
	s22 =	simm.s32 $0x1680  }
0x6: {  	s23 =	simm.s32 $0xA00;
	s24 =	simm.s32 $0x1700;
	s25 =	simm.s32 $0xA80  }
0x7: {  	s26 =	simm.s32 $0x1780;
	s28 =	simm.s32 $0xB00;
	s29 =	simm.s32 $0x1800  }
0x8: {  	s30 =	simm.s32 $0xB80;
	s31 =	simm.s32 $0x1880;
	s9 =	simm.s32 $0xC80  }
0x9: {  	s10 =	simm.s32 $0x1980;
	s11 =	simm.s32 $0x1;
	s0 =	sand.u32 $0x1, s0  }
0xa: {  	s12 =	simm.s32 $0x1A00;
	s4 =	sshll.u32 s0, $0x4;
	s0 =	ssub.s32 $0x2, s0  }
0xb: {  	s13 =	simm.s32 $0x0;
	s4 =	sor.u32 s5, s4;
	s6 =	sshrl.u32 s0, $0x1  }
0xc: {  	[smem:$0x7FF] =	sst s3;
	s5 =	smul.u32 $0x1A0, s4;
	s0 =	ssub.s32 s0, s6  }
0xd: {  	_ =	strace $0x80000047;
	s4 =	sshll.u32 s4, $0x4;
	s6 =	smax.u32 s0, $0x1  }
0xe: {  	s0 =	simm.s32 $0xC00;
	s5 =	sadd.s32 s5, s1;
	s1 =	sadd.s32 s4, s1  }
0xf: {  	s4 =	sadd.s32 $0x4800, s5;
	s5 =	sadd.s32 $0x7C00, s1;
	s1 =	simm.s32 $0x1900  }
.LBB2_1:
0x10: {  	[tilespmem:s3], [sflag:$0x2] =	stream.linear.gather [hbm4b:s4+s3], $0xD00, $0x38;
	[tilespmem:$0x1A80] =	vst v63  }
0x11: {  	_ =	swait.ge [sflag:s7], $0xD00  }
0x12: {  	[sflag:s7] =	ssyncset.done $0x0  }
0x13: {  	s14 =	simm.s32 $0xD00;
	[sflag:s7] =	ssyncadd.s32 $0xFFFFF300  }
0x14: {  	[tilespmem:s14], [sflag:$0x1] =	stream.indirect.gather [hbm4b:s2+s8], $0x1, s3, s8, $0xb8;
	[tilespmem:$0x1A80] =	vst v63  }
0x15: {  	s16 =	simm.s32 $0xD80  }
0x16: {  	[tilespmem:s16], [sflag:$0x1] =	stream.indirect.gather [hbm4b:s2+s8], $0x1, s8, s8, $0xb8;
	[tilespmem:$0x1A80] =	vst v63  }
0x17: {  	s17 =	simm.s32 $0x100;
	s15 =	simm.s32 $0xE00  }
0x18: {  	[tilespmem:s15], [sflag:$0x1] =	stream.indirect.gather [hbm4b:s2+s8], $0x1, s17, s8, $0xb8;
	[tilespmem:$0x1A80] =	vst v63  }
0x19: {  	s16 =	simm.s32 $0x180;
	s17 =	simm.s32 $0xE80  }
0x1a: {  	[tilespmem:s17], [sflag:$0x1] =	stream.indirect.gather [hbm4b:s2+s8], $0x1, s16, s8, $0xb8;
	[tilespmem:$0x1A80] =	vst v63  }
0x1b: {  	s16 =	simm.s32 $0x200;
	s17 =	simm.s32 $0xF00  }
0x1c: {  	[tilespmem:s17], [sflag:$0x1] =	stream.indirect.gather [hbm4b:s2+s8], $0x1, s16, s8, $0xb8;
	[tilespmem:$0x1A80] =	vst v63  }
0x1d: {  	s16 =	simm.s32 $0x280;
	s17 =	simm.s32 $0xF80  }
0x1e: {  	[tilespmem:s17], [sflag:$0x1] =	stream.indirect.gather [hbm4b:s2+s8], $0x1, s16, s8, $0xb8;
	[tilespmem:$0x1A80] =	vst v63  }
0x1f: {  	s16 =	simm.s32 $0x300;
	s17 =	simm.s32 $0x1000  }
0x20: {  	[tilespmem:s17], [sflag:$0x1] =	stream.indirect.gather [hbm4b:s2+s8], $0x1, s16, s8, $0xb8;
	[tilespmem:$0x1A80] =	vst v63  }
0x21: {  	s16 =	simm.s32 $0x380;
	s17 =	simm.s32 $0x1080  }
0x22: {  	[tilespmem:s17], [sflag:$0x1] =	stream.indirect.gather [hbm4b:s2+s8], $0x1, s16, s8, $0xb8;
	[tilespmem:$0x1A80] =	vst v63  }
0x23: {  	s16 =	simm.s32 $0x400;
	s17 =	simm.s32 $0x1100  }
0x24: {  	[tilespmem:s17], [sflag:$0x1] =	stream.indirect.gather [hbm4b:s2+s8], $0x1, s16, s8, $0xb8;
	[tilespmem:$0x1A80] =	vst v63  }
0x25: {  	s16 =	simm.s32 $0x480;
	s17 =	simm.s32 $0x1180  }
0x26: {  	[tilespmem:s17], [sflag:$0x1] =	stream.indirect.gather [hbm4b:s2+s8], $0x1, s16, s8, $0xb8;
	[tilespmem:$0x1A80] =	vst v63  }
0x27: {  	s16 =	simm.s32 $0x500;
	s17 =	simm.s32 $0x1200  }
0x28: {  	[tilespmem:s17], [sflag:$0x1] =	stream.indirect.gather [hbm4b:s2+s8], $0x1, s16, s8, $0xb8;
	[tilespmem:$0x1A80] =	vst v63  }
0x29: {  	s16 =	simm.s32 $0x580;
	s17 =	simm.s32 $0x1280  }
0x2a: {  	[tilespmem:s17], [sflag:$0x1] =	stream.indirect.gather [hbm4b:s2+s8], $0x1, s16, s8, $0xb8;
	[tilespmem:$0x1A80] =	vst v63  }
0x2b: {  	s16 =	simm.s32 $0x600;
	s17 =	simm.s32 $0x1300  }
0x2c: {  	[tilespmem:s17], [sflag:$0x1] =	stream.indirect.gather [hbm4b:s2+s8], $0x1, s16, s8, $0xb8;
	[tilespmem:$0x1A80] =	vst v63  }
0x2d: {  	s16 =	simm.s32 $0x680;
	s17 =	simm.s32 $0x1380  }
0x2e: {  	[tilespmem:s17], [sflag:$0x1] =	stream.indirect.gather [hbm4b:s2+s8], $0x1, s16, s8, $0xb8;
	[tilespmem:$0x1A80] =	vst v63  }
0x2f: {  	s16 =	simm.s32 $0x700;
	s17 =	simm.s32 $0x1400  }
0x30: {  	[tilespmem:s17], [sflag:$0x1] =	stream.indirect.gather [hbm4b:s2+s8], $0x1, s16, s8, $0xb8;
	[tilespmem:$0x1A80] =	vst v63  }
0x31: {  	s16 =	simm.s32 $0x780;
	s17 =	simm.s32 $0x1480  }
0x32: {  	[tilespmem:s17], [sflag:$0x1] =	stream.indirect.gather [hbm4b:s2+s8], $0x1, s16, s8, $0xb8;
	[tilespmem:$0x1A80] =	vst v63  }
0x33: {  	s15 =	simm.s32 $0x800;
	s16 =	simm.s32 $0x1500  }
0x34: {  	[tilespmem:s16], [sflag:$0x1] =	stream.indirect.gather [hbm4b:s2+s8], $0x1, s15, s8, $0xb8;
	[tilespmem:$0x1A80] =	vst v63  }
0x35: {  	s17 =	simm.s32 $0x880  }
0x36: {  	[tilespmem:s18], [sflag:$0x1] =	stream.indirect.gather [hbm4b:s2+s8], $0x1, s17, s8, $0xb8;
	[tilespmem:$0x1A80] =	vst v63  }
0x37: {  	_ = 	snop  }
0x38: {  	[tilespmem:s20], [sflag:$0x1] =	stream.indirect.gather [hbm4b:s2+s8], $0x1, s19, s8, $0xb8;
	[tilespmem:$0x1A80] =	vst v63  }
0x39: {  	_ = 	snop  }
0x3a: {  	[tilespmem:s22], [sflag:$0x1] =	stream.indirect.gather [hbm4b:s2+s8], $0x1, s21, s8, $0xb8;
	[tilespmem:$0x1A80] =	vst v63  }
0x3b: {  	_ = 	snop  }
0x3c: {  	[tilespmem:s24], [sflag:$0x1] =	stream.indirect.gather [hbm4b:s2+s8], $0x1, s23, s8, $0xb8;
	[tilespmem:$0x1A80] =	vst v63  }
0x3d: {  	_ = 	snop  }
0x3e: {  	[tilespmem:s26], [sflag:$0x1] =	stream.indirect.gather [hbm4b:s2+s8], $0x1, s25, s8, $0xb8;
	[tilespmem:$0x1A80] =	vst v63  }
0x3f: {  	_ = 	snop  }
0x40: {  	[tilespmem:s29], [sflag:$0x1] =	stream.indirect.gather [hbm4b:s2+s8], $0x1, s28, s8, $0xb8;
	[tilespmem:$0x1A80] =	vst v63  }
0x41: {  	_ = 	snop  }
0x42: {  	[tilespmem:s31], [sflag:$0x1] =	stream.indirect.gather [hbm4b:s2+s8], $0x1, s30, s8, $0xb8;
	[tilespmem:$0x1A80] =	vst v63  }
0x43: {  	_ = 	snop  }
0x44: {  	[tilespmem:s1], [sflag:$0x1] =	stream.indirect.gather [hbm4b:s2+s8], $0x1, s0, s8, $0xb8;
	[tilespmem:$0x1A80] =	vst v63  }
0x45: {  	_ = 	snop  }
0x46: {  	[tilespmem:s10], [sflag:$0x1] =	stream.indirect.gather [hbm4b:s2+s8], $0x1, s9, s8, $0xb8;
	[tilespmem:$0x1A80] =	vst v63  }
0x47: {  	_ =	swait.ge [sflag:s11], $0x80  }
0x48: {  	[sflag:s11] =	ssyncset.done $0x0  }
0x49: {  	[sflag:s11] =	ssyncadd.s32 $0xFFFFFF80  }
0x4a: {  	_ =	swait.ge [sflag:s11], $0x80  }
0x4b: {  	[sflag:s11] =	ssyncset.done $0x0  }
0x4c: {  	[sflag:s11] =	ssyncadd.s32 $0xFFFFFF80  }
0x4d: {  	_ =	swait.ge [sflag:s11], $0x80  }
0x4e: {  	[sflag:s11] =	ssyncset.done $0x0  }
0x4f: {  	[sflag:s11] =	ssyncadd.s32 $0xFFFFFF80  }
0x50: {  	_ =	swait.ge [sflag:s11], $0x80  }
0x51: {  	[sflag:s11] =	ssyncset.done $0x0  }
0x52: {  	[sflag:s11] =	ssyncadd.s32 $0xFFFFFF80  }
0x53: {  	_ =	swait.ge [sflag:s11], $0x80  }
0x54: {  	[sflag:s11] =	ssyncset.done $0x0  }
0x55: {  	[sflag:s11] =	ssyncadd.s32 $0xFFFFFF80  }
0x56: {  	_ =	swait.ge [sflag:s11], $0x80  }
0x57: {  	[sflag:s11] =	ssyncset.done $0x0  }
0x58: {  	[sflag:s11] =	ssyncadd.s32 $0xFFFFFF80  }
0x59: {  	_ =	swait.ge [sflag:s11], $0x80  }
0x5a: {  	[sflag:s11] =	ssyncset.done $0x0  }
0x5b: {  	[sflag:s11] =	ssyncadd.s32 $0xFFFFFF80  }
0x5c: {  	_ =	swait.ge [sflag:s11], $0x80  }
0x5d: {  	[sflag:s11] =	ssyncset.done $0x0  }
0x5e: {  	[sflag:s11] =	ssyncadd.s32 $0xFFFFFF80  }
0x5f: {  	_ =	swait.ge [sflag:s11], $0x80  }
0x60: {  	[sflag:s11] =	ssyncset.done $0x0  }
0x61: {  	[sflag:s11] =	ssyncadd.s32 $0xFFFFFF80  }
0x62: {  	_ =	swait.ge [sflag:s11], $0x80  }
0x63: {  	[sflag:s11] =	ssyncset.done $0x0  }
0x64: {  	[sflag:s11] =	ssyncadd.s32 $0xFFFFFF80  }
0x65: {  	_ =	swait.ge [sflag:s11], $0x80  }
0x66: {  	[sflag:s11] =	ssyncset.done $0x0  }
0x67: {  	[sflag:s11] =	ssyncadd.s32 $0xFFFFFF80  }
0x68: {  	_ =	swait.ge [sflag:s11], $0x80  }
0x69: {  	[sflag:s11] =	ssyncset.done $0x0  }
0x6a: {  	[sflag:s11] =	ssyncadd.s32 $0xFFFFFF80  }
0x6b: {  	_ =	swait.ge [sflag:s11], $0x80  }
0x6c: {  	[sflag:s11] =	ssyncset.done $0x0  }
0x6d: {  	[sflag:s11] =	ssyncadd.s32 $0xFFFFFF80  }
0x6e: {  	_ =	swait.ge [sflag:s11], $0x80  }
0x6f: {  	[sflag:s11] =	ssyncset.done $0x0  }
0x70: {  	[sflag:s11] =	ssyncadd.s32 $0xFFFFFF80  }
0x71: {  	_ =	swait.ge [sflag:s11], $0x80  }
0x72: {  	[sflag:s11] =	ssyncset.done $0x0  }
0x73: {  	[sflag:s11] =	ssyncadd.s32 $0xFFFFFF80  }
0x74: {  	_ =	swait.ge [sflag:s11], $0x80  }
0x75: {  	[sflag:s11] =	ssyncset.done $0x0  }
0x76: {  	[sflag:s11] =	ssyncadd.s32 $0xFFFFFF80  }
0x77: {  	_ =	swait.ge [sflag:s11], $0x80  }
0x78: {  	[sflag:s11] =	ssyncset.done $0x0  }
0x79: {  	[sflag:s11] =	ssyncadd.s32 $0xFFFFFF80  }
0x7a: {  	_ =	swait.ge [sflag:s11], $0x80  }
0x7b: {  	[sflag:s11] =	ssyncset.done $0x0  }
0x7c: {  	[sflag:s11] =	ssyncadd.s32 $0xFFFFFF80  }
0x7d: {  	_ =	swait.ge [sflag:s11], $0x80  }
0x7e: {  	[sflag:s11] =	ssyncset.done $0x0  }
0x7f: {  	[sflag:s11] =	ssyncadd.s32 $0xFFFFFF80  }
0x80: {  	_ =	swait.ge [sflag:s11], $0x80  }
0x81: {  	[sflag:s11] =	ssyncset.done $0x0  }
0x82: {  	[sflag:s11] =	ssyncadd.s32 $0xFFFFFF80  }
0x83: {  	_ =	swait.ge [sflag:s11], $0x80  }
0x84: {  	[sflag:s11] =	ssyncset.done $0x0  }
0x85: {  	[sflag:s11] =	ssyncadd.s32 $0xFFFFFF80  }
0x86: {  	_ =	swait.ge [sflag:s11], $0x80  }
0x87: {  	[sflag:s11] =	ssyncset.done $0x0  }
0x88: {  	[sflag:s11] =	ssyncadd.s32 $0xFFFFFF80  }
0x89: {  	_ =	swait.ge [sflag:s11], $0x80  }
0x8a: {  	[sflag:s11] =	ssyncset.done $0x0  }
0x8b: {  	[sflag:s11] =	ssyncadd.s32 $0xFFFFFF80  }
0x8c: {  	_ =	swait.ge [sflag:s11], $0x80  }
0x8d: {  	[sflag:s11] =	ssyncset.done $0x0  }
0x8e: {  	[sflag:s11] =	ssyncadd.s32 $0xFFFFFF80  }
0x8f: {  	_ =	swait.ge [sflag:s11], $0x80  }
0x90: {  	[sflag:s11] =	ssyncset.done $0x0  }
0x91: {  	[sflag:s11] =	ssyncadd.s32 $0xFFFFFF80  }
0x92: {  	_ =	swait.ge [sflag:s11], $0x80  }
0x93: {  	[sflag:s11] =	ssyncset.done $0x0  }
0x94: {  	s15 =	simm.s32 $0x0;
	[sflag:s11] =	ssyncadd.s32 $0xFFFFFF80  }
0x95: {  	v0 =	vld [tilespmem:s15+$0xD00];
	_ =	sdelay $0x1  }
0x96: {  	v1 =	vld [tilespmem:s15+$0xD80];
	_ =	sdelay $0x1  }
0x97: {  	v2 =	vld [tilespmem:s15+$0xE00]  }
0x98: {  	v0 =	vadd.f32 $0.0e+00, v0  }
0x99: {  	v3 =	vld [tilespmem:s15+$0xE80]  }
0x9a: {  	v0 =	vadd.f32 v1, v0  }
0x9b: {  	v1 =	vld [tilespmem:s15+$0xF00]  }
0x9c: {  	v0 =	vadd.f32 v2, v0  }
0x9d: {  	v2 =	vld [tilespmem:s15+$0xF80]  }
0x9e: {  	v0 =	vadd.f32 v3, v0  }
0x9f: {  	v3 =	vld [tilespmem:s15+$0x1000]  }
0xa0: {  	v0 =	vadd.f32 v1, v0  }
0xa1: {  	v1 =	vld [tilespmem:s15+$0x1080]  }
0xa2: {  	v0 =	vadd.f32 v2, v0  }
0xa3: {  	v2 =	vld [tilespmem:s15+$0x1100]  }
0xa4: {  	v0 =	vadd.f32 v3, v0  }
0xa5: {  	v3 =	vld [tilespmem:s15+$0x1180]  }
0xa6: {  	v0 =	vadd.f32 v1, v0  }
0xa7: {  	v1 =	vld [tilespmem:s15+$0x1200]  }
0xa8: {  	v0 =	vadd.f32 v2, v0  }
0xa9: {  	v2 =	vld [tilespmem:s15+$0x1280]  }
0xaa: {  	v0 =	vadd.f32 v3, v0  }
0xab: {  	s14 =	simm.s32 $0x10;
	v3 =	vld [tilespmem:s15+$0x1300]  }
0xac: {  	v4 =	vld [tilespmem:s14+$0xD00];
	v0 =	vadd.f32 v1, v0  }
0xad: {  	v1 =	vld [tilespmem:s15+$0x1380]  }
0xae: {  	v5 =	vld [tilespmem:s14+$0xD80];
	v0 =	vadd.f32 v2, v0  }
0xaf: {  	v2 =	vld [tilespmem:s15+$0x1400]  }
0xb0: {  	v6 =	vld [tilespmem:s14+$0xE00];
	v0 =	vadd.f32 v3, v0  }
0xb1: {  	v3 =	vld [tilespmem:s15+$0x1480]  }
0xb2: {  	v7 =	vld [tilespmem:s14+$0xE80];
	v4 =	vadd.f32 $0.0e+00, v4;
	v0 =	vadd.f32 v1, v0  }
0xb3: {  	v1 =	vld [tilespmem:s15+$0x1500]  }
0xb4: {  	v4 =	vadd.f32 v5, v4;
	v5 =	vld [tilespmem:s14+$0xF00];
	v0 =	vadd.f32 v2, v0  }
0xb5: {  	v2 =	vld [tilespmem:s15+$0x1580]  }
0xb6: {  	v4 =	vadd.f32 v6, v4;
	v6 =	vld [tilespmem:s14+$0xF80];
	v0 =	vadd.f32 v3, v0  }
0xb7: {  	v3 =	vld [tilespmem:s15+$0x1600]  }
0xb8: {  	v4 =	vadd.f32 v7, v4;
	v7 =	vld [tilespmem:s14+$0x1000];
	v0 =	vadd.f32 v1, v0  }
0xb9: {  	v1 =	vld [tilespmem:s15+$0x1680]  }
0xba: {  	v4 =	vadd.f32 v5, v4;
	v5 =	vld [tilespmem:s14+$0x1080];
	v0 =	vadd.f32 v2, v0  }
0xbb: {  	v2 =	vld [tilespmem:s15+$0x1700]  }
0xbc: {  	v4 =	vadd.f32 v6, v4;
	v6 =	vld [tilespmem:s14+$0x1100];
	v0 =	vadd.f32 v3, v0  }
0xbd: {  	v3 =	vld [tilespmem:s15+$0x1780]  }
0xbe: {  	v4 =	vadd.f32 v7, v4;
	v7 =	vld [tilespmem:s14+$0x1180];
	v0 =	vadd.f32 v1, v0  }
0xbf: {  	v1 =	vld [tilespmem:s15+$0x1800]  }
0xc0: {  	v8 =	vld [tilespmem:s15+$0x1880];
	v4 =	vadd.f32 v5, v4;
	v0 =	vadd.f32 v2, v0  }
0xc1: {  	v2 =	vld [tilespmem:s14+$0x1200]  }
0xc2: {  	v4 =	vadd.f32 v6, v4;
	v5 =	vadd.f32 v3, v0;
	v0 =	vld [tilespmem:s15+$0x1900]  }
0xc3: {  	v3 =	vld [tilespmem:s14+$0x1280]  }
0xc4: {  	v6 =	vadd.f32 v7, v4;
	v4 =	vld [tilespmem:s14+$0x1300];
	v7 =	vadd.f32 v1, v5  }
0xc5: {  	v1 =	vld [tilespmem:s15+$0x1980]  }
0xc6: {  	s16 =	simm.s32 $0x20;
	s17 =	simm.s32 $0xC0;
	v5 =	vadd.f32 v2, v6;
	v2 =	vld [tilespmem:s14+$0x1380];
	v6 =	vadd.f32 v8, v7  }
.LBB2_2:
0xc7: {  	p0 =	sne.s32 s17, $0x1C0;
	v7 =	vld [tilespmem:s16+$0xD00]  }
0xc8: {  	v3 =	vadd.f32 v3, v5;
	v5 =	vld [tilespmem:s14+$0x1400];
	v0 =	vadd.f32 v0, v6  }
0xc9: {  	v6 =	vld [tilespmem:s16+$0xD80]  }
0xca: {  	v3 =	vadd.f32 v4, v3;
	v4 =	vld [tilespmem:s14+$0x1480];
	v0 =	vadd.f32 v1, v0  }
0xcb: {  	v1 =	vld [tilespmem:s16+$0xE00]  }
0xcc: {  	v7 =	vadd.f32 $0.0e+00, v7;
	v2 =	vadd.f32 v2, v3;
	v3 =	vld [tilespmem:s14+$0x1500];
	[tilespmem:s15+$0x1A00] =	vst v0;
	s15 =	smov.u32 s14;
	s14 =	smov.u32 s16  }
0xcd: {  	v0 =	vld [tilespmem:s14+$0xE80]  }
0xce: {  	v6 =	vadd.f32 v6, v7;
	v2 =	vadd.f32 v5, v2;
	v5 =	vld [tilespmem:s15+$0x1580]  }
0xcf: {  	v7 =	vld [tilespmem:s14+$0xF00]  }
0xd0: {  	v1 =	vadd.f32 v1, v6;
	v2 =	vadd.f32 v4, v2;
	v4 =	vld [tilespmem:s15+$0x1600]  }
0xd1: {  	v6 =	vld [tilespmem:s14+$0xF80]  }
0xd2: {  	v0 =	vadd.f32 v0, v1;
	v1 =	vadd.f32 v3, v2;
	v2 =	vld [tilespmem:s15+$0x1680]  }
0xd3: {  	v3 =	vld [tilespmem:s14+$0x1000]  }
0xd4: {  	v0 =	vadd.f32 v7, v0;
	v1 =	vadd.f32 v5, v1;
	v5 =	vld [tilespmem:s15+$0x1700]  }
0xd5: {  	v7 =	vld [tilespmem:s14+$0x1080]  }
0xd6: {  	v0 =	vadd.f32 v6, v0;
	v1 =	vadd.f32 v4, v1;
	v4 =	vld [tilespmem:s15+$0x1780]  }
0xd7: {  	v6 =	vld [tilespmem:s14+$0x1100]  }
0xd8: {  	v0 =	vadd.f32 v3, v0;
	v1 =	vadd.f32 v2, v1;
	v2 =	vld [tilespmem:s15+$0x1800]  }
0xd9: {  	v8 =	vld [tilespmem:s14+$0x1180]  }
0xda: {  	v0 =	vadd.f32 v7, v0;
	v1 =	vadd.f32 v5, v1;
	v7 =	vld [tilespmem:s15+$0x1880]  }
0xdb: {  	v5 =	vld [tilespmem:s14+$0x1200]  }
.Ltmp0:
0xdc: {  	v6 =	vadd.f32 v6, v0;
	v1 =	vadd.f32 v4, v1;
	v0 =	vld [tilespmem:s15+$0x1900];
	(pc) =	sbr.rel @p0 .LBB2_2-.Ltmp0, $4  }
0xdd: {  	v3 =	vld [tilespmem:s14+$0x1280]  }
0xde: {  	v6 =	vadd.f32 v8, v6;
	v8 =	vadd.f32 v2, v1;
	v1 =	vld [tilespmem:s15+$0x1980]  }
0xdf: {  	v4 =	vld [tilespmem:s14+$0x1300]  }
0xe0: {  	s16 =	sshra.s32 s17, $0x2;
	s17 =	sadd.s32 $0x40, s17;
	v5 =	vadd.f32 v5, v6;
	v2 =	vld [tilespmem:s14+$0x1380];
	v6 =	vadd.f32 v7, v8  }
0xe1: {  	v7 =	vld [tilespmem:s16+$0xD00]  }
0xe2: {  	v8 =	vld [tilespmem:s14+$0x1400];
	v0 =	vadd.f32 v0, v6  }
0xe3: {  	v29 =	vld [tilespmem:s16+$0xD80]  }
0xe4: {  	v9 =	vld [tilespmem:s14+$0x1480];
	v3 =	vadd.f32 v3, v5;
	v0 =	vadd.f32 v1, v0  }
0xe5: {  	v30 =	vld [tilespmem:s16+$0xE00]  }
0xe6: {  	v31 =	vld [tilespmem:s14+$0x1500];
	v3 =	vadd.f32 v4, v3;
	v32 =	vadd.f32 $0.0e+00, v7;
	[tilespmem:s15+$0x1A00] =	vst v0  }
0xe7: {  	v0 =	vld [tilespmem:s16+$0xE80]  }
0xe8: {  	v2 =	vadd.f32 v2, v3;
	v33 =	vadd.f32 v29, v32  }
0xe9: {  	v34 =	vld [tilespmem:s16+$0xF00]  }
0xea: {  	v35 =	vld [tilespmem:s14+$0x1580];
	v2 =	vadd.f32 v8, v2;
	v1 =	vadd.f32 v30, v33  }
0xeb: {  	v36 =	vld [tilespmem:s16+$0xF80]  }
0xec: {  	v37 =	vld [tilespmem:s14+$0x1600];
	v2 =	vadd.f32 v9, v2;
	v0 =	vadd.f32 v0, v1  }
0xed: {  	v38 =	vld [tilespmem:s16+$0x1000]  }
0xee: {  	v39 =	vld [tilespmem:s14+$0x1680];
	v2 =	vadd.f32 v31, v2;
	v0 =	vadd.f32 v34, v0  }
0xef: {  	v40 =	vld [tilespmem:s16+$0x1080]  }
0xf0: {  	v41 =	vld [tilespmem:s14+$0x1700];
	v2 =	vadd.f32 v35, v2;
	v0 =	vadd.f32 v36, v0  }
0xf1: {  	v42 =	vld [tilespmem:s16+$0x1100]  }
0xf2: {  	v43 =	vld [tilespmem:s14+$0x1780];
	v2 =	vadd.f32 v37, v2;
	v0 =	vadd.f32 v38, v0  }
0xf3: {  	v44 =	vld [tilespmem:s16+$0x1180]  }
0xf4: {  	v45 =	vld [tilespmem:s14+$0x1800];
	v2 =	vadd.f32 v39, v2;
	v0 =	vadd.f32 v40, v0  }
0xf5: {  	v46 =	vld [tilespmem:s16+$0x1200]  }
0xf6: {  	v47 =	vld [tilespmem:s14+$0x1880];
	v2 =	vadd.f32 v41, v2;
	v0 =	vadd.f32 v42, v0  }
0xf7: {  	v48 =	vld [tilespmem:s16+$0x1280]  }
0xf8: {  	v49 =	vld [tilespmem:s14+$0x1900];
	v2 =	vadd.f32 v43, v2;
	v0 =	vadd.f32 v44, v0  }
0xf9: {  	v50 =	vld [tilespmem:s16+$0x1300]  }
0xfa: {  	v51 =	vld [tilespmem:s14+$0x1980];
	v2 =	vadd.f32 v45, v2;
	v0 =	vadd.f32 v46, v0  }
0xfb: {  	v52 =	vld [tilespmem:s16+$0x1380]  }
0xfc: {  	v2 =	vadd.f32 v47, v2;
	v0 =	vadd.f32 v48, v0  }
0xfd: {  	v53 =	vld [tilespmem:s16+$0x1400]  }
0xfe: {  	v2 =	vadd.f32 v49, v2;
	v0 =	vadd.f32 v50, v0  }
0xff: {  	v54 =	vld [tilespmem:s16+$0x1480]  }
0x100: {  	v2 =	vadd.f32 v51, v2;
	v0 =	vadd.f32 v52, v0  }
0x101: {  	v55 =	vld [tilespmem:s16+$0x1500]  }
0x102: {  	[tilespmem:s14+$0x1A00] =	vst v2;
	v0 =	vadd.f32 v53, v0  }
0x103: {  	v2 =	vld [tilespmem:s16+$0x1580]  }
0x104: {  	v0 =	vadd.f32 v54, v0  }
0x105: {  	v56 =	vld [tilespmem:s16+$0x1600]  }
0x106: {  	v0 =	vadd.f32 v55, v0  }
0x107: {  	v57 =	vld [tilespmem:s16+$0x1680]  }
0x108: {  	v0 =	vadd.f32 v2, v0  }
0x109: {  	v58 =	vld [tilespmem:s16+$0x1700]  }
0x10a: {  	v0 =	vadd.f32 v56, v0  }
0x10b: {  	v59 =	vld [tilespmem:s16+$0x1780]  }
0x10c: {  	v0 =	vadd.f32 v57, v0  }
0x10d: {  	v60 =	vld [tilespmem:s16+$0x1800]  }
0x10e: {  	v0 =	vadd.f32 v58, v0  }
0x10f: {  	v61 =	vld [tilespmem:s16+$0x1880]  }
0x110: {  	v0 =	vadd.f32 v59, v0  }
0x111: {  	v62 =	vld [tilespmem:s16+$0x1900]  }
0x112: {  	v0 =	vadd.f32 v60, v0  }
0x113: {  	v63 =	vld [tilespmem:s16+$0x1980]  }
0x114: {  	v0 =	vadd.f32 v61, v0;
	_ =	sdelay $0x1  }
0x115: {  	v0 =	vadd.f32 v62, v0;
	_ =	sdelay $0x1  }
0x116: {  	s13 =	sadd.s32 $0x1, s13;
	v0 =	vadd.f32 v63, v0  }
0x117: {  	p0 =	sne.s32 s13, s6  }
.Ltmp1:
0x118: {  	[tilespmem:s16+$0x1A00] =	vst v0;
	(pc) =	sbr.rel @p0 .LBB2_1-.Ltmp1, $4  }
0x119: {  	[hbm4b:s5+s3] =	stream.linear.scatter [tilespmem:s12], [sflag:$0x2], $0x80, $0x38;
	[tilespmem:$0x1A80] =	vst v63  }
0x11a: {  	_ =	swait.ge [sflag:s7], $0x80  }
0x11b: {  	[sflag:s7] =	ssyncset.done $0x0  }
0x11c: {  	[sflag:s7] =	ssyncadd.s32 $0xFFFFFF80  }
0x11d: {  	_ =	sfence.sel $0x180000  }
0x11e: {  	[bflag:$0x0] =	sbarrier.arrive $0xFFFF  }
0x11f: {  	_ =	strace $0x90000047  }
0x120: {  	s0 =	stileid.u32;
	[bflag:$0x2] =	sbarrier.arrive $0xFFFF  }
0x121: {  	p0 =	sne.s32 s0, $0x0;
	s0 =	rddreg [dreg:$0x2]  }
0x122: {  	s0 =	sadd.s32 @!p0 $0x100000, s0  }
0x123: {  	[sflag:s0] =	ssyncadd.tile.s32 @!p0 $0x1;
	_ =	shalt  }
.Lfunc_end2:
_tile_overlayer_lowered:
.L_overlay_start_2:
0x124: {  	(tag) =	ssettag $0x2  }
0x125: {  	s0 =	rddreg [dreg:$0x0];
	s2 =	stileid.u32  }
0x126: {  	s1 =	rddreg [dreg:$0x1];
	p0 =	sne.s32 s2, $0x0  }
0x127: {  	s3 =	rddreg [dreg:$0x2];
	[bflag:$0x3] =	sbarrier.arrive $0xFFFF;
	s2 =	simm.s32 @!p0 $0x1C02  }
0x128: {  	[timem:s3], [sflag:s2] =	dma.local @!p0 [hbm:s0], s1  }
0x129: {  	s0 =	simm.s32 @!p0 $0x2  }
0x12a: {  	_ =	swait.ge @!p0 [sflag:s0], s1  }
0x12b: {  	s1 =	ssub.s32 @!p0 $0x0, s1;
	[sflag:s0] =	ssyncset.done @!p0 $0x0  }
0x12c: {  	[sflag:s0] =	ssyncadd.s32 @!p0 s1  }
0x12d: {  	[bflag:$0x3] =	sbarrier.arrive $0xFFFF  }
0x12e: {  	_ =	shalt  }

</sc_bundles>
